<compile_context>
chip_gen: v7x
topology: tpu7x:2x2x1
jax: 0.10.2.dev20260603
libtpu: 0.0.44.dev20260713+nightly
codegen_flags: <defaults>
</compile_context>

<pallas_src>
import functools

import jax
import jax.numpy as jnp
from jax import lax
from jax.experimental import pallas as pl
from jax.experimental.pallas import tpu as pltpu
from jax.experimental.pallas import tpu_sc as plsc

N = 10000
E = 320000
H = 128
NC = 5
NL = 2
G = 64

NUM_SC = 2
NUM_TILES = 16
NW = NUM_SC * NUM_TILES

CH = 64
CPT = 160
EPAD = NW * CPT * CH

NP = 10240
RPT = NP // NUM_TILES

HALF = CPT // 4


def _sc_agg_body(h_hbm, src_hbm, dst_hbm, out_hbm, sslab, dslab, gbufs, sems,
                 agg_sh):
    cid = lax.axis_index("c")
    sid = lax.axis_index("s")
    wid = sid * NUM_SC + cid

    zbuf = gbufs.at[0]

    @pl.loop(0, CH)
    def _(r):
        @pl.loop(0, H, step=16)
        def _(j):
            zbuf.at[r, pl.ds(j, 16)][...] = jnp.zeros((16,), jnp.float32)

    @pl.loop(0, RPT // CH)
    def _(k):
        pltpu.sync_copy(zbuf, agg_sh.at[pl.ds(sid * RPT + k * CH, CH)])

    plsc.subcore_barrier()

    @pl.loop(0, 4)
    def _(half):
        base = wid * CPT + half * HALF
        pltpu.sync_copy(src_hbm.at[pl.ds(base, HALF)], sslab)
        pltpu.sync_copy(dst_hbm.at[pl.ds(base, HALF)], dslab)
        for p in range(4):
            pltpu.async_copy(h_hbm.at[sslab.at[p]], gbufs.at[p], sems.at[p])

        @pl.loop(0, HALF - 4, step=4)
        def _(j):
            for p in range(4):
                jj = j + p
                pltpu.make_async_copy(h_hbm.at[sslab.at[jj]], gbufs.at[p],
                                      sems.at[p]).wait()
                pltpu.sync_copy(gbufs.at[p], agg_sh.at[dslab.at[jj]],
                                add=True)
                pltpu.async_copy(h_hbm.at[sslab.at[jj + 4]], gbufs.at[p],
                                 sems.at[p])

        for p in range(4):
            jj = HALF - 4 + p
            pltpu.make_async_copy(h_hbm.at[sslab.at[jj]], gbufs.at[p],
                                  sems.at[p]).wait()
            pltpu.sync_copy(gbufs.at[p], agg_sh.at[dslab.at[jj]], add=True)

    plsc.subcore_barrier()

    pltpu.sync_copy(agg_sh.at[pl.ds(sid * RPT, RPT)],
                    out_hbm.at[cid, pl.ds(sid * RPT, RPT)])


@functools.cache
def _get_sc_agg():
    mesh = plsc.VectorSubcoreMesh(
        core_axis_name="c", subcore_axis_name="s",
        num_cores=NUM_SC, num_subcores=NUM_TILES)
    return pl.kernel(
        _sc_agg_body,
        out_type=jax.ShapeDtypeStruct((NUM_SC, NP, H), jnp.float32),
        mesh=mesh,
        scratch_types=[
            pltpu.VMEM((HALF, CH), jnp.int32),
            pltpu.VMEM((HALF, CH), jnp.int32),
            pltpu.VMEM((4, CH, H), jnp.float32),
            pltpu.SemaphoreType.DMA((4,)),
            pltpu.VMEM_SHARED((NP, H), jnp.float32),
        ],
    )


BU = 1000


def _update_body(h_ref, a_ref, w_ref, b_ref, o_ref):
    hh = h_ref[...] + a_ref[0] + a_ref[1]
    o_ref[...] = jnp.maximum(
        jnp.dot(hh, w_ref[...], preferred_element_type=jnp.float32,
                precision=lax.Precision.HIGHEST)
        + b_ref[...], 0.0)


_update = pl.pallas_call(
    _update_body,
    grid=(N // BU,),
    in_specs=[
        pl.BlockSpec((BU, H), lambda i: (i, 0)),
        pl.BlockSpec((NUM_SC, BU, H), lambda i: (0, i, 0)),
        pl.BlockSpec((H, H), lambda i: (0, 0)),
        pl.BlockSpec((1, H), lambda i: (0, 0)),
    ],
    out_specs=pl.BlockSpec((BU, H), lambda i: (i, 0)),
    out_shape=jax.ShapeDtypeStruct((N, H), jnp.float32),
)


def _head_body(h_ref, batch_ref, wl_ref, bl_ref, wo_ref, bo_ref, o_ref):
    seg = lax.broadcasted_iota(jnp.int32, (G, N), 0)
    p = (batch_ref[...] == seg).astype(jnp.float32)
    sums = jnp.dot(p, h_ref[...], preferred_element_type=jnp.float32,
                   precision=lax.Precision.HIGHEST)
    counts = jnp.sum(p, axis=1, keepdims=True)
    g = jnp.maximum(sums / jnp.maximum(counts, 1.0), 0.0)
    for i in range(NL):
        g = jnp.maximum(
            jnp.dot(g, wl_ref[i], preferred_element_type=jnp.float32,
                    precision=lax.Precision.HIGHEST)
            + bl_ref[i], 0.0)
    o_ref[...] = (jnp.dot(g, wo_ref[...], preferred_element_type=jnp.float32,
                   precision=lax.Precision.HIGHEST)
                  + bo_ref[...])


_head = pl.pallas_call(
    _head_body,
    out_shape=jax.ShapeDtypeStruct((G, 1), jnp.float32),
)


def kernel(x, edge_index, batch, Wc, bc, Wl, bl, Wout, bout):
    src = edge_index[0]
    dst = edge_index[1]
    pad = EPAD - E
    srcp = jnp.concatenate([src, jnp.zeros((pad,), jnp.int32)]).reshape(-1, CH)
    dstp = jnp.concatenate([dst, jnp.full((pad,), N, jnp.int32)]).reshape(-1, CH)
    batch2 = batch.reshape(1, N)

    sc_agg = _get_sc_agg()
    h = x
    for i in range(NC):
        agg = sc_agg(h, srcp, dstp)
        h = _update(h, agg, Wc[i], bc[i].reshape(1, H))
    out = _head(h, batch2, Wl, bl, Wout, bout.reshape(1, 1))
    return out.reshape(-1)

# --- scband reference (transcript-rebuilt; emitter-appended) ---
"""Pipeline reference for scband-ginmodel-67851893342375 (READ-ONLY COPY).

The authoritative reference and input builder live on the scoring server;
editing this copy changes nothing except your own understanding.
"""

import jax, jax.numpy as jnp
import numpy as np

N = 10000      # nodes
E = 320000     # edges
D = 128        # n_node_features
H = 128        # n_hidden
NC = 5         # n_convs
NL = 2         # n_lin
G = 64         # number of graphs in the batch (segments for global_mean_pool)


def setup_inputs(seed: int = 0) -> dict:
    key = jax.random.key(seed)
    ks = jax.random.split(key, 8)
    x = jax.random.normal(ks[0], (N, D), dtype=jnp.float32)
    edge_index = jax.random.randint(ks[1], (2, E), 0, N, dtype=jnp.int32)
    batch = jnp.sort(jax.random.randint(ks[2], (N,), 0, G, dtype=jnp.int32))
    # GIN conv weights: first conv maps D->H, rest H->H; D==H so stack them.
    Wc = jax.random.normal(ks[3], (NC, H, H), dtype=jnp.float32) * 0.05
    bc = jnp.zeros((NC, H), dtype=jnp.float32)
    # post-pool linear stack (n_lin layers H->H)
    Wl = jax.random.normal(ks[4], (NL, H, H), dtype=jnp.float32) * 0.05
    bl = jnp.zeros((NL, H), dtype=jnp.float32)
    # final head H->1
    Wout = jax.random.normal(ks[5], (H, 1), dtype=jnp.float32) * 0.05
    bout = jnp.zeros((1,), dtype=jnp.float32)
    return {"x": x, "edge_index": edge_index, "batch": batch,
            "Wc": Wc, "bc": bc, "Wl": Wl, "bl": bl,
            "Wout": Wout, "bout": bout}


def reference(x, edge_index, batch, Wc, bc, Wl, bl, Wout, bout):
    src = edge_index[0]
    dst = edge_index[1]
    h = x
    # GIN message passing stack: h' = MLP((1+eps)*h + sum_{j in N(i)} h_j), eps=0
    for i in range(NC):
        agg = jnp.zeros_like(h).at[dst].add(h[src])
        h = h + agg
        h = h @ Wc[i] + bc[i]
        h = jax.nn.relu(h)
    # global mean pool over graphs
    sums = jax.ops.segment_sum(h, batch, num_segments=G)
    counts = jax.ops.segment_sum(jnp.ones((h.shape[0], 1), dtype=h.dtype), batch, num_segments=G)
    g = sums / jnp.maximum(counts, 1.0)
    g = jax.nn.relu(g)
    # dropout is identity in eval mode
    for i in range(NL):
        g = jax.nn.relu(g @ Wl[i] + bl[i])
    out = g @ Wout + bout
    return out.reshape(-1)

if __name__ == "__main__":
    import jax
    _d = setup_inputs()
    print(jax.jit(kernel)(*tuple(_d.values())))

</pallas_src>

<mosaic_0001>
#map = affine_map<(d0, d1) -> (0, 0)>
#map1 = affine_map<(d0, d1) -> (0, 0, 0)>
module attributes {stable_mosaic.version = 14 : i64} {
  func.func @_sc_agg_body(%arg0: i32, %arg1: i32, %arg2: memref<10000x128xf32, #tpu.memory_space<hbm>>, %arg3: memref<5120x64xi32, #tpu.memory_space<hbm>>, %arg4: memref<5120x64xi32, #tpu.memory_space<hbm>>, %arg5: memref<2x10240x128xf32, #tpu.memory_space<hbm>>, %arg6: memref<40x64xi32, #tpu.memory_space<vmem>>, %arg7: memref<40x64xi32, #tpu.memory_space<vmem>>, %arg8: memref<4x64x128xf32, #tpu.memory_space<vmem>>, %arg9: memref<4x!tpu.dma_semaphore, #tpu.memory_space<semaphore_mem>>, %arg10: memref<10240x128xf32, #tpu.memory_space<vmem_shared>>) attributes {dimension_semantics = [#tpu.dimension_semantics<core_parallel>, #tpu.dimension_semantics<subcore_parallel>], iteration_bounds = array<i64: 2, 16>, scalar_prefetch = 0 : i64, scratch_operands = 5 : i64, tpu.core_type = #tpu.core_type<sc_vector_subcore>, window_params = [{transform_indices = #map}, {transform_indices = #map}, {transform_indices = #map}, {transform_indices = #map1}]} {
    %mul3A = arith.constant 2 : i32
    %mul3A_0 = arith.muli %arg1, %mul3A : i32
    %add3A = arith.addi %mul3A_0, %arg0 : i32
    %scan3A = arith.constant 0 : i32
    %scan3A_1 = arith.constant 0 : i32
    %scan3A_2 = arith.constant 64 : i32
    %scan3A_3 = arith.addi %scan3A_1, %scan3A_2 : i32
    %scan3A_4 = arith.constant 1 : i32
    scf.for %scan3A_22 = %scan3A_1 to %scan3A_3 step %scan3A_4  : i32 {
      %mul3A_23 = arith.constant 1 : i32
      %mul3A_24 = arith.muli %scan3A_22, %mul3A_23 : i32
      %add3A_25 = arith.constant 0 : i32
      %add3A_26 = arith.addi %add3A_25, %mul3A_24 : i32
      %scan3A_27 = arith.constant 0 : i32
      %scan3A_28 = arith.constant 8 : i32
      %scan3A_29 = arith.addi %scan3A_27, %scan3A_28 : i32
      %scan3A_30 = arith.constant 1 : i32
      scf.for %scan3A_32 = %scan3A_27 to %scan3A_29 step %scan3A_30  : i32 {
        %mul3A_33 = arith.constant 16 : i32
        %mul3A_34 = arith.muli %scan3A_32, %mul3A_33 : i32
        %add3A_35 = arith.constant 0 : i32
        %add3A_36 = arith.addi %add3A_35, %mul3A_34 : i32
        %broadcast_in_dim3A = arith.constant 0.000000e+00 : f32
        %broadcast_in_dim3A_37 = vector.broadcast %broadcast_in_dim3A : f32 to vector<16xf32>
        %swap3A = arith.constant 0 : i32
        %swap3A_38 = arith.constant 0 : i32
        %swap3A_39 = tpu.memref_slice %arg8[%scan3A, %swap3A, %swap3A_38] : memref<4x64x128xf32, #tpu.memory_space<vmem>> -> memref<1x64x128xf32, #tpu.memory_space<vmem>>
        %swap3A_40 = tpu.memref_squeeze %swap3A_39 : memref<1x64x128xf32, #tpu.memory_space<vmem>> -> memref<64x128xf32, #tpu.memory_space<vmem>>
        %swap3A_41 = arith.index_cast %add3A_26 : i32 to index
        %swap3A_42 = arith.index_cast %add3A_36 : i32 to index
        %swap3A_43 = tpu.vector_load %swap3A_40[%swap3A_41, %swap3A_42] {strides = array<i32>} : memref<64x128xf32, #tpu.memory_space<vmem>>, vector<1x16xf32>,
        %swap3A_44 = vector.shape_cast %swap3A_43 : vector<1x16xf32> to vector<16xf32>
        %swap3A_45 = vector.shape_cast %broadcast_in_dim3A_37 : vector<16xf32> to vector<1x16xf32>
        tpu.vector_store %swap3A_40[%swap3A_41, %swap3A_42], %swap3A_45 {strides = array<i32>} : memref<64x128xf32, #tpu.memory_space<vmem>>, vector<1x16xf32>,
      }
      %scan3A_31 = arith.constant 8 : i32
    }
    %scan3A_5 = arith.constant 64 : i32
    %scan3A_6 = arith.constant 0 : i32
    %scan3A_7 = arith.constant 0 : i32
    %scan3A_8 = arith.constant 10 : i32
    %scan3A_9 = arith.addi %scan3A_7, %scan3A_8 : i32
    %scan3A_10 = arith.constant 1 : i32
    scf.for %scan3A_22 = %scan3A_7 to %scan3A_9 step %scan3A_10  : i32 {
      %mul3A_23 = arith.constant 1 : i32
      %mul3A_24 = arith.muli %scan3A_22, %mul3A_23 : i32
      %add3A_25 = arith.constant 0 : i32
      %add3A_26 = arith.addi %add3A_25, %mul3A_24 : i32
      %mul3A_27 = arith.constant 640 : i32
      %mul3A_28 = arith.muli %arg1, %mul3A_27 : i32
      %mul3A_29 = arith.constant 64 : i32
      %mul3A_30 = arith.muli %add3A_26, %mul3A_29 : i32
      %add3A_31 = arith.addi %mul3A_28, %mul3A_30 : i32
      "tpu.region"() ({
        %run_scoped3A = tpu.sem_alloc : memref<!tpu.dma_semaphore, #tpu.memory_space<semaphore_mem>>
        %dma_start3A = arith.constant 0 : i32
        %dma_start3A_32 = arith.constant 0 : i32
        %dma_start3A_33 = tpu.memref_slice %arg8[%scan3A_6, %dma_start3A, %dma_start3A_32] : memref<4x64x128xf32, #tpu.memory_space<vmem>> -> memref<1x64x128xf32, #tpu.memory_space<vmem>>
        %dma_start3A_34 = tpu.memref_squeeze %dma_start3A_33 : memref<1x64x128xf32, #tpu.memory_space<vmem>> -> memref<64x128xf32, #tpu.memory_space<vmem>>
        %dma_start3A_35 = arith.constant 0 : i32
        %dma_start3A_36 = tpu.memref_slice %arg10[%add3A_31, %dma_start3A_35] : memref<10240x128xf32, #tpu.memory_space<vmem_shared>> -> memref<64x128xf32, #tpu.memory_space<vmem_shared>>
        %dma_start3A_37 = arith.constant 0 : i32
        %dma_start3A_38 = tpu.memref_slice %arg10[%add3A_31, %dma_start3A_37] : memref<10240x128xf32, #tpu.memory_space<vmem_shared>> -> memref<64x128xf32, #tpu.memory_space<vmem_shared>>
        %dma_start3A_39 = arith.constant 0 : i32
        %dma_start3A_40 = arith.constant 0 : i32
        %dma_start3A_41 = tpu.memref_slice %arg8[%scan3A_6, %dma_start3A_39, %dma_start3A_40] : memref<4x64x128xf32, #tpu.memory_space<vmem>> -> memref<1x64x128xf32, #tpu.memory_space<vmem>>
        %dma_start3A_42 = tpu.memref_squeeze %dma_start3A_41 : memref<1x64x128xf32, #tpu.memory_space<vmem>> -> memref<64x128xf32, #tpu.memory_space<vmem>>
        tpu.enqueue_dma source(%dma_start3A_42 : memref<64x128xf32, #tpu.memory_space<vmem>>) target(%dma_start3A_38 : memref<64x128xf32, #tpu.memory_space<vmem_shared>>) target_semaphore(%run_scoped3A : memref<!tpu.dma_semaphore, #tpu.memory_space<semaphore_mem>>)
        %dma_wait3A = arith.constant 0 : i32
        %dma_wait3A_43 = arith.constant 0 : i32
        %dma_wait3A_44 = tpu.memref_slice %arg8[%scan3A_6, %dma_wait3A, %dma_wait3A_43] : memref<4x64x128xf32, #tpu.memory_space<vmem>> -> memref<1x64x128xf32, #tpu.memory_space<vmem>>
        %dma_wait3A_45 = tpu.memref_squeeze %dma_wait3A_44 : memref<1x64x128xf32, #tpu.memory_space<vmem>> -> memref<64x128xf32, #tpu.memory_space<vmem>>
        %dma_wait3A_46 = arith.constant 0 : i32
        %dma_wait3A_47 = tpu.memref_slice %arg10[%add3A_31, %dma_wait3A_46] : memref<10240x128xf32, #tpu.memory_space<vmem_shared>> -> memref<64x128xf32, #tpu.memory_space<vmem_shared>>
        %dma_wait3A_48 = arith.constant 0 : i32
        %dma_wait3A_49 = tpu.memref_slice %arg10[%add3A_31, %dma_wait3A_48] : memref<10240x128xf32, #tpu.memory_space<vmem_shared>> -> memref<64x128xf32, #tpu.memory_space<vmem_shared>>
        %dma_wait3A_50 = arith.constant 0 : i32
        %dma_wait3A_51 = arith.constant 0 : i32
        %dma_wait3A_52 = tpu.memref_slice %arg8[%scan3A_6, %dma_wait3A_50, %dma_wait3A_51] : memref<4x64x128xf32, #tpu.memory_space<vmem>> -> memref<1x64x128xf32, #tpu.memory_space<vmem>>
        %dma_wait3A_53 = tpu.memref_squeeze %dma_wait3A_52 : memref<1x64x128xf32, #tpu.memory_space<vmem>> -> memref<64x128xf32, #tpu.memory_space<vmem>>
        tpu.wait_dma2 semaphore(%run_scoped3A : memref<!tpu.dma_semaphore, #tpu.memory_space<semaphore_mem>>) src(%dma_wait3A_53 : memref<64x128xf32, #tpu.memory_space<vmem>>) dst(%dma_wait3A_49 : memref<64x128xf32, #tpu.memory_space<vmem_shared>>)
        tpu.yield
      }) : () -> ()
    }
    %scan3A_11 = arith.constant 10 : i32
    %barrier3A = arith.constant 0 : index
    tpu.barrier barrier_id(%barrier3A)
    %scan3A_12 = arith.constant 0 : i32
    %scan3A_13 = arith.constant 4 : i32
    %scan3A_14 = arith.addi %scan3A_12, %scan3A_13 : i32
    %scan3A_15 = arith.constant 1 : i32
    scf.for %scan3A_22 = %scan3A_12 to %scan3A_14 step %scan3A_15  : i32 {
      %mul3A_23 = arith.constant 1 : i32
      %mul3A_24 = arith.muli %scan3A_22, %mul3A_23 : i32
      %add3A_25 = arith.constant 0 : i32
      %add3A_26 = arith.addi %add3A_25, %mul3A_24 : i32
      %mul3A_27 = arith.constant 160 : i32
      %mul3A_28 = arith.muli %add3A, %mul3A_27 : i32
      %mul3A_29 = arith.constant 40 : i32
      %mul3A_30 = arith.muli %add3A_26, %mul3A_29 : i32
      %add3A_31 = arith.addi %mul3A_28, %mul3A_30 : i32
      "tpu.region"() ({
        %run_scoped3A_162 = tpu.sem_alloc : memref<!tpu.dma_semaphore, #tpu.memory_space<semaphore_mem>>
        %dma_start3A_163 = arith.constant 0 : i32
        %dma_start3A_164 = tpu.memref_slice %arg3[%add3A_31, %dma_start3A_163] : memref<5120x64xi32, #tpu.memory_space<hbm>> -> memref<40x64xi32, #tpu.memory_space<hbm>>
        %dma_start3A_165 = arith.constant 0 : i32
        %dma_start3A_166 = tpu.memref_slice %arg3[%add3A_31, %dma_start3A_165] : memref<5120x64xi32, #tpu.memory_space<hbm>> -> memref<40x64xi32, #tpu.memory_space<hbm>>
        tpu.enqueue_dma source(%dma_start3A_166 : memref<40x64xi32, #tpu.memory_space<hbm>>) target(%arg6 : memref<40x64xi32, #tpu.memory_space<vmem>>) target_semaphore(%run_scoped3A_162 : memref<!tpu.dma_semaphore, #tpu.memory_space<semaphore_mem>>)
        %dma_wait3A_167 = arith.constant 0 : i32
        %dma_wait3A_168 = tpu.memref_slice %arg3[%add3A_31, %dma_wait3A_167] : memref<5120x64xi32, #tpu.memory_space<hbm>> -> memref<40x64xi32, #tpu.memory_space<hbm>>
        %dma_wait3A_169 = arith.constant 0 : i32
        %dma_wait3A_170 = tpu.memref_slice %arg3[%add3A_31, %dma_wait3A_169] : memref<5120x64xi32, #tpu.memory_space<hbm>> -> memref<40x64xi32, #tpu.memory_space<hbm>>
        tpu.wait_dma2 semaphore(%run_scoped3A_162 : memref<!tpu.dma_semaphore, #tpu.memory_space<semaphore_mem>>) src(%dma_wait3A_170 : memref<40x64xi32, #tpu.memory_space<hbm>>) dst(%arg6 : memref<40x64xi32, #tpu.memory_space<vmem>>)
        tpu.yield
      }) : () -> ()
      "tpu.region"() ({
        %run_scoped3A_162 = tpu.sem_alloc : memref<!tpu.dma_semaphore, #tpu.memory_space<semaphore_mem>>
        %dma_start3A_163 = arith.constant 0 : i32
        %dma_start3A_164 = tpu.memref_slice %arg4[%add3A_31, %dma_start3A_163] : memref<5120x64xi32, #tpu.memory_space<hbm>> -> memref<40x64xi32, #tpu.memory_space<hbm>>
        %dma_start3A_165 = arith.constant 0 : i32
        %dma_start3A_166 = tpu.memref_slice %arg4[%add3A_31, %dma_start3A_165] : memref<5120x64xi32, #tpu.memory_space<hbm>> -> memref<40x64xi32, #tpu.memory_space<hbm>>
        tpu.enqueue_dma source(%dma_start3A_166 : memref<40x64xi32, #tpu.memory_space<hbm>>) target(%arg7 : memref<40x64xi32, #tpu.memory_space<vmem>>) target_semaphore(%run_scoped3A_162 : memref<!tpu.dma_semaphore, #tpu.memory_space<semaphore_mem>>)
        %dma_wait3A_167 = arith.constant 0 : i32
        %dma_wait3A_168 = tpu.memref_slice %arg4[%add3A_31, %dma_wait3A_167] : memref<5120x64xi32, #tpu.memory_space<hbm>> -> memref<40x64xi32, #tpu.memory_space<hbm>>
        %dma_wait3A_169 = arith.constant 0 : i32
        %dma_wait3A_170 = tpu.memref_slice %arg4[%add3A_31, %dma_wait3A_169] : memref<5120x64xi32, #tpu.memory_space<hbm>> -> memref<40x64xi32, #tpu.memory_space<hbm>>
        tpu.wait_dma2 semaphore(%run_scoped3A_162 : memref<!tpu.dma_semaphore, #tpu.memory_space<semaphore_mem>>) src(%dma_wait3A_170 : memref<40x64xi32, #tpu.memory_space<hbm>>) dst(%arg7 : memref<40x64xi32, #tpu.memory_space<vmem>>)
        tpu.yield
      }) : () -> ()
      %dma_start3A = arith.constant 0 : i32
      %dma_start3A_32 = arith.constant 0 : i32
      %dma_start3A_33 = arith.constant 0 : i32
      %dma_start3A_34 = arith.constant 0 : i32
      %dma_start3A_35 = arith.constant 0 : i32
      %dma_start3A_36 = tpu.memref_slice %arg8[%dma_start3A_32, %dma_start3A_34, %dma_start3A_35] : memref<4x64x128xf32, #tpu.memory_space<vmem>> -> memref<1x64x128xf32, #tpu.memory_space<vmem>>
      %dma_start3A_37 = tpu.memref_squeeze %dma_start3A_36 : memref<1x64x128xf32, #tpu.memory_space<vmem>> -> memref<64x128xf32, #tpu.memory_space<vmem>>
      %dma_start3A_38 = arith.constant 0 : i32
      %dma_start3A_39 = tpu.memref_slice %arg6[%dma_start3A, %dma_start3A_38] : memref<40x64xi32, #tpu.memory_space<vmem>> -> memref<1x64xi32, #tpu.memory_space<vmem>>
      %dma_start3A_40 = tpu.memref_squeeze %dma_start3A_39 : memref<1x64xi32, #tpu.memory_space<vmem>> -> memref<64xi32, #tpu.memory_space<vmem>>
      %dma_start3A_41 = arith.constant 0 : i32
      %dma_start3A_42 = arith.constant 0 : i32
      %dma_start3A_43 = tpu.memref_slice %arg2[%dma_start3A_41, %dma_start3A_42] : memref<10000x128xf32, #tpu.memory_space<hbm>> -> memref<10000x128xf32, #tpu.memory_space<hbm>>
      %dma_start3A_44 = tpu.memref_slice %arg9[%dma_start3A_33] : memref<4x!tpu.dma_semaphore, #tpu.memory_space<semaphore_mem>> -> memref<1x!tpu.dma_semaphore, #tpu.memory_space<semaphore_mem>>
      %dma_start3A_45 = tpu.memref_squeeze %dma_start3A_44 : memref<1x!tpu.dma_semaphore, #tpu.memory_space<semaphore_mem>> -> memref<!tpu.dma_semaphore, #tpu.memory_space<semaphore_mem>>
      tpu.enqueue_indirect_dma source(%dma_start3A_43 : memref<10000x128xf32, #tpu.memory_space<hbm>>) target(%dma_start3A_37 : memref<64x128xf32, #tpu.memory_space<vmem>>) offsets(%dma_start3A_40 : memref<64xi32, #tpu.memory_space<vmem>>) semaphore(%dma_start3A_45 : memref<!tpu.dma_semaphore, #tpu.memory_space<semaphore_mem>>)
      %dma_start3A_46 = arith.constant 1 : i32
      %dma_start3A_47 = arith.constant 1 : i32
      %dma_start3A_48 = arith.constant 1 : i32
      %dma_start3A_49 = arith.constant 0 : i32
      %dma_start3A_50 = arith.constant 0 : i32
      %dma_start3A_51 = tpu.memref_slice %arg8[%dma_start3A_47, %dma_start3A_49, %dma_start3A_50] : memref<4x64x128xf32, #tpu.memory_space<vmem>> -> memref<1x64x128xf32, #tpu.memory_space<vmem>>
      %dma_start3A_52 = tpu.memref_squeeze %dma_start3A_51 : memref<1x64x128xf32, #tpu.memory_space<vmem>> -> memref<64x128xf32, #tpu.memory_space<vmem>>
      %dma_start3A_53 = arith.constant 0 : i32
      %dma_start3A_54 = tpu.memref_slice %arg6[%dma_start3A_46, %dma_start3A_53] : memref<40x64xi32, #tpu.memory_space<vmem>> -> memref<1x64xi32, #tpu.memory_space<vmem>>
      %dma_start3A_55 = tpu.memref_squeeze %dma_start3A_54 : memref<1x64xi32, #tpu.memory_space<vmem>> -> memref<64xi32, #tpu.memory_space<vmem>>
      %dma_start3A_56 = arith.constant 0 : i32
      %dma_start3A_57 = arith.constant 0 : i32
      %dma_start3A_58 = tpu.memref_slice %arg2[%dma_start3A_56, %dma_start3A_57] : memref<10000x128xf32, #tpu.memory_space<hbm>> -> memref<10000x128xf32, #tpu.memory_space<hbm>>
      %dma_start3A_59 = tpu.memref_slice %arg9[%dma_start3A_48] : memref<4x!tpu.dma_semaphore, #tpu.memory_space<semaphore_mem>> -> memref<1x!tpu.dma_semaphore, #tpu.memory_space<semaphore_mem>>
      %dma_start3A_60 = tpu.memref_squeeze %dma_start3A_59 : memref<1x!tpu.dma_semaphore, #tpu.memory_space<semaphore_mem>> -> memref<!tpu.dma_semaphore, #tpu.memory_space<semaphore_mem>>
      tpu.enqueue_indirect_dma source(%dma_start3A_58 : memref<10000x128xf32, #tpu.memory_space<hbm>>) target(%dma_start3A_52 : memref<64x128xf32, #tpu.memory_space<vmem>>) offsets(%dma_start3A_55 : memref<64xi32, #tpu.memory_space<vmem>>) semaphore(%dma_start3A_60 : memref<!tpu.dma_semaphore, #tpu.memory_space<semaphore_mem>>)
      %dma_start3A_61 = arith.constant 2 : i32
      %dma_start3A_62 = arith.constant 2 : i32
      %dma_start3A_63 = arith.constant 2 : i32
      %dma_start3A_64 = arith.constant 0 : i32
      %dma_start3A_65 = arith.constant 0 : i32
      %dma_start3A_66 = tpu.memref_slice %arg8[%dma_start3A_62, %dma_start3A_64, %dma_start3A_65] : memref<4x64x128xf32, #tpu.memory_space<vmem>> -> memref<1x64x128xf32, #tpu.memory_space<vmem>>
      %dma_start3A_67 = tpu.memref_squeeze %dma_start3A_66 : memref<1x64x128xf32, #tpu.memory_space<vmem>> -> memref<64x128xf32, #tpu.memory_space<vmem>>
      %dma_start3A_68 = arith.constant 0 : i32
      %dma_start3A_69 = tpu.memref_slice %arg6[%dma_start3A_61, %dma_start3A_68] : memref<40x64xi32, #tpu.memory_space<vmem>> -> memref<1x64xi32, #tpu.memory_space<vmem>>
      %dma_start3A_70 = tpu.memref_squeeze %dma_start3A_69 : memref<1x64xi32, #tpu.memory_space<vmem>> -> memref<64xi32, #tpu.memory_space<vmem>>
      %dma_start3A_71 = arith.constant 0 : i32
      %dma_start3A_72 = arith.constant 0 : i32
      %dma_start3A_73 = tpu.memref_slice %arg2[%dma_start3A_71, %dma_start3A_72] : memref<10000x128xf32, #tpu.memory_space<hbm>> -> memref<10000x128xf32, #tpu.memory_space<hbm>>
      %dma_start3A_74 = tpu.memref_slice %arg9[%dma_start3A_63] : memref<4x!tpu.dma_semaphore, #tpu.memory_space<semaphore_mem>> -> memref<1x!tpu.dma_semaphore, #tpu.memory_space<semaphore_mem>>
      %dma_start3A_75 = tpu.memref_squeeze %dma_start3A_74 : memref<1x!tpu.dma_semaphore, #tpu.memory_space<semaphore_mem>> -> memref<!tpu.dma_semaphore, #tpu.memory_space<semaphore_mem>>
      tpu.enqueue_indirect_dma source(%dma_start3A_73 : memref<10000x128xf32, #tpu.memory_space<hbm>>) target(%dma_start3A_67 : memref<64x128xf32, #tpu.memory_space<vmem>>) offsets(%dma_start3A_70 : memref<64xi32, #tpu.memory_space<vmem>>) semaphore(%dma_start3A_75 : memref<!tpu.dma_semaphore, #tpu.memory_space<semaphore_mem>>)
      %dma_start3A_76 = arith.constant 3 : i32
      %dma_start3A_77 = arith.constant 3 : i32
      %dma_start3A_78 = arith.constant 3 : i32
      %dma_start3A_79 = arith.constant 0 : i32
      %dma_start3A_80 = arith.constant 0 : i32
      %dma_start3A_81 = tpu.memref_slice %arg8[%dma_start3A_77, %dma_start3A_79, %dma_start3A_80] : memref<4x64x128xf32, #tpu.memory_space<vmem>> -> memref<1x64x128xf32, #tpu.memory_space<vmem>>
      %dma_start3A_82 = tpu.memref_squeeze %dma_start3A_81 : memref<1x64x128xf32, #tpu.memory_space<vmem>> -> memref<64x128xf32, #tpu.memory_space<vmem>>
      %dma_start3A_83 = arith.constant 0 : i32
      %dma_start3A_84 = tpu.memref_slice %arg6[%dma_start3A_76, %dma_start3A_83] : memref<40x64xi32, #tpu.memory_space<vmem>> -> memref<1x64xi32, #tpu.memory_space<vmem>>
      %dma_start3A_85 = tpu.memref_squeeze %dma_start3A_84 : memref<1x64xi32, #tpu.memory_space<vmem>> -> memref<64xi32, #tpu.memory_space<vmem>>
      %dma_start3A_86 = arith.constant 0 : i32
      %dma_start3A_87 = arith.constant 0 : i32
      %dma_start3A_88 = tpu.memref_slice %arg2[%dma_start3A_86, %dma_start3A_87] : memref<10000x128xf32, #tpu.memory_space<hbm>> -> memref<10000x128xf32, #tpu.memory_space<hbm>>
      %dma_start3A_89 = tpu.memref_slice %arg9[%dma_start3A_78] : memref<4x!tpu.dma_semaphore, #tpu.memory_space<semaphore_mem>> -> memref<1x!tpu.dma_semaphore, #tpu.memory_space<semaphore_mem>>
      %dma_start3A_90 = tpu.memref_squeeze %dma_start3A_89 : memref<1x!tpu.dma_semaphore, #tpu.memory_space<semaphore_mem>> -> memref<!tpu.dma_semaphore, #tpu.memory_space<semaphore_mem>>
      tpu.enqueue_indirect_dma source(%dma_start3A_88 : memref<10000x128xf32, #tpu.memory_space<hbm>>) target(%dma_start3A_82 : memref<64x128xf32, #tpu.memory_space<vmem>>) offsets(%dma_start3A_85 : memref<64xi32, #tpu.memory_space<vmem>>) semaphore(%dma_start3A_90 : memref<!tpu.dma_semaphore, #tpu.memory_space<semaphore_mem>>)
      %scan3A_91 = arith.constant 0 : i32
      %scan3A_92 = arith.constant 9 : i32
      %scan3A_93 = arith.addi %scan3A_91, %scan3A_92 : i32
      %scan3A_94 = arith.constant 1 : i32
      scf.for %scan3A_162 = %scan3A_91 to %scan3A_93 step %scan3A_94  : i32 {
        %mul3A_163 = arith.constant 4 : i32
        %mul3A_164 = arith.muli %scan3A_162, %mul3A_163 : i32
        %add3A_165 = arith.constant 0 : i32
        %add3A_166 = arith.addi %add3A_165, %mul3A_164 : i32
        %add3A_167 = arith.constant 0 : i32
        %add3A_168 = arith.addi %add3A_166, %add3A_167 : i32
        %dma_wait3A_169 = arith.constant 0 : i32
        %dma_wait3A_170 = arith.constant 0 : i32
        %dma_wait3A_171 = arith.constant 0 : i32
        %dma_wait3A_172 = arith.constant 0 : i32
        %dma_wait3A_173 = tpu.memref_slice %arg8[%dma_wait3A_169, %dma_wait3A_171, %dma_wait3A_172] : memref<4x64x128xf32, #tpu.memory_space<vmem>> -> memref<1x64x128xf32, #tpu.memory_space<vmem>>
        %dma_wait3A_174 = tpu.memref_squeeze %dma_wait3A_173 : memref<1x64x128xf32, #tpu.memory_space<vmem>> -> memref<64x128xf32, #tpu.memory_space<vmem>>
        %dma_wait3A_175 = arith.constant 0 : i32
        %dma_wait3A_176 = tpu.memref_slice %arg6[%add3A_168, %dma_wait3A_175] : memref<40x64xi32, #tpu.memory_space<vmem>> -> memref<1x64xi32, #tpu.memory_space<vmem>>
        %dma_wait3A_177 = tpu.memref_squeeze %dma_wait3A_176 : memref<1x64xi32, #tpu.memory_space<vmem>> -> memref<64xi32, #tpu.memory_space<vmem>>
        %dma_wait3A_178 = arith.constant 0 : i32
        %dma_wait3A_179 = arith.constant 0 : i32
        %dma_wait3A_180 = tpu.memref_slice %arg2[%dma_wait3A_178, %dma_wait3A_179] : memref<10000x128xf32, #tpu.memory_space<hbm>> -> memref<10000x128xf32, #tpu.memory_space<hbm>>
        %dma_wait3A_181 = tpu.memref_slice %arg9[%dma_wait3A_170] : memref<4x!tpu.dma_semaphore, #tpu.memory_space<semaphore_mem>> -> memref<1x!tpu.dma_semaphore, #tpu.memory_space<semaphore_mem>>
        %dma_wait3A_182 = tpu.memref_squeeze %dma_wait3A_181 : memref<1x!tpu.dma_semaphore, #tpu.memory_space<semaphore_mem>> -> memref<!tpu.dma_semaphore, #tpu.memory_space<semaphore_mem>>
        tpu.wait_indirect_dma semaphore(%dma_wait3A_182 : memref<!tpu.dma_semaphore, #tpu.memory_space<semaphore_mem>>) src(%dma_wait3A_180 : memref<10000x128xf32, #tpu.memory_space<hbm>>) dst(%dma_wait3A_174 : memref<64x128xf32, #tpu.memory_space<vmem>>)
        %run_scoped3A_183 = arith.constant 0 : i32
        "tpu.region"() ({
          %run_scoped3A_299 = tpu.sem_alloc : memref<!tpu.dma_semaphore, #tpu.memory_space<semaphore_mem>>
          %dma_start3A_300 = arith.constant 0 : i32
          %dma_start3A_301 = arith.constant 0 : i32
          %dma_start3A_302 = tpu.memref_slice %arg8[%run_scoped3A_183, %dma_start3A_300, %dma_start3A_301] : memref<4x64x128xf32, #tpu.memory_space<vmem>> -> memref<1x64x128xf32, #tpu.memory_space<vmem>>
          %dma_start3A_303 = tpu.memref_squeeze %dma_start3A_302 : memref<1x64x128xf32, #tpu.memory_space<vmem>> -> memref<64x128xf32, #tpu.memory_space<vmem>>
          %dma_start3A_304 = arith.constant 0 : i32
          %dma_start3A_305 = tpu.memref_slice %arg7[%add3A_168, %dma_start3A_304] : memref<40x64xi32, #tpu.memory_space<vmem>> -> memref<1x64xi32, #tpu.memory_space<vmem>>
          %dma_start3A_306 = tpu.memref_squeeze %dma_start3A_305 : memref<1x64xi32, #tpu.memory_space<vmem>> -> memref<64xi32, #tpu.memory_space<vmem>>
          %dma_start3A_307 = arith.constant 0 : i32
          %dma_start3A_308 = arith.constant 0 : i32
          %dma_start3A_309 = tpu.memref_slice %arg10[%dma_start3A_307, %dma_start3A_308] : memref<10240x128xf32, #tpu.memory_space<vmem_shared>> -> memref<10240x128xf32, #tpu.memory_space<vmem_shared>>
          tpu.enqueue_indirect_dma source(%dma_start3A_303 : memref<64x128xf32, #tpu.memory_space<vmem>>) target(%dma_start3A_309 : memref<10240x128xf32, #tpu.memory_space<vmem_shared>>) offsets(%dma_start3A_306 : memref<64xi32, #tpu.memory_space<vmem>>) semaphore(%run_scoped3A_299 : memref<!tpu.dma_semaphore, #tpu.memory_space<semaphore_mem>>) {add = true}
          %dma_wait3A_310 = arith.constant 0 : i32
          %dma_wait3A_311 = arith.constant 0 : i32
          %dma_wait3A_312 = tpu.memref_slice %arg8[%run_scoped3A_183, %dma_wait3A_310, %dma_wait3A_311] : memref<4x64x128xf32, #tpu.memory_space<vmem>> -> memref<1x64x128xf32, #tpu.memory_space<vmem>>
          %dma_wait3A_313 = tpu.memref_squeeze %dma_wait3A_312 : memref<1x64x128xf32, #tpu.memory_space<vmem>> -> memref<64x128xf32, #tpu.memory_space<vmem>>
          %dma_wait3A_314 = arith.constant 0 : i32
          %dma_wait3A_315 = tpu.memref_slice %arg7[%add3A_168, %dma_wait3A_314] : memref<40x64xi32, #tpu.memory_space<vmem>> -> memref<1x64xi32, #tpu.memory_space<vmem>>
          %dma_wait3A_316 = tpu.memref_squeeze %dma_wait3A_315 : memref<1x64xi32, #tpu.memory_space<vmem>> -> memref<64xi32, #tpu.memory_space<vmem>>
          %dma_wait3A_317 = arith.constant 0 : i32
          %dma_wait3A_318 = arith.constant 0 : i32
          %dma_wait3A_319 = tpu.memref_slice %arg10[%dma_wait3A_317, %dma_wait3A_318] : memref<10240x128xf32, #tpu.memory_space<vmem_shared>> -> memref<10240x128xf32, #tpu.memory_space<vmem_shared>>
          tpu.wait_indirect_dma semaphore(%run_scoped3A_299 : memref<!tpu.dma_semaphore, #tpu.memory_space<semaphore_mem>>) src(%dma_wait3A_313 : memref<64x128xf32, #tpu.memory_space<vmem>>) dst(%dma_wait3A_319 : memref<10240x128xf32, #tpu.memory_space<vmem_shared>>)
          tpu.yield
        }) : () -> ()
        %add3A_184 = arith.constant 4 : i32
        %add3A_185 = arith.addi %add3A_168, %add3A_184 : i32
        %dma_start3A_186 = arith.constant 0 : i32
        %dma_start3A_187 = arith.constant 0 : i32
        %dma_start3A_188 = arith.constant 0 : i32
        %dma_start3A_189 = arith.constant 0 : i32
        %dma_start3A_190 = tpu.memref_slice %arg8[%dma_start3A_186, %dma_start3A_188, %dma_start3A_189] : memref<4x64x128xf32, #tpu.memory_space<vmem>> -> memref<1x64x128xf32, #tpu.memory_space<vmem>>
        %dma_start3A_191 = tpu.memref_squeeze %dma_start3A_190 : memref<1x64x128xf32, #tpu.memory_space<vmem>> -> memref<64x128xf32, #tpu.memory_space<vmem>>
        %dma_start3A_192 = arith.constant 0 : i32
        %dma_start3A_193 = tpu.memref_slice %arg6[%add3A_185, %dma_start3A_192] : memref<40x64xi32, #tpu.memory_space<vmem>> -> memref<1x64xi32, #tpu.memory_space<vmem>>
        %dma_start3A_194 = tpu.memref_squeeze %dma_start3A_193 : memref<1x64xi32, #tpu.memory_space<vmem>> -> memref<64xi32, #tpu.memory_space<vmem>>
        %dma_start3A_195 = arith.constant 0 : i32
        %dma_start3A_196 = arith.constant 0 : i32
        %dma_start3A_197 = tpu.memref_slice %arg2[%dma_start3A_195, %dma_start3A_196] : memref<10000x128xf32, #tpu.memory_space<hbm>> -> memref<10000x128xf32, #tpu.memory_space<hbm>>
        %dma_start3A_198 = tpu.memref_slice %arg9[%dma_start3A_187] : memref<4x!tpu.dma_semaphore, #tpu.memory_space<semaphore_mem>> -> memref<1x!tpu.dma_semaphore, #tpu.memory_space<semaphore_mem>>
        %dma_start3A_199 = tpu.memref_squeeze %dma_start3A_198 : memref<1x!tpu.dma_semaphore, #tpu.memory_space<semaphore_mem>> -> memref<!tpu.dma_semaphore, #tpu.memory_space<semaphore_mem>>
        tpu.enqueue_indirect_dma source(%dma_start3A_197 : memref<10000x128xf32, #tpu.memory_space<hbm>>) target(%dma_start3A_191 : memref<64x128xf32, #tpu.memory_space<vmem>>) offsets(%dma_start3A_194 : memref<64xi32, #tpu.memory_space<vmem>>) semaphore(%dma_start3A_199 : memref<!tpu.dma_semaphore, #tpu.memory_space<semaphore_mem>>)
        %add3A_200 = arith.constant 1 : i32
        %add3A_201 = arith.addi %add3A_166, %add3A_200 : i32
        %dma_wait3A_202 = arith.constant 1 : i32
        %dma_wait3A_203 = arith.constant 1 : i32
        %dma_wait3A_204 = arith.constant 0 : i32
        %dma_wait3A_205 = arith.constant 0 : i32
        %dma_wait3A_206 = tpu.memref_slice %arg8[%dma_wait3A_202, %dma_wait3A_204, %dma_wait3A_205] : memref<4x64x128xf32, #tpu.memory_space<vmem>> -> memref<1x64x128xf32, #tpu.memory_space<vmem>>
        %dma_wait3A_207 = tpu.memref_squeeze %dma_wait3A_206 : memref<1x64x128xf32, #tpu.memory_space<vmem>> -> memref<64x128xf32, #tpu.memory_space<vmem>>
        %dma_wait3A_208 = arith.constant 0 : i32
        %dma_wait3A_209 = tpu.memref_slice %arg6[%add3A_201, %dma_wait3A_208] : memref<40x64xi32, #tpu.memory_space<vmem>> -> memref<1x64xi32, #tpu.memory_space<vmem>>
        %dma_wait3A_210 = tpu.memref_squeeze %dma_wait3A_209 : memref<1x64xi32, #tpu.memory_space<vmem>> -> memref<64xi32, #tpu.memory_space<vmem>>
        %dma_wait3A_211 = arith.constant 0 : i32
        %dma_wait3A_212 = arith.constant 0 : i32
        %dma_wait3A_213 = tpu.memref_slice %arg2[%dma_wait3A_211, %dma_wait3A_212] : memref<10000x128xf32, #tpu.memory_space<hbm>> -> memref<10000x128xf32, #tpu.memory_space<hbm>>
        %dma_wait3A_214 = tpu.memref_slice %arg9[%dma_wait3A_203] : memref<4x!tpu.dma_semaphore, #tpu.memory_space<semaphore_mem>> -> memref<1x!tpu.dma_semaphore, #tpu.memory_space<semaphore_mem>>
        %dma_wait3A_215 = tpu.memref_squeeze %dma_wait3A_214 : memref<1x!tpu.dma_semaphore, #tpu.memory_space<semaphore_mem>> -> memref<!tpu.dma_semaphore, #tpu.memory_space<semaphore_mem>>
        tpu.wait_indirect_dma semaphore(%dma_wait3A_215 : memref<!tpu.dma_semaphore, #tpu.memory_space<semaphore_mem>>) src(%dma_wait3A_213 : memref<10000x128xf32, #tpu.memory_space<hbm>>) dst(%dma_wait3A_207 : memref<64x128xf32, #tpu.memory_space<vmem>>)
        %run_scoped3A_216 = arith.constant 1 : i32
        "tpu.region"() ({
          %run_scoped3A_299 = tpu.sem_alloc : memref<!tpu.dma_semaphore, #tpu.memory_space<semaphore_mem>>
          %dma_start3A_300 = arith.constant 0 : i32
          %dma_start3A_301 = arith.constant 0 : i32
          %dma_start3A_302 = tpu.memref_slice %arg8[%run_scoped3A_216, %dma_start3A_300, %dma_start3A_301] : memref<4x64x128xf32, #tpu.memory_space<vmem>> -> memref<1x64x128xf32, #tpu.memory_space<vmem>>
          %dma_start3A_303 = tpu.memref_squeeze %dma_start3A_302 : memref<1x64x128xf32, #tpu.memory_space<vmem>> -> memref<64x128xf32, #tpu.memory_space<vmem>>
          %dma_start3A_304 = arith.constant 0 : i32
          %dma_start3A_305 = tpu.memref_slice %arg7[%add3A_201, %dma_start3A_304] : memref<40x64xi32, #tpu.memory_space<vmem>> -> memref<1x64xi32, #tpu.memory_space<vmem>>
          %dma_start3A_306 = tpu.memref_squeeze %dma_start3A_305 : memref<1x64xi32, #tpu.memory_space<vmem>> -> memref<64xi32, #tpu.memory_space<vmem>>
          %dma_start3A_307 = arith.constant 0 : i32
          %dma_start3A_308 = arith.constant 0 : i32
          %dma_start3A_309 = tpu.memref_slice %arg10[%dma_start3A_307, %dma_start3A_308] : memref<10240x128xf32, #tpu.memory_space<vmem_shared>> -> memref<10240x128xf32, #tpu.memory_space<vmem_shared>>
          tpu.enqueue_indirect_dma source(%dma_start3A_303 : memref<64x128xf32, #tpu.memory_space<vmem>>) target(%dma_start3A_309 : memref<10240x128xf32, #tpu.memory_space<vmem_shared>>) offsets(%dma_start3A_306 : memref<64xi32, #tpu.memory_space<vmem>>) semaphore(%run_scoped3A_299 : memref<!tpu.dma_semaphore, #tpu.memory_space<semaphore_mem>>) {add = true}
          %dma_wait3A_310 = arith.constant 0 : i32
          %dma_wait3A_311 = arith.constant 0 : i32
          %dma_wait3A_312 = tpu.memref_slice %arg8[%run_scoped3A_216, %dma_wait3A_310, %dma_wait3A_311] : memref<4x64x128xf32, #tpu.memory_space<vmem>> -> memref<1x64x128xf32, #tpu.memory_space<vmem>>
          %dma_wait3A_313 = tpu.memref_squeeze %dma_wait3A_312 : memref<1x64x128xf32, #tpu.memory_space<vmem>> -> memref<64x128xf32, #tpu.memory_space<vmem>>
          %dma_wait3A_314 = arith.constant 0 : i32
          %dma_wait3A_315 = tpu.memref_slice %arg7[%add3A_201, %dma_wait3A_314] : memref<40x64xi32, #tpu.memory_space<vmem>> -> memref<1x64xi32, #tpu.memory_space<vmem>>
          %dma_wait3A_316 = tpu.memref_squeeze %dma_wait3A_315 : memref<1x64xi32, #tpu.memory_space<vmem>> -> memref<64xi32, #tpu.memory_space<vmem>>
          %dma_wait3A_317 = arith.constant 0 : i32
          %dma_wait3A_318 = arith.constant 0 : i32
          %dma_wait3A_319 = tpu.memref_slice %arg10[%dma_wait3A_317, %dma_wait3A_318] : memref<10240x128xf32, #tpu.memory_space<vmem_shared>> -> memref<10240x128xf32, #tpu.memory_space<vmem_shared>>
          tpu.wait_indirect_dma semaphore(%run_scoped3A_299 : memref<!tpu.dma_semaphore, #tpu.memory_space<semaphore_mem>>) src(%dma_wait3A_313 : memref<64x128xf32, #tpu.memory_space<vmem>>) dst(%dma_wait3A_319 : memref<10240x128xf32, #tpu.memory_space<vmem_shared>>)
          tpu.yield
        }) : () -> ()
        %add3A_217 = arith.constant 4 : i32
        %add3A_218 = arith.addi %add3A_201, %add3A_217 : i32
        %dma_start3A_219 = arith.constant 1 : i32
        %dma_start3A_220 = arith.constant 1 : i32
        %dma_start3A_221 = arith.constant 0 : i32
        %dma_start3A_222 = arith.constant 0 : i32
        %dma_start3A_223 = tpu.memref_slice %arg8[%dma_start3A_219, %dma_start3A_221, %dma_start3A_222] : memref<4x64x128xf32, #tpu.memory_space<vmem>> -> memref<1x64x128xf32, #tpu.memory_space<vmem>>
        %dma_start3A_224 = tpu.memref_squeeze %dma_start3A_223 : memref<1x64x128xf32, #tpu.memory_space<vmem>> -> memref<64x128xf32, #tpu.memory_space<vmem>>
        %dma_start3A_225 = arith.constant 0 : i32
        %dma_start3A_226 = tpu.memref_slice %arg6[%add3A_218, %dma_start3A_225] : memref<40x64xi32, #tpu.memory_space<vmem>> -> memref<1x64xi32, #tpu.memory_space<vmem>>
        %dma_start3A_227 = tpu.memref_squeeze %dma_start3A_226 : memref<1x64xi32, #tpu.memory_space<vmem>> -> memref<64xi32, #tpu.memory_space<vmem>>
        %dma_start3A_228 = arith.constant 0 : i32
        %dma_start3A_229 = arith.constant 0 : i32
        %dma_start3A_230 = tpu.memref_slice %arg2[%dma_start3A_228, %dma_start3A_229] : memref<10000x128xf32, #tpu.memory_space<hbm>> -> memref<10000x128xf32, #tpu.memory_space<hbm>>
        %dma_start3A_231 = tpu.memref_slice %arg9[%dma_start3A_220] : memref<4x!tpu.dma_semaphore, #tpu.memory_space<semaphore_mem>> -> memref<1x!tpu.dma_semaphore, #tpu.memory_space<semaphore_mem>>
        %dma_start3A_232 = tpu.memref_squeeze %dma_start3A_231 : memref<1x!tpu.dma_semaphore, #tpu.memory_space<semaphore_mem>> -> memref<!tpu.dma_semaphore, #tpu.memory_space<semaphore_mem>>
        tpu.enqueue_indirect_dma source(%dma_start3A_230 : memref<10000x128xf32, #tpu.memory_space<hbm>>) target(%dma_start3A_224 : memref<64x128xf32, #tpu.memory_space<vmem>>) offsets(%dma_start3A_227 : memref<64xi32, #tpu.memory_space<vmem>>) semaphore(%dma_start3A_232 : memref<!tpu.dma_semaphore, #tpu.memory_space<semaphore_mem>>)
        %add3A_233 = arith.constant 2 : i32
        %add3A_234 = arith.addi %add3A_166, %add3A_233 : i32
        %dma_wait3A_235 = arith.constant 2 : i32
        %dma_wait3A_236 = arith.constant 2 : i32
        %dma_wait3A_237 = arith.constant 0 : i32
        %dma_wait3A_238 = arith.constant 0 : i32
        %dma_wait3A_239 = tpu.memref_slice %arg8[%dma_wait3A_235, %dma_wait3A_237, %dma_wait3A_238] : memref<4x64x128xf32, #tpu.memory_space<vmem>> -> memref<1x64x128xf32, #tpu.memory_space<vmem>>
        %dma_wait3A_240 = tpu.memref_squeeze %dma_wait3A_239 : memref<1x64x128xf32, #tpu.memory_space<vmem>> -> memref<64x128xf32, #tpu.memory_space<vmem>>
        %dma_wait3A_241 = arith.constant 0 : i32
        %dma_wait3A_242 = tpu.memref_slice %arg6[%add3A_234, %dma_wait3A_241] : memref<40x64xi32, #tpu.memory_space<vmem>> -> memref<1x64xi32, #tpu.memory_space<vmem>>
        %dma_wait3A_243 = tpu.memref_squeeze %dma_wait3A_242 : memref<1x64xi32, #tpu.memory_space<vmem>> -> memref<64xi32, #tpu.memory_space<vmem>>
        %dma_wait3A_244 = arith.constant 0 : i32
        %dma_wait3A_245 = arith.constant 0 : i32
        %dma_wait3A_246 = tpu.memref_slice %arg2[%dma_wait3A_244, %dma_wait3A_245] : memref<10000x128xf32, #tpu.memory_space<hbm>> -> memref<10000x128xf32, #tpu.memory_space<hbm>>
        %dma_wait3A_247 = tpu.memref_slice %arg9[%dma_wait3A_236] : memref<4x!tpu.dma_semaphore, #tpu.memory_space<semaphore_mem>> -> memref<1x!tpu.dma_semaphore, #tpu.memory_space<semaphore_mem>>
        %dma_wait3A_248 = tpu.memref_squeeze %dma_wait3A_247 : memref<1x!tpu.dma_semaphore, #tpu.memory_space<semaphore_mem>> -> memref<!tpu.dma_semaphore, #tpu.memory_space<semaphore_mem>>
        tpu.wait_indirect_dma semaphore(%dma_wait3A_248 : memref<!tpu.dma_semaphore, #tpu.memory_space<semaphore_mem>>) src(%dma_wait3A_246 : memref<10000x128xf32, #tpu.memory_space<hbm>>) dst(%dma_wait3A_240 : memref<64x128xf32, #tpu.memory_space<vmem>>)
        %run_scoped3A_249 = arith.constant 2 : i32
        "tpu.region"() ({
          %run_scoped3A_299 = tpu.sem_alloc : memref<!tpu.dma_semaphore, #tpu.memory_space<semaphore_mem>>
          %dma_start3A_300 = arith.constant 0 : i32
          %dma_start3A_301 = arith.constant 0 : i32
          %dma_start3A_302 = tpu.memref_slice %arg8[%run_scoped3A_249, %dma_start3A_300, %dma_start3A_301] : memref<4x64x128xf32, #tpu.memory_space<vmem>> -> memref<1x64x128xf32, #tpu.memory_space<vmem>>
          %dma_start3A_303 = tpu.memref_squeeze %dma_start3A_302 : memref<1x64x128xf32, #tpu.memory_space<vmem>> -> memref<64x128xf32, #tpu.memory_space<vmem>>
          %dma_start3A_304 = arith.constant 0 : i32
          %dma_start3A_305 = tpu.memref_slice %arg7[%add3A_234, %dma_start3A_304] : memref<40x64xi32, #tpu.memory_space<vmem>> -> memref<1x64xi32, #tpu.memory_space<vmem>>
          %dma_start3A_306 = tpu.memref_squeeze %dma_start3A_305 : memref<1x64xi32, #tpu.memory_space<vmem>> -> memref<64xi32, #tpu.memory_space<vmem>>
          %dma_start3A_307 = arith.constant 0 : i32
          %dma_start3A_308 = arith.constant 0 : i32
          %dma_start3A_309 = tpu.memref_slice %arg10[%dma_start3A_307, %dma_start3A_308] : memref<10240x128xf32, #tpu.memory_space<vmem_shared>> -> memref<10240x128xf32, #tpu.memory_space<vmem_shared>>
          tpu.enqueue_indirect_dma source(%dma_start3A_303 : memref<64x128xf32, #tpu.memory_space<vmem>>) target(%dma_start3A_309 : memref<10240x128xf32, #tpu.memory_space<vmem_shared>>) offsets(%dma_start3A_306 : memref<64xi32, #tpu.memory_space<vmem>>) semaphore(%run_scoped3A_299 : memref<!tpu.dma_semaphore, #tpu.memory_space<semaphore_mem>>) {add = true}
          %dma_wait3A_310 = arith.constant 0 : i32
          %dma_wait3A_311 = arith.constant 0 : i32
          %dma_wait3A_312 = tpu.memref_slice %arg8[%run_scoped3A_249, %dma_wait3A_310, %dma_wait3A_311] : memref<4x64x128xf32, #tpu.memory_space<vmem>> -> memref<1x64x128xf32, #tpu.memory_space<vmem>>
          %dma_wait3A_313 = tpu.memref_squeeze %dma_wait3A_312 : memref<1x64x128xf32, #tpu.memory_space<vmem>> -> memref<64x128xf32, #tpu.memory_space<vmem>>
          %dma_wait3A_314 = arith.constant 0 : i32
          %dma_wait3A_315 = tpu.memref_slice %arg7[%add3A_234, %dma_wait3A_314] : memref<40x64xi32, #tpu.memory_space<vmem>> -> memref<1x64xi32, #tpu.memory_space<vmem>>
          %dma_wait3A_316 = tpu.memref_squeeze %dma_wait3A_315 : memref<1x64xi32, #tpu.memory_space<vmem>> -> memref<64xi32, #tpu.memory_space<vmem>>
          %dma_wait3A_317 = arith.constant 0 : i32
          %dma_wait3A_318 = arith.constant 0 : i32
          %dma_wait3A_319 = tpu.memref_slice %arg10[%dma_wait3A_317, %dma_wait3A_318] : memref<10240x128xf32, #tpu.memory_space<vmem_shared>> -> memref<10240x128xf32, #tpu.memory_space<vmem_shared>>
          tpu.wait_indirect_dma semaphore(%run_scoped3A_299 : memref<!tpu.dma_semaphore, #tpu.memory_space<semaphore_mem>>) src(%dma_wait3A_313 : memref<64x128xf32, #tpu.memory_space<vmem>>) dst(%dma_wait3A_319 : memref<10240x128xf32, #tpu.memory_space<vmem_shared>>)
          tpu.yield
        }) : () -> ()
        %add3A_250 = arith.constant 4 : i32
        %add3A_251 = arith.addi %add3A_234, %add3A_250 : i32
        %dma_start3A_252 = arith.constant 2 : i32
        %dma_start3A_253 = arith.constant 2 : i32
        %dma_start3A_254 = arith.constant 0 : i32
        %dma_start3A_255 = arith.constant 0 : i32
        %dma_start3A_256 = tpu.memref_slice %arg8[%dma_start3A_252, %dma_start3A_254, %dma_start3A_255] : memref<4x64x128xf32, #tpu.memory_space<vmem>> -> memref<1x64x128xf32, #tpu.memory_space<vmem>>
        %dma_start3A_257 = tpu.memref_squeeze %dma_start3A_256 : memref<1x64x128xf32, #tpu.memory_space<vmem>> -> memref<64x128xf32, #tpu.memory_space<vmem>>
        %dma_start3A_258 = arith.constant 0 : i32
        %dma_start3A_259 = tpu.memref_slice %arg6[%add3A_251, %dma_start3A_258] : memref<40x64xi32, #tpu.memory_space<vmem>> -> memref<1x64xi32, #tpu.memory_space<vmem>>
        %dma_start3A_260 = tpu.memref_squeeze %dma_start3A_259 : memref<1x64xi32, #tpu.memory_space<vmem>> -> memref<64xi32, #tpu.memory_space<vmem>>
        %dma_start3A_261 = arith.constant 0 : i32
        %dma_start3A_262 = arith.constant 0 : i32
        %dma_start3A_263 = tpu.memref_slice %arg2[%dma_start3A_261, %dma_start3A_262] : memref<10000x128xf32, #tpu.memory_space<hbm>> -> memref<10000x128xf32, #tpu.memory_space<hbm>>
        %dma_start3A_264 = tpu.memref_slice %arg9[%dma_start3A_253] : memref<4x!tpu.dma_semaphore, #tpu.memory_space<semaphore_mem>> -> memref<1x!tpu.dma_semaphore, #tpu.memory_space<semaphore_mem>>
        %dma_start3A_265 = tpu.memref_squeeze %dma_start3A_264 : memref<1x!tpu.dma_semaphore, #tpu.memory_space<semaphore_mem>> -> memref<!tpu.dma_semaphore, #tpu.memory_space<semaphore_mem>>
        tpu.enqueue_indirect_dma source(%dma_start3A_263 : memref<10000x128xf32, #tpu.memory_space<hbm>>) target(%dma_start3A_257 : memref<64x128xf32, #tpu.memory_space<vmem>>) offsets(%dma_start3A_260 : memref<64xi32, #tpu.memory_space<vmem>>) semaphore(%dma_start3A_265 : memref<!tpu.dma_semaphore, #tpu.memory_space<semaphore_mem>>)
        %add3A_266 = arith.constant 3 : i32
        %add3A_267 = arith.addi %add3A_166, %add3A_266 : i32
        %dma_wait3A_268 = arith.constant 3 : i32
        %dma_wait3A_269 = arith.constant 3 : i32
        %dma_wait3A_270 = arith.constant 0 : i32
        %dma_wait3A_271 = arith.constant 0 : i32
        %dma_wait3A_272 = tpu.memref_slice %arg8[%dma_wait3A_268, %dma_wait3A_270, %dma_wait3A_271] : memref<4x64x128xf32, #tpu.memory_space<vmem>> -> memref<1x64x128xf32, #tpu.memory_space<vmem>>
        %dma_wait3A_273 = tpu.memref_squeeze %dma_wait3A_272 : memref<1x64x128xf32, #tpu.memory_space<vmem>> -> memref<64x128xf32, #tpu.memory_space<vmem>>
        %dma_wait3A_274 = arith.constant 0 : i32
        %dma_wait3A_275 = tpu.memref_slice %arg6[%add3A_267, %dma_wait3A_274] : memref<40x64xi32, #tpu.memory_space<vmem>> -> memref<1x64xi32, #tpu.memory_space<vmem>>
        %dma_wait3A_276 = tpu.memref_squeeze %dma_wait3A_275 : memref<1x64xi32, #tpu.memory_space<vmem>> -> memref<64xi32, #tpu.memory_space<vmem>>
        %dma_wait3A_277 = arith.constant 0 : i32
        %dma_wait3A_278 = arith.constant 0 : i32
        %dma_wait3A_279 = tpu.memref_slice %arg2[%dma_wait3A_277, %dma_wait3A_278] : memref<10000x128xf32, #tpu.memory_space<hbm>> -> memref<10000x128xf32, #tpu.memory_space<hbm>>
        %dma_wait3A_280 = tpu.memref_slice %arg9[%dma_wait3A_269] : memref<4x!tpu.dma_semaphore, #tpu.memory_space<semaphore_mem>> -> memref<1x!tpu.dma_semaphore, #tpu.memory_space<semaphore_mem>>
        %dma_wait3A_281 = tpu.memref_squeeze %dma_wait3A_280 : memref<1x!tpu.dma_semaphore, #tpu.memory_space<semaphore_mem>> -> memref<!tpu.dma_semaphore, #tpu.memory_space<semaphore_mem>>
        tpu.wait_indirect_dma semaphore(%dma_wait3A_281 : memref<!tpu.dma_semaphore, #tpu.memory_space<semaphore_mem>>) src(%dma_wait3A_279 : memref<10000x128xf32, #tpu.memory_space<hbm>>) dst(%dma_wait3A_273 : memref<64x128xf32, #tpu.memory_space<vmem>>)
        %run_scoped3A_282 = arith.constant 3 : i32
        "tpu.region"() ({
          %run_scoped3A_299 = tpu.sem_alloc : memref<!tpu.dma_semaphore, #tpu.memory_space<semaphore_mem>>
          %dma_start3A_300 = arith.constant 0 : i32
          %dma_start3A_301 = arith.constant 0 : i32
          %dma_start3A_302 = tpu.memref_slice %arg8[%run_scoped3A_282, %dma_start3A_300, %dma_start3A_301] : memref<4x64x128xf32, #tpu.memory_space<vmem>> -> memref<1x64x128xf32, #tpu.memory_space<vmem>>
          %dma_start3A_303 = tpu.memref_squeeze %dma_start3A_302 : memref<1x64x128xf32, #tpu.memory_space<vmem>> -> memref<64x128xf32, #tpu.memory_space<vmem>>
          %dma_start3A_304 = arith.constant 0 : i32
          %dma_start3A_305 = tpu.memref_slice %arg7[%add3A_267, %dma_start3A_304] : memref<40x64xi32, #tpu.memory_space<vmem>> -> memref<1x64xi32, #tpu.memory_space<vmem>>
          %dma_start3A_306 = tpu.memref_squeeze %dma_start3A_305 : memref<1x64xi32, #tpu.memory_space<vmem>> -> memref<64xi32, #tpu.memory_space<vmem>>
          %dma_start3A_307 = arith.constant 0 : i32
          %dma_start3A_308 = arith.constant 0 : i32
          %dma_start3A_309 = tpu.memref_slice %arg10[%dma_start3A_307, %dma_start3A_308] : memref<10240x128xf32, #tpu.memory_space<vmem_shared>> -> memref<10240x128xf32, #tpu.memory_space<vmem_shared>>
          tpu.enqueue_indirect_dma source(%dma_start3A_303 : memref<64x128xf32, #tpu.memory_space<vmem>>) target(%dma_start3A_309 : memref<10240x128xf32, #tpu.memory_space<vmem_shared>>) offsets(%dma_start3A_306 : memref<64xi32, #tpu.memory_space<vmem>>) semaphore(%run_scoped3A_299 : memref<!tpu.dma_semaphore, #tpu.memory_space<semaphore_mem>>) {add = true}
          %dma_wait3A_310 = arith.constant 0 : i32
          %dma_wait3A_311 = arith.constant 0 : i32
          %dma_wait3A_312 = tpu.memref_slice %arg8[%run_scoped3A_282, %dma_wait3A_310, %dma_wait3A_311] : memref<4x64x128xf32, #tpu.memory_space<vmem>> -> memref<1x64x128xf32, #tpu.memory_space<vmem>>
          %dma_wait3A_313 = tpu.memref_squeeze %dma_wait3A_312 : memref<1x64x128xf32, #tpu.memory_space<vmem>> -> memref<64x128xf32, #tpu.memory_space<vmem>>
          %dma_wait3A_314 = arith.constant 0 : i32
          %dma_wait3A_315 = tpu.memref_slice %arg7[%add3A_267, %dma_wait3A_314] : memref<40x64xi32, #tpu.memory_space<vmem>> -> memref<1x64xi32, #tpu.memory_space<vmem>>
          %dma_wait3A_316 = tpu.memref_squeeze %dma_wait3A_315 : memref<1x64xi32, #tpu.memory_space<vmem>> -> memref<64xi32, #tpu.memory_space<vmem>>
          %dma_wait3A_317 = arith.constant 0 : i32
          %dma_wait3A_318 = arith.constant 0 : i32
          %dma_wait3A_319 = tpu.memref_slice %arg10[%dma_wait3A_317, %dma_wait3A_318] : memref<10240x128xf32, #tpu.memory_space<vmem_shared>> -> memref<10240x128xf32, #tpu.memory_space<vmem_shared>>
          tpu.wait_indirect_dma semaphore(%run_scoped3A_299 : memref<!tpu.dma_semaphore, #tpu.memory_space<semaphore_mem>>) src(%dma_wait3A_313 : memref<64x128xf32, #tpu.memory_space<vmem>>) dst(%dma_wait3A_319 : memref<10240x128xf32, #tpu.memory_space<vmem_shared>>)
          tpu.yield
        }) : () -> ()
        %add3A_283 = arith.constant 4 : i32
        %add3A_284 = arith.addi %add3A_267, %add3A_283 : i32
        %dma_start3A_285 = arith.constant 3 : i32
        %dma_start3A_286 = arith.constant 3 : i32
        %dma_start3A_287 = arith.constant 0 : i32
        %dma_start3A_288 = arith.constant 0 : i32
        %dma_start3A_289 = tpu.memref_slice %arg8[%dma_start3A_285, %dma_start3A_287, %dma_start3A_288] : memref<4x64x128xf32, #tpu.memory_space<vmem>> -> memref<1x64x128xf32, #tpu.memory_space<vmem>>
        %dma_start3A_290 = tpu.memref_squeeze %dma_start3A_289 : memref<1x64x128xf32, #tpu.memory_space<vmem>> -> memref<64x128xf32, #tpu.memory_space<vmem>>
        %dma_start3A_291 = arith.constant 0 : i32
        %dma_start3A_292 = tpu.memref_slice %arg6[%add3A_284, %dma_start3A_291] : memref<40x64xi32, #tpu.memory_space<vmem>> -> memref<1x64xi32, #tpu.memory_space<vmem>>
        %dma_start3A_293 = tpu.memref_squeeze %dma_start3A_292 : memref<1x64xi32, #tpu.memory_space<vmem>> -> memref<64xi32, #tpu.memory_space<vmem>>
        %dma_start3A_294 = arith.constant 0 : i32
        %dma_start3A_295 = arith.constant 0 : i32
        %dma_start3A_296 = tpu.memref_slice %arg2[%dma_start3A_294, %dma_start3A_295] : memref<10000x128xf32, #tpu.memory_space<hbm>> -> memref<10000x128xf32, #tpu.memory_space<hbm>>
        %dma_start3A_297 = tpu.memref_slice %arg9[%dma_start3A_286] : memref<4x!tpu.dma_semaphore, #tpu.memory_space<semaphore_mem>> -> memref<1x!tpu.dma_semaphore, #tpu.memory_space<semaphore_mem>>
        %dma_start3A_298 = tpu.memref_squeeze %dma_start3A_297 : memref<1x!tpu.dma_semaphore, #tpu.memory_space<semaphore_mem>> -> memref<!tpu.dma_semaphore, #tpu.memory_space<semaphore_mem>>
        tpu.enqueue_indirect_dma source(%dma_start3A_296 : memref<10000x128xf32, #tpu.memory_space<hbm>>) target(%dma_start3A_290 : memref<64x128xf32, #tpu.memory_space<vmem>>) offsets(%dma_start3A_293 : memref<64xi32, #tpu.memory_space<vmem>>) semaphore(%dma_start3A_298 : memref<!tpu.dma_semaphore, #tpu.memory_space<semaphore_mem>>)
      }
      %scan3A_95 = arith.constant 9 : i32
      %dma_wait3A = arith.constant 36 : i32
      %dma_wait3A_96 = arith.constant 0 : i32
      %dma_wait3A_97 = arith.constant 0 : i32
      %dma_wait3A_98 = arith.constant 0 : i32
      %dma_wait3A_99 = arith.constant 0 : i32
      %dma_wait3A_100 = tpu.memref_slice %arg8[%dma_wait3A_96, %dma_wait3A_98, %dma_wait3A_99] : memref<4x64x128xf32, #tpu.memory_space<vmem>> -> memref<1x64x128xf32, #tpu.memory_space<vmem>>
      %dma_wait3A_101 = tpu.memref_squeeze %dma_wait3A_100 : memref<1x64x128xf32, #tpu.memory_space<vmem>> -> memref<64x128xf32, #tpu.memory_space<vmem>>
      %dma_wait3A_102 = arith.constant 0 : i32
      %dma_wait3A_103 = tpu.memref_slice %arg6[%dma_wait3A, %dma_wait3A_102] : memref<40x64xi32, #tpu.memory_space<vmem>> -> memref<1x64xi32, #tpu.memory_space<vmem>>
      %dma_wait3A_104 = tpu.memref_squeeze %dma_wait3A_103 : memref<1x64xi32, #tpu.memory_space<vmem>> -> memref<64xi32, #tpu.memory_space<vmem>>
      %dma_wait3A_105 = arith.constant 0 : i32
      %dma_wait3A_106 = arith.constant 0 : i32
      %dma_wait3A_107 = tpu.memref_slice %arg2[%dma_wait3A_105, %dma_wait3A_106] : memref<10000x128xf32, #tpu.memory_space<hbm>> -> memref<10000x128xf32, #tpu.memory_space<hbm>>
      %dma_wait3A_108 = tpu.memref_slice %arg9[%dma_wait3A_97] : memref<4x!tpu.dma_semaphore, #tpu.memory_space<semaphore_mem>> -> memref<1x!tpu.dma_semaphore, #tpu.memory_space<semaphore_mem>>
      %dma_wait3A_109 = tpu.memref_squeeze %dma_wait3A_108 : memref<1x!tpu.dma_semaphore, #tpu.memory_space<semaphore_mem>> -> memref<!tpu.dma_semaphore, #tpu.memory_space<semaphore_mem>>
      tpu.wait_indirect_dma semaphore(%dma_wait3A_109 : memref<!tpu.dma_semaphore, #tpu.memory_space<semaphore_mem>>) src(%dma_wait3A_107 : memref<10000x128xf32, #tpu.memory_space<hbm>>) dst(%dma_wait3A_101 : memref<64x128xf32, #tpu.memory_space<vmem>>)
      %run_scoped3A = arith.constant 0 : i32
      %run_scoped3A_110 = arith.constant 36 : i32
      "tpu.region"() ({
        %run_scoped3A_162 = tpu.sem_alloc : memref<!tpu.dma_semaphore, #tpu.memory_space<semaphore_mem>>
        %dma_start3A_163 = arith.constant 0 : i32
        %dma_start3A_164 = arith.constant 0 : i32
        %dma_start3A_165 = tpu.memref_slice %arg8[%run_scoped3A, %dma_start3A_163, %dma_start3A_164] : memref<4x64x128xf32, #tpu.memory_space<vmem>> -> memref<1x64x128xf32, #tpu.memory_space<vmem>>
        %dma_start3A_166 = tpu.memref_squeeze %dma_start3A_165 : memref<1x64x128xf32, #tpu.memory_space<vmem>> -> memref<64x128xf32, #tpu.memory_space<vmem>>
        %dma_start3A_167 = arith.constant 0 : i32
        %dma_start3A_168 = tpu.memref_slice %arg7[%run_scoped3A_110, %dma_start3A_167] : memref<40x64xi32, #tpu.memory_space<vmem>> -> memref<1x64xi32, #tpu.memory_space<vmem>>
        %dma_start3A_169 = tpu.memref_squeeze %dma_start3A_168 : memref<1x64xi32, #tpu.memory_space<vmem>> -> memref<64xi32, #tpu.memory_space<vmem>>
        %dma_start3A_170 = arith.constant 0 : i32
        %dma_start3A_171 = arith.constant 0 : i32
        %dma_start3A_172 = tpu.memref_slice %arg10[%dma_start3A_170, %dma_start3A_171] : memref<10240x128xf32, #tpu.memory_space<vmem_shared>> -> memref<10240x128xf32, #tpu.memory_space<vmem_shared>>
        tpu.enqueue_indirect_dma source(%dma_start3A_166 : memref<64x128xf32, #tpu.memory_space<vmem>>) target(%dma_start3A_172 : memref<10240x128xf32, #tpu.memory_space<vmem_shared>>) offsets(%dma_start3A_169 : memref<64xi32, #tpu.memory_space<vmem>>) semaphore(%run_scoped3A_162 : memref<!tpu.dma_semaphore, #tpu.memory_space<semaphore_mem>>) {add = true}
        %dma_wait3A_173 = arith.constant 0 : i32
        %dma_wait3A_174 = arith.constant 0 : i32
        %dma_wait3A_175 = tpu.memref_slice %arg8[%run_scoped3A, %dma_wait3A_173, %dma_wait3A_174] : memref<4x64x128xf32, #tpu.memory_space<vmem>> -> memref<1x64x128xf32, #tpu.memory_space<vmem>>
        %dma_wait3A_176 = tpu.memref_squeeze %dma_wait3A_175 : memref<1x64x128xf32, #tpu.memory_space<vmem>> -> memref<64x128xf32, #tpu.memory_space<vmem>>
        %dma_wait3A_177 = arith.constant 0 : i32
        %dma_wait3A_178 = tpu.memref_slice %arg7[%run_scoped3A_110, %dma_wait3A_177] : memref<40x64xi32, #tpu.memory_space<vmem>> -> memref<1x64xi32, #tpu.memory_space<vmem>>
        %dma_wait3A_179 = tpu.memref_squeeze %dma_wait3A_178 : memref<1x64xi32, #tpu.memory_space<vmem>> -> memref<64xi32, #tpu.memory_space<vmem>>
        %dma_wait3A_180 = arith.constant 0 : i32
        %dma_wait3A_181 = arith.constant 0 : i32
        %dma_wait3A_182 = tpu.memref_slice %arg10[%dma_wait3A_180, %dma_wait3A_181] : memref<10240x128xf32, #tpu.memory_space<vmem_shared>> -> memref<10240x128xf32, #tpu.memory_space<vmem_shared>>
        tpu.wait_indirect_dma semaphore(%run_scoped3A_162 : memref<!tpu.dma_semaphore, #tpu.memory_space<semaphore_mem>>) src(%dma_wait3A_176 : memref<64x128xf32, #tpu.memory_space<vmem>>) dst(%dma_wait3A_182 : memref<10240x128xf32, #tpu.memory_space<vmem_shared>>)
        tpu.yield
      }) : () -> ()
      %dma_wait3A_111 = arith.constant 37 : i32
      %dma_wait3A_112 = arith.constant 1 : i32
      %dma_wait3A_113 = arith.constant 1 : i32
      %dma_wait3A_114 = arith.constant 0 : i32
      %dma_wait3A_115 = arith.constant 0 : i32
      %dma_wait3A_116 = tpu.memref_slice %arg8[%dma_wait3A_112, %dma_wait3A_114, %dma_wait3A_115] : memref<4x64x128xf32, #tpu.memory_space<vmem>> -> memref<1x64x128xf32, #tpu.memory_space<vmem>>
      %dma_wait3A_117 = tpu.memref_squeeze %dma_wait3A_116 : memref<1x64x128xf32, #tpu.memory_space<vmem>> -> memref<64x128xf32, #tpu.memory_space<vmem>>
      %dma_wait3A_118 = arith.constant 0 : i32
      %dma_wait3A_119 = tpu.memref_slice %arg6[%dma_wait3A_111, %dma_wait3A_118] : memref<40x64xi32, #tpu.memory_space<vmem>> -> memref<1x64xi32, #tpu.memory_space<vmem>>
      %dma_wait3A_120 = tpu.memref_squeeze %dma_wait3A_119 : memref<1x64xi32, #tpu.memory_space<vmem>> -> memref<64xi32, #tpu.memory_space<vmem>>
      %dma_wait3A_121 = arith.constant 0 : i32
      %dma_wait3A_122 = arith.constant 0 : i32
      %dma_wait3A_123 = tpu.memref_slice %arg2[%dma_wait3A_121, %dma_wait3A_122] : memref<10000x128xf32, #tpu.memory_space<hbm>> -> memref<10000x128xf32, #tpu.memory_space<hbm>>
      %dma_wait3A_124 = tpu.memref_slice %arg9[%dma_wait3A_113] : memref<4x!tpu.dma_semaphore, #tpu.memory_space<semaphore_mem>> -> memref<1x!tpu.dma_semaphore, #tpu.memory_space<semaphore_mem>>
      %dma_wait3A_125 = tpu.memref_squeeze %dma_wait3A_124 : memref<1x!tpu.dma_semaphore, #tpu.memory_space<semaphore_mem>> -> memref<!tpu.dma_semaphore, #tpu.memory_space<semaphore_mem>>
      tpu.wait_indirect_dma semaphore(%dma_wait3A_125 : memref<!tpu.dma_semaphore, #tpu.memory_space<semaphore_mem>>) src(%dma_wait3A_123 : memref<10000x128xf32, #tpu.memory_space<hbm>>) dst(%dma_wait3A_117 : memref<64x128xf32, #tpu.memory_space<vmem>>)
      %run_scoped3A_126 = arith.constant 1 : i32
      %run_scoped3A_127 = arith.constant 37 : i32
      "tpu.region"() ({
        %run_scoped3A_162 = tpu.sem_alloc : memref<!tpu.dma_semaphore, #tpu.memory_space<semaphore_mem>>
        %dma_start3A_163 = arith.constant 0 : i32
        %dma_start3A_164 = arith.constant 0 : i32
        %dma_start3A_165 = tpu.memref_slice %arg8[%run_scoped3A_126, %dma_start3A_163, %dma_start3A_164] : memref<4x64x128xf32, #tpu.memory_space<vmem>> -> memref<1x64x128xf32, #tpu.memory_space<vmem>>
        %dma_start3A_166 = tpu.memref_squeeze %dma_start3A_165 : memref<1x64x128xf32, #tpu.memory_space<vmem>> -> memref<64x128xf32, #tpu.memory_space<vmem>>
        %dma_start3A_167 = arith.constant 0 : i32
        %dma_start3A_168 = tpu.memref_slice %arg7[%run_scoped3A_127, %dma_start3A_167] : memref<40x64xi32, #tpu.memory_space<vmem>> -> memref<1x64xi32, #tpu.memory_space<vmem>>
        %dma_start3A_169 = tpu.memref_squeeze %dma_start3A_168 : memref<1x64xi32, #tpu.memory_space<vmem>> -> memref<64xi32, #tpu.memory_space<vmem>>
        %dma_start3A_170 = arith.constant 0 : i32
        %dma_start3A_171 = arith.constant 0 : i32
        %dma_start3A_172 = tpu.memref_slice %arg10[%dma_start3A_170, %dma_start3A_171] : memref<10240x128xf32, #tpu.memory_space<vmem_shared>> -> memref<10240x128xf32, #tpu.memory_space<vmem_shared>>
        tpu.enqueue_indirect_dma source(%dma_start3A_166 : memref<64x128xf32, #tpu.memory_space<vmem>>) target(%dma_start3A_172 : memref<10240x128xf32, #tpu.memory_space<vmem_shared>>) offsets(%dma_start3A_169 : memref<64xi32, #tpu.memory_space<vmem>>) semaphore(%run_scoped3A_162 : memref<!tpu.dma_semaphore, #tpu.memory_space<semaphore_mem>>) {add = true}
        %dma_wait3A_173 = arith.constant 0 : i32
        %dma_wait3A_174 = arith.constant 0 : i32
        %dma_wait3A_175 = tpu.memref_slice %arg8[%run_scoped3A_126, %dma_wait3A_173, %dma_wait3A_174] : memref<4x64x128xf32, #tpu.memory_space<vmem>> -> memref<1x64x128xf32, #tpu.memory_space<vmem>>
        %dma_wait3A_176 = tpu.memref_squeeze %dma_wait3A_175 : memref<1x64x128xf32, #tpu.memory_space<vmem>> -> memref<64x128xf32, #tpu.memory_space<vmem>>
        %dma_wait3A_177 = arith.constant 0 : i32
        %dma_wait3A_178 = tpu.memref_slice %arg7[%run_scoped3A_127, %dma_wait3A_177] : memref<40x64xi32, #tpu.memory_space<vmem>> -> memref<1x64xi32, #tpu.memory_space<vmem>>
        %dma_wait3A_179 = tpu.memref_squeeze %dma_wait3A_178 : memref<1x64xi32, #tpu.memory_space<vmem>> -> memref<64xi32, #tpu.memory_space<vmem>>
        %dma_wait3A_180 = arith.constant 0 : i32
        %dma_wait3A_181 = arith.constant 0 : i32
        %dma_wait3A_182 = tpu.memref_slice %arg10[%dma_wait3A_180, %dma_wait3A_181] : memref<10240x128xf32, #tpu.memory_space<vmem_shared>> -> memref<10240x128xf32, #tpu.memory_space<vmem_shared>>
        tpu.wait_indirect_dma semaphore(%run_scoped3A_162 : memref<!tpu.dma_semaphore, #tpu.memory_space<semaphore_mem>>) src(%dma_wait3A_176 : memref<64x128xf32, #tpu.memory_space<vmem>>) dst(%dma_wait3A_182 : memref<10240x128xf32, #tpu.memory_space<vmem_shared>>)
        tpu.yield
      }) : () -> ()
      %dma_wait3A_128 = arith.constant 38 : i32
      %dma_wait3A_129 = arith.constant 2 : i32
      %dma_wait3A_130 = arith.constant 2 : i32
      %dma_wait3A_131 = arith.constant 0 : i32
      %dma_wait3A_132 = arith.constant 0 : i32
      %dma_wait3A_133 = tpu.memref_slice %arg8[%dma_wait3A_129, %dma_wait3A_131, %dma_wait3A_132] : memref<4x64x128xf32, #tpu.memory_space<vmem>> -> memref<1x64x128xf32, #tpu.memory_space<vmem>>
      %dma_wait3A_134 = tpu.memref_squeeze %dma_wait3A_133 : memref<1x64x128xf32, #tpu.memory_space<vmem>> -> memref<64x128xf32, #tpu.memory_space<vmem>>
      %dma_wait3A_135 = arith.constant 0 : i32
      %dma_wait3A_136 = tpu.memref_slice %arg6[%dma_wait3A_128, %dma_wait3A_135] : memref<40x64xi32, #tpu.memory_space<vmem>> -> memref<1x64xi32, #tpu.memory_space<vmem>>
      %dma_wait3A_137 = tpu.memref_squeeze %dma_wait3A_136 : memref<1x64xi32, #tpu.memory_space<vmem>> -> memref<64xi32, #tpu.memory_space<vmem>>
      %dma_wait3A_138 = arith.constant 0 : i32
      %dma_wait3A_139 = arith.constant 0 : i32
      %dma_wait3A_140 = tpu.memref_slice %arg2[%dma_wait3A_138, %dma_wait3A_139] : memref<10000x128xf32, #tpu.memory_space<hbm>> -> memref<10000x128xf32, #tpu.memory_space<hbm>>
      %dma_wait3A_141 = tpu.memref_slice %arg9[%dma_wait3A_130] : memref<4x!tpu.dma_semaphore, #tpu.memory_space<semaphore_mem>> -> memref<1x!tpu.dma_semaphore, #tpu.memory_space<semaphore_mem>>
      %dma_wait3A_142 = tpu.memref_squeeze %dma_wait3A_141 : memref<1x!tpu.dma_semaphore, #tpu.memory_space<semaphore_mem>> -> memref<!tpu.dma_semaphore, #tpu.memory_space<semaphore_mem>>
      tpu.wait_indirect_dma semaphore(%dma_wait3A_142 : memref<!tpu.dma_semaphore, #tpu.memory_space<semaphore_mem>>) src(%dma_wait3A_140 : memref<10000x128xf32, #tpu.memory_space<hbm>>) dst(%dma_wait3A_134 : memref<64x128xf32, #tpu.memory_space<vmem>>)
      %run_scoped3A_143 = arith.constant 2 : i32
      %run_scoped3A_144 = arith.constant 38 : i32
      "tpu.region"() ({
        %run_scoped3A_162 = tpu.sem_alloc : memref<!tpu.dma_semaphore, #tpu.memory_space<semaphore_mem>>
        %dma_start3A_163 = arith.constant 0 : i32
        %dma_start3A_164 = arith.constant 0 : i32
        %dma_start3A_165 = tpu.memref_slice %arg8[%run_scoped3A_143, %dma_start3A_163, %dma_start3A_164] : memref<4x64x128xf32, #tpu.memory_space<vmem>> -> memref<1x64x128xf32, #tpu.memory_space<vmem>>
        %dma_start3A_166 = tpu.memref_squeeze %dma_start3A_165 : memref<1x64x128xf32, #tpu.memory_space<vmem>> -> memref<64x128xf32, #tpu.memory_space<vmem>>
        %dma_start3A_167 = arith.constant 0 : i32
        %dma_start3A_168 = tpu.memref_slice %arg7[%run_scoped3A_144, %dma_start3A_167] : memref<40x64xi32, #tpu.memory_space<vmem>> -> memref<1x64xi32, #tpu.memory_space<vmem>>
        %dma_start3A_169 = tpu.memref_squeeze %dma_start3A_168 : memref<1x64xi32, #tpu.memory_space<vmem>> -> memref<64xi32, #tpu.memory_space<vmem>>
        %dma_start3A_170 = arith.constant 0 : i32
        %dma_start3A_171 = arith.constant 0 : i32
        %dma_start3A_172 = tpu.memref_slice %arg10[%dma_start3A_170, %dma_start3A_171] : memref<10240x128xf32, #tpu.memory_space<vmem_shared>> -> memref<10240x128xf32, #tpu.memory_space<vmem_shared>>
        tpu.enqueue_indirect_dma source(%dma_start3A_166 : memref<64x128xf32, #tpu.memory_space<vmem>>) target(%dma_start3A_172 : memref<10240x128xf32, #tpu.memory_space<vmem_shared>>) offsets(%dma_start3A_169 : memref<64xi32, #tpu.memory_space<vmem>>) semaphore(%run_scoped3A_162 : memref<!tpu.dma_semaphore, #tpu.memory_space<semaphore_mem>>) {add = true}
        %dma_wait3A_173 = arith.constant 0 : i32
        %dma_wait3A_174 = arith.constant 0 : i32
        %dma_wait3A_175 = tpu.memref_slice %arg8[%run_scoped3A_143, %dma_wait3A_173, %dma_wait3A_174] : memref<4x64x128xf32, #tpu.memory_space<vmem>> -> memref<1x64x128xf32, #tpu.memory_space<vmem>>
        %dma_wait3A_176 = tpu.memref_squeeze %dma_wait3A_175 : memref<1x64x128xf32, #tpu.memory_space<vmem>> -> memref<64x128xf32, #tpu.memory_space<vmem>>
        %dma_wait3A_177 = arith.constant 0 : i32
        %dma_wait3A_178 = tpu.memref_slice %arg7[%run_scoped3A_144, %dma_wait3A_177] : memref<40x64xi32, #tpu.memory_space<vmem>> -> memref<1x64xi32, #tpu.memory_space<vmem>>
        %dma_wait3A_179 = tpu.memref_squeeze %dma_wait3A_178 : memref<1x64xi32, #tpu.memory_space<vmem>> -> memref<64xi32, #tpu.memory_space<vmem>>
        %dma_wait3A_180 = arith.constant 0 : i32
        %dma_wait3A_181 = arith.constant 0 : i32
        %dma_wait3A_182 = tpu.memref_slice %arg10[%dma_wait3A_180, %dma_wait3A_181] : memref<10240x128xf32, #tpu.memory_space<vmem_shared>> -> memref<10240x128xf32, #tpu.memory_space<vmem_shared>>
        tpu.wait_indirect_dma semaphore(%run_scoped3A_162 : memref<!tpu.dma_semaphore, #tpu.memory_space<semaphore_mem>>) src(%dma_wait3A_176 : memref<64x128xf32, #tpu.memory_space<vmem>>) dst(%dma_wait3A_182 : memref<10240x128xf32, #tpu.memory_space<vmem_shared>>)
        tpu.yield
      }) : () -> ()
      %dma_wait3A_145 = arith.constant 39 : i32
      %dma_wait3A_146 = arith.constant 3 : i32
      %dma_wait3A_147 = arith.constant 3 : i32
      %dma_wait3A_148 = arith.constant 0 : i32
      %dma_wait3A_149 = arith.constant 0 : i32
      %dma_wait3A_150 = tpu.memref_slice %arg8[%dma_wait3A_146, %dma_wait3A_148, %dma_wait3A_149] : memref<4x64x128xf32, #tpu.memory_space<vmem>> -> memref<1x64x128xf32, #tpu.memory_space<vmem>>
      %dma_wait3A_151 = tpu.memref_squeeze %dma_wait3A_150 : memref<1x64x128xf32, #tpu.memory_space<vmem>> -> memref<64x128xf32, #tpu.memory_space<vmem>>
      %dma_wait3A_152 = arith.constant 0 : i32
      %dma_wait3A_153 = tpu.memref_slice %arg6[%dma_wait3A_145, %dma_wait3A_152] : memref<40x64xi32, #tpu.memory_space<vmem>> -> memref<1x64xi32, #tpu.memory_space<vmem>>
      %dma_wait3A_154 = tpu.memref_squeeze %dma_wait3A_153 : memref<1x64xi32, #tpu.memory_space<vmem>> -> memref<64xi32, #tpu.memory_space<vmem>>
      %dma_wait3A_155 = arith.constant 0 : i32
      %dma_wait3A_156 = arith.constant 0 : i32
      %dma_wait3A_157 = tpu.memref_slice %arg2[%dma_wait3A_155, %dma_wait3A_156] : memref<10000x128xf32, #tpu.memory_space<hbm>> -> memref<10000x128xf32, #tpu.memory_space<hbm>>
      %dma_wait3A_158 = tpu.memref_slice %arg9[%dma_wait3A_147] : memref<4x!tpu.dma_semaphore, #tpu.memory_space<semaphore_mem>> -> memref<1x!tpu.dma_semaphore, #tpu.memory_space<semaphore_mem>>
      %dma_wait3A_159 = tpu.memref_squeeze %dma_wait3A_158 : memref<1x!tpu.dma_semaphore, #tpu.memory_space<semaphore_mem>> -> memref<!tpu.dma_semaphore, #tpu.memory_space<semaphore_mem>>
      tpu.wait_indirect_dma semaphore(%dma_wait3A_159 : memref<!tpu.dma_semaphore, #tpu.memory_space<semaphore_mem>>) src(%dma_wait3A_157 : memref<10000x128xf32, #tpu.memory_space<hbm>>) dst(%dma_wait3A_151 : memref<64x128xf32, #tpu.memory_space<vmem>>)
      %run_scoped3A_160 = arith.constant 3 : i32
      %run_scoped3A_161 = arith.constant 39 : i32
      "tpu.region"() ({
        %run_scoped3A_162 = tpu.sem_alloc : memref<!tpu.dma_semaphore, #tpu.memory_space<semaphore_mem>>
        %dma_start3A_163 = arith.constant 0 : i32
        %dma_start3A_164 = arith.constant 0 : i32
        %dma_start3A_165 = tpu.memref_slice %arg8[%run_scoped3A_160, %dma_start3A_163, %dma_start3A_164] : memref<4x64x128xf32, #tpu.memory_space<vmem>> -> memref<1x64x128xf32, #tpu.memory_space<vmem>>
        %dma_start3A_166 = tpu.memref_squeeze %dma_start3A_165 : memref<1x64x128xf32, #tpu.memory_space<vmem>> -> memref<64x128xf32, #tpu.memory_space<vmem>>
        %dma_start3A_167 = arith.constant 0 : i32
        %dma_start3A_168 = tpu.memref_slice %arg7[%run_scoped3A_161, %dma_start3A_167] : memref<40x64xi32, #tpu.memory_space<vmem>> -> memref<1x64xi32, #tpu.memory_space<vmem>>
        %dma_start3A_169 = tpu.memref_squeeze %dma_start3A_168 : memref<1x64xi32, #tpu.memory_space<vmem>> -> memref<64xi32, #tpu.memory_space<vmem>>
        %dma_start3A_170 = arith.constant 0 : i32
        %dma_start3A_171 = arith.constant 0 : i32
        %dma_start3A_172 = tpu.memref_slice %arg10[%dma_start3A_170, %dma_start3A_171] : memref<10240x128xf32, #tpu.memory_space<vmem_shared>> -> memref<10240x128xf32, #tpu.memory_space<vmem_shared>>
        tpu.enqueue_indirect_dma source(%dma_start3A_166 : memref<64x128xf32, #tpu.memory_space<vmem>>) target(%dma_start3A_172 : memref<10240x128xf32, #tpu.memory_space<vmem_shared>>) offsets(%dma_start3A_169 : memref<64xi32, #tpu.memory_space<vmem>>) semaphore(%run_scoped3A_162 : memref<!tpu.dma_semaphore, #tpu.memory_space<semaphore_mem>>) {add = true}
        %dma_wait3A_173 = arith.constant 0 : i32
        %dma_wait3A_174 = arith.constant 0 : i32
        %dma_wait3A_175 = tpu.memref_slice %arg8[%run_scoped3A_160, %dma_wait3A_173, %dma_wait3A_174] : memref<4x64x128xf32, #tpu.memory_space<vmem>> -> memref<1x64x128xf32, #tpu.memory_space<vmem>>
        %dma_wait3A_176 = tpu.memref_squeeze %dma_wait3A_175 : memref<1x64x128xf32, #tpu.memory_space<vmem>> -> memref<64x128xf32, #tpu.memory_space<vmem>>
        %dma_wait3A_177 = arith.constant 0 : i32
        %dma_wait3A_178 = tpu.memref_slice %arg7[%run_scoped3A_161, %dma_wait3A_177] : memref<40x64xi32, #tpu.memory_space<vmem>> -> memref<1x64xi32, #tpu.memory_space<vmem>>
        %dma_wait3A_179 = tpu.memref_squeeze %dma_wait3A_178 : memref<1x64xi32, #tpu.memory_space<vmem>> -> memref<64xi32, #tpu.memory_space<vmem>>
        %dma_wait3A_180 = arith.constant 0 : i32
        %dma_wait3A_181 = arith.constant 0 : i32
        %dma_wait3A_182 = tpu.memref_slice %arg10[%dma_wait3A_180, %dma_wait3A_181] : memref<10240x128xf32, #tpu.memory_space<vmem_shared>> -> memref<10240x128xf32, #tpu.memory_space<vmem_shared>>
        tpu.wait_indirect_dma semaphore(%run_scoped3A_162 : memref<!tpu.dma_semaphore, #tpu.memory_space<semaphore_mem>>) src(%dma_wait3A_176 : memref<64x128xf32, #tpu.memory_space<vmem>>) dst(%dma_wait3A_182 : memref<10240x128xf32, #tpu.memory_space<vmem_shared>>)
        tpu.yield
      }) : () -> ()
    }
    %scan3A_16 = arith.constant 4 : i32
    %barrier3A_17 = arith.constant 0 : index
    tpu.barrier barrier_id(%barrier3A_17)
    %mul3A_18 = arith.constant 640 : i32
    %mul3A_19 = arith.muli %arg1, %mul3A_18 : i32
    %mul3A_20 = arith.constant 640 : i32
    %mul3A_21 = arith.muli %arg1, %mul3A_20 : i32
    "tpu.region"() ({
      %run_scoped3A = tpu.sem_alloc : memref<!tpu.dma_semaphore, #tpu.memory_space<semaphore_mem>>
      %dma_start3A = arith.constant 0 : i32
      %dma_start3A_22 = tpu.memref_slice %arg5[%arg0, %mul3A_21, %dma_start3A] : memref<2x10240x128xf32, #tpu.memory_space<hbm>> -> memref<1x640x128xf32, #tpu.memory_space<hbm>>
      %dma_start3A_23 = tpu.memref_squeeze %dma_start3A_22 : memref<1x640x128xf32, #tpu.memory_space<hbm>> -> memref<640x128xf32, #tpu.memory_space<hbm>>
      %dma_start3A_24 = arith.constant 0 : i32
      %dma_start3A_25 = tpu.memref_slice %arg10[%mul3A_19, %dma_start3A_24] : memref<10240x128xf32, #tpu.memory_space<vmem_shared>> -> memref<640x128xf32, #tpu.memory_space<vmem_shared>>
      tpu.enqueue_dma source(%dma_start3A_25 : memref<640x128xf32, #tpu.memory_space<vmem_shared>>) target(%dma_start3A_23 : memref<640x128xf32, #tpu.memory_space<hbm>>) target_semaphore(%run_scoped3A : memref<!tpu.dma_semaphore, #tpu.memory_space<semaphore_mem>>)
      %dma_wait3A = arith.constant 0 : i32
      %dma_wait3A_26 = tpu.memref_slice %arg5[%arg0, %mul3A_21, %dma_wait3A] : memref<2x10240x128xf32, #tpu.memory_space<hbm>> -> memref<1x640x128xf32, #tpu.memory_space<hbm>>
      %dma_wait3A_27 = tpu.memref_squeeze %dma_wait3A_26 : memref<1x640x128xf32, #tpu.memory_space<hbm>> -> memref<640x128xf32, #tpu.memory_space<hbm>>
      %dma_wait3A_28 = arith.constant 0 : i32
      %dma_wait3A_29 = tpu.memref_slice %arg10[%mul3A_19, %dma_wait3A_28] : memref<10240x128xf32, #tpu.memory_space<vmem_shared>> -> memref<640x128xf32, #tpu.memory_space<vmem_shared>>
      tpu.wait_dma2 semaphore(%run_scoped3A : memref<!tpu.dma_semaphore, #tpu.memory_space<semaphore_mem>>) src(%dma_wait3A_29 : memref<640x128xf32, #tpu.memory_space<vmem_shared>>) dst(%dma_wait3A_27 : memref<640x128xf32, #tpu.memory_space<hbm>>)
      tpu.yield
    }) : () -> ()
    return
  }
}

#map = affine_map<(d0, d1) -> (0, 0)>
#map1 = affine_map<(d0, d1) -> (0, 0, 0)>
module attributes {stable_mosaic.version = 14 : i64} {
  func.func @_sc_agg_body(%arg0: i32, %arg1: i32, %arg2: memref<10000x128xf32, #tpu.memory_space<hbm>>, %arg3: memref<5120x64xi32, #tpu.memory_space<hbm>>, %arg4: memref<5120x64xi32, #tpu.memory_space<hbm>>, %arg5: memref<2x10240x128xf32, #tpu.memory_space<hbm>>, %arg6: memref<40x64xi32, #tpu.memory_space<vmem>>, %arg7: memref<40x64xi32, #tpu.memory_space<vmem>>, %arg8: memref<4x64x128xf32, #tpu.memory_space<vmem>>, %arg9: memref<4x!tpu.dma_semaphore, #tpu.memory_space<semaphore_mem>>, %arg10: memref<10240x128xf32, #tpu.memory_space<vmem_shared>>) attributes {dimension_semantics = [#tpu.dimension_semantics<core_parallel>, #tpu.dimension_semantics<subcore_parallel>], iteration_bounds = array<i64: 2, 16>, scalar_prefetch = 0 : i64, scratch_operands = 5 : i64, tpu.core_type = #tpu.core_type<sc_vector_subcore>, window_params = [{transform_indices = #map}, {transform_indices = #map}, {transform_indices = #map}, {transform_indices = #map1}]} {
    %mul3A = arith.constant 2 : i32
    %mul3A_0 = arith.muli %arg1, %mul3A : i32
    %add3A = arith.addi %mul3A_0, %arg0 : i32
    %scan3A = arith.constant 0 : i32
    %scan3A_1 = arith.constant 0 : i32
    %scan3A_2 = arith.constant 64 : i32
    %scan3A_3 = arith.addi %scan3A_1, %scan3A_2 : i32
    %scan3A_4 = arith.constant 1 : i32
    scf.for %scan3A_22 = %scan3A_1 to %scan3A_3 step %scan3A_4  : i32 {
      %mul3A_23 = arith.constant 1 : i32
      %mul3A_24 = arith.muli %scan3A_22, %mul3A_23 : i32
      %add3A_25 = arith.constant 0 : i32
      %add3A_26 = arith.addi %add3A_25, %mul3A_24 : i32
      %scan3A_27 = arith.constant 0 : i32
      %scan3A_28 = arith.constant 8 : i32
      %scan3A_29 = arith.addi %scan3A_27, %scan3A_28 : i32
      %scan3A_30 = arith.constant 1 : i32
      scf.for %scan3A_32 = %scan3A_27 to %scan3A_29 step %scan3A_30  : i32 {
        %mul3A_33 = arith.constant 16 : i32
        %mul3A_34 = arith.muli %scan3A_32, %mul3A_33 : i32
        %add3A_35 = arith.constant 0 : i32
        %add3A_36 = arith.addi %add3A_35, %mul3A_34 : i32
        %broadcast_in_dim3A = arith.constant 0.000000e+00 : f32
        %broadcast_in_dim3A_37 = vector.broadcast %broadcast_in_dim3A : f32 to vector<16xf32>
        %swap3A = arith.constant 0 : i32
        %swap3A_38 = arith.constant 0 : i32
        %swap3A_39 = tpu.memref_slice %arg8[%scan3A, %swap3A, %swap3A_38] : memref<4x64x128xf32, #tpu.memory_space<vmem>> -> memref<1x64x128xf32, #tpu.memory_space<vmem>>
        %swap3A_40 = tpu.memref_squeeze %swap3A_39 : memref<1x64x128xf32, #tpu.memory_space<vmem>> -> memref<64x128xf32, #tpu.memory_space<vmem>>
        %swap3A_41 = arith.index_cast %add3A_26 : i32 to index
        %swap3A_42 = arith.index_cast %add3A_36 : i32 to index
        %swap3A_43 = tpu.vector_load %swap3A_40[%swap3A_41, %swap3A_42] {strides = array<i32>} : memref<64x128xf32, #tpu.memory_space<vmem>>, vector<1x16xf32>,
        %swap3A_44 = vector.shape_cast %swap3A_43 : vector<1x16xf32> to vector<16xf32>
        %swap3A_45 = vector.shape_cast %broadcast_in_dim3A_37 : vector<16xf32> to vector<1x16xf32>
        tpu.vector_store %swap3A_40[%swap3A_41, %swap3A_42], %swap3A_45 {strides = array<i32>} : memref<64x128xf32, #tpu.memory_space<vmem>>, vector<1x16xf32>,
      }
      %scan3A_31 = arith.constant 8 : i32
    }
    %scan3A_5 = arith.constant 64 : i32
    %scan3A_6 = arith.constant 0 : i32
    %scan3A_7 = arith.constant 0 : i32
    %scan3A_8 = arith.constant 10 : i32
    %scan3A_9 = arith.addi %scan3A_7, %scan3A_8 : i32
    %scan3A_10 = arith.constant 1 : i32
    scf.for %scan3A_22 = %scan3A_7 to %scan3A_9 step %scan3A_10  : i32 {
      %mul3A_23 = arith.constant 1 : i32
      %mul3A_24 = arith.muli %scan3A_22, %mul3A_23 : i32
      %add3A_25 = arith.constant 0 : i32
      %add3A_26 = arith.addi %add3A_25, %mul3A_24 : i32
      %mul3A_27 = arith.constant 640 : i32
      %mul3A_28 = arith.muli %arg1, %mul3A_27 : i32
      %mul3A_29 = arith.constant 64 : i32
      %mul3A_30 = arith.muli %add3A_26, %mul3A_29 : i32
      %add3A_31 = arith.addi %mul3A_28, %mul3A_30 : i32
      "tpu.region"() ({
        %run_scoped3A = tpu.sem_alloc : memref<!tpu.dma_semaphore, #tpu.memory_space<semaphore_mem>>
        %dma_start3A = arith.constant 0 : i32
        %dma_start3A_32 = arith.constant 0 : i32
        %dma_start3A_33 = tpu.memref_slice %arg8[%scan3A_6, %dma_start3A, %dma_start3A_32] : memref<4x64x128xf32, #tpu.memory_space<vmem>> -> memref<1x64x128xf32, #tpu.memory_space<vmem>>
        %dma_start3A_34 = tpu.memref_squeeze %dma_start3A_33 : memref<1x64x128xf32, #tpu.memory_space<vmem>> -> memref<64x128xf32, #tpu.memory_space<vmem>>
        %dma_start3A_35 = arith.constant 0 : i32
        %dma_start3A_36 = tpu.memref_slice %arg10[%add3A_31, %dma_start3A_35] : memref<10240x128xf32, #tpu.memory_space<vmem_shared>> -> memref<64x128xf32, #tpu.memory_space<vmem_shared>>
        %dma_start3A_37 = arith.constant 0 : i32
        %dma_start3A_38 = tpu.memref_slice %arg10[%add3A_31, %dma_start3A_37] : memref<10240x128xf32, #tpu.memory_space<vmem_shared>> -> memref<64x128xf32, #tpu.memory_space<vmem_shared>>
        %dma_start3A_39 = arith.constant 0 : i32
        %dma_start3A_40 = arith.constant 0 : i32
        %dma_start3A_41 = tpu.memref_slice %arg8[%scan3A_6, %dma_start3A_39, %dma_start3A_40] : memref<4x64x128xf32, #tpu.memory_space<vmem>> -> memref<1x64x128xf32, #tpu.memory_space<vmem>>
        %dma_start3A_42 = tpu.memref_squeeze %dma_start3A_41 : memref<1x64x128xf32, #tpu.memory_space<vmem>> -> memref<64x128xf32, #tpu.memory_space<vmem>>
        tpu.enqueue_dma source(%dma_start3A_42 : memref<64x128xf32, #tpu.memory_space<vmem>>) target(%dma_start3A_38 : memref<64x128xf32, #tpu.memory_space<vmem_shared>>) target_semaphore(%run_scoped3A : memref<!tpu.dma_semaphore, #tpu.memory_space<semaphore_mem>>)
        %dma_wait3A = arith.constant 0 : i32
        %dma_wait3A_43 = arith.constant 0 : i32
        %dma_wait3A_44 = tpu.memref_slice %arg8[%scan3A_6, %dma_wait3A, %dma_wait3A_43] : memref<4x64x128xf32, #tpu.memory_space<vmem>> -> memref<1x64x128xf32, #tpu.memory_space<vmem>>
        %dma_wait3A_45 = tpu.memref_squeeze %dma_wait3A_44 : memref<1x64x128xf32, #tpu.memory_space<vmem>> -> memref<64x128xf32, #tpu.memory_space<vmem>>
        %dma_wait3A_46 = arith.constant 0 : i32
        %dma_wait3A_47 = tpu.memref_slice %arg10[%add3A_31, %dma_wait3A_46] : memref<10240x128xf32, #tpu.memory_space<vmem_shared>> -> memref<64x128xf32, #tpu.memory_space<vmem_shared>>
        %dma_wait3A_48 = arith.constant 0 : i32
        %dma_wait3A_49 = tpu.memref_slice %arg10[%add3A_31, %dma_wait3A_48] : memref<10240x128xf32, #tpu.memory_space<vmem_shared>> -> memref<64x128xf32, #tpu.memory_space<vmem_shared>>
        %dma_wait3A_50 = arith.constant 0 : i32
        %dma_wait3A_51 = arith.constant 0 : i32
        %dma_wait3A_52 = tpu.memref_slice %arg8[%scan3A_6, %dma_wait3A_50, %dma_wait3A_51] : memref<4x64x128xf32, #tpu.memory_space<vmem>> -> memref<1x64x128xf32, #tpu.memory_space<vmem>>
        %dma_wait3A_53 = tpu.memref_squeeze %dma_wait3A_52 : memref<1x64x128xf32, #tpu.memory_space<vmem>> -> memref<64x128xf32, #tpu.memory_space<vmem>>
        tpu.wait_dma2 semaphore(%run_scoped3A : memref<!tpu.dma_semaphore, #tpu.memory_space<semaphore_mem>>) src(%dma_wait3A_53 : memref<64x128xf32, #tpu.memory_space<vmem>>) dst(%dma_wait3A_49 : memref<64x128xf32, #tpu.memory_space<vmem_shared>>)
        tpu.yield
      }) : () -> ()
    }
    %scan3A_11 = arith.constant 10 : i32
    %barrier3A = arith.constant 0 : index
    tpu.barrier barrier_id(%barrier3A)
    %scan3A_12 = arith.constant 0 : i32
    %scan3A_13 = arith.constant 4 : i32
    %scan3A_14 = arith.addi %scan3A_12, %scan3A_13 : i32
    %scan3A_15 = arith.constant 1 : i32
    scf.for %scan3A_22 = %scan3A_12 to %scan3A_14 step %scan3A_15  : i32 {
      %mul3A_23 = arith.constant 1 : i32
      %mul3A_24 = arith.muli %scan3A_22, %mul3A_23 : i32
      %add3A_25 = arith.constant 0 : i32
      %add3A_26 = arith.addi %add3A_25, %mul3A_24 : i32
      %mul3A_27 = arith.constant 160 : i32
      %mul3A_28 = arith.muli %add3A, %mul3A_27 : i32
      %mul3A_29 = arith.constant 40 : i32
      %mul3A_30 = arith.muli %add3A_26, %mul3A_29 : i32
      %add3A_31 = arith.addi %mul3A_28, %mul3A_30 : i32
      "tpu.region"() ({
        %run_scoped3A_162 = tpu.sem_alloc : memref<!tpu.dma_semaphore, #tpu.memory_space<semaphore_mem>>
        %dma_start3A_163 = arith.constant 0 : i32
        %dma_start3A_164 = tpu.memref_slice %arg3[%add3A_31, %dma_start3A_163] : memref<5120x64xi32, #tpu.memory_space<hbm>> -> memref<40x64xi32, #tpu.memory_space<hbm>>
        %dma_start3A_165 = arith.constant 0 : i32
        %dma_start3A_166 = tpu.memref_slice %arg3[%add3A_31, %dma_start3A_165] : memref<5120x64xi32, #tpu.memory_space<hbm>> -> memref<40x64xi32, #tpu.memory_space<hbm>>
        tpu.enqueue_dma source(%dma_start3A_166 : memref<40x64xi32, #tpu.memory_space<hbm>>) target(%arg6 : memref<40x64xi32, #tpu.memory_space<vmem>>) target_semaphore(%run_scoped3A_162 : memref<!tpu.dma_semaphore, #tpu.memory_space<semaphore_mem>>)
        %dma_wait3A_167 = arith.constant 0 : i32
        %dma_wait3A_168 = tpu.memref_slice %arg3[%add3A_31, %dma_wait3A_167] : memref<5120x64xi32, #tpu.memory_space<hbm>> -> memref<40x64xi32, #tpu.memory_space<hbm>>
        %dma_wait3A_169 = arith.constant 0 : i32
        %dma_wait3A_170 = tpu.memref_slice %arg3[%add3A_31, %dma_wait3A_169] : memref<5120x64xi32, #tpu.memory_space<hbm>> -> memref<40x64xi32, #tpu.memory_space<hbm>>
        tpu.wait_dma2 semaphore(%run_scoped3A_162 : memref<!tpu.dma_semaphore, #tpu.memory_space<semaphore_mem>>) src(%dma_wait3A_170 : memref<40x64xi32, #tpu.memory_space<hbm>>) dst(%arg6 : memref<40x64xi32, #tpu.memory_space<vmem>>)
        tpu.yield
      }) : () -> ()
      "tpu.region"() ({
        %run_scoped3A_162 = tpu.sem_alloc : memref<!tpu.dma_semaphore, #tpu.memory_space<semaphore_mem>>
        %dma_start3A_163 = arith.constant 0 : i32
        %dma_start3A_164 = tpu.memref_slice %arg4[%add3A_31, %dma_start3A_163] : memref<5120x64xi32, #tpu.memory_space<hbm>> -> memref<40x64xi32, #tpu.memory_space<hbm>>
        %dma_start3A_165 = arith.constant 0 : i32
        %dma_start3A_166 = tpu.memref_slice %arg4[%add3A_31, %dma_start3A_165] : memref<5120x64xi32, #tpu.memory_space<hbm>> -> memref<40x64xi32, #tpu.memory_space<hbm>>
        tpu.enqueue_dma source(%dma_start3A_166 : memref<40x64xi32, #tpu.memory_space<hbm>>) target(%arg7 : memref<40x64xi32, #tpu.memory_space<vmem>>) target_semaphore(%run_scoped3A_162 : memref<!tpu.dma_semaphore, #tpu.memory_space<semaphore_mem>>)
        %dma_wait3A_167 = arith.constant 0 : i32
        %dma_wait3A_168 = tpu.memref_slice %arg4[%add3A_31, %dma_wait3A_167] : memref<5120x64xi32, #tpu.memory_space<hbm>> -> memref<40x64xi32, #tpu.memory_space<hbm>>
        %dma_wait3A_169 = arith.constant 0 : i32
        %dma_wait3A_170 = tpu.memref_slice %arg4[%add3A_31, %dma_wait3A_169] : memref<5120x64xi32, #tpu.memory_space<hbm>> -> memref<40x64xi32, #tpu.memory_space<hbm>>
        tpu.wait_dma2 semaphore(%run_scoped3A_162 : memref<!tpu.dma_semaphore, #tpu.memory_space<semaphore_mem>>) src(%dma_wait3A_170 : memref<40x64xi32, #tpu.memory_space<hbm>>) dst(%arg7 : memref<40x64xi32, #tpu.memory_space<vmem>>)
        tpu.yield
      }) : () -> ()
      %dma_start3A = arith.constant 0 : i32
      %dma_start3A_32 = arith.constant 0 : i32
      %dma_start3A_33 = arith.constant 0 : i32
      %dma_start3A_34 = arith.constant 0 : i32
      %dma_start3A_35 = arith.constant 0 : i32
      %dma_start3A_36 = tpu.memref_slice %arg8[%dma_start3A_32, %dma_start3A_34, %dma_start3A_35] : memref<4x64x128xf32, #tpu.memory_space<vmem>> -> memref<1x64x128xf32, #tpu.memory_space<vmem>>
      %dma_start3A_37 = tpu.memref_squeeze %dma_start3A_36 : memref<1x64x128xf32, #tpu.memory_space<vmem>> -> memref<64x128xf32, #tpu.memory_space<vmem>>
      %dma_start3A_38 = arith.constant 0 : i32
      %dma_start3A_39 = tpu.memref_slice %arg6[%dma_start3A, %dma_start3A_38] : memref<40x64xi32, #tpu.memory_space<vmem>> -> memref<1x64xi32, #tpu.memory_space<vmem>>
      %dma_start3A_40 = tpu.memref_squeeze %dma_start3A_39 : memref<1x64xi32, #tpu.memory_space<vmem>> -> memref<64xi32, #tpu.memory_space<vmem>>
      %dma_start3A_41 = arith.constant 0 : i32
      %dma_start3A_42 = arith.constant 0 : i32
      %dma_start3A_43 = tpu.memref_slice %arg2[%dma_start3A_41, %dma_start3A_42] : memref<10000x128xf32, #tpu.memory_space<hbm>> -> memref<10000x128xf32, #tpu.memory_space<hbm>>
      %dma_start3A_44 = tpu.memref_slice %arg9[%dma_start3A_33] : memref<4x!tpu.dma_semaphore, #tpu.memory_space<semaphore_mem>> -> memref<1x!tpu.dma_semaphore, #tpu.memory_space<semaphore_mem>>
      %dma_start3A_45 = tpu.memref_squeeze %dma_start3A_44 : memref<1x!tpu.dma_semaphore, #tpu.memory_space<semaphore_mem>> -> memref<!tpu.dma_semaphore, #tpu.memory_space<semaphore_mem>>
      tpu.enqueue_indirect_dma source(%dma_start3A_43 : memref<10000x128xf32, #tpu.memory_space<hbm>>) target(%dma_start3A_37 : memref<64x128xf32, #tpu.memory_space<vmem>>) offsets(%dma_start3A_40 : memref<64xi32, #tpu.memory_space<vmem>>) semaphore(%dma_start3A_45 : memref<!tpu.dma_semaphore, #tpu.memory_space<semaphore_mem>>)
      %dma_start3A_46 = arith.constant 1 : i32
      %dma_start3A_47 = arith.constant 1 : i32
      %dma_start3A_48 = arith.constant 1 : i32
      %dma_start3A_49 = arith.constant 0 : i32
      %dma_start3A_50 = arith.constant 0 : i32
      %dma_start3A_51 = tpu.memref_slice %arg8[%dma_start3A_47, %dma_start3A_49, %dma_start3A_50] : memref<4x64x128xf32, #tpu.memory_space<vmem>> -> memref<1x64x128xf32, #tpu.memory_space<vmem>>
      %dma_start3A_52 = tpu.memref_squeeze %dma_start3A_51 : memref<1x64x128xf32, #tpu.memory_space<vmem>> -> memref<64x128xf32, #tpu.memory_space<vmem>>
      %dma_start3A_53 = arith.constant 0 : i32
      %dma_start3A_54 = tpu.memref_slice %arg6[%dma_start3A_46, %dma_start3A_53] : memref<40x64xi32, #tpu.memory_space<vmem>> -> memref<1x64xi32, #tpu.memory_space<vmem>>
      %dma_start3A_55 = tpu.memref_squeeze %dma_start3A_54 : memref<1x64xi32, #tpu.memory_space<vmem>> -> memref<64xi32, #tpu.memory_space<vmem>>
      %dma_start3A_56 = arith.constant 0 : i32
      %dma_start3A_57 = arith.constant 0 : i32
      %dma_start3A_58 = tpu.memref_slice %arg2[%dma_start3A_56, %dma_start3A_57] : memref<10000x128xf32, #tpu.memory_space<hbm>> -> memref<10000x128xf32, #tpu.memory_space<hbm>>
      %dma_start3A_59 = tpu.memref_slice %arg9[%dma_start3A_48] : memref<4x!tpu.dma_semaphore, #tpu.memory_space<semaphore_mem>> -> memref<1x!tpu.dma_semaphore, #tpu.memory_space<semaphore_mem>>
      %dma_start3A_60 = tpu.memref_squeeze %dma_start3A_59 : memref<1x!tpu.dma_semaphore, #tpu.memory_space<semaphore_mem>> -> memref<!tpu.dma_semaphore, #tpu.memory_space<semaphore_mem>>
      tpu.enqueue_indirect_dma source(%dma_start3A_58 : memref<10000x128xf32, #tpu.memory_space<hbm>>) target(%dma_start3A_52 : memref<64x128xf32, #tpu.memory_space<vmem>>) offsets(%dma_start3A_55 : memref<64xi32, #tpu.memory_space<vmem>>) semaphore(%dma_start3A_60 : memref<!tpu.dma_semaphore, #tpu.memory_space<semaphore_mem>>)
      %dma_start3A_61 = arith.constant 2 : i32
      %dma_start3A_62 = arith.constant 2 : i32
      %dma_start3A_63 = arith.constant 2 : i32
      %dma_start3A_64 = arith.constant 0 : i32
      %dma_start3A_65 = arith.constant 0 : i32
      %dma_start3A_66 = tpu.memref_slice %arg8[%dma_start3A_62, %dma_start3A_64, %dma_start3A_65] : memref<4x64x128xf32, #tpu.memory_space<vmem>> -> memref<1x64x128xf32, #tpu.memory_space<vmem>>
      %dma_start3A_67 = tpu.memref_squeeze %dma_start3A_66 : memref<1x64x128xf32, #tpu.memory_space<vmem>> -> memref<64x128xf32, #tpu.memory_space<vmem>>
      %dma_start3A_68 = arith.constant 0 : i32
      %dma_start3A_69 = tpu.memref_slice %arg6[%dma_start3A_61, %dma_start3A_68] : memref<40x64xi32, #tpu.memory_space<vmem>> -> memref<1x64xi32, #tpu.memory_space<vmem>>
      %dma_start3A_70 = tpu.memref_squeeze %dma_start3A_69 : memref<1x64xi32, #tpu.memory_space<vmem>> -> memref<64xi32, #tpu.memory_space<vmem>>
      %dma_start3A_71 = arith.constant 0 : i32
      %dma_start3A_72 = arith.constant 0 : i32
      %dma_start3A_73 = tpu.memref_slice %arg2[%dma_start3A_71, %dma_start3A_72] : memref<10000x128xf32, #tpu.memory_space<hbm>> -> memref<10000x128xf32, #tpu.memory_space<hbm>>
      %dma_start3A_74 = tpu.memref_slice %arg9[%dma_start3A_63] : memref<4x!tpu.dma_semaphore, #tpu.memory_space<semaphore_mem>> -> memref<1x!tpu.dma_semaphore, #tpu.memory_space<semaphore_mem>>
      %dma_start3A_75 = tpu.memref_squeeze %dma_start3A_74 : memref<1x!tpu.dma_semaphore, #tpu.memory_space<semaphore_mem>> -> memref<!tpu.dma_semaphore, #tpu.memory_space<semaphore_mem>>
      tpu.enqueue_indirect_dma source(%dma_start3A_73 : memref<10000x128xf32, #tpu.memory_space<hbm>>) target(%dma_start3A_67 : memref<64x128xf32, #tpu.memory_space<vmem>>) offsets(%dma_start3A_70 : memref<64xi32, #tpu.memory_space<vmem>>) semaphore(%dma_start3A_75 : memref<!tpu.dma_semaphore, #tpu.memory_space<semaphore_mem>>)
      %dma_start3A_76 = arith.constant 3 : i32
      %dma_start3A_77 = arith.constant 3 : i32
      %dma_start3A_78 = arith.constant 3 : i32
      %dma_start3A_79 = arith.constant 0 : i32
      %dma_start3A_80 = arith.constant 0 : i32
      %dma_start3A_81 = tpu.memref_slice %arg8[%dma_start3A_77, %dma_start3A_79, %dma_start3A_80] : memref<4x64x128xf32, #tpu.memory_space<vmem>> -> memref<1x64x128xf32, #tpu.memory_space<vmem>>
      %dma_start3A_82 = tpu.memref_squeeze %dma_start3A_81 : memref<1x64x128xf32, #tpu.memory_space<vmem>> -> memref<64x128xf32, #tpu.memory_space<vmem>>
      %dma_start3A_83 = arith.constant 0 : i32
      %dma_start3A_84 = tpu.memref_slice %arg6[%dma_start3A_76, %dma_start3A_83] : memref<40x64xi32, #tpu.memory_space<vmem>> -> memref<1x64xi32, #tpu.memory_space<vmem>>
      %dma_start3A_85 = tpu.memref_squeeze %dma_start3A_84 : memref<1x64xi32, #tpu.memory_space<vmem>> -> memref<64xi32, #tpu.memory_space<vmem>>
      %dma_start3A_86 = arith.constant 0 : i32
      %dma_start3A_87 = arith.constant 0 : i32
      %dma_start3A_88 = tpu.memref_slice %arg2[%dma_start3A_86, %dma_start3A_87] : memref<10000x128xf32, #tpu.memory_space<hbm>> -> memref<10000x128xf32, #tpu.memory_space<hbm>>
      %dma_start3A_89 = tpu.memref_slice %arg9[%dma_start3A_78] : memref<4x!tpu.dma_semaphore, #tpu.memory_space<semaphore_mem>> -> memref<1x!tpu.dma_semaphore, #tpu.memory_space<semaphore_mem>>
      %dma_start3A_90 = tpu.memref_squeeze %dma_start3A_89 : memref<1x!tpu.dma_semaphore, #tpu.memory_space<semaphore_mem>> -> memref<!tpu.dma_semaphore, #tpu.memory_space<semaphore_mem>>
      tpu.enqueue_indirect_dma source(%dma_start3A_88 : memref<10000x128xf32, #tpu.memory_space<hbm>>) target(%dma_start3A_82 : memref<64x128xf32, #tpu.memory_space<vmem>>) offsets(%dma_start3A_85 : memref<64xi32, #tpu.memory_space<vmem>>) semaphore(%dma_start3A_90 : memref<!tpu.dma_semaphore, #tpu.memory_space<semaphore_mem>>)
      %scan3A_91 = arith.constant 0 : i32
      %scan3A_92 = arith.constant 9 : i32
      %scan3A_93 = arith.addi %scan3A_91, %scan3A_92 : i32
      %scan3A_94 = arith.constant 1 : i32
      scf.for %scan3A_162 = %scan3A_91 to %scan3A_93 step %scan3A_94  : i32 {
        %mul3A_163 = arith.constant 4 : i32
        %mul3A_164 = arith.muli %scan3A_162, %mul3A_163 : i32
        %add3A_165 = arith.constant 0 : i32
        %add3A_166 = arith.addi %add3A_165, %mul3A_164 : i32
        %add3A_167 = arith.constant 0 : i32
        %add3A_168 = arith.addi %add3A_166, %add3A_167 : i32
        %dma_wait3A_169 = arith.constant 0 : i32
        %dma_wait3A_170 = arith.constant 0 : i32
        %dma_wait3A_171 = arith.constant 0 : i32
        %dma_wait3A_172 = arith.constant 0 : i32
        %dma_wait3A_173 = tpu.memref_slice %arg8[%dma_wait3A_169, %dma_wait3A_171, %dma_wait3A_172] : memref<4x64x128xf32, #tpu.memory_space<vmem>> -> memref<1x64x128xf32, #tpu.memory_space<vmem>>
        %dma_wait3A_174 = tpu.memref_squeeze %dma_wait3A_173 : memref<1x64x128xf32, #tpu.memory_space<vmem>> -> memref<64x128xf32, #tpu.memory_space<vmem>>
        %dma_wait3A_175 = arith.constant 0 : i32
        %dma_wait3A_176 = tpu.memref_slice %arg6[%add3A_168, %dma_wait3A_175] : memref<40x64xi32, #tpu.memory_space<vmem>> -> memref<1x64xi32, #tpu.memory_space<vmem>>
        %dma_wait3A_177 = tpu.memref_squeeze %dma_wait3A_176 : memref<1x64xi32, #tpu.memory_space<vmem>> -> memref<64xi32, #tpu.memory_space<vmem>>
        %dma_wait3A_178 = arith.constant 0 : i32
        %dma_wait3A_179 = arith.constant 0 : i32
        %dma_wait3A_180 = tpu.memref_slice %arg2[%dma_wait3A_178, %dma_wait3A_179] : memref<10000x128xf32, #tpu.memory_space<hbm>> -> memref<10000x128xf32, #tpu.memory_space<hbm>>
        %dma_wait3A_181 = tpu.memref_slice %arg9[%dma_wait3A_170] : memref<4x!tpu.dma_semaphore, #tpu.memory_space<semaphore_mem>> -> memref<1x!tpu.dma_semaphore, #tpu.memory_space<semaphore_mem>>
        %dma_wait3A_182 = tpu.memref_squeeze %dma_wait3A_181 : memref<1x!tpu.dma_semaphore, #tpu.memory_space<semaphore_mem>> -> memref<!tpu.dma_semaphore, #tpu.memory_space<semaphore_mem>>
        tpu.wait_indirect_dma semaphore(%dma_wait3A_182 : memref<!tpu.dma_semaphore, #tpu.memory_space<semaphore_mem>>) src(%dma_wait3A_180 : memref<10000x128xf32, #tpu.memory_space<hbm>>) dst(%dma_wait3A_174 : memref<64x128xf32, #tpu.memory_space<vmem>>)
        %run_scoped3A_183 = arith.constant 0 : i32
        "tpu.region"() ({
          %run_scoped3A_299 = tpu.sem_alloc : memref<!tpu.dma_semaphore, #tpu.memory_space<semaphore_mem>>
          %dma_start3A_300 = arith.constant 0 : i32
          %dma_start3A_301 = arith.constant 0 : i32
          %dma_start3A_302 = tpu.memref_slice %arg8[%run_scoped3A_183, %dma_start3A_300, %dma_start3A_301] : memref<4x64x128xf32, #tpu.memory_space<vmem>> -> memref<1x64x128xf32, #tpu.memory_space<vmem>>
          %dma_start3A_303 = tpu.memref_squeeze %dma_start3A_302 : memref<1x64x128xf32, #tpu.memory_space<vmem>> -> memref<64x128xf32, #tpu.memory_space<vmem>>
          %dma_start3A_304 = arith.constant 0 : i32
          %dma_start3A_305 = tpu.memref_slice %arg7[%add3A_168, %dma_start3A_304] : memref<40x64xi32, #tpu.memory_space<vmem>> -> memref<1x64xi32, #tpu.memory_space<vmem>>
          %dma_start3A_306 = tpu.memref_squeeze %dma_start3A_305 : memref<1x64xi32, #tpu.memory_space<vmem>> -> memref<64xi32, #tpu.memory_space<vmem>>
          %dma_start3A_307 = arith.constant 0 : i32
          %dma_start3A_308 = arith.constant 0 : i32
          %dma_start3A_309 = tpu.memref_slice %arg10[%dma_start3A_307, %dma_start3A_308] : memref<10240x128xf32, #tpu.memory_space<vmem_shared>> -> memref<10240x128xf32, #tpu.memory_space<vmem_shared>>
          tpu.enqueue_indirect_dma source(%dma_start3A_303 : memref<64x128xf32, #tpu.memory_space<vmem>>) target(%dma_start3A_309 : memref<10240x128xf32, #tpu.memory_space<vmem_shared>>) offsets(%dma_start3A_306 : memref<64xi32, #tpu.memory_space<vmem>>) semaphore(%run_scoped3A_299 : memref<!tpu.dma_semaphore, #tpu.memory_space<semaphore_mem>>) {add = true}
          %dma_wait3A_310 = arith.constant 0 : i32
          %dma_wait3A_311 = arith.constant 0 : i32
          %dma_wait3A_312 = tpu.memref_slice %arg8[%run_scoped3A_183, %dma_wait3A_310, %dma_wait3A_311] : memref<4x64x128xf32, #tpu.memory_space<vmem>> -> memref<1x64x128xf32, #tpu.memory_space<vmem>>
          %dma_wait3A_313 = tpu.memref_squeeze %dma_wait3A_312 : memref<1x64x128xf32, #tpu.memory_space<vmem>> -> memref<64x128xf32, #tpu.memory_space<vmem>>
          %dma_wait3A_314 = arith.constant 0 : i32
          %dma_wait3A_315 = tpu.memref_slice %arg7[%add3A_168, %dma_wait3A_314] : memref<40x64xi32, #tpu.memory_space<vmem>> -> memref<1x64xi32, #tpu.memory_space<vmem>>
          %dma_wait3A_316 = tpu.memref_squeeze %dma_wait3A_315 : memref<1x64xi32, #tpu.memory_space<vmem>> -> memref<64xi32, #tpu.memory_space<vmem>>
          %dma_wait3A_317 = arith.constant 0 : i32
          %dma_wait3A_318 = arith.constant 0 : i32
          %dma_wait3A_319 = tpu.memref_slice %arg10[%dma_wait3A_317, %dma_wait3A_318] : memref<10240x128xf32, #tpu.memory_space<vmem_shared>> -> memref<10240x128xf32, #tpu.memory_space<vmem_shared>>
          tpu.wait_indirect_dma semaphore(%run_scoped3A_299 : memref<!tpu.dma_semaphore, #tpu.memory_space<semaphore_mem>>) src(%dma_wait3A_313 : memref<64x128xf32, #tpu.memory_space<vmem>>) dst(%dma_wait3A_319 : memref<10240x128xf32, #tpu.memory_space<vmem_shared>>)
          tpu.yield
        }) : () -> ()
        %add3A_184 = arith.constant 4 : i32
        %add3A_185 = arith.addi %add3A_168, %add3A_184 : i32
        %dma_start3A_186 = arith.constant 0 : i32
        %dma_start3A_187 = arith.constant 0 : i32
        %dma_start3A_188 = arith.constant 0 : i32
        %dma_start3A_189 = arith.constant 0 : i32
        %dma_start3A_190 = tpu.memref_slice %arg8[%dma_start3A_186, %dma_start3A_188, %dma_start3A_189] : memref<4x64x128xf32, #tpu.memory_space<vmem>> -> memref<1x64x128xf32, #tpu.memory_space<vmem>>
        %dma_start3A_191 = tpu.memref_squeeze %dma_start3A_190 : memref<1x64x128xf32, #tpu.memory_space<vmem>> -> memref<64x128xf32, #tpu.memory_space<vmem>>
        %dma_start3A_192 = arith.constant 0 : i32
        %dma_start3A_193 = tpu.memref_slice %arg6[%add3A_185, %dma_start3A_192] : memref<40x64xi32, #tpu.memory_space<vmem>> -> memref<1x64xi32, #tpu.memory_space<vmem>>
        %dma_start3A_194 = tpu.memref_squeeze %dma_start3A_193 : memref<1x64xi32, #tpu.memory_space<vmem>> -> memref<64xi32, #tpu.memory_space<vmem>>
        %dma_start3A_195 = arith.constant 0 : i32
        %dma_start3A_196 = arith.constant 0 : i32
        %dma_start3A_197 = tpu.memref_slice %arg2[%dma_start3A_195, %dma_start3A_196] : memref<10000x128xf32, #tpu.memory_space<hbm>> -> memref<10000x128xf32, #tpu.memory_space<hbm>>
        %dma_start3A_198 = tpu.memref_slice %arg9[%dma_start3A_187] : memref<4x!tpu.dma_semaphore, #tpu.memory_space<semaphore_mem>> -> memref<1x!tpu.dma_semaphore, #tpu.memory_space<semaphore_mem>>
        %dma_start3A_199 = tpu.memref_squeeze %dma_start3A_198 : memref<1x!tpu.dma_semaphore, #tpu.memory_space<semaphore_mem>> -> memref<!tpu.dma_semaphore, #tpu.memory_space<semaphore_mem>>
        tpu.enqueue_indirect_dma source(%dma_start3A_197 : memref<10000x128xf32, #tpu.memory_space<hbm>>) target(%dma_start3A_191 : memref<64x128xf32, #tpu.memory_space<vmem>>) offsets(%dma_start3A_194 : memref<64xi32, #tpu.memory_space<vmem>>) semaphore(%dma_start3A_199 : memref<!tpu.dma_semaphore, #tpu.memory_space<semaphore_mem>>)
        %add3A_200 = arith.constant 1 : i32
        %add3A_201 = arith.addi %add3A_166, %add3A_200 : i32
        %dma_wait3A_202 = arith.constant 1 : i32
        %dma_wait3A_203 = arith.constant 1 : i32
        %dma_wait3A_204 = arith.constant 0 : i32
        %dma_wait3A_205 = arith.constant 0 : i32
        %dma_wait3A_206 = tpu.memref_slice %arg8[%dma_wait3A_202, %dma_wait3A_204, %dma_wait3A_205] : memref<4x64x128xf32, #tpu.memory_space<vmem>> -> memref<1x64x128xf32, #tpu.memory_space<vmem>>
        %dma_wait3A_207 = tpu.memref_squeeze %dma_wait3A_206 : memref<1x64x128xf32, #tpu.memory_space<vmem>> -> memref<64x128xf32, #tpu.memory_space<vmem>>
        %dma_wait3A_208 = arith.constant 0 : i32
        %dma_wait3A_209 = tpu.memref_slice %arg6[%add3A_201, %dma_wait3A_208] : memref<40x64xi32, #tpu.memory_space<vmem>> -> memref<1x64xi32, #tpu.memory_space<vmem>>
        %dma_wait3A_210 = tpu.memref_squeeze %dma_wait3A_209 : memref<1x64xi32, #tpu.memory_space<vmem>> -> memref<64xi32, #tpu.memory_space<vmem>>
        %dma_wait3A_211 = arith.constant 0 : i32
        %dma_wait3A_212 = arith.constant 0 : i32
        %dma_wait3A_213 = tpu.memref_slice %arg2[%dma_wait3A_211, %dma_wait3A_212] : memref<10000x128xf32, #tpu.memory_space<hbm>> -> memref<10000x128xf32, #tpu.memory_space<hbm>>
        %dma_wait3A_214 = tpu.memref_slice %arg9[%dma_wait3A_203] : memref<4x!tpu.dma_semaphore, #tpu.memory_space<semaphore_mem>> -> memref<1x!tpu.dma_semaphore, #tpu.memory_space<semaphore_mem>>
        %dma_wait3A_215 = tpu.memref_squeeze %dma_wait3A_214 : memref<1x!tpu.dma_semaphore, #tpu.memory_space<semaphore_mem>> -> memref<!tpu.dma_semaphore, #tpu.memory_space<semaphore_mem>>
        tpu.wait_indirect_dma semaphore(%dma_wait3A_215 : memref<!tpu.dma_semaphore, #tpu.memory_space<semaphore_mem>>) src(%dma_wait3A_213 : memref<10000x128xf32, #tpu.memory_space<hbm>>) dst(%dma_wait3A_207 : memref<64x128xf32, #tpu.memory_space<vmem>>)
        %run_scoped3A_216 = arith.constant 1 : i32
        "tpu.region"() ({
          %run_scoped3A_299 = tpu.sem_alloc : memref<!tpu.dma_semaphore, #tpu.memory_space<semaphore_mem>>
          %dma_start3A_300 = arith.constant 0 : i32
          %dma_start3A_301 = arith.constant 0 : i32
          %dma_start3A_302 = tpu.memref_slice %arg8[%run_scoped3A_216, %dma_start3A_300, %dma_start3A_301] : memref<4x64x128xf32, #tpu.memory_space<vmem>> -> memref<1x64x128xf32, #tpu.memory_space<vmem>>
          %dma_start3A_303 = tpu.memref_squeeze %dma_start3A_302 : memref<1x64x128xf32, #tpu.memory_space<vmem>> -> memref<64x128xf32, #tpu.memory_space<vmem>>
          %dma_start3A_304 = arith.constant 0 : i32
          %dma_start3A_305 = tpu.memref_slice %arg7[%add3A_201, %dma_start3A_304] : memref<40x64xi32, #tpu.memory_space<vmem>> -> memref<1x64xi32, #tpu.memory_space<vmem>>
          %dma_start3A_306 = tpu.memref_squeeze %dma_start3A_305 : memref<1x64xi32, #tpu.memory_space<vmem>> -> memref<64xi32, #tpu.memory_space<vmem>>
          %dma_start3A_307 = arith.constant 0 : i32
          %dma_start3A_308 = arith.constant 0 : i32
          %dma_start3A_309 = tpu.memref_slice %arg10[%dma_start3A_307, %dma_start3A_308] : memref<10240x128xf32, #tpu.memory_space<vmem_shared>> -> memref<10240x128xf32, #tpu.memory_space<vmem_shared>>
          tpu.enqueue_indirect_dma source(%dma_start3A_303 : memref<64x128xf32, #tpu.memory_space<vmem>>) target(%dma_start3A_309 : memref<10240x128xf32, #tpu.memory_space<vmem_shared>>) offsets(%dma_start3A_306 : memref<64xi32, #tpu.memory_space<vmem>>) semaphore(%run_scoped3A_299 : memref<!tpu.dma_semaphore, #tpu.memory_space<semaphore_mem>>) {add = true}
          %dma_wait3A_310 = arith.constant 0 : i32
          %dma_wait3A_311 = arith.constant 0 : i32
          %dma_wait3A_312 = tpu.memref_slice %arg8[%run_scoped3A_216, %dma_wait3A_310, %dma_wait3A_311] : memref<4x64x128xf32, #tpu.memory_space<vmem>> -> memref<1x64x128xf32, #tpu.memory_space<vmem>>
          %dma_wait3A_313 = tpu.memref_squeeze %dma_wait3A_312 : memref<1x64x128xf32, #tpu.memory_space<vmem>> -> memref<64x128xf32, #tpu.memory_space<vmem>>
          %dma_wait3A_314 = arith.constant 0 : i32
          %dma_wait3A_315 = tpu.memref_slice %arg7[%add3A_201, %dma_wait3A_314] : memref<40x64xi32, #tpu.memory_space<vmem>> -> memref<1x64xi32, #tpu.memory_space<vmem>>
          %dma_wait3A_316 = tpu.memref_squeeze %dma_wait3A_315 : memref<1x64xi32, #tpu.memory_space<vmem>> -> memref<64xi32, #tpu.memory_space<vmem>>
          %dma_wait3A_317 = arith.constant 0 : i32
          %dma_wait3A_318 = arith.constant 0 : i32
          %dma_wait3A_319 = tpu.memref_slice %arg10[%dma_wait3A_317, %dma_wait3A_318] : memref<10240x128xf32, #tpu.memory_space<vmem_shared>> -> memref<10240x128xf32, #tpu.memory_space<vmem_shared>>
          tpu.wait_indirect_dma semaphore(%run_scoped3A_299 : memref<!tpu.dma_semaphore, #tpu.memory_space<semaphore_mem>>) src(%dma_wait3A_313 : memref<64x128xf32, #tpu.memory_space<vmem>>) dst(%dma_wait3A_319 : memref<10240x128xf32, #tpu.memory_space<vmem_shared>>)
          tpu.yield
        }) : () -> ()
        %add3A_217 = arith.constant 4 : i32
        %add3A_218 = arith.addi %add3A_201, %add3A_217 : i32
        %dma_start3A_219 = arith.constant 1 : i32
        %dma_start3A_220 = arith.constant 1 : i32
        %dma_start3A_221 = arith.constant 0 : i32
        %dma_start3A_222 = arith.constant 0 : i32
        %dma_start3A_223 = tpu.memref_slice %arg8[%dma_start3A_219, %dma_start3A_221, %dma_start3A_222] : memref<4x64x128xf32, #tpu.memory_space<vmem>> -> memref<1x64x128xf32, #tpu.memory_space<vmem>>
        %dma_start3A_224 = tpu.memref_squeeze %dma_start3A_223 : memref<1x64x128xf32, #tpu.memory_space<vmem>> -> memref<64x128xf32, #tpu.memory_space<vmem>>
        %dma_start3A_225 = arith.constant 0 : i32
        %dma_start3A_226 = tpu.memref_slice %arg6[%add3A_218, %dma_start3A_225] : memref<40x64xi32, #tpu.memory_space<vmem>> -> memref<1x64xi32, #tpu.memory_space<vmem>>
        %dma_start3A_227 = tpu.memref_squeeze %dma_start3A_226 : memref<1x64xi32, #tpu.memory_space<vmem>> -> memref<64xi32, #tpu.memory_space<vmem>>
        %dma_start3A_228 = arith.constant 0 : i32
        %dma_start3A_229 = arith.constant 0 : i32
        %dma_start3A_230 = tpu.memref_slice %arg2[%dma_start3A_228, %dma_start3A_229] : memref<10000x128xf32, #tpu.memory_space<hbm>> -> memref<10000x128xf32, #tpu.memory_space<hbm>>
        %dma_start3A_231 = tpu.memref_slice %arg9[%dma_start3A_220] : memref<4x!tpu.dma_semaphore, #tpu.memory_space<semaphore_mem>> -> memref<1x!tpu.dma_semaphore, #tpu.memory_space<semaphore_mem>>
        %dma_start3A_232 = tpu.memref_squeeze %dma_start3A_231 : memref<1x!tpu.dma_semaphore, #tpu.memory_space<semaphore_mem>> -> memref<!tpu.dma_semaphore, #tpu.memory_space<semaphore_mem>>
        tpu.enqueue_indirect_dma source(%dma_start3A_230 : memref<10000x128xf32, #tpu.memory_space<hbm>>) target(%dma_start3A_224 : memref<64x128xf32, #tpu.memory_space<vmem>>) offsets(%dma_start3A_227 : memref<64xi32, #tpu.memory_space<vmem>>) semaphore(%dma_start3A_232 : memref<!tpu.dma_semaphore, #tpu.memory_space<semaphore_mem>>)
        %add3A_233 = arith.constant 2 : i32
        %add3A_234 = arith.addi %add3A_166, %add3A_233 : i32
        %dma_wait3A_235 = arith.constant 2 : i32
        %dma_wait3A_236 = arith.constant 2 : i32
        %dma_wait3A_237 = arith.constant 0 : i32
        %dma_wait3A_238 = arith.constant 0 : i32
        %dma_wait3A_239 = tpu.memref_slice %arg8[%dma_wait3A_235, %dma_wait3A_237, %dma_wait3A_238] : memref<4x64x128xf32, #tpu.memory_space<vmem>> -> memref<1x64x128xf32, #tpu.memory_space<vmem>>
        %dma_wait3A_240 = tpu.memref_squeeze %dma_wait3A_239 : memref<1x64x128xf32, #tpu.memory_space<vmem>> -> memref<64x128xf32, #tpu.memory_space<vmem>>
        %dma_wait3A_241 = arith.constant 0 : i32
        %dma_wait3A_242 = tpu.memref_slice %arg6[%add3A_234, %dma_wait3A_241] : memref<40x64xi32, #tpu.memory_space<vmem>> -> memref<1x64xi32, #tpu.memory_space<vmem>>
        %dma_wait3A_243 = tpu.memref_squeeze %dma_wait3A_242 : memref<1x64xi32, #tpu.memory_space<vmem>> -> memref<64xi32, #tpu.memory_space<vmem>>
        %dma_wait3A_244 = arith.constant 0 : i32
        %dma_wait3A_245 = arith.constant 0 : i32
        %dma_wait3A_246 = tpu.memref_slice %arg2[%dma_wait3A_244, %dma_wait3A_245] : memref<10000x128xf32, #tpu.memory_space<hbm>> -> memref<10000x128xf32, #tpu.memory_space<hbm>>
        %dma_wait3A_247 = tpu.memref_slice %arg9[%dma_wait3A_236] : memref<4x!tpu.dma_semaphore, #tpu.memory_space<semaphore_mem>> -> memref<1x!tpu.dma_semaphore, #tpu.memory_space<semaphore_mem>>
        %dma_wait3A_248 = tpu.memref_squeeze %dma_wait3A_247 : memref<1x!tpu.dma_semaphore, #tpu.memory_space<semaphore_mem>> -> memref<!tpu.dma_semaphore, #tpu.memory_space<semaphore_mem>>
        tpu.wait_indirect_dma semaphore(%dma_wait3A_248 : memref<!tpu.dma_semaphore, #tpu.memory_space<semaphore_mem>>) src(%dma_wait3A_246 : memref<10000x128xf32, #tpu.memory_space<hbm>>) dst(%dma_wait3A_240 : memref<64x128xf32, #tpu.memory_space<vmem>>)
        %run_scoped3A_249 = arith.constant 2 : i32
        "tpu.region"() ({
          %run_scoped3A_299 = tpu.sem_alloc : memref<!tpu.dma_semaphore, #tpu.memory_space<semaphore_mem>>
          %dma_start3A_300 = arith.constant 0 : i32
          %dma_start3A_301 = arith.constant 0 : i32
          %dma_start3A_302 = tpu.memref_slice %arg8[%run_scoped3A_249, %dma_start3A_300, %dma_start3A_301] : memref<4x64x128xf32, #tpu.memory_space<vmem>> -> memref<1x64x128xf32, #tpu.memory_space<vmem>>
          %dma_start3A_303 = tpu.memref_squeeze %dma_start3A_302 : memref<1x64x128xf32, #tpu.memory_space<vmem>> -> memref<64x128xf32, #tpu.memory_space<vmem>>
          %dma_start3A_304 = arith.constant 0 : i32
          %dma_start3A_305 = tpu.memref_slice %arg7[%add3A_234, %dma_start3A_304] : memref<40x64xi32, #tpu.memory_space<vmem>> -> memref<1x64xi32, #tpu.memory_space<vmem>>
          %dma_start3A_306 = tpu.memref_squeeze %dma_start3A_305 : memref<1x64xi32, #tpu.memory_space<vmem>> -> memref<64xi32, #tpu.memory_space<vmem>>
          %dma_start3A_307 = arith.constant 0 : i32
          %dma_start3A_308 = arith.constant 0 : i32
          %dma_start3A_309 = tpu.memref_slice %arg10[%dma_start3A_307, %dma_start3A_308] : memref<10240x128xf32, #tpu.memory_space<vmem_shared>> -> memref<10240x128xf32, #tpu.memory_space<vmem_shared>>
          tpu.enqueue_indirect_dma source(%dma_start3A_303 : memref<64x128xf32, #tpu.memory_space<vmem>>) target(%dma_start3A_309 : memref<10240x128xf32, #tpu.memory_space<vmem_shared>>) offsets(%dma_start3A_306 : memref<64xi32, #tpu.memory_space<vmem>>) semaphore(%run_scoped3A_299 : memref<!tpu.dma_semaphore, #tpu.memory_space<semaphore_mem>>) {add = true}
          %dma_wait3A_310 = arith.constant 0 : i32
          %dma_wait3A_311 = arith.constant 0 : i32
          %dma_wait3A_312 = tpu.memref_slice %arg8[%run_scoped3A_249, %dma_wait3A_310, %dma_wait3A_311] : memref<4x64x128xf32, #tpu.memory_space<vmem>> -> memref<1x64x128xf32, #tpu.memory_space<vmem>>
          %dma_wait3A_313 = tpu.memref_squeeze %dma_wait3A_312 : memref<1x64x128xf32, #tpu.memory_space<vmem>> -> memref<64x128xf32, #tpu.memory_space<vmem>>
          %dma_wait3A_314 = arith.constant 0 : i32
          %dma_wait3A_315 = tpu.memref_slice %arg7[%add3A_234, %dma_wait3A_314] : memref<40x64xi32, #tpu.memory_space<vmem>> -> memref<1x64xi32, #tpu.memory_space<vmem>>
          %dma_wait3A_316 = tpu.memref_squeeze %dma_wait3A_315 : memref<1x64xi32, #tpu.memory_space<vmem>> -> memref<64xi32, #tpu.memory_space<vmem>>
          %dma_wait3A_317 = arith.constant 0 : i32
          %dma_wait3A_318 = arith.constant 0 : i32
          %dma_wait3A_319 = tpu.memref_slice %arg10[%dma_wait3A_317, %dma_wait3A_318] : memref<10240x128xf32, #tpu.memory_space<vmem_shared>> -> memref<10240x128xf32, #tpu.memory_space<vmem_shared>>
          tpu.wait_indirect_dma semaphore(%run_scoped3A_299 : memref<!tpu.dma_semaphore, #tpu.memory_space<semaphore_mem>>) src(%dma_wait3A_313 : memref<64x128xf32, #tpu.memory_space<vmem>>) dst(%dma_wait3A_319 : memref<10240x128xf32, #tpu.memory_space<vmem_shared>>)
          tpu.yield
        }) : () -> ()
        %add3A_250 = arith.constant 4 : i32
        %add3A_251 = arith.addi %add3A_234, %add3A_250 : i32
        %dma_start3A_252 = arith.constant 2 : i32
        %dma_start3A_253 = arith.constant 2 : i32
        %dma_start3A_254 = arith.constant 0 : i32
        %dma_start3A_255 = arith.constant 0 : i32
        %dma_start3A_256 = tpu.memref_slice %arg8[%dma_start3A_252, %dma_start3A_254, %dma_start3A_255] : memref<4x64x128xf32, #tpu.memory_space<vmem>> -> memref<1x64x128xf32, #tpu.memory_space<vmem>>
        %dma_start3A_257 = tpu.memref_squeeze %dma_start3A_256 : memref<1x64x128xf32, #tpu.memory_space<vmem>> -> memref<64x128xf32, #tpu.memory_space<vmem>>
        %dma_start3A_258 = arith.constant 0 : i32
        %dma_start3A_259 = tpu.memref_slice %arg6[%add3A_251, %dma_start3A_258] : memref<40x64xi32, #tpu.memory_space<vmem>> -> memref<1x64xi32, #tpu.memory_space<vmem>>
        %dma_start3A_260 = tpu.memref_squeeze %dma_start3A_259 : memref<1x64xi32, #tpu.memory_space<vmem>> -> memref<64xi32, #tpu.memory_space<vmem>>
        %dma_start3A_261 = arith.constant 0 : i32
        %dma_start3A_262 = arith.constant 0 : i32
        %dma_start3A_263 = tpu.memref_slice %arg2[%dma_start3A_261, %dma_start3A_262] : memref<10000x128xf32, #tpu.memory_space<hbm>> -> memref<10000x128xf32, #tpu.memory_space<hbm>>
        %dma_start3A_264 = tpu.memref_slice %arg9[%dma_start3A_253] : memref<4x!tpu.dma_semaphore, #tpu.memory_space<semaphore_mem>> -> memref<1x!tpu.dma_semaphore, #tpu.memory_space<semaphore_mem>>
        %dma_start3A_265 = tpu.memref_squeeze %dma_start3A_264 : memref<1x!tpu.dma_semaphore, #tpu.memory_space<semaphore_mem>> -> memref<!tpu.dma_semaphore, #tpu.memory_space<semaphore_mem>>
        tpu.enqueue_indirect_dma source(%dma_start3A_263 : memref<10000x128xf32, #tpu.memory_space<hbm>>) target(%dma_start3A_257 : memref<64x128xf32, #tpu.memory_space<vmem>>) offsets(%dma_start3A_260 : memref<64xi32, #tpu.memory_space<vmem>>) semaphore(%dma_start3A_265 : memref<!tpu.dma_semaphore, #tpu.memory_space<semaphore_mem>>)
        %add3A_266 = arith.constant 3 : i32
        %add3A_267 = arith.addi %add3A_166, %add3A_266 : i32
        %dma_wait3A_268 = arith.constant 3 : i32
        %dma_wait3A_269 = arith.constant 3 : i32
        %dma_wait3A_270 = arith.constant 0 : i32
        %dma_wait3A_271 = arith.constant 0 : i32
        %dma_wait3A_272 = tpu.memref_slice %arg8[%dma_wait3A_268, %dma_wait3A_270, %dma_wait3A_271] : memref<4x64x128xf32, #tpu.memory_space<vmem>> -> memref<1x64x128xf32, #tpu.memory_space<vmem>>
        %dma_wait3A_273 = tpu.memref_squeeze %dma_wait3A_272 : memref<1x64x128xf32, #tpu.memory_space<vmem>> -> memref<64x128xf32, #tpu.memory_space<vmem>>
        %dma_wait3A_274 = arith.constant 0 : i32
        %dma_wait3A_275 = tpu.memref_slice %arg6[%add3A_267, %dma_wait3A_274] : memref<40x64xi32, #tpu.memory_space<vmem>> -> memref<1x64xi32, #tpu.memory_space<vmem>>
        %dma_wait3A_276 = tpu.memref_squeeze %dma_wait3A_275 : memref<1x64xi32, #tpu.memory_space<vmem>> -> memref<64xi32, #tpu.memory_space<vmem>>
        %dma_wait3A_277 = arith.constant 0 : i32
        %dma_wait3A_278 = arith.constant 0 : i32
        %dma_wait3A_279 = tpu.memref_slice %arg2[%dma_wait3A_277, %dma_wait3A_278] : memref<10000x128xf32, #tpu.memory_space<hbm>> -> memref<10000x128xf32, #tpu.memory_space<hbm>>
        %dma_wait3A_280 = tpu.memref_slice %arg9[%dma_wait3A_269] : memref<4x!tpu.dma_semaphore, #tpu.memory_space<semaphore_mem>> -> memref<1x!tpu.dma_semaphore, #tpu.memory_space<semaphore_mem>>
        %dma_wait3A_281 = tpu.memref_squeeze %dma_wait3A_280 : memref<1x!tpu.dma_semaphore, #tpu.memory_space<semaphore_mem>> -> memref<!tpu.dma_semaphore, #tpu.memory_space<semaphore_mem>>
        tpu.wait_indirect_dma semaphore(%dma_wait3A_281 : memref<!tpu.dma_semaphore, #tpu.memory_space<semaphore_mem>>) src(%dma_wait3A_279 : memref<10000x128xf32, #tpu.memory_space<hbm>>) dst(%dma_wait3A_273 : memref<64x128xf32, #tpu.memory_space<vmem>>)
        %run_scoped3A_282 = arith.constant 3 : i32
        "tpu.region"() ({
          %run_scoped3A_299 = tpu.sem_alloc : memref<!tpu.dma_semaphore, #tpu.memory_space<semaphore_mem>>
          %dma_start3A_300 = arith.constant 0 : i32
          %dma_start3A_301 = arith.constant 0 : i32
          %dma_start3A_302 = tpu.memref_slice %arg8[%run_scoped3A_282, %dma_start3A_300, %dma_start3A_301] : memref<4x64x128xf32, #tpu.memory_space<vmem>> -> memref<1x64x128xf32, #tpu.memory_space<vmem>>
          %dma_start3A_303 = tpu.memref_squeeze %dma_start3A_302 : memref<1x64x128xf32, #tpu.memory_space<vmem>> -> memref<64x128xf32, #tpu.memory_space<vmem>>
          %dma_start3A_304 = arith.constant 0 : i32
          %dma_start3A_305 = tpu.memref_slice %arg7[%add3A_267, %dma_start3A_304] : memref<40x64xi32, #tpu.memory_space<vmem>> -> memref<1x64xi32, #tpu.memory_space<vmem>>
          %dma_start3A_306 = tpu.memref_squeeze %dma_start3A_305 : memref<1x64xi32, #tpu.memory_space<vmem>> -> memref<64xi32, #tpu.memory_space<vmem>>
          %dma_start3A_307 = arith.constant 0 : i32
          %dma_start3A_308 = arith.constant 0 : i32
          %dma_start3A_309 = tpu.memref_slice %arg10[%dma_start3A_307, %dma_start3A_308] : memref<10240x128xf32, #tpu.memory_space<vmem_shared>> -> memref<10240x128xf32, #tpu.memory_space<vmem_shared>>
          tpu.enqueue_indirect_dma source(%dma_start3A_303 : memref<64x128xf32, #tpu.memory_space<vmem>>) target(%dma_start3A_309 : memref<10240x128xf32, #tpu.memory_space<vmem_shared>>) offsets(%dma_start3A_306 : memref<64xi32, #tpu.memory_space<vmem>>) semaphore(%run_scoped3A_299 : memref<!tpu.dma_semaphore, #tpu.memory_space<semaphore_mem>>) {add = true}
          %dma_wait3A_310 = arith.constant 0 : i32
          %dma_wait3A_311 = arith.constant 0 : i32
          %dma_wait3A_312 = tpu.memref_slice %arg8[%run_scoped3A_282, %dma_wait3A_310, %dma_wait3A_311] : memref<4x64x128xf32, #tpu.memory_space<vmem>> -> memref<1x64x128xf32, #tpu.memory_space<vmem>>
          %dma_wait3A_313 = tpu.memref_squeeze %dma_wait3A_312 : memref<1x64x128xf32, #tpu.memory_space<vmem>> -> memref<64x128xf32, #tpu.memory_space<vmem>>
          %dma_wait3A_314 = arith.constant 0 : i32
          %dma_wait3A_315 = tpu.memref_slice %arg7[%add3A_267, %dma_wait3A_314] : memref<40x64xi32, #tpu.memory_space<vmem>> -> memref<1x64xi32, #tpu.memory_space<vmem>>
          %dma_wait3A_316 = tpu.memref_squeeze %dma_wait3A_315 : memref<1x64xi32, #tpu.memory_space<vmem>> -> memref<64xi32, #tpu.memory_space<vmem>>
          %dma_wait3A_317 = arith.constant 0 : i32
          %dma_wait3A_318 = arith.constant 0 : i32
          %dma_wait3A_319 = tpu.memref_slice %arg10[%dma_wait3A_317, %dma_wait3A_318] : memref<10240x128xf32, #tpu.memory_space<vmem_shared>> -> memref<10240x128xf32, #tpu.memory_space<vmem_shared>>
          tpu.wait_indirect_dma semaphore(%run_scoped3A_299 : memref<!tpu.dma_semaphore, #tpu.memory_space<semaphore_mem>>) src(%dma_wait3A_313 : memref<64x128xf32, #tpu.memory_space<vmem>>) dst(%dma_wait3A_319 : memref<10240x128xf32, #tpu.memory_space<vmem_shared>>)
          tpu.yield
        }) : () -> ()
        %add3A_283 = arith.constant 4 : i32
        %add3A_284 = arith.addi %add3A_267, %add3A_283 : i32
        %dma_start3A_285 = arith.constant 3 : i32
        %dma_start3A_286 = arith.constant 3 : i32
        %dma_start3A_287 = arith.constant 0 : i32
        %dma_start3A_288 = arith.constant 0 : i32
        %dma_start3A_289 = tpu.memref_slice %arg8[%dma_start3A_285, %dma_start3A_287, %dma_start3A_288] : memref<4x64x128xf32, #tpu.memory_space<vmem>> -> memref<1x64x128xf32, #tpu.memory_space<vmem>>
        %dma_start3A_290 = tpu.memref_squeeze %dma_start3A_289 : memref<1x64x128xf32, #tpu.memory_space<vmem>> -> memref<64x128xf32, #tpu.memory_space<vmem>>
        %dma_start3A_291 = arith.constant 0 : i32
        %dma_start3A_292 = tpu.memref_slice %arg6[%add3A_284, %dma_start3A_291] : memref<40x64xi32, #tpu.memory_space<vmem>> -> memref<1x64xi32, #tpu.memory_space<vmem>>
        %dma_start3A_293 = tpu.memref_squeeze %dma_start3A_292 : memref<1x64xi32, #tpu.memory_space<vmem>> -> memref<64xi32, #tpu.memory_space<vmem>>
        %dma_start3A_294 = arith.constant 0 : i32
        %dma_start3A_295 = arith.constant 0 : i32
        %dma_start3A_296 = tpu.memref_slice %arg2[%dma_start3A_294, %dma_start3A_295] : memref<10000x128xf32, #tpu.memory_space<hbm>> -> memref<10000x128xf32, #tpu.memory_space<hbm>>
        %dma_start3A_297 = tpu.memref_slice %arg9[%dma_start3A_286] : memref<4x!tpu.dma_semaphore, #tpu.memory_space<semaphore_mem>> -> memref<1x!tpu.dma_semaphore, #tpu.memory_space<semaphore_mem>>
        %dma_start3A_298 = tpu.memref_squeeze %dma_start3A_297 : memref<1x!tpu.dma_semaphore, #tpu.memory_space<semaphore_mem>> -> memref<!tpu.dma_semaphore, #tpu.memory_space<semaphore_mem>>
        tpu.enqueue_indirect_dma source(%dma_start3A_296 : memref<10000x128xf32, #tpu.memory_space<hbm>>) target(%dma_start3A_290 : memref<64x128xf32, #tpu.memory_space<vmem>>) offsets(%dma_start3A_293 : memref<64xi32, #tpu.memory_space<vmem>>) semaphore(%dma_start3A_298 : memref<!tpu.dma_semaphore, #tpu.memory_space<semaphore_mem>>)
      }
      %scan3A_95 = arith.constant 9 : i32
      %dma_wait3A = arith.constant 36 : i32
      %dma_wait3A_96 = arith.constant 0 : i32
      %dma_wait3A_97 = arith.constant 0 : i32
      %dma_wait3A_98 = arith.constant 0 : i32
      %dma_wait3A_99 = arith.constant 0 : i32
      %dma_wait3A_100 = tpu.memref_slice %arg8[%dma_wait3A_96, %dma_wait3A_98, %dma_wait3A_99] : memref<4x64x128xf32, #tpu.memory_space<vmem>> -> memref<1x64x128xf32, #tpu.memory_space<vmem>>
      %dma_wait3A_101 = tpu.memref_squeeze %dma_wait3A_100 : memref<1x64x128xf32, #tpu.memory_space<vmem>> -> memref<64x128xf32, #tpu.memory_space<vmem>>
      %dma_wait3A_102 = arith.constant 0 : i32
      %dma_wait3A_103 = tpu.memref_slice %arg6[%dma_wait3A, %dma_wait3A_102] : memref<40x64xi32, #tpu.memory_space<vmem>> -> memref<1x64xi32, #tpu.memory_space<vmem>>
      %dma_wait3A_104 = tpu.memref_squeeze %dma_wait3A_103 : memref<1x64xi32, #tpu.memory_space<vmem>> -> memref<64xi32, #tpu.memory_space<vmem>>
      %dma_wait3A_105 = arith.constant 0 : i32
      %dma_wait3A_106 = arith.constant 0 : i32
      %dma_wait3A_107 = tpu.memref_slice %arg2[%dma_wait3A_105, %dma_wait3A_106] : memref<10000x128xf32, #tpu.memory_space<hbm>> -> memref<10000x128xf32, #tpu.memory_space<hbm>>
      %dma_wait3A_108 = tpu.memref_slice %arg9[%dma_wait3A_97] : memref<4x!tpu.dma_semaphore, #tpu.memory_space<semaphore_mem>> -> memref<1x!tpu.dma_semaphore, #tpu.memory_space<semaphore_mem>>
      %dma_wait3A_109 = tpu.memref_squeeze %dma_wait3A_108 : memref<1x!tpu.dma_semaphore, #tpu.memory_space<semaphore_mem>> -> memref<!tpu.dma_semaphore, #tpu.memory_space<semaphore_mem>>
      tpu.wait_indirect_dma semaphore(%dma_wait3A_109 : memref<!tpu.dma_semaphore, #tpu.memory_space<semaphore_mem>>) src(%dma_wait3A_107 : memref<10000x128xf32, #tpu.memory_space<hbm>>) dst(%dma_wait3A_101 : memref<64x128xf32, #tpu.memory_space<vmem>>)
      %run_scoped3A = arith.constant 0 : i32
      %run_scoped3A_110 = arith.constant 36 : i32
      "tpu.region"() ({
        %run_scoped3A_162 = tpu.sem_alloc : memref<!tpu.dma_semaphore, #tpu.memory_space<semaphore_mem>>
        %dma_start3A_163 = arith.constant 0 : i32
        %dma_start3A_164 = arith.constant 0 : i32
        %dma_start3A_165 = tpu.memref_slice %arg8[%run_scoped3A, %dma_start3A_163, %dma_start3A_164] : memref<4x64x128xf32, #tpu.memory_space<vmem>> -> memref<1x64x128xf32, #tpu.memory_space<vmem>>
        %dma_start3A_166 = tpu.memref_squeeze %dma_start3A_165 : memref<1x64x128xf32, #tpu.memory_space<vmem>> -> memref<64x128xf32, #tpu.memory_space<vmem>>
        %dma_start3A_167 = arith.constant 0 : i32
        %dma_start3A_168 = tpu.memref_slice %arg7[%run_scoped3A_110, %dma_start3A_167] : memref<40x64xi32, #tpu.memory_space<vmem>> -> memref<1x64xi32, #tpu.memory_space<vmem>>
        %dma_start3A_169 = tpu.memref_squeeze %dma_start3A_168 : memref<1x64xi32, #tpu.memory_space<vmem>> -> memref<64xi32, #tpu.memory_space<vmem>>
        %dma_start3A_170 = arith.constant 0 : i32
        %dma_start3A_171 = arith.constant 0 : i32
        %dma_start3A_172 = tpu.memref_slice %arg10[%dma_start3A_170, %dma_start3A_171] : memref<10240x128xf32, #tpu.memory_space<vmem_shared>> -> memref<10240x128xf32, #tpu.memory_space<vmem_shared>>
        tpu.enqueue_indirect_dma source(%dma_start3A_166 : memref<64x128xf32, #tpu.memory_space<vmem>>) target(%dma_start3A_172 : memref<10240x128xf32, #tpu.memory_space<vmem_shared>>) offsets(%dma_start3A_169 : memref<64xi32, #tpu.memory_space<vmem>>) semaphore(%run_scoped3A_162 : memref<!tpu.dma_semaphore, #tpu.memory_space<semaphore_mem>>) {add = true}
        %dma_wait3A_173 = arith.constant 0 : i32
        %dma_wait3A_174 = arith.constant 0 : i32
        %dma_wait3A_175 = tpu.memref_slice %arg8[%run_scoped3A, %dma_wait3A_173, %dma_wait3A_174] : memref<4x64x128xf32, #tpu.memory_space<vmem>> -> memref<1x64x128xf32, #tpu.memory_space<vmem>>
        %dma_wait3A_176 = tpu.memref_squeeze %dma_wait3A_175 : memref<1x64x128xf32, #tpu.memory_space<vmem>> -> memref<64x128xf32, #tpu.memory_space<vmem>>
        %dma_wait3A_177 = arith.constant 0 : i32
        %dma_wait3A_178 = tpu.memref_slice %arg7[%run_scoped3A_110, %dma_wait3A_177] : memref<40x64xi32, #tpu.memory_space<vmem>> -> memref<1x64xi32, #tpu.memory_space<vmem>>
        %dma_wait3A_179 = tpu.memref_squeeze %dma_wait3A_178 : memref<1x64xi32, #tpu.memory_space<vmem>> -> memref<64xi32, #tpu.memory_space<vmem>>
        %dma_wait3A_180 = arith.constant 0 : i32
        %dma_wait3A_181 = arith.constant 0 : i32
        %dma_wait3A_182 = tpu.memref_slice %arg10[%dma_wait3A_180, %dma_wait3A_181] : memref<10240x128xf32, #tpu.memory_space<vmem_shared>> -> memref<10240x128xf32, #tpu.memory_space<vmem_shared>>
        tpu.wait_indirect_dma semaphore(%run_scoped3A_162 : memref<!tpu.dma_semaphore, #tpu.memory_space<semaphore_mem>>) src(%dma_wait3A_176 : memref<64x128xf32, #tpu.memory_space<vmem>>) dst(%dma_wait3A_182 : memref<10240x128xf32, #tpu.memory_space<vmem_shared>>)
        tpu.yield
      }) : () -> ()
      %dma_wait3A_111 = arith.constant 37 : i32
      %dma_wait3A_112 = arith.constant 1 : i32
      %dma_wait3A_113 = arith.constant 1 : i32
      %dma_wait3A_114 = arith.constant 0 : i32
      %dma_wait3A_115 = arith.constant 0 : i32
      %dma_wait3A_116 = tpu.memref_slice %arg8[%dma_wait3A_112, %dma_wait3A_114, %dma_wait3A_115] : memref<4x64x128xf32, #tpu.memory_space<vmem>> -> memref<1x64x128xf32, #tpu.memory_space<vmem>>
      %dma_wait3A_117 = tpu.memref_squeeze %dma_wait3A_116 : memref<1x64x128xf32, #tpu.memory_space<vmem>> -> memref<64x128xf32, #tpu.memory_space<vmem>>
      %dma_wait3A_118 = arith.constant 0 : i32
      %dma_wait3A_119 = tpu.memref_slice %arg6[%dma_wait3A_111, %dma_wait3A_118] : memref<40x64xi32, #tpu.memory_space<vmem>> -> memref<1x64xi32, #tpu.memory_space<vmem>>
      %dma_wait3A_120 = tpu.memref_squeeze %dma_wait3A_119 : memref<1x64xi32, #tpu.memory_space<vmem>> -> memref<64xi32, #tpu.memory_space<vmem>>
      %dma_wait3A_121 = arith.constant 0 : i32
      %dma_wait3A_122 = arith.constant 0 : i32
      %dma_wait3A_123 = tpu.memref_slice %arg2[%dma_wait3A_121, %dma_wait3A_122] : memref<10000x128xf32, #tpu.memory_space<hbm>> -> memref<10000x128xf32, #tpu.memory_space<hbm>>
      %dma_wait3A_124 = tpu.memref_slice %arg9[%dma_wait3A_113] : memref<4x!tpu.dma_semaphore, #tpu.memory_space<semaphore_mem>> -> memref<1x!tpu.dma_semaphore, #tpu.memory_space<semaphore_mem>>
      %dma_wait3A_125 = tpu.memref_squeeze %dma_wait3A_124 : memref<1x!tpu.dma_semaphore, #tpu.memory_space<semaphore_mem>> -> memref<!tpu.dma_semaphore, #tpu.memory_space<semaphore_mem>>
      tpu.wait_indirect_dma semaphore(%dma_wait3A_125 : memref<!tpu.dma_semaphore, #tpu.memory_space<semaphore_mem>>) src(%dma_wait3A_123 : memref<10000x128xf32, #tpu.memory_space<hbm>>) dst(%dma_wait3A_117 : memref<64x128xf32, #tpu.memory_space<vmem>>)
      %run_scoped3A_126 = arith.constant 1 : i32
      %run_scoped3A_127 = arith.constant 37 : i32
      "tpu.region"() ({
        %run_scoped3A_162 = tpu.sem_alloc : memref<!tpu.dma_semaphore, #tpu.memory_space<semaphore_mem>>
        %dma_start3A_163 = arith.constant 0 : i32
        %dma_start3A_164 = arith.constant 0 : i32
        %dma_start3A_165 = tpu.memref_slice %arg8[%run_scoped3A_126, %dma_start3A_163, %dma_start3A_164] : memref<4x64x128xf32, #tpu.memory_space<vmem>> -> memref<1x64x128xf32, #tpu.memory_space<vmem>>
        %dma_start3A_166 = tpu.memref_squeeze %dma_start3A_165 : memref<1x64x128xf32, #tpu.memory_space<vmem>> -> memref<64x128xf32, #tpu.memory_space<vmem>>
        %dma_start3A_167 = arith.constant 0 : i32
        %dma_start3A_168 = tpu.memref_slice %arg7[%run_scoped3A_127, %dma_start3A_167] : memref<40x64xi32, #tpu.memory_space<vmem>> -> memref<1x64xi32, #tpu.memory_space<vmem>>
        %dma_start3A_169 = tpu.memref_squeeze %dma_start3A_168 : memref<1x64xi32, #tpu.memory_space<vmem>> -> memref<64xi32, #tpu.memory_space<vmem>>
        %dma_start3A_170 = arith.constant 0 : i32
        %dma_start3A_171 = arith.constant 0 : i32
        %dma_start3A_172 = tpu.memref_slice %arg10[%dma_start3A_170, %dma_start3A_171] : memref<10240x128xf32, #tpu.memory_space<vmem_shared>> -> memref<10240x128xf32, #tpu.memory_space<vmem_shared>>
        tpu.enqueue_indirect_dma source(%dma_start3A_166 : memref<64x128xf32, #tpu.memory_space<vmem>>) target(%dma_start3A_172 : memref<10240x128xf32, #tpu.memory_space<vmem_shared>>) offsets(%dma_start3A_169 : memref<64xi32, #tpu.memory_space<vmem>>) semaphore(%run_scoped3A_162 : memref<!tpu.dma_semaphore, #tpu.memory_space<semaphore_mem>>) {add = true}
        %dma_wait3A_173 = arith.constant 0 : i32
        %dma_wait3A_174 = arith.constant 0 : i32
        %dma_wait3A_175 = tpu.memref_slice %arg8[%run_scoped3A_126, %dma_wait3A_173, %dma_wait3A_174] : memref<4x64x128xf32, #tpu.memory_space<vmem>> -> memref<1x64x128xf32, #tpu.memory_space<vmem>>
        %dma_wait3A_176 = tpu.memref_squeeze %dma_wait3A_175 : memref<1x64x128xf32, #tpu.memory_space<vmem>> -> memref<64x128xf32, #tpu.memory_space<vmem>>
        %dma_wait3A_177 = arith.constant 0 : i32
        %dma_wait3A_178 = tpu.memref_slice %arg7[%run_scoped3A_127, %dma_wait3A_177] : memref<40x64xi32, #tpu.memory_space<vmem>> -> memref<1x64xi32, #tpu.memory_space<vmem>>
        %dma_wait3A_179 = tpu.memref_squeeze %dma_wait3A_178 : memref<1x64xi32, #tpu.memory_space<vmem>> -> memref<64xi32, #tpu.memory_space<vmem>>
        %dma_wait3A_180 = arith.constant 0 : i32
        %dma_wait3A_181 = arith.constant 0 : i32
        %dma_wait3A_182 = tpu.memref_slice %arg10[%dma_wait3A_180, %dma_wait3A_181] : memref<10240x128xf32, #tpu.memory_space<vmem_shared>> -> memref<10240x128xf32, #tpu.memory_space<vmem_shared>>
        tpu.wait_indirect_dma semaphore(%run_scoped3A_162 : memref<!tpu.dma_semaphore, #tpu.memory_space<semaphore_mem>>) src(%dma_wait3A_176 : memref<64x128xf32, #tpu.memory_space<vmem>>) dst(%dma_wait3A_182 : memref<10240x128xf32, #tpu.memory_space<vmem_shared>>)
        tpu.yield
      }) : () -> ()
      %dma_wait3A_128 = arith.constant 38 : i32
      %dma_wait3A_129 = arith.constant 2 : i32
      %dma_wait3A_130 = arith.constant 2 : i32
      %dma_wait3A_131 = arith.constant 0 : i32
      %dma_wait3A_132 = arith.constant 0 : i32
      %dma_wait3A_133 = tpu.memref_slice %arg8[%dma_wait3A_129, %dma_wait3A_131, %dma_wait3A_132] : memref<4x64x128xf32, #tpu.memory_space<vmem>> -> memref<1x64x128xf32, #tpu.memory_space<vmem>>
      %dma_wait3A_134 = tpu.memref_squeeze %dma_wait3A_133 : memref<1x64x128xf32, #tpu.memory_space<vmem>> -> memref<64x128xf32, #tpu.memory_space<vmem>>
      %dma_wait3A_135 = arith.constant 0 : i32
      %dma_wait3A_136 = tpu.memref_slice %arg6[%dma_wait3A_128, %dma_wait3A_135] : memref<40x64xi32, #tpu.memory_space<vmem>> -> memref<1x64xi32, #tpu.memory_space<vmem>>
      %dma_wait3A_137 = tpu.memref_squeeze %dma_wait3A_136 : memref<1x64xi32, #tpu.memory_space<vmem>> -> memref<64xi32, #tpu.memory_space<vmem>>
      %dma_wait3A_138 = arith.constant 0 : i32
      %dma_wait3A_139 = arith.constant 0 : i32
      %dma_wait3A_140 = tpu.memref_slice %arg2[%dma_wait3A_138, %dma_wait3A_139] : memref<10000x128xf32, #tpu.memory_space<hbm>> -> memref<10000x128xf32, #tpu.memory_space<hbm>>
      %dma_wait3A_141 = tpu.memref_slice %arg9[%dma_wait3A_130] : memref<4x!tpu.dma_semaphore, #tpu.memory_space<semaphore_mem>> -> memref<1x!tpu.dma_semaphore, #tpu.memory_space<semaphore_mem>>
      %dma_wait3A_142 = tpu.memref_squeeze %dma_wait3A_141 : memref<1x!tpu.dma_semaphore, #tpu.memory_space<semaphore_mem>> -> memref<!tpu.dma_semaphore, #tpu.memory_space<semaphore_mem>>
      tpu.wait_indirect_dma semaphore(%dma_wait3A_142 : memref<!tpu.dma_semaphore, #tpu.memory_space<semaphore_mem>>) src(%dma_wait3A_140 : memref<10000x128xf32, #tpu.memory_space<hbm>>) dst(%dma_wait3A_134 : memref<64x128xf32, #tpu.memory_space<vmem>>)
      %run_scoped3A_143 = arith.constant 2 : i32
      %run_scoped3A_144 = arith.constant 38 : i32
      "tpu.region"() ({
        %run_scoped3A_162 = tpu.sem_alloc : memref<!tpu.dma_semaphore, #tpu.memory_space<semaphore_mem>>
        %dma_start3A_163 = arith.constant 0 : i32
        %dma_start3A_164 = arith.constant 0 : i32
        %dma_start3A_165 = tpu.memref_slice %arg8[%run_scoped3A_143, %dma_start3A_163, %dma_start3A_164] : memref<4x64x128xf32, #tpu.memory_space<vmem>> -> memref<1x64x128xf32, #tpu.memory_space<vmem>>
        %dma_start3A_166 = tpu.memref_squeeze %dma_start3A_165 : memref<1x64x128xf32, #tpu.memory_space<vmem>> -> memref<64x128xf32, #tpu.memory_space<vmem>>
        %dma_start3A_167 = arith.constant 0 : i32
        %dma_start3A_168 = tpu.memref_slice %arg7[%run_scoped3A_144, %dma_start3A_167] : memref<40x64xi32, #tpu.memory_space<vmem>> -> memref<1x64xi32, #tpu.memory_space<vmem>>
        %dma_start3A_169 = tpu.memref_squeeze %dma_start3A_168 : memref<1x64xi32, #tpu.memory_space<vmem>> -> memref<64xi32, #tpu.memory_space<vmem>>
        %dma_start3A_170 = arith.constant 0 : i32
        %dma_start3A_171 = arith.constant 0 : i32
        %dma_start3A_172 = tpu.memref_slice %arg10[%dma_start3A_170, %dma_start3A_171] : memref<10240x128xf32, #tpu.memory_space<vmem_shared>> -> memref<10240x128xf32, #tpu.memory_space<vmem_shared>>
        tpu.enqueue_indirect_dma source(%dma_start3A_166 : memref<64x128xf32, #tpu.memory_space<vmem>>) target(%dma_start3A_172 : memref<10240x128xf32, #tpu.memory_space<vmem_shared>>) offsets(%dma_start3A_169 : memref<64xi32, #tpu.memory_space<vmem>>) semaphore(%run_scoped3A_162 : memref<!tpu.dma_semaphore, #tpu.memory_space<semaphore_mem>>) {add = true}
        %dma_wait3A_173 = arith.constant 0 : i32
        %dma_wait3A_174 = arith.constant 0 : i32
        %dma_wait3A_175 = tpu.memref_slice %arg8[%run_scoped3A_143, %dma_wait3A_173, %dma_wait3A_174] : memref<4x64x128xf32, #tpu.memory_space<vmem>> -> memref<1x64x128xf32, #tpu.memory_space<vmem>>
        %dma_wait3A_176 = tpu.memref_squeeze %dma_wait3A_175 : memref<1x64x128xf32, #tpu.memory_space<vmem>> -> memref<64x128xf32, #tpu.memory_space<vmem>>
        %dma_wait3A_177 = arith.constant 0 : i32
        %dma_wait3A_178 = tpu.memref_slice %arg7[%run_scoped3A_144, %dma_wait3A_177] : memref<40x64xi32, #tpu.memory_space<vmem>> -> memref<1x64xi32, #tpu.memory_space<vmem>>
        %dma_wait3A_179 = tpu.memref_squeeze %dma_wait3A_178 : memref<1x64xi32, #tpu.memory_space<vmem>> -> memref<64xi32, #tpu.memory_space<vmem>>
        %dma_wait3A_180 = arith.constant 0 : i32
        %dma_wait3A_181 = arith.constant 0 : i32
        %dma_wait3A_182 = tpu.memref_slice %arg10[%dma_wait3A_180, %dma_wait3A_181] : memref<10240x128xf32, #tpu.memory_space<vmem_shared>> -> memref<10240x128xf32, #tpu.memory_space<vmem_shared>>
        tpu.wait_indirect_dma semaphore(%run_scoped3A_162 : memref<!tpu.dma_semaphore, #tpu.memory_space<semaphore_mem>>) src(%dma_wait3A_176 : memref<64x128xf32, #tpu.memory_space<vmem>>) dst(%dma_wait3A_182 : memref<10240x128xf32, #tpu.memory_space<vmem_shared>>)
        tpu.yield
      }) : () -> ()
      %dma_wait3A_145 = arith.constant 39 : i32
      %dma_wait3A_146 = arith.constant 3 : i32
      %dma_wait3A_147 = arith.constant 3 : i32
      %dma_wait3A_148 = arith.constant 0 : i32
      %dma_wait3A_149 = arith.constant 0 : i32
      %dma_wait3A_150 = tpu.memref_slice %arg8[%dma_wait3A_146, %dma_wait3A_148, %dma_wait3A_149] : memref<4x64x128xf32, #tpu.memory_space<vmem>> -> memref<1x64x128xf32, #tpu.memory_space<vmem>>
      %dma_wait3A_151 = tpu.memref_squeeze %dma_wait3A_150 : memref<1x64x128xf32, #tpu.memory_space<vmem>> -> memref<64x128xf32, #tpu.memory_space<vmem>>
      %dma_wait3A_152 = arith.constant 0 : i32
      %dma_wait3A_153 = tpu.memref_slice %arg6[%dma_wait3A_145, %dma_wait3A_152] : memref<40x64xi32, #tpu.memory_space<vmem>> -> memref<1x64xi32, #tpu.memory_space<vmem>>
      %dma_wait3A_154 = tpu.memref_squeeze %dma_wait3A_153 : memref<1x64xi32, #tpu.memory_space<vmem>> -> memref<64xi32, #tpu.memory_space<vmem>>
      %dma_wait3A_155 = arith.constant 0 : i32
      %dma_wait3A_156 = arith.constant 0 : i32
      %dma_wait3A_157 = tpu.memref_slice %arg2[%dma_wait3A_155, %dma_wait3A_156] : memref<10000x128xf32, #tpu.memory_space<hbm>> -> memref<10000x128xf32, #tpu.memory_space<hbm>>
      %dma_wait3A_158 = tpu.memref_slice %arg9[%dma_wait3A_147] : memref<4x!tpu.dma_semaphore, #tpu.memory_space<semaphore_mem>> -> memref<1x!tpu.dma_semaphore, #tpu.memory_space<semaphore_mem>>
      %dma_wait3A_159 = tpu.memref_squeeze %dma_wait3A_158 : memref<1x!tpu.dma_semaphore, #tpu.memory_space<semaphore_mem>> -> memref<!tpu.dma_semaphore, #tpu.memory_space<semaphore_mem>>
      tpu.wait_indirect_dma semaphore(%dma_wait3A_159 : memref<!tpu.dma_semaphore, #tpu.memory_space<semaphore_mem>>) src(%dma_wait3A_157 : memref<10000x128xf32, #tpu.memory_space<hbm>>) dst(%dma_wait3A_151 : memref<64x128xf32, #tpu.memory_space<vmem>>)
      %run_scoped3A_160 = arith.constant 3 : i32
      %run_scoped3A_161 = arith.constant 39 : i32
      "tpu.region"() ({
        %run_scoped3A_162 = tpu.sem_alloc : memref<!tpu.dma_semaphore, #tpu.memory_space<semaphore_mem>>
        %dma_start3A_163 = arith.constant 0 : i32
        %dma_start3A_164 = arith.constant 0 : i32
        %dma_start3A_165 = tpu.memref_slice %arg8[%run_scoped3A_160, %dma_start3A_163, %dma_start3A_164] : memref<4x64x128xf32, #tpu.memory_space<vmem>> -> memref<1x64x128xf32, #tpu.memory_space<vmem>>
        %dma_start3A_166 = tpu.memref_squeeze %dma_start3A_165 : memref<1x64x128xf32, #tpu.memory_space<vmem>> -> memref<64x128xf32, #tpu.memory_space<vmem>>
        %dma_start3A_167 = arith.constant 0 : i32
        %dma_start3A_168 = tpu.memref_slice %arg7[%run_scoped3A_161, %dma_start3A_167] : memref<40x64xi32, #tpu.memory_space<vmem>> -> memref<1x64xi32, #tpu.memory_space<vmem>>
        %dma_start3A_169 = tpu.memref_squeeze %dma_start3A_168 : memref<1x64xi32, #tpu.memory_space<vmem>> -> memref<64xi32, #tpu.memory_space<vmem>>
        %dma_start3A_170 = arith.constant 0 : i32
        %dma_start3A_171 = arith.constant 0 : i32
        %dma_start3A_172 = tpu.memref_slice %arg10[%dma_start3A_170, %dma_start3A_171] : memref<10240x128xf32, #tpu.memory_space<vmem_shared>> -> memref<10240x128xf32, #tpu.memory_space<vmem_shared>>
        tpu.enqueue_indirect_dma source(%dma_start3A_166 : memref<64x128xf32, #tpu.memory_space<vmem>>) target(%dma_start3A_172 : memref<10240x128xf32, #tpu.memory_space<vmem_shared>>) offsets(%dma_start3A_169 : memref<64xi32, #tpu.memory_space<vmem>>) semaphore(%run_scoped3A_162 : memref<!tpu.dma_semaphore, #tpu.memory_space<semaphore_mem>>) {add = true}
        %dma_wait3A_173 = arith.constant 0 : i32
        %dma_wait3A_174 = arith.constant 0 : i32
        %dma_wait3A_175 = tpu.memref_slice %arg8[%run_scoped3A_160, %dma_wait3A_173, %dma_wait3A_174] : memref<4x64x128xf32, #tpu.memory_space<vmem>> -> memref<1x64x128xf32, #tpu.memory_space<vmem>>
        %dma_wait3A_176 = tpu.memref_squeeze %dma_wait3A_175 : memref<1x64x128xf32, #tpu.memory_space<vmem>> -> memref<64x128xf32, #tpu.memory_space<vmem>>
        %dma_wait3A_177 = arith.constant 0 : i32
        %dma_wait3A_178 = tpu.memref_slice %arg7[%run_scoped3A_161, %dma_wait3A_177] : memref<40x64xi32, #tpu.memory_space<vmem>> -> memref<1x64xi32, #tpu.memory_space<vmem>>
        %dma_wait3A_179 = tpu.memref_squeeze %dma_wait3A_178 : memref<1x64xi32, #tpu.memory_space<vmem>> -> memref<64xi32, #tpu.memory_space<vmem>>
        %dma_wait3A_180 = arith.constant 0 : i32
        %dma_wait3A_181 = arith.constant 0 : i32
        %dma_wait3A_182 = tpu.memref_slice %arg10[%dma_wait3A_180, %dma_wait3A_181] : memref<10240x128xf32, #tpu.memory_space<vmem_shared>> -> memref<10240x128xf32, #tpu.memory_space<vmem_shared>>
        tpu.wait_indirect_dma semaphore(%run_scoped3A_162 : memref<!tpu.dma_semaphore, #tpu.memory_space<semaphore_mem>>) src(%dma_wait3A_176 : memref<64x128xf32, #tpu.memory_space<vmem>>) dst(%dma_wait3A_182 : memref<10240x128xf32, #tpu.memory_space<vmem_shared>>)
        tpu.yield
      }) : () -> ()
    }
    %scan3A_16 = arith.constant 4 : i32
    %barrier3A_17 = arith.constant 0 : index
    tpu.barrier barrier_id(%barrier3A_17)
    %mul3A_18 = arith.constant 640 : i32
    %mul3A_19 = arith.muli %arg1, %mul3A_18 : i32
    %mul3A_20 = arith.constant 640 : i32
    %mul3A_21 = arith.muli %arg1, %mul3A_20 : i32
    "tpu.region"() ({
      %run_scoped3A = tpu.sem_alloc : memref<!tpu.dma_semaphore, #tpu.memory_space<semaphore_mem>>
      %dma_start3A = arith.constant 0 : i32
      %dma_start3A_22 = tpu.memref_slice %arg5[%arg0, %mul3A_21, %dma_start3A] : memref<2x10240x128xf32, #tpu.memory_space<hbm>> -> memref<1x640x128xf32, #tpu.memory_space<hbm>>
      %dma_start3A_23 = tpu.memref_squeeze %dma_start3A_22 : memref<1x640x128xf32, #tpu.memory_space<hbm>> -> memref<640x128xf32, #tpu.memory_space<hbm>>
      %dma_start3A_24 = arith.constant 0 : i32
      %dma_start3A_25 = tpu.memref_slice %arg10[%mul3A_19, %dma_start3A_24] : memref<10240x128xf32, #tpu.memory_space<vmem_shared>> -> memref<640x128xf32, #tpu.memory_space<vmem_shared>>
      tpu.enqueue_dma source(%dma_start3A_25 : memref<640x128xf32, #tpu.memory_space<vmem_shared>>) target(%dma_start3A_23 : memref<640x128xf32, #tpu.memory_space<hbm>>) target_semaphore(%run_scoped3A : memref<!tpu.dma_semaphore, #tpu.memory_space<semaphore_mem>>)
      %dma_wait3A = arith.constant 0 : i32
      %dma_wait3A_26 = tpu.memref_slice %arg5[%arg0, %mul3A_21, %dma_wait3A] : memref<2x10240x128xf32, #tpu.memory_space<hbm>> -> memref<1x640x128xf32, #tpu.memory_space<hbm>>
      %dma_wait3A_27 = tpu.memref_squeeze %dma_wait3A_26 : memref<1x640x128xf32, #tpu.memory_space<hbm>> -> memref<640x128xf32, #tpu.memory_space<hbm>>
      %dma_wait3A_28 = arith.constant 0 : i32
      %dma_wait3A_29 = tpu.memref_slice %arg10[%mul3A_19, %dma_wait3A_28] : memref<10240x128xf32, #tpu.memory_space<vmem_shared>> -> memref<640x128xf32, #tpu.memory_space<vmem_shared>>
      tpu.wait_dma2 semaphore(%run_scoped3A : memref<!tpu.dma_semaphore, #tpu.memory_space<semaphore_mem>>) src(%dma_wait3A_29 : memref<640x128xf32, #tpu.memory_space<vmem_shared>>) dst(%dma_wait3A_27 : memref<640x128xf32, #tpu.memory_space<hbm>>)
      tpu.yield
    }) : () -> ()
    return
  }
}

#map = affine_map<(d0, d1) -> (0, 0)>
#map1 = affine_map<(d0, d1) -> (0, 0, 0)>
module attributes {stable_mosaic.version = 14 : i64} {
  func.func @_sc_agg_body(%arg0: i32, %arg1: i32, %arg2: memref<10000x128xf32, #tpu.memory_space<hbm>>, %arg3: memref<5120x64xi32, #tpu.memory_space<hbm>>, %arg4: memref<5120x64xi32, #tpu.memory_space<hbm>>, %arg5: memref<2x10240x128xf32, #tpu.memory_space<hbm>>, %arg6: memref<40x64xi32, #tpu.memory_space<vmem>>, %arg7: memref<40x64xi32, #tpu.memory_space<vmem>>, %arg8: memref<4x64x128xf32, #tpu.memory_space<vmem>>, %arg9: memref<4x!tpu.dma_semaphore, #tpu.memory_space<semaphore_mem>>, %arg10: memref<10240x128xf32, #tpu.memory_space<vmem_shared>>) attributes {dimension_semantics = [#tpu.dimension_semantics<core_parallel>, #tpu.dimension_semantics<subcore_parallel>], iteration_bounds = array<i64: 2, 16>, scalar_prefetch = 0 : i64, scratch_operands = 5 : i64, tpu.core_type = #tpu.core_type<sc_vector_subcore>, window_params = [{transform_indices = #map}, {transform_indices = #map}, {transform_indices = #map}, {transform_indices = #map1}]} {
    %mul3A = arith.constant 2 : i32
    %mul3A_0 = arith.muli %arg1, %mul3A : i32
    %add3A = arith.addi %mul3A_0, %arg0 : i32
    %scan3A = arith.constant 0 : i32
    %scan3A_1 = arith.constant 0 : i32
    %scan3A_2 = arith.constant 64 : i32
    %scan3A_3 = arith.addi %scan3A_1, %scan3A_2 : i32
    %scan3A_4 = arith.constant 1 : i32
    scf.for %scan3A_22 = %scan3A_1 to %scan3A_3 step %scan3A_4  : i32 {
      %mul3A_23 = arith.constant 1 : i32
      %mul3A_24 = arith.muli %scan3A_22, %mul3A_23 : i32
      %add3A_25 = arith.constant 0 : i32
      %add3A_26 = arith.addi %add3A_25, %mul3A_24 : i32
      %scan3A_27 = arith.constant 0 : i32
      %scan3A_28 = arith.constant 8 : i32
      %scan3A_29 = arith.addi %scan3A_27, %scan3A_28 : i32
      %scan3A_30 = arith.constant 1 : i32
      scf.for %scan3A_32 = %scan3A_27 to %scan3A_29 step %scan3A_30  : i32 {
        %mul3A_33 = arith.constant 16 : i32
        %mul3A_34 = arith.muli %scan3A_32, %mul3A_33 : i32
        %add3A_35 = arith.constant 0 : i32
        %add3A_36 = arith.addi %add3A_35, %mul3A_34 : i32
        %broadcast_in_dim3A = arith.constant 0.000000e+00 : f32
        %broadcast_in_dim3A_37 = vector.broadcast %broadcast_in_dim3A : f32 to vector<16xf32>
        %swap3A = arith.constant 0 : i32
        %swap3A_38 = arith.constant 0 : i32
        %swap3A_39 = tpu.memref_slice %arg8[%scan3A, %swap3A, %swap3A_38] : memref<4x64x128xf32, #tpu.memory_space<vmem>> -> memref<1x64x128xf32, #tpu.memory_space<vmem>>
        %swap3A_40 = tpu.memref_squeeze %swap3A_39 : memref<1x64x128xf32, #tpu.memory_space<vmem>> -> memref<64x128xf32, #tpu.memory_space<vmem>>
        %swap3A_41 = arith.index_cast %add3A_26 : i32 to index
        %swap3A_42 = arith.index_cast %add3A_36 : i32 to index
        %swap3A_43 = tpu.vector_load %swap3A_40[%swap3A_41, %swap3A_42] {strides = array<i32>} : memref<64x128xf32, #tpu.memory_space<vmem>>, vector<1x16xf32>,
        %swap3A_44 = vector.shape_cast %swap3A_43 : vector<1x16xf32> to vector<16xf32>
        %swap3A_45 = vector.shape_cast %broadcast_in_dim3A_37 : vector<16xf32> to vector<1x16xf32>
        tpu.vector_store %swap3A_40[%swap3A_41, %swap3A_42], %swap3A_45 {strides = array<i32>} : memref<64x128xf32, #tpu.memory_space<vmem>>, vector<1x16xf32>,
      }
      %scan3A_31 = arith.constant 8 : i32
    }
    %scan3A_5 = arith.constant 64 : i32
    %scan3A_6 = arith.constant 0 : i32
    %scan3A_7 = arith.constant 0 : i32
    %scan3A_8 = arith.constant 10 : i32
    %scan3A_9 = arith.addi %scan3A_7, %scan3A_8 : i32
    %scan3A_10 = arith.constant 1 : i32
    scf.for %scan3A_22 = %scan3A_7 to %scan3A_9 step %scan3A_10  : i32 {
      %mul3A_23 = arith.constant 1 : i32
      %mul3A_24 = arith.muli %scan3A_22, %mul3A_23 : i32
      %add3A_25 = arith.constant 0 : i32
      %add3A_26 = arith.addi %add3A_25, %mul3A_24 : i32
      %mul3A_27 = arith.constant 640 : i32
      %mul3A_28 = arith.muli %arg1, %mul3A_27 : i32
      %mul3A_29 = arith.constant 64 : i32
      %mul3A_30 = arith.muli %add3A_26, %mul3A_29 : i32
      %add3A_31 = arith.addi %mul3A_28, %mul3A_30 : i32
      "tpu.region"() ({
        %run_scoped3A = tpu.sem_alloc : memref<!tpu.dma_semaphore, #tpu.memory_space<semaphore_mem>>
        %dma_start3A = arith.constant 0 : i32
        %dma_start3A_32 = arith.constant 0 : i32
        %dma_start3A_33 = tpu.memref_slice %arg8[%scan3A_6, %dma_start3A, %dma_start3A_32] : memref<4x64x128xf32, #tpu.memory_space<vmem>> -> memref<1x64x128xf32, #tpu.memory_space<vmem>>
        %dma_start3A_34 = tpu.memref_squeeze %dma_start3A_33 : memref<1x64x128xf32, #tpu.memory_space<vmem>> -> memref<64x128xf32, #tpu.memory_space<vmem>>
        %dma_start3A_35 = arith.constant 0 : i32
        %dma_start3A_36 = tpu.memref_slice %arg10[%add3A_31, %dma_start3A_35] : memref<10240x128xf32, #tpu.memory_space<vmem_shared>> -> memref<64x128xf32, #tpu.memory_space<vmem_shared>>
        %dma_start3A_37 = arith.constant 0 : i32
        %dma_start3A_38 = tpu.memref_slice %arg10[%add3A_31, %dma_start3A_37] : memref<10240x128xf32, #tpu.memory_space<vmem_shared>> -> memref<64x128xf32, #tpu.memory_space<vmem_shared>>
        %dma_start3A_39 = arith.constant 0 : i32
        %dma_start3A_40 = arith.constant 0 : i32
        %dma_start3A_41 = tpu.memref_slice %arg8[%scan3A_6, %dma_start3A_39, %dma_start3A_40] : memref<4x64x128xf32, #tpu.memory_space<vmem>> -> memref<1x64x128xf32, #tpu.memory_space<vmem>>
        %dma_start3A_42 = tpu.memref_squeeze %dma_start3A_41 : memref<1x64x128xf32, #tpu.memory_space<vmem>> -> memref<64x128xf32, #tpu.memory_space<vmem>>
        tpu.enqueue_dma source(%dma_start3A_42 : memref<64x128xf32, #tpu.memory_space<vmem>>) target(%dma_start3A_38 : memref<64x128xf32, #tpu.memory_space<vmem_shared>>) target_semaphore(%run_scoped3A : memref<!tpu.dma_semaphore, #tpu.memory_space<semaphore_mem>>)
        %dma_wait3A = arith.constant 0 : i32
        %dma_wait3A_43 = arith.constant 0 : i32
        %dma_wait3A_44 = tpu.memref_slice %arg8[%scan3A_6, %dma_wait3A, %dma_wait3A_43] : memref<4x64x128xf32, #tpu.memory_space<vmem>> -> memref<1x64x128xf32, #tpu.memory_space<vmem>>
        %dma_wait3A_45 = tpu.memref_squeeze %dma_wait3A_44 : memref<1x64x128xf32, #tpu.memory_space<vmem>> -> memref<64x128xf32, #tpu.memory_space<vmem>>
        %dma_wait3A_46 = arith.constant 0 : i32
        %dma_wait3A_47 = tpu.memref_slice %arg10[%add3A_31, %dma_wait3A_46] : memref<10240x128xf32, #tpu.memory_space<vmem_shared>> -> memref<64x128xf32, #tpu.memory_space<vmem_shared>>
        %dma_wait3A_48 = arith.constant 0 : i32
        %dma_wait3A_49 = tpu.memref_slice %arg10[%add3A_31, %dma_wait3A_48] : memref<10240x128xf32, #tpu.memory_space<vmem_shared>> -> memref<64x128xf32, #tpu.memory_space<vmem_shared>>
        %dma_wait3A_50 = arith.constant 0 : i32
        %dma_wait3A_51 = arith.constant 0 : i32
        %dma_wait3A_52 = tpu.memref_slice %arg8[%scan3A_6, %dma_wait3A_50, %dma_wait3A_51] : memref<4x64x128xf32, #tpu.memory_space<vmem>> -> memref<1x64x128xf32, #tpu.memory_space<vmem>>
        %dma_wait3A_53 = tpu.memref_squeeze %dma_wait3A_52 : memref<1x64x128xf32, #tpu.memory_space<vmem>> -> memref<64x128xf32, #tpu.memory_space<vmem>>
        tpu.wait_dma2 semaphore(%run_scoped3A : memref<!tpu.dma_semaphore, #tpu.memory_space<semaphore_mem>>) src(%dma_wait3A_53 : memref<64x128xf32, #tpu.memory_space<vmem>>) dst(%dma_wait3A_49 : memref<64x128xf32, #tpu.memory_space<vmem_shared>>)
        tpu.yield
      }) : () -> ()
    }
    %scan3A_11 = arith.constant 10 : i32
    %barrier3A = arith.constant 0 : index
    tpu.barrier barrier_id(%barrier3A)
    %scan3A_12 = arith.constant 0 : i32
    %scan3A_13 = arith.constant 4 : i32
    %scan3A_14 = arith.addi %scan3A_12, %scan3A_13 : i32
    %scan3A_15 = arith.constant 1 : i32
    scf.for %scan3A_22 = %scan3A_12 to %scan3A_14 step %scan3A_15  : i32 {
      %mul3A_23 = arith.constant 1 : i32
      %mul3A_24 = arith.muli %scan3A_22, %mul3A_23 : i32
      %add3A_25 = arith.constant 0 : i32
      %add3A_26 = arith.addi %add3A_25, %mul3A_24 : i32
      %mul3A_27 = arith.constant 160 : i32
      %mul3A_28 = arith.muli %add3A, %mul3A_27 : i32
      %mul3A_29 = arith.constant 40 : i32
      %mul3A_30 = arith.muli %add3A_26, %mul3A_29 : i32
      %add3A_31 = arith.addi %mul3A_28, %mul3A_30 : i32
      "tpu.region"() ({
        %run_scoped3A_162 = tpu.sem_alloc : memref<!tpu.dma_semaphore, #tpu.memory_space<semaphore_mem>>
        %dma_start3A_163 = arith.constant 0 : i32
        %dma_start3A_164 = tpu.memref_slice %arg3[%add3A_31, %dma_start3A_163] : memref<5120x64xi32, #tpu.memory_space<hbm>> -> memref<40x64xi32, #tpu.memory_space<hbm>>
        %dma_start3A_165 = arith.constant 0 : i32
        %dma_start3A_166 = tpu.memref_slice %arg3[%add3A_31, %dma_start3A_165] : memref<5120x64xi32, #tpu.memory_space<hbm>> -> memref<40x64xi32, #tpu.memory_space<hbm>>
        tpu.enqueue_dma source(%dma_start3A_166 : memref<40x64xi32, #tpu.memory_space<hbm>>) target(%arg6 : memref<40x64xi32, #tpu.memory_space<vmem>>) target_semaphore(%run_scoped3A_162 : memref<!tpu.dma_semaphore, #tpu.memory_space<semaphore_mem>>)
        %dma_wait3A_167 = arith.constant 0 : i32
        %dma_wait3A_168 = tpu.memref_slice %arg3[%add3A_31, %dma_wait3A_167] : memref<5120x64xi32, #tpu.memory_space<hbm>> -> memref<40x64xi32, #tpu.memory_space<hbm>>
        %dma_wait3A_169 = arith.constant 0 : i32
        %dma_wait3A_170 = tpu.memref_slice %arg3[%add3A_31, %dma_wait3A_169] : memref<5120x64xi32, #tpu.memory_space<hbm>> -> memref<40x64xi32, #tpu.memory_space<hbm>>
        tpu.wait_dma2 semaphore(%run_scoped3A_162 : memref<!tpu.dma_semaphore, #tpu.memory_space<semaphore_mem>>) src(%dma_wait3A_170 : memref<40x64xi32, #tpu.memory_space<hbm>>) dst(%arg6 : memref<40x64xi32, #tpu.memory_space<vmem>>)
        tpu.yield
      }) : () -> ()
      "tpu.region"() ({
        %run_scoped3A_162 = tpu.sem_alloc : memref<!tpu.dma_semaphore, #tpu.memory_space<semaphore_mem>>
        %dma_start3A_163 = arith.constant 0 : i32
        %dma_start3A_164 = tpu.memref_slice %arg4[%add3A_31, %dma_start3A_163] : memref<5120x64xi32, #tpu.memory_space<hbm>> -> memref<40x64xi32, #tpu.memory_space<hbm>>
        %dma_start3A_165 = arith.constant 0 : i32
        %dma_start3A_166 = tpu.memref_slice %arg4[%add3A_31, %dma_start3A_165] : memref<5120x64xi32, #tpu.memory_space<hbm>> -> memref<40x64xi32, #tpu.memory_space<hbm>>
        tpu.enqueue_dma source(%dma_start3A_166 : memref<40x64xi32, #tpu.memory_space<hbm>>) target(%arg7 : memref<40x64xi32, #tpu.memory_space<vmem>>) target_semaphore(%run_scoped3A_162 : memref<!tpu.dma_semaphore, #tpu.memory_space<semaphore_mem>>)
        %dma_wait3A_167 = arith.constant 0 : i32
        %dma_wait3A_168 = tpu.memref_slice %arg4[%add3A_31, %dma_wait3A_167] : memref<5120x64xi32, #tpu.memory_space<hbm>> -> memref<40x64xi32, #tpu.memory_space<hbm>>
        %dma_wait3A_169 = arith.constant 0 : i32
        %dma_wait3A_170 = tpu.memref_slice %arg4[%add3A_31, %dma_wait3A_169] : memref<5120x64xi32, #tpu.memory_space<hbm>> -> memref<40x64xi32, #tpu.memory_space<hbm>>
        tpu.wait_dma2 semaphore(%run_scoped3A_162 : memref<!tpu.dma_semaphore, #tpu.memory_space<semaphore_mem>>) src(%dma_wait3A_170 : memref<40x64xi32, #tpu.memory_space<hbm>>) dst(%arg7 : memref<40x64xi32, #tpu.memory_space<vmem>>)
        tpu.yield
      }) : () -> ()
      %dma_start3A = arith.constant 0 : i32
      %dma_start3A_32 = arith.constant 0 : i32
      %dma_start3A_33 = arith.constant 0 : i32
      %dma_start3A_34 = arith.constant 0 : i32
      %dma_start3A_35 = arith.constant 0 : i32
      %dma_start3A_36 = tpu.memref_slice %arg8[%dma_start3A_32, %dma_start3A_34, %dma_start3A_35] : memref<4x64x128xf32, #tpu.memory_space<vmem>> -> memref<1x64x128xf32, #tpu.memory_space<vmem>>
      %dma_start3A_37 = tpu.memref_squeeze %dma_start3A_36 : memref<1x64x128xf32, #tpu.memory_space<vmem>> -> memref<64x128xf32, #tpu.memory_space<vmem>>
      %dma_start3A_38 = arith.constant 0 : i32
      %dma_start3A_39 = tpu.memref_slice %arg6[%dma_start3A, %dma_start3A_38] : memref<40x64xi32, #tpu.memory_space<vmem>> -> memref<1x64xi32, #tpu.memory_space<vmem>>
      %dma_start3A_40 = tpu.memref_squeeze %dma_start3A_39 : memref<1x64xi32, #tpu.memory_space<vmem>> -> memref<64xi32, #tpu.memory_space<vmem>>
      %dma_start3A_41 = arith.constant 0 : i32
      %dma_start3A_42 = arith.constant 0 : i32
      %dma_start3A_43 = tpu.memref_slice %arg2[%dma_start3A_41, %dma_start3A_42] : memref<10000x128xf32, #tpu.memory_space<hbm>> -> memref<10000x128xf32, #tpu.memory_space<hbm>>
      %dma_start3A_44 = tpu.memref_slice %arg9[%dma_start3A_33] : memref<4x!tpu.dma_semaphore, #tpu.memory_space<semaphore_mem>> -> memref<1x!tpu.dma_semaphore, #tpu.memory_space<semaphore_mem>>
      %dma_start3A_45 = tpu.memref_squeeze %dma_start3A_44 : memref<1x!tpu.dma_semaphore, #tpu.memory_space<semaphore_mem>> -> memref<!tpu.dma_semaphore, #tpu.memory_space<semaphore_mem>>
      tpu.enqueue_indirect_dma source(%dma_start3A_43 : memref<10000x128xf32, #tpu.memory_space<hbm>>) target(%dma_start3A_37 : memref<64x128xf32, #tpu.memory_space<vmem>>) offsets(%dma_start3A_40 : memref<64xi32, #tpu.memory_space<vmem>>) semaphore(%dma_start3A_45 : memref<!tpu.dma_semaphore, #tpu.memory_space<semaphore_mem>>)
      %dma_start3A_46 = arith.constant 1 : i32
      %dma_start3A_47 = arith.constant 1 : i32
      %dma_start3A_48 = arith.constant 1 : i32
      %dma_start3A_49 = arith.constant 0 : i32
      %dma_start3A_50 = arith.constant 0 : i32
      %dma_start3A_51 = tpu.memref_slice %arg8[%dma_start3A_47, %dma_start3A_49, %dma_start3A_50] : memref<4x64x128xf32, #tpu.memory_space<vmem>> -> memref<1x64x128xf32, #tpu.memory_space<vmem>>
      %dma_start3A_52 = tpu.memref_squeeze %dma_start3A_51 : memref<1x64x128xf32, #tpu.memory_space<vmem>> -> memref<64x128xf32, #tpu.memory_space<vmem>>
      %dma_start3A_53 = arith.constant 0 : i32
      %dma_start3A_54 = tpu.memref_slice %arg6[%dma_start3A_46, %dma_start3A_53] : memref<40x64xi32, #tpu.memory_space<vmem>> -> memref<1x64xi32, #tpu.memory_space<vmem>>
      %dma_start3A_55 = tpu.memref_squeeze %dma_start3A_54 : memref<1x64xi32, #tpu.memory_space<vmem>> -> memref<64xi32, #tpu.memory_space<vmem>>
      %dma_start3A_56 = arith.constant 0 : i32
      %dma_start3A_57 = arith.constant 0 : i32
      %dma_start3A_58 = tpu.memref_slice %arg2[%dma_start3A_56, %dma_start3A_57] : memref<10000x128xf32, #tpu.memory_space<hbm>> -> memref<10000x128xf32, #tpu.memory_space<hbm>>
      %dma_start3A_59 = tpu.memref_slice %arg9[%dma_start3A_48] : memref<4x!tpu.dma_semaphore, #tpu.memory_space<semaphore_mem>> -> memref<1x!tpu.dma_semaphore, #tpu.memory_space<semaphore_mem>>
      %dma_start3A_60 = tpu.memref_squeeze %dma_start3A_59 : memref<1x!tpu.dma_semaphore, #tpu.memory_space<semaphore_mem>> -> memref<!tpu.dma_semaphore, #tpu.memory_space<semaphore_mem>>
      tpu.enqueue_indirect_dma source(%dma_start3A_58 : memref<10000x128xf32, #tpu.memory_space<hbm>>) target(%dma_start3A_52 : memref<64x128xf32, #tpu.memory_space<vmem>>) offsets(%dma_start3A_55 : memref<64xi32, #tpu.memory_space<vmem>>) semaphore(%dma_start3A_60 : memref<!tpu.dma_semaphore, #tpu.memory_space<semaphore_mem>>)
      %dma_start3A_61 = arith.constant 2 : i32
      %dma_start3A_62 = arith.constant 2 : i32
      %dma_start3A_63 = arith.constant 2 : i32
      %dma_start3A_64 = arith.constant 0 : i32
      %dma_start3A_65 = arith.constant 0 : i32
      %dma_start3A_66 = tpu.memref_slice %arg8[%dma_start3A_62, %dma_start3A_64, %dma_start3A_65] : memref<4x64x128xf32, #tpu.memory_space<vmem>> -> memref<1x64x128xf32, #tpu.memory_space<vmem>>
      %dma_start3A_67 = tpu.memref_squeeze %dma_start3A_66 : memref<1x64x128xf32, #tpu.memory_space<vmem>> -> memref<64x128xf32, #tpu.memory_space<vmem>>
      %dma_start3A_68 = arith.constant 0 : i32
      %dma_start3A_69 = tpu.memref_slice %arg6[%dma_start3A_61, %dma_start3A_68] : memref<40x64xi32, #tpu.memory_space<vmem>> -> memref<1x64xi32, #tpu.memory_space<vmem>>
      %dma_start3A_70 = tpu.memref_squeeze %dma_start3A_69 : memref<1x64xi32, #tpu.memory_space<vmem>> -> memref<64xi32, #tpu.memory_space<vmem>>
      %dma_start3A_71 = arith.constant 0 : i32
      %dma_start3A_72 = arith.constant 0 : i32
      %dma_start3A_73 = tpu.memref_slice %arg2[%dma_start3A_71, %dma_start3A_72] : memref<10000x128xf32, #tpu.memory_space<hbm>> -> memref<10000x128xf32, #tpu.memory_space<hbm>>
      %dma_start3A_74 = tpu.memref_slice %arg9[%dma_start3A_63] : memref<4x!tpu.dma_semaphore, #tpu.memory_space<semaphore_mem>> -> memref<1x!tpu.dma_semaphore, #tpu.memory_space<semaphore_mem>>
      %dma_start3A_75 = tpu.memref_squeeze %dma_start3A_74 : memref<1x!tpu.dma_semaphore, #tpu.memory_space<semaphore_mem>> -> memref<!tpu.dma_semaphore, #tpu.memory_space<semaphore_mem>>
      tpu.enqueue_indirect_dma source(%dma_start3A_73 : memref<10000x128xf32, #tpu.memory_space<hbm>>) target(%dma_start3A_67 : memref<64x128xf32, #tpu.memory_space<vmem>>) offsets(%dma_start3A_70 : memref<64xi32, #tpu.memory_space<vmem>>) semaphore(%dma_start3A_75 : memref<!tpu.dma_semaphore, #tpu.memory_space<semaphore_mem>>)
      %dma_start3A_76 = arith.constant 3 : i32
      %dma_start3A_77 = arith.constant 3 : i32
      %dma_start3A_78 = arith.constant 3 : i32
      %dma_start3A_79 = arith.constant 0 : i32
      %dma_start3A_80 = arith.constant 0 : i32
      %dma_start3A_81 = tpu.memref_slice %arg8[%dma_start3A_77, %dma_start3A_79, %dma_start3A_80] : memref<4x64x128xf32, #tpu.memory_space<vmem>> -> memref<1x64x128xf32, #tpu.memory_space<vmem>>
      %dma_start3A_82 = tpu.memref_squeeze %dma_start3A_81 : memref<1x64x128xf32, #tpu.memory_space<vmem>> -> memref<64x128xf32, #tpu.memory_space<vmem>>
      %dma_start3A_83 = arith.constant 0 : i32
      %dma_start3A_84 = tpu.memref_slice %arg6[%dma_start3A_76, %dma_start3A_83] : memref<40x64xi32, #tpu.memory_space<vmem>> -> memref<1x64xi32, #tpu.memory_space<vmem>>
      %dma_start3A_85 = tpu.memref_squeeze %dma_start3A_84 : memref<1x64xi32, #tpu.memory_space<vmem>> -> memref<64xi32, #tpu.memory_space<vmem>>
      %dma_start3A_86 = arith.constant 0 : i32
      %dma_start3A_87 = arith.constant 0 : i32
      %dma_start3A_88 = tpu.memref_slice %arg2[%dma_start3A_86, %dma_start3A_87] : memref<10000x128xf32, #tpu.memory_space<hbm>> -> memref<10000x128xf32, #tpu.memory_space<hbm>>
      %dma_start3A_89 = tpu.memref_slice %arg9[%dma_start3A_78] : memref<4x!tpu.dma_semaphore, #tpu.memory_space<semaphore_mem>> -> memref<1x!tpu.dma_semaphore, #tpu.memory_space<semaphore_mem>>
      %dma_start3A_90 = tpu.memref_squeeze %dma_start3A_89 : memref<1x!tpu.dma_semaphore, #tpu.memory_space<semaphore_mem>> -> memref<!tpu.dma_semaphore, #tpu.memory_space<semaphore_mem>>
      tpu.enqueue_indirect_dma source(%dma_start3A_88 : memref<10000x128xf32, #tpu.memory_space<hbm>>) target(%dma_start3A_82 : memref<64x128xf32, #tpu.memory_space<vmem>>) offsets(%dma_start3A_85 : memref<64xi32, #tpu.memory_space<vmem>>) semaphore(%dma_start3A_90 : memref<!tpu.dma_semaphore, #tpu.memory_space<semaphore_mem>>)
      %scan3A_91 = arith.constant 0 : i32
      %scan3A_92 = arith.constant 9 : i32
      %scan3A_93 = arith.addi %scan3A_91, %scan3A_92 : i32
      %scan3A_94 = arith.constant 1 : i32
      scf.for %scan3A_162 = %scan3A_91 to %scan3A_93 step %scan3A_94  : i32 {
        %mul3A_163 = arith.constant 4 : i32
        %mul3A_164 = arith.muli %scan3A_162, %mul3A_163 : i32
        %add3A_165 = arith.constant 0 : i32
        %add3A_166 = arith.addi %add3A_165, %mul3A_164 : i32
        %add3A_167 = arith.constant 0 : i32
        %add3A_168 = arith.addi %add3A_166, %add3A_167 : i32
        %dma_wait3A_169 = arith.constant 0 : i32
        %dma_wait3A_170 = arith.constant 0 : i32
        %dma_wait3A_171 = arith.constant 0 : i32
        %dma_wait3A_172 = arith.constant 0 : i32
        %dma_wait3A_173 = tpu.memref_slice %arg8[%dma_wait3A_169, %dma_wait3A_171, %dma_wait3A_172] : memref<4x64x128xf32, #tpu.memory_space<vmem>> -> memref<1x64x128xf32, #tpu.memory_space<vmem>>
        %dma_wait3A_174 = tpu.memref_squeeze %dma_wait3A_173 : memref<1x64x128xf32, #tpu.memory_space<vmem>> -> memref<64x128xf32, #tpu.memory_space<vmem>>
        %dma_wait3A_175 = arith.constant 0 : i32
        %dma_wait3A_176 = tpu.memref_slice %arg6[%add3A_168, %dma_wait3A_175] : memref<40x64xi32, #tpu.memory_space<vmem>> -> memref<1x64xi32, #tpu.memory_space<vmem>>
        %dma_wait3A_177 = tpu.memref_squeeze %dma_wait3A_176 : memref<1x64xi32, #tpu.memory_space<vmem>> -> memref<64xi32, #tpu.memory_space<vmem>>
        %dma_wait3A_178 = arith.constant 0 : i32
        %dma_wait3A_179 = arith.constant 0 : i32
        %dma_wait3A_180 = tpu.memref_slice %arg2[%dma_wait3A_178, %dma_wait3A_179] : memref<10000x128xf32, #tpu.memory_space<hbm>> -> memref<10000x128xf32, #tpu.memory_space<hbm>>
        %dma_wait3A_181 = tpu.memref_slice %arg9[%dma_wait3A_170] : memref<4x!tpu.dma_semaphore, #tpu.memory_space<semaphore_mem>> -> memref<1x!tpu.dma_semaphore, #tpu.memory_space<semaphore_mem>>
        %dma_wait3A_182 = tpu.memref_squeeze %dma_wait3A_181 : memref<1x!tpu.dma_semaphore, #tpu.memory_space<semaphore_mem>> -> memref<!tpu.dma_semaphore, #tpu.memory_space<semaphore_mem>>
        tpu.wait_indirect_dma semaphore(%dma_wait3A_182 : memref<!tpu.dma_semaphore, #tpu.memory_space<semaphore_mem>>) src(%dma_wait3A_180 : memref<10000x128xf32, #tpu.memory_space<hbm>>) dst(%dma_wait3A_174 : memref<64x128xf32, #tpu.memory_space<vmem>>)
        %run_scoped3A_183 = arith.constant 0 : i32
        "tpu.region"() ({
          %run_scoped3A_299 = tpu.sem_alloc : memref<!tpu.dma_semaphore, #tpu.memory_space<semaphore_mem>>
          %dma_start3A_300 = arith.constant 0 : i32
          %dma_start3A_301 = arith.constant 0 : i32
          %dma_start3A_302 = tpu.memref_slice %arg8[%run_scoped3A_183, %dma_start3A_300, %dma_start3A_301] : memref<4x64x128xf32, #tpu.memory_space<vmem>> -> memref<1x64x128xf32, #tpu.memory_space<vmem>>
          %dma_start3A_303 = tpu.memref_squeeze %dma_start3A_302 : memref<1x64x128xf32, #tpu.memory_space<vmem>> -> memref<64x128xf32, #tpu.memory_space<vmem>>
          %dma_start3A_304 = arith.constant 0 : i32
          %dma_start3A_305 = tpu.memref_slice %arg7[%add3A_168, %dma_start3A_304] : memref<40x64xi32, #tpu.memory_space<vmem>> -> memref<1x64xi32, #tpu.memory_space<vmem>>
          %dma_start3A_306 = tpu.memref_squeeze %dma_start3A_305 : memref<1x64xi32, #tpu.memory_space<vmem>> -> memref<64xi32, #tpu.memory_space<vmem>>
          %dma_start3A_307 = arith.constant 0 : i32
          %dma_start3A_308 = arith.constant 0 : i32
          %dma_start3A_309 = tpu.memref_slice %arg10[%dma_start3A_307, %dma_start3A_308] : memref<10240x128xf32, #tpu.memory_space<vmem_shared>> -> memref<10240x128xf32, #tpu.memory_space<vmem_shared>>
          tpu.enqueue_indirect_dma source(%dma_start3A_303 : memref<64x128xf32, #tpu.memory_space<vmem>>) target(%dma_start3A_309 : memref<10240x128xf32, #tpu.memory_space<vmem_shared>>) offsets(%dma_start3A_306 : memref<64xi32, #tpu.memory_space<vmem>>) semaphore(%run_scoped3A_299 : memref<!tpu.dma_semaphore, #tpu.memory_space<semaphore_mem>>) {add = true}
          %dma_wait3A_310 = arith.constant 0 : i32
          %dma_wait3A_311 = arith.constant 0 : i32
          %dma_wait3A_312 = tpu.memref_slice %arg8[%run_scoped3A_183, %dma_wait3A_310, %dma_wait3A_311] : memref<4x64x128xf32, #tpu.memory_space<vmem>> -> memref<1x64x128xf32, #tpu.memory_space<vmem>>
          %dma_wait3A_313 = tpu.memref_squeeze %dma_wait3A_312 : memref<1x64x128xf32, #tpu.memory_space<vmem>> -> memref<64x128xf32, #tpu.memory_space<vmem>>
          %dma_wait3A_314 = arith.constant 0 : i32
          %dma_wait3A_315 = tpu.memref_slice %arg7[%add3A_168, %dma_wait3A_314] : memref<40x64xi32, #tpu.memory_space<vmem>> -> memref<1x64xi32, #tpu.memory_space<vmem>>
          %dma_wait3A_316 = tpu.memref_squeeze %dma_wait3A_315 : memref<1x64xi32, #tpu.memory_space<vmem>> -> memref<64xi32, #tpu.memory_space<vmem>>
          %dma_wait3A_317 = arith.constant 0 : i32
          %dma_wait3A_318 = arith.constant 0 : i32
          %dma_wait3A_319 = tpu.memref_slice %arg10[%dma_wait3A_317, %dma_wait3A_318] : memref<10240x128xf32, #tpu.memory_space<vmem_shared>> -> memref<10240x128xf32, #tpu.memory_space<vmem_shared>>
          tpu.wait_indirect_dma semaphore(%run_scoped3A_299 : memref<!tpu.dma_semaphore, #tpu.memory_space<semaphore_mem>>) src(%dma_wait3A_313 : memref<64x128xf32, #tpu.memory_space<vmem>>) dst(%dma_wait3A_319 : memref<10240x128xf32, #tpu.memory_space<vmem_shared>>)
          tpu.yield
        }) : () -> ()
        %add3A_184 = arith.constant 4 : i32
        %add3A_185 = arith.addi %add3A_168, %add3A_184 : i32
        %dma_start3A_186 = arith.constant 0 : i32
        %dma_start3A_187 = arith.constant 0 : i32
        %dma_start3A_188 = arith.constant 0 : i32
        %dma_start3A_189 = arith.constant 0 : i32
        %dma_start3A_190 = tpu.memref_slice %arg8[%dma_start3A_186, %dma_start3A_188, %dma_start3A_189] : memref<4x64x128xf32, #tpu.memory_space<vmem>> -> memref<1x64x128xf32, #tpu.memory_space<vmem>>
        %dma_start3A_191 = tpu.memref_squeeze %dma_start3A_190 : memref<1x64x128xf32, #tpu.memory_space<vmem>> -> memref<64x128xf32, #tpu.memory_space<vmem>>
        %dma_start3A_192 = arith.constant 0 : i32
        %dma_start3A_193 = tpu.memref_slice %arg6[%add3A_185, %dma_start3A_192] : memref<40x64xi32, #tpu.memory_space<vmem>> -> memref<1x64xi32, #tpu.memory_space<vmem>>
        %dma_start3A_194 = tpu.memref_squeeze %dma_start3A_193 : memref<1x64xi32, #tpu.memory_space<vmem>> -> memref<64xi32, #tpu.memory_space<vmem>>
        %dma_start3A_195 = arith.constant 0 : i32
        %dma_start3A_196 = arith.constant 0 : i32
        %dma_start3A_197 = tpu.memref_slice %arg2[%dma_start3A_195, %dma_start3A_196] : memref<10000x128xf32, #tpu.memory_space<hbm>> -> memref<10000x128xf32, #tpu.memory_space<hbm>>
        %dma_start3A_198 = tpu.memref_slice %arg9[%dma_start3A_187] : memref<4x!tpu.dma_semaphore, #tpu.memory_space<semaphore_mem>> -> memref<1x!tpu.dma_semaphore, #tpu.memory_space<semaphore_mem>>
        %dma_start3A_199 = tpu.memref_squeeze %dma_start3A_198 : memref<1x!tpu.dma_semaphore, #tpu.memory_space<semaphore_mem>> -> memref<!tpu.dma_semaphore, #tpu.memory_space<semaphore_mem>>
        tpu.enqueue_indirect_dma source(%dma_start3A_197 : memref<10000x128xf32, #tpu.memory_space<hbm>>) target(%dma_start3A_191 : memref<64x128xf32, #tpu.memory_space<vmem>>) offsets(%dma_start3A_194 : memref<64xi32, #tpu.memory_space<vmem>>) semaphore(%dma_start3A_199 : memref<!tpu.dma_semaphore, #tpu.memory_space<semaphore_mem>>)
        %add3A_200 = arith.constant 1 : i32
        %add3A_201 = arith.addi %add3A_166, %add3A_200 : i32
        %dma_wait3A_202 = arith.constant 1 : i32
        %dma_wait3A_203 = arith.constant 1 : i32
        %dma_wait3A_204 = arith.constant 0 : i32
        %dma_wait3A_205 = arith.constant 0 : i32
        %dma_wait3A_206 = tpu.memref_slice %arg8[%dma_wait3A_202, %dma_wait3A_204, %dma_wait3A_205] : memref<4x64x128xf32, #tpu.memory_space<vmem>> -> memref<1x64x128xf32, #tpu.memory_space<vmem>>
        %dma_wait3A_207 = tpu.memref_squeeze %dma_wait3A_206 : memref<1x64x128xf32, #tpu.memory_space<vmem>> -> memref<64x128xf32, #tpu.memory_space<vmem>>
        %dma_wait3A_208 = arith.constant 0 : i32
        %dma_wait3A_209 = tpu.memref_slice %arg6[%add3A_201, %dma_wait3A_208] : memref<40x64xi32, #tpu.memory_space<vmem>> -> memref<1x64xi32, #tpu.memory_space<vmem>>
        %dma_wait3A_210 = tpu.memref_squeeze %dma_wait3A_209 : memref<1x64xi32, #tpu.memory_space<vmem>> -> memref<64xi32, #tpu.memory_space<vmem>>
        %dma_wait3A_211 = arith.constant 0 : i32
        %dma_wait3A_212 = arith.constant 0 : i32
        %dma_wait3A_213 = tpu.memref_slice %arg2[%dma_wait3A_211, %dma_wait3A_212] : memref<10000x128xf32, #tpu.memory_space<hbm>> -> memref<10000x128xf32, #tpu.memory_space<hbm>>
        %dma_wait3A_214 = tpu.memref_slice %arg9[%dma_wait3A_203] : memref<4x!tpu.dma_semaphore, #tpu.memory_space<semaphore_mem>> -> memref<1x!tpu.dma_semaphore, #tpu.memory_space<semaphore_mem>>
        %dma_wait3A_215 = tpu.memref_squeeze %dma_wait3A_214 : memref<1x!tpu.dma_semaphore, #tpu.memory_space<semaphore_mem>> -> memref<!tpu.dma_semaphore, #tpu.memory_space<semaphore_mem>>
        tpu.wait_indirect_dma semaphore(%dma_wait3A_215 : memref<!tpu.dma_semaphore, #tpu.memory_space<semaphore_mem>>) src(%dma_wait3A_213 : memref<10000x128xf32, #tpu.memory_space<hbm>>) dst(%dma_wait3A_207 : memref<64x128xf32, #tpu.memory_space<vmem>>)
        %run_scoped3A_216 = arith.constant 1 : i32
        "tpu.region"() ({
          %run_scoped3A_299 = tpu.sem_alloc : memref<!tpu.dma_semaphore, #tpu.memory_space<semaphore_mem>>
          %dma_start3A_300 = arith.constant 0 : i32
          %dma_start3A_301 = arith.constant 0 : i32
          %dma_start3A_302 = tpu.memref_slice %arg8[%run_scoped3A_216, %dma_start3A_300, %dma_start3A_301] : memref<4x64x128xf32, #tpu.memory_space<vmem>> -> memref<1x64x128xf32, #tpu.memory_space<vmem>>
          %dma_start3A_303 = tpu.memref_squeeze %dma_start3A_302 : memref<1x64x128xf32, #tpu.memory_space<vmem>> -> memref<64x128xf32, #tpu.memory_space<vmem>>
          %dma_start3A_304 = arith.constant 0 : i32
          %dma_start3A_305 = tpu.memref_slice %arg7[%add3A_201, %dma_start3A_304] : memref<40x64xi32, #tpu.memory_space<vmem>> -> memref<1x64xi32, #tpu.memory_space<vmem>>
          %dma_start3A_306 = tpu.memref_squeeze %dma_start3A_305 : memref<1x64xi32, #tpu.memory_space<vmem>> -> memref<64xi32, #tpu.memory_space<vmem>>
          %dma_start3A_307 = arith.constant 0 : i32
          %dma_start3A_308 = arith.constant 0 : i32
          %dma_start3A_309 = tpu.memref_slice %arg10[%dma_start3A_307, %dma_start3A_308] : memref<10240x128xf32, #tpu.memory_space<vmem_shared>> -> memref<10240x128xf32, #tpu.memory_space<vmem_shared>>
          tpu.enqueue_indirect_dma source(%dma_start3A_303 : memref<64x128xf32, #tpu.memory_space<vmem>>) target(%dma_start3A_309 : memref<10240x128xf32, #tpu.memory_space<vmem_shared>>) offsets(%dma_start3A_306 : memref<64xi32, #tpu.memory_space<vmem>>) semaphore(%run_scoped3A_299 : memref<!tpu.dma_semaphore, #tpu.memory_space<semaphore_mem>>) {add = true}
          %dma_wait3A_310 = arith.constant 0 : i32
          %dma_wait3A_311 = arith.constant 0 : i32
          %dma_wait3A_312 = tpu.memref_slice %arg8[%run_scoped3A_216, %dma_wait3A_310, %dma_wait3A_311] : memref<4x64x128xf32, #tpu.memory_space<vmem>> -> memref<1x64x128xf32, #tpu.memory_space<vmem>>
          %dma_wait3A_313 = tpu.memref_squeeze %dma_wait3A_312 : memref<1x64x128xf32, #tpu.memory_space<vmem>> -> memref<64x128xf32, #tpu.memory_space<vmem>>
          %dma_wait3A_314 = arith.constant 0 : i32
          %dma_wait3A_315 = tpu.memref_slice %arg7[%add3A_201, %dma_wait3A_314] : memref<40x64xi32, #tpu.memory_space<vmem>> -> memref<1x64xi32, #tpu.memory_space<vmem>>
          %dma_wait3A_316 = tpu.memref_squeeze %dma_wait3A_315 : memref<1x64xi32, #tpu.memory_space<vmem>> -> memref<64xi32, #tpu.memory_space<vmem>>
          %dma_wait3A_317 = arith.constant 0 : i32
          %dma_wait3A_318 = arith.constant 0 : i32
          %dma_wait3A_319 = tpu.memref_slice %arg10[%dma_wait3A_317, %dma_wait3A_318] : memref<10240x128xf32, #tpu.memory_space<vmem_shared>> -> memref<10240x128xf32, #tpu.memory_space<vmem_shared>>
          tpu.wait_indirect_dma semaphore(%run_scoped3A_299 : memref<!tpu.dma_semaphore, #tpu.memory_space<semaphore_mem>>) src(%dma_wait3A_313 : memref<64x128xf32, #tpu.memory_space<vmem>>) dst(%dma_wait3A_319 : memref<10240x128xf32, #tpu.memory_space<vmem_shared>>)
          tpu.yield
        }) : () -> ()
        %add3A_217 = arith.constant 4 : i32
        %add3A_218 = arith.addi %add3A_201, %add3A_217 : i32
        %dma_start3A_219 = arith.constant 1 : i32
        %dma_start3A_220 = arith.constant 1 : i32
        %dma_start3A_221 = arith.constant 0 : i32
        %dma_start3A_222 = arith.constant 0 : i32
        %dma_start3A_223 = tpu.memref_slice %arg8[%dma_start3A_219, %dma_start3A_221, %dma_start3A_222] : memref<4x64x128xf32, #tpu.memory_space<vmem>> -> memref<1x64x128xf32, #tpu.memory_space<vmem>>
        %dma_start3A_224 = tpu.memref_squeeze %dma_start3A_223 : memref<1x64x128xf32, #tpu.memory_space<vmem>> -> memref<64x128xf32, #tpu.memory_space<vmem>>
        %dma_start3A_225 = arith.constant 0 : i32
        %dma_start3A_226 = tpu.memref_slice %arg6[%add3A_218, %dma_start3A_225] : memref<40x64xi32, #tpu.memory_space<vmem>> -> memref<1x64xi32, #tpu.memory_space<vmem>>
        %dma_start3A_227 = tpu.memref_squeeze %dma_start3A_226 : memref<1x64xi32, #tpu.memory_space<vmem>> -> memref<64xi32, #tpu.memory_space<vmem>>
        %dma_start3A_228 = arith.constant 0 : i32
        %dma_start3A_229 = arith.constant 0 : i32
        %dma_start3A_230 = tpu.memref_slice %arg2[%dma_start3A_228, %dma_start3A_229] : memref<10000x128xf32, #tpu.memory_space<hbm>> -> memref<10000x128xf32, #tpu.memory_space<hbm>>
        %dma_start3A_231 = tpu.memref_slice %arg9[%dma_start3A_220] : memref<4x!tpu.dma_semaphore, #tpu.memory_space<semaphore_mem>> -> memref<1x!tpu.dma_semaphore, #tpu.memory_space<semaphore_mem>>
        %dma_start3A_232 = tpu.memref_squeeze %dma_start3A_231 : memref<1x!tpu.dma_semaphore, #tpu.memory_space<semaphore_mem>> -> memref<!tpu.dma_semaphore, #tpu.memory_space<semaphore_mem>>
        tpu.enqueue_indirect_dma source(%dma_start3A_230 : memref<10000x128xf32, #tpu.memory_space<hbm>>) target(%dma_start3A_224 : memref<64x128xf32, #tpu.memory_space<vmem>>) offsets(%dma_start3A_227 : memref<64xi32, #tpu.memory_space<vmem>>) semaphore(%dma_start3A_232 : memref<!tpu.dma_semaphore, #tpu.memory_space<semaphore_mem>>)
        %add3A_233 = arith.constant 2 : i32
        %add3A_234 = arith.addi %add3A_166, %add3A_233 : i32
        %dma_wait3A_235 = arith.constant 2 : i32
        %dma_wait3A_236 = arith.constant 2 : i32
        %dma_wait3A_237 = arith.constant 0 : i32
        %dma_wait3A_238 = arith.constant 0 : i32
        %dma_wait3A_239 = tpu.memref_slice %arg8[%dma_wait3A_235, %dma_wait3A_237, %dma_wait3A_238] : memref<4x64x128xf32, #tpu.memory_space<vmem>> -> memref<1x64x128xf32, #tpu.memory_space<vmem>>
        %dma_wait3A_240 = tpu.memref_squeeze %dma_wait3A_239 : memref<1x64x128xf32, #tpu.memory_space<vmem>> -> memref<64x128xf32, #tpu.memory_space<vmem>>
        %dma_wait3A_241 = arith.constant 0 : i32
        %dma_wait3A_242 = tpu.memref_slice %arg6[%add3A_234, %dma_wait3A_241] : memref<40x64xi32, #tpu.memory_space<vmem>> -> memref<1x64xi32, #tpu.memory_space<vmem>>
        %dma_wait3A_243 = tpu.memref_squeeze %dma_wait3A_242 : memref<1x64xi32, #tpu.memory_space<vmem>> -> memref<64xi32, #tpu.memory_space<vmem>>
        %dma_wait3A_244 = arith.constant 0 : i32
        %dma_wait3A_245 = arith.constant 0 : i32
        %dma_wait3A_246 = tpu.memref_slice %arg2[%dma_wait3A_244, %dma_wait3A_245] : memref<10000x128xf32, #tpu.memory_space<hbm>> -> memref<10000x128xf32, #tpu.memory_space<hbm>>
        %dma_wait3A_247 = tpu.memref_slice %arg9[%dma_wait3A_236] : memref<4x!tpu.dma_semaphore, #tpu.memory_space<semaphore_mem>> -> memref<1x!tpu.dma_semaphore, #tpu.memory_space<semaphore_mem>>
        %dma_wait3A_248 = tpu.memref_squeeze %dma_wait3A_247 : memref<1x!tpu.dma_semaphore, #tpu.memory_space<semaphore_mem>> -> memref<!tpu.dma_semaphore, #tpu.memory_space<semaphore_mem>>
        tpu.wait_indirect_dma semaphore(%dma_wait3A_248 : memref<!tpu.dma_semaphore, #tpu.memory_space<semaphore_mem>>) src(%dma_wait3A_246 : memref<10000x128xf32, #tpu.memory_space<hbm>>) dst(%dma_wait3A_240 : memref<64x128xf32, #tpu.memory_space<vmem>>)
        %run_scoped3A_249 = arith.constant 2 : i32
        "tpu.region"() ({
          %run_scoped3A_299 = tpu.sem_alloc : memref<!tpu.dma_semaphore, #tpu.memory_space<semaphore_mem>>
          %dma_start3A_300 = arith.constant 0 : i32
          %dma_start3A_301 = arith.constant 0 : i32
          %dma_start3A_302 = tpu.memref_slice %arg8[%run_scoped3A_249, %dma_start3A_300, %dma_start3A_301] : memref<4x64x128xf32, #tpu.memory_space<vmem>> -> memref<1x64x128xf32, #tpu.memory_space<vmem>>
          %dma_start3A_303 = tpu.memref_squeeze %dma_start3A_302 : memref<1x64x128xf32, #tpu.memory_space<vmem>> -> memref<64x128xf32, #tpu.memory_space<vmem>>
          %dma_start3A_304 = arith.constant 0 : i32
          %dma_start3A_305 = tpu.memref_slice %arg7[%add3A_234, %dma_start3A_304] : memref<40x64xi32, #tpu.memory_space<vmem>> -> memref<1x64xi32, #tpu.memory_space<vmem>>
          %dma_start3A_306 = tpu.memref_squeeze %dma_start3A_305 : memref<1x64xi32, #tpu.memory_space<vmem>> -> memref<64xi32, #tpu.memory_space<vmem>>
          %dma_start3A_307 = arith.constant 0 : i32
          %dma_start3A_308 = arith.constant 0 : i32
          %dma_start3A_309 = tpu.memref_slice %arg10[%dma_start3A_307, %dma_start3A_308] : memref<10240x128xf32, #tpu.memory_space<vmem_shared>> -> memref<10240x128xf32, #tpu.memory_space<vmem_shared>>
          tpu.enqueue_indirect_dma source(%dma_start3A_303 : memref<64x128xf32, #tpu.memory_space<vmem>>) target(%dma_start3A_309 : memref<10240x128xf32, #tpu.memory_space<vmem_shared>>) offsets(%dma_start3A_306 : memref<64xi32, #tpu.memory_space<vmem>>) semaphore(%run_scoped3A_299 : memref<!tpu.dma_semaphore, #tpu.memory_space<semaphore_mem>>) {add = true}
          %dma_wait3A_310 = arith.constant 0 : i32
          %dma_wait3A_311 = arith.constant 0 : i32
          %dma_wait3A_312 = tpu.memref_slice %arg8[%run_scoped3A_249, %dma_wait3A_310, %dma_wait3A_311] : memref<4x64x128xf32, #tpu.memory_space<vmem>> -> memref<1x64x128xf32, #tpu.memory_space<vmem>>
          %dma_wait3A_313 = tpu.memref_squeeze %dma_wait3A_312 : memref<1x64x128xf32, #tpu.memory_space<vmem>> -> memref<64x128xf32, #tpu.memory_space<vmem>>
          %dma_wait3A_314 = arith.constant 0 : i32
          %dma_wait3A_315 = tpu.memref_slice %arg7[%add3A_234, %dma_wait3A_314] : memref<40x64xi32, #tpu.memory_space<vmem>> -> memref<1x64xi32, #tpu.memory_space<vmem>>
          %dma_wait3A_316 = tpu.memref_squeeze %dma_wait3A_315 : memref<1x64xi32, #tpu.memory_space<vmem>> -> memref<64xi32, #tpu.memory_space<vmem>>
          %dma_wait3A_317 = arith.constant 0 : i32
          %dma_wait3A_318 = arith.constant 0 : i32
          %dma_wait3A_319 = tpu.memref_slice %arg10[%dma_wait3A_317, %dma_wait3A_318] : memref<10240x128xf32, #tpu.memory_space<vmem_shared>> -> memref<10240x128xf32, #tpu.memory_space<vmem_shared>>
          tpu.wait_indirect_dma semaphore(%run_scoped3A_299 : memref<!tpu.dma_semaphore, #tpu.memory_space<semaphore_mem>>) src(%dma_wait3A_313 : memref<64x128xf32, #tpu.memory_space<vmem>>) dst(%dma_wait3A_319 : memref<10240x128xf32, #tpu.memory_space<vmem_shared>>)
          tpu.yield
        }) : () -> ()
        %add3A_250 = arith.constant 4 : i32
        %add3A_251 = arith.addi %add3A_234, %add3A_250 : i32
        %dma_start3A_252 = arith.constant 2 : i32
        %dma_start3A_253 = arith.constant 2 : i32
        %dma_start3A_254 = arith.constant 0 : i32
        %dma_start3A_255 = arith.constant 0 : i32
        %dma_start3A_256 = tpu.memref_slice %arg8[%dma_start3A_252, %dma_start3A_254, %dma_start3A_255] : memref<4x64x128xf32, #tpu.memory_space<vmem>> -> memref<1x64x128xf32, #tpu.memory_space<vmem>>
        %dma_start3A_257 = tpu.memref_squeeze %dma_start3A_256 : memref<1x64x128xf32, #tpu.memory_space<vmem>> -> memref<64x128xf32, #tpu.memory_space<vmem>>
        %dma_start3A_258 = arith.constant 0 : i32
        %dma_start3A_259 = tpu.memref_slice %arg6[%add3A_251, %dma_start3A_258] : memref<40x64xi32, #tpu.memory_space<vmem>> -> memref<1x64xi32, #tpu.memory_space<vmem>>
        %dma_start3A_260 = tpu.memref_squeeze %dma_start3A_259 : memref<1x64xi32, #tpu.memory_space<vmem>> -> memref<64xi32, #tpu.memory_space<vmem>>
        %dma_start3A_261 = arith.constant 0 : i32
        %dma_start3A_262 = arith.constant 0 : i32
        %dma_start3A_263 = tpu.memref_slice %arg2[%dma_start3A_261, %dma_start3A_262] : memref<10000x128xf32, #tpu.memory_space<hbm>> -> memref<10000x128xf32, #tpu.memory_space<hbm>>
        %dma_start3A_264 = tpu.memref_slice %arg9[%dma_start3A_253] : memref<4x!tpu.dma_semaphore, #tpu.memory_space<semaphore_mem>> -> memref<1x!tpu.dma_semaphore, #tpu.memory_space<semaphore_mem>>
        %dma_start3A_265 = tpu.memref_squeeze %dma_start3A_264 : memref<1x!tpu.dma_semaphore, #tpu.memory_space<semaphore_mem>> -> memref<!tpu.dma_semaphore, #tpu.memory_space<semaphore_mem>>
        tpu.enqueue_indirect_dma source(%dma_start3A_263 : memref<10000x128xf32, #tpu.memory_space<hbm>>) target(%dma_start3A_257 : memref<64x128xf32, #tpu.memory_space<vmem>>) offsets(%dma_start3A_260 : memref<64xi32, #tpu.memory_space<vmem>>) semaphore(%dma_start3A_265 : memref<!tpu.dma_semaphore, #tpu.memory_space<semaphore_mem>>)
        %add3A_266 = arith.constant 3 : i32
        %add3A_267 = arith.addi %add3A_166, %add3A_266 : i32
        %dma_wait3A_268 = arith.constant 3 : i32
        %dma_wait3A_269 = arith.constant 3 : i32
        %dma_wait3A_270 = arith.constant 0 : i32
        %dma_wait3A_271 = arith.constant 0 : i32
        %dma_wait3A_272 = tpu.memref_slice %arg8[%dma_wait3A_268, %dma_wait3A_270, %dma_wait3A_271] : memref<4x64x128xf32, #tpu.memory_space<vmem>> -> memref<1x64x128xf32, #tpu.memory_space<vmem>>
        %dma_wait3A_273 = tpu.memref_squeeze %dma_wait3A_272 : memref<1x64x128xf32, #tpu.memory_space<vmem>> -> memref<64x128xf32, #tpu.memory_space<vmem>>
        %dma_wait3A_274 = arith.constant 0 : i32
        %dma_wait3A_275 = tpu.memref_slice %arg6[%add3A_267, %dma_wait3A_274] : memref<40x64xi32, #tpu.memory_space<vmem>> -> memref<1x64xi32, #tpu.memory_space<vmem>>
        %dma_wait3A_276 = tpu.memref_squeeze %dma_wait3A_275 : memref<1x64xi32, #tpu.memory_space<vmem>> -> memref<64xi32, #tpu.memory_space<vmem>>
        %dma_wait3A_277 = arith.constant 0 : i32
        %dma_wait3A_278 = arith.constant 0 : i32
        %dma_wait3A_279 = tpu.memref_slice %arg2[%dma_wait3A_277, %dma_wait3A_278] : memref<10000x128xf32, #tpu.memory_space<hbm>> -> memref<10000x128xf32, #tpu.memory_space<hbm>>
        %dma_wait3A_280 = tpu.memref_slice %arg9[%dma_wait3A_269] : memref<4x!tpu.dma_semaphore, #tpu.memory_space<semaphore_mem>> -> memref<1x!tpu.dma_semaphore, #tpu.memory_space<semaphore_mem>>
        %dma_wait3A_281 = tpu.memref_squeeze %dma_wait3A_280 : memref<1x!tpu.dma_semaphore, #tpu.memory_space<semaphore_mem>> -> memref<!tpu.dma_semaphore, #tpu.memory_space<semaphore_mem>>
        tpu.wait_indirect_dma semaphore(%dma_wait3A_281 : memref<!tpu.dma_semaphore, #tpu.memory_space<semaphore_mem>>) src(%dma_wait3A_279 : memref<10000x128xf32, #tpu.memory_space<hbm>>) dst(%dma_wait3A_273 : memref<64x128xf32, #tpu.memory_space<vmem>>)
        %run_scoped3A_282 = arith.constant 3 : i32
        "tpu.region"() ({
          %run_scoped3A_299 = tpu.sem_alloc : memref<!tpu.dma_semaphore, #tpu.memory_space<semaphore_mem>>
          %dma_start3A_300 = arith.constant 0 : i32
          %dma_start3A_301 = arith.constant 0 : i32
          %dma_start3A_302 = tpu.memref_slice %arg8[%run_scoped3A_282, %dma_start3A_300, %dma_start3A_301] : memref<4x64x128xf32, #tpu.memory_space<vmem>> -> memref<1x64x128xf32, #tpu.memory_space<vmem>>
          %dma_start3A_303 = tpu.memref_squeeze %dma_start3A_302 : memref<1x64x128xf32, #tpu.memory_space<vmem>> -> memref<64x128xf32, #tpu.memory_space<vmem>>
          %dma_start3A_304 = arith.constant 0 : i32
          %dma_start3A_305 = tpu.memref_slice %arg7[%add3A_267, %dma_start3A_304] : memref<40x64xi32, #tpu.memory_space<vmem>> -> memref<1x64xi32, #tpu.memory_space<vmem>>
          %dma_start3A_306 = tpu.memref_squeeze %dma_start3A_305 : memref<1x64xi32, #tpu.memory_space<vmem>> -> memref<64xi32, #tpu.memory_space<vmem>>
          %dma_start3A_307 = arith.constant 0 : i32
          %dma_start3A_308 = arith.constant 0 : i32
          %dma_start3A_309 = tpu.memref_slice %arg10[%dma_start3A_307, %dma_start3A_308] : memref<10240x128xf32, #tpu.memory_space<vmem_shared>> -> memref<10240x128xf32, #tpu.memory_space<vmem_shared>>
          tpu.enqueue_indirect_dma source(%dma_start3A_303 : memref<64x128xf32, #tpu.memory_space<vmem>>) target(%dma_start3A_309 : memref<10240x128xf32, #tpu.memory_space<vmem_shared>>) offsets(%dma_start3A_306 : memref<64xi32, #tpu.memory_space<vmem>>) semaphore(%run_scoped3A_299 : memref<!tpu.dma_semaphore, #tpu.memory_space<semaphore_mem>>) {add = true}
          %dma_wait3A_310 = arith.constant 0 : i32
          %dma_wait3A_311 = arith.constant 0 : i32
          %dma_wait3A_312 = tpu.memref_slice %arg8[%run_scoped3A_282, %dma_wait3A_310, %dma_wait3A_311] : memref<4x64x128xf32, #tpu.memory_space<vmem>> -> memref<1x64x128xf32, #tpu.memory_space<vmem>>
          %dma_wait3A_313 = tpu.memref_squeeze %dma_wait3A_312 : memref<1x64x128xf32, #tpu.memory_space<vmem>> -> memref<64x128xf32, #tpu.memory_space<vmem>>
          %dma_wait3A_314 = arith.constant 0 : i32
          %dma_wait3A_315 = tpu.memref_slice %arg7[%add3A_267, %dma_wait3A_314] : memref<40x64xi32, #tpu.memory_space<vmem>> -> memref<1x64xi32, #tpu.memory_space<vmem>>
          %dma_wait3A_316 = tpu.memref_squeeze %dma_wait3A_315 : memref<1x64xi32, #tpu.memory_space<vmem>> -> memref<64xi32, #tpu.memory_space<vmem>>
          %dma_wait3A_317 = arith.constant 0 : i32
          %dma_wait3A_318 = arith.constant 0 : i32
          %dma_wait3A_319 = tpu.memref_slice %arg10[%dma_wait3A_317, %dma_wait3A_318] : memref<10240x128xf32, #tpu.memory_space<vmem_shared>> -> memref<10240x128xf32, #tpu.memory_space<vmem_shared>>
          tpu.wait_indirect_dma semaphore(%run_scoped3A_299 : memref<!tpu.dma_semaphore, #tpu.memory_space<semaphore_mem>>) src(%dma_wait3A_313 : memref<64x128xf32, #tpu.memory_space<vmem>>) dst(%dma_wait3A_319 : memref<10240x128xf32, #tpu.memory_space<vmem_shared>>)
          tpu.yield
        }) : () -> ()
        %add3A_283 = arith.constant 4 : i32
        %add3A_284 = arith.addi %add3A_267, %add3A_283 : i32
        %dma_start3A_285 = arith.constant 3 : i32
        %dma_start3A_286 = arith.constant 3 : i32
        %dma_start3A_287 = arith.constant 0 : i32
        %dma_start3A_288 = arith.constant 0 : i32
        %dma_start3A_289 = tpu.memref_slice %arg8[%dma_start3A_285, %dma_start3A_287, %dma_start3A_288] : memref<4x64x128xf32, #tpu.memory_space<vmem>> -> memref<1x64x128xf32, #tpu.memory_space<vmem>>
        %dma_start3A_290 = tpu.memref_squeeze %dma_start3A_289 : memref<1x64x128xf32, #tpu.memory_space<vmem>> -> memref<64x128xf32, #tpu.memory_space<vmem>>
        %dma_start3A_291 = arith.constant 0 : i32
        %dma_start3A_292 = tpu.memref_slice %arg6[%add3A_284, %dma_start3A_291] : memref<40x64xi32, #tpu.memory_space<vmem>> -> memref<1x64xi32, #tpu.memory_space<vmem>>
        %dma_start3A_293 = tpu.memref_squeeze %dma_start3A_292 : memref<1x64xi32, #tpu.memory_space<vmem>> -> memref<64xi32, #tpu.memory_space<vmem>>
        %dma_start3A_294 = arith.constant 0 : i32
        %dma_start3A_295 = arith.constant 0 : i32
        %dma_start3A_296 = tpu.memref_slice %arg2[%dma_start3A_294, %dma_start3A_295] : memref<10000x128xf32, #tpu.memory_space<hbm>> -> memref<10000x128xf32, #tpu.memory_space<hbm>>
        %dma_start3A_297 = tpu.memref_slice %arg9[%dma_start3A_286] : memref<4x!tpu.dma_semaphore, #tpu.memory_space<semaphore_mem>> -> memref<1x!tpu.dma_semaphore, #tpu.memory_space<semaphore_mem>>
        %dma_start3A_298 = tpu.memref_squeeze %dma_start3A_297 : memref<1x!tpu.dma_semaphore, #tpu.memory_space<semaphore_mem>> -> memref<!tpu.dma_semaphore, #tpu.memory_space<semaphore_mem>>
        tpu.enqueue_indirect_dma source(%dma_start3A_296 : memref<10000x128xf32, #tpu.memory_space<hbm>>) target(%dma_start3A_290 : memref<64x128xf32, #tpu.memory_space<vmem>>) offsets(%dma_start3A_293 : memref<64xi32, #tpu.memory_space<vmem>>) semaphore(%dma_start3A_298 : memref<!tpu.dma_semaphore, #tpu.memory_space<semaphore_mem>>)
      }
      %scan3A_95 = arith.constant 9 : i32
      %dma_wait3A = arith.constant 36 : i32
      %dma_wait3A_96 = arith.constant 0 : i32
      %dma_wait3A_97 = arith.constant 0 : i32
      %dma_wait3A_98 = arith.constant 0 : i32
      %dma_wait3A_99 = arith.constant 0 : i32
      %dma_wait3A_100 = tpu.memref_slice %arg8[%dma_wait3A_96, %dma_wait3A_98, %dma_wait3A_99] : memref<4x64x128xf32, #tpu.memory_space<vmem>> -> memref<1x64x128xf32, #tpu.memory_space<vmem>>
      %dma_wait3A_101 = tpu.memref_squeeze %dma_wait3A_100 : memref<1x64x128xf32, #tpu.memory_space<vmem>> -> memref<64x128xf32, #tpu.memory_space<vmem>>
      %dma_wait3A_102 = arith.constant 0 : i32
      %dma_wait3A_103 = tpu.memref_slice %arg6[%dma_wait3A, %dma_wait3A_102] : memref<40x64xi32, #tpu.memory_space<vmem>> -> memref<1x64xi32, #tpu.memory_space<vmem>>
      %dma_wait3A_104 = tpu.memref_squeeze %dma_wait3A_103 : memref<1x64xi32, #tpu.memory_space<vmem>> -> memref<64xi32, #tpu.memory_space<vmem>>
      %dma_wait3A_105 = arith.constant 0 : i32
      %dma_wait3A_106 = arith.constant 0 : i32
      %dma_wait3A_107 = tpu.memref_slice %arg2[%dma_wait3A_105, %dma_wait3A_106] : memref<10000x128xf32, #tpu.memory_space<hbm>> -> memref<10000x128xf32, #tpu.memory_space<hbm>>
      %dma_wait3A_108 = tpu.memref_slice %arg9[%dma_wait3A_97] : memref<4x!tpu.dma_semaphore, #tpu.memory_space<semaphore_mem>> -> memref<1x!tpu.dma_semaphore, #tpu.memory_space<semaphore_mem>>
      %dma_wait3A_109 = tpu.memref_squeeze %dma_wait3A_108 : memref<1x!tpu.dma_semaphore, #tpu.memory_space<semaphore_mem>> -> memref<!tpu.dma_semaphore, #tpu.memory_space<semaphore_mem>>
      tpu.wait_indirect_dma semaphore(%dma_wait3A_109 : memref<!tpu.dma_semaphore, #tpu.memory_space<semaphore_mem>>) src(%dma_wait3A_107 : memref<10000x128xf32, #tpu.memory_space<hbm>>) dst(%dma_wait3A_101 : memref<64x128xf32, #tpu.memory_space<vmem>>)
      %run_scoped3A = arith.constant 0 : i32
      %run_scoped3A_110 = arith.constant 36 : i32
      "tpu.region"() ({
        %run_scoped3A_162 = tpu.sem_alloc : memref<!tpu.dma_semaphore, #tpu.memory_space<semaphore_mem>>
        %dma_start3A_163 = arith.constant 0 : i32
        %dma_start3A_164 = arith.constant 0 : i32
        %dma_start3A_165 = tpu.memref_slice %arg8[%run_scoped3A, %dma_start3A_163, %dma_start3A_164] : memref<4x64x128xf32, #tpu.memory_space<vmem>> -> memref<1x64x128xf32, #tpu.memory_space<vmem>>
        %dma_start3A_166 = tpu.memref_squeeze %dma_start3A_165 : memref<1x64x128xf32, #tpu.memory_space<vmem>> -> memref<64x128xf32, #tpu.memory_space<vmem>>
        %dma_start3A_167 = arith.constant 0 : i32
        %dma_start3A_168 = tpu.memref_slice %arg7[%run_scoped3A_110, %dma_start3A_167] : memref<40x64xi32, #tpu.memory_space<vmem>> -> memref<1x64xi32, #tpu.memory_space<vmem>>
        %dma_start3A_169 = tpu.memref_squeeze %dma_start3A_168 : memref<1x64xi32, #tpu.memory_space<vmem>> -> memref<64xi32, #tpu.memory_space<vmem>>
        %dma_start3A_170 = arith.constant 0 : i32
        %dma_start3A_171 = arith.constant 0 : i32
        %dma_start3A_172 = tpu.memref_slice %arg10[%dma_start3A_170, %dma_start3A_171] : memref<10240x128xf32, #tpu.memory_space<vmem_shared>> -> memref<10240x128xf32, #tpu.memory_space<vmem_shared>>
        tpu.enqueue_indirect_dma source(%dma_start3A_166 : memref<64x128xf32, #tpu.memory_space<vmem>>) target(%dma_start3A_172 : memref<10240x128xf32, #tpu.memory_space<vmem_shared>>) offsets(%dma_start3A_169 : memref<64xi32, #tpu.memory_space<vmem>>) semaphore(%run_scoped3A_162 : memref<!tpu.dma_semaphore, #tpu.memory_space<semaphore_mem>>) {add = true}
        %dma_wait3A_173 = arith.constant 0 : i32
        %dma_wait3A_174 = arith.constant 0 : i32
        %dma_wait3A_175 = tpu.memref_slice %arg8[%run_scoped3A, %dma_wait3A_173, %dma_wait3A_174] : memref<4x64x128xf32, #tpu.memory_space<vmem>> -> memref<1x64x128xf32, #tpu.memory_space<vmem>>
        %dma_wait3A_176 = tpu.memref_squeeze %dma_wait3A_175 : memref<1x64x128xf32, #tpu.memory_space<vmem>> -> memref<64x128xf32, #tpu.memory_space<vmem>>
        %dma_wait3A_177 = arith.constant 0 : i32
        %dma_wait3A_178 = tpu.memref_slice %arg7[%run_scoped3A_110, %dma_wait3A_177] : memref<40x64xi32, #tpu.memory_space<vmem>> -> memref<1x64xi32, #tpu.memory_space<vmem>>
        %dma_wait3A_179 = tpu.memref_squeeze %dma_wait3A_178 : memref<1x64xi32, #tpu.memory_space<vmem>> -> memref<64xi32, #tpu.memory_space<vmem>>
        %dma_wait3A_180 = arith.constant 0 : i32
        %dma_wait3A_181 = arith.constant 0 : i32
        %dma_wait3A_182 = tpu.memref_slice %arg10[%dma_wait3A_180, %dma_wait3A_181] : memref<10240x128xf32, #tpu.memory_space<vmem_shared>> -> memref<10240x128xf32, #tpu.memory_space<vmem_shared>>
        tpu.wait_indirect_dma semaphore(%run_scoped3A_162 : memref<!tpu.dma_semaphore, #tpu.memory_space<semaphore_mem>>) src(%dma_wait3A_176 : memref<64x128xf32, #tpu.memory_space<vmem>>) dst(%dma_wait3A_182 : memref<10240x128xf32, #tpu.memory_space<vmem_shared>>)
        tpu.yield
      }) : () -> ()
      %dma_wait3A_111 = arith.constant 37 : i32
      %dma_wait3A_112 = arith.constant 1 : i32
      %dma_wait3A_113 = arith.constant 1 : i32
      %dma_wait3A_114 = arith.constant 0 : i32
      %dma_wait3A_115 = arith.constant 0 : i32
      %dma_wait3A_116 = tpu.memref_slice %arg8[%dma_wait3A_112, %dma_wait3A_114, %dma_wait3A_115] : memref<4x64x128xf32, #tpu.memory_space<vmem>> -> memref<1x64x128xf32, #tpu.memory_space<vmem>>
      %dma_wait3A_117 = tpu.memref_squeeze %dma_wait3A_116 : memref<1x64x128xf32, #tpu.memory_space<vmem>> -> memref<64x128xf32, #tpu.memory_space<vmem>>
      %dma_wait3A_118 = arith.constant 0 : i32
      %dma_wait3A_119 = tpu.memref_slice %arg6[%dma_wait3A_111, %dma_wait3A_118] : memref<40x64xi32, #tpu.memory_space<vmem>> -> memref<1x64xi32, #tpu.memory_space<vmem>>
      %dma_wait3A_120 = tpu.memref_squeeze %dma_wait3A_119 : memref<1x64xi32, #tpu.memory_space<vmem>> -> memref<64xi32, #tpu.memory_space<vmem>>
      %dma_wait3A_121 = arith.constant 0 : i32
      %dma_wait3A_122 = arith.constant 0 : i32
      %dma_wait3A_123 = tpu.memref_slice %arg2[%dma_wait3A_121, %dma_wait3A_122] : memref<10000x128xf32, #tpu.memory_space<hbm>> -> memref<10000x128xf32, #tpu.memory_space<hbm>>
      %dma_wait3A_124 = tpu.memref_slice %arg9[%dma_wait3A_113] : memref<4x!tpu.dma_semaphore, #tpu.memory_space<semaphore_mem>> -> memref<1x!tpu.dma_semaphore, #tpu.memory_space<semaphore_mem>>
      %dma_wait3A_125 = tpu.memref_squeeze %dma_wait3A_124 : memref<1x!tpu.dma_semaphore, #tpu.memory_space<semaphore_mem>> -> memref<!tpu.dma_semaphore, #tpu.memory_space<semaphore_mem>>
      tpu.wait_indirect_dma semaphore(%dma_wait3A_125 : memref<!tpu.dma_semaphore, #tpu.memory_space<semaphore_mem>>) src(%dma_wait3A_123 : memref<10000x128xf32, #tpu.memory_space<hbm>>) dst(%dma_wait3A_117 : memref<64x128xf32, #tpu.memory_space<vmem>>)
      %run_scoped3A_126 = arith.constant 1 : i32
      %run_scoped3A_127 = arith.constant 37 : i32
      "tpu.region"() ({
        %run_scoped3A_162 = tpu.sem_alloc : memref<!tpu.dma_semaphore, #tpu.memory_space<semaphore_mem>>
        %dma_start3A_163 = arith.constant 0 : i32
        %dma_start3A_164 = arith.constant 0 : i32
        %dma_start3A_165 = tpu.memref_slice %arg8[%run_scoped3A_126, %dma_start3A_163, %dma_start3A_164] : memref<4x64x128xf32, #tpu.memory_space<vmem>> -> memref<1x64x128xf32, #tpu.memory_space<vmem>>
        %dma_start3A_166 = tpu.memref_squeeze %dma_start3A_165 : memref<1x64x128xf32, #tpu.memory_space<vmem>> -> memref<64x128xf32, #tpu.memory_space<vmem>>
        %dma_start3A_167 = arith.constant 0 : i32
        %dma_start3A_168 = tpu.memref_slice %arg7[%run_scoped3A_127, %dma_start3A_167] : memref<40x64xi32, #tpu.memory_space<vmem>> -> memref<1x64xi32, #tpu.memory_space<vmem>>
        %dma_start3A_169 = tpu.memref_squeeze %dma_start3A_168 : memref<1x64xi32, #tpu.memory_space<vmem>> -> memref<64xi32, #tpu.memory_space<vmem>>
        %dma_start3A_170 = arith.constant 0 : i32
        %dma_start3A_171 = arith.constant 0 : i32
        %dma_start3A_172 = tpu.memref_slice %arg10[%dma_start3A_170, %dma_start3A_171] : memref<10240x128xf32, #tpu.memory_space<vmem_shared>> -> memref<10240x128xf32, #tpu.memory_space<vmem_shared>>
        tpu.enqueue_indirect_dma source(%dma_start3A_166 : memref<64x128xf32, #tpu.memory_space<vmem>>) target(%dma_start3A_172 : memref<10240x128xf32, #tpu.memory_space<vmem_shared>>) offsets(%dma_start3A_169 : memref<64xi32, #tpu.memory_space<vmem>>) semaphore(%run_scoped3A_162 : memref<!tpu.dma_semaphore, #tpu.memory_space<semaphore_mem>>) {add = true}
        %dma_wait3A_173 = arith.constant 0 : i32
        %dma_wait3A_174 = arith.constant 0 : i32
        %dma_wait3A_175 = tpu.memref_slice %arg8[%run_scoped3A_126, %dma_wait3A_173, %dma_wait3A_174] : memref<4x64x128xf32, #tpu.memory_space<vmem>> -> memref<1x64x128xf32, #tpu.memory_space<vmem>>
        %dma_wait3A_176 = tpu.memref_squeeze %dma_wait3A_175 : memref<1x64x128xf32, #tpu.memory_space<vmem>> -> memref<64x128xf32, #tpu.memory_space<vmem>>
        %dma_wait3A_177 = arith.constant 0 : i32
        %dma_wait3A_178 = tpu.memref_slice %arg7[%run_scoped3A_127, %dma_wait3A_177] : memref<40x64xi32, #tpu.memory_space<vmem>> -> memref<1x64xi32, #tpu.memory_space<vmem>>
        %dma_wait3A_179 = tpu.memref_squeeze %dma_wait3A_178 : memref<1x64xi32, #tpu.memory_space<vmem>> -> memref<64xi32, #tpu.memory_space<vmem>>
        %dma_wait3A_180 = arith.constant 0 : i32
        %dma_wait3A_181 = arith.constant 0 : i32
        %dma_wait3A_182 = tpu.memref_slice %arg10[%dma_wait3A_180, %dma_wait3A_181] : memref<10240x128xf32, #tpu.memory_space<vmem_shared>> -> memref<10240x128xf32, #tpu.memory_space<vmem_shared>>
        tpu.wait_indirect_dma semaphore(%run_scoped3A_162 : memref<!tpu.dma_semaphore, #tpu.memory_space<semaphore_mem>>) src(%dma_wait3A_176 : memref<64x128xf32, #tpu.memory_space<vmem>>) dst(%dma_wait3A_182 : memref<10240x128xf32, #tpu.memory_space<vmem_shared>>)
        tpu.yield
      }) : () -> ()
      %dma_wait3A_128 = arith.constant 38 : i32
      %dma_wait3A_129 = arith.constant 2 : i32
      %dma_wait3A_130 = arith.constant 2 : i32
      %dma_wait3A_131 = arith.constant 0 : i32
      %dma_wait3A_132 = arith.constant 0 : i32
      %dma_wait3A_133 = tpu.memref_slice %arg8[%dma_wait3A_129, %dma_wait3A_131, %dma_wait3A_132] : memref<4x64x128xf32, #tpu.memory_space<vmem>> -> memref<1x64x128xf32, #tpu.memory_space<vmem>>
      %dma_wait3A_134 = tpu.memref_squeeze %dma_wait3A_133 : memref<1x64x128xf32, #tpu.memory_space<vmem>> -> memref<64x128xf32, #tpu.memory_space<vmem>>
      %dma_wait3A_135 = arith.constant 0 : i32
      %dma_wait3A_136 = tpu.memref_slice %arg6[%dma_wait3A_128, %dma_wait3A_135] : memref<40x64xi32, #tpu.memory_space<vmem>> -> memref<1x64xi32, #tpu.memory_space<vmem>>
      %dma_wait3A_137 = tpu.memref_squeeze %dma_wait3A_136 : memref<1x64xi32, #tpu.memory_space<vmem>> -> memref<64xi32, #tpu.memory_space<vmem>>
      %dma_wait3A_138 = arith.constant 0 : i32
      %dma_wait3A_139 = arith.constant 0 : i32
      %dma_wait3A_140 = tpu.memref_slice %arg2[%dma_wait3A_138, %dma_wait3A_139] : memref<10000x128xf32, #tpu.memory_space<hbm>> -> memref<10000x128xf32, #tpu.memory_space<hbm>>
      %dma_wait3A_141 = tpu.memref_slice %arg9[%dma_wait3A_130] : memref<4x!tpu.dma_semaphore, #tpu.memory_space<semaphore_mem>> -> memref<1x!tpu.dma_semaphore, #tpu.memory_space<semaphore_mem>>
      %dma_wait3A_142 = tpu.memref_squeeze %dma_wait3A_141 : memref<1x!tpu.dma_semaphore, #tpu.memory_space<semaphore_mem>> -> memref<!tpu.dma_semaphore, #tpu.memory_space<semaphore_mem>>
      tpu.wait_indirect_dma semaphore(%dma_wait3A_142 : memref<!tpu.dma_semaphore, #tpu.memory_space<semaphore_mem>>) src(%dma_wait3A_140 : memref<10000x128xf32, #tpu.memory_space<hbm>>) dst(%dma_wait3A_134 : memref<64x128xf32, #tpu.memory_space<vmem>>)
      %run_scoped3A_143 = arith.constant 2 : i32
      %run_scoped3A_144 = arith.constant 38 : i32
      "tpu.region"() ({
        %run_scoped3A_162 = tpu.sem_alloc : memref<!tpu.dma_semaphore, #tpu.memory_space<semaphore_mem>>
        %dma_start3A_163 = arith.constant 0 : i32
        %dma_start3A_164 = arith.constant 0 : i32
        %dma_start3A_165 = tpu.memref_slice %arg8[%run_scoped3A_143, %dma_start3A_163, %dma_start3A_164] : memref<4x64x128xf32, #tpu.memory_space<vmem>> -> memref<1x64x128xf32, #tpu.memory_space<vmem>>
        %dma_start3A_166 = tpu.memref_squeeze %dma_start3A_165 : memref<1x64x128xf32, #tpu.memory_space<vmem>> -> memref<64x128xf32, #tpu.memory_space<vmem>>
        %dma_start3A_167 = arith.constant 0 : i32
        %dma_start3A_168 = tpu.memref_slice %arg7[%run_scoped3A_144, %dma_start3A_167] : memref<40x64xi32, #tpu.memory_space<vmem>> -> memref<1x64xi32, #tpu.memory_space<vmem>>
        %dma_start3A_169 = tpu.memref_squeeze %dma_start3A_168 : memref<1x64xi32, #tpu.memory_space<vmem>> -> memref<64xi32, #tpu.memory_space<vmem>>
        %dma_start3A_170 = arith.constant 0 : i32
        %dma_start3A_171 = arith.constant 0 : i32
        %dma_start3A_172 = tpu.memref_slice %arg10[%dma_start3A_170, %dma_start3A_171] : memref<10240x128xf32, #tpu.memory_space<vmem_shared>> -> memref<10240x128xf32, #tpu.memory_space<vmem_shared>>
        tpu.enqueue_indirect_dma source(%dma_start3A_166 : memref<64x128xf32, #tpu.memory_space<vmem>>) target(%dma_start3A_172 : memref<10240x128xf32, #tpu.memory_space<vmem_shared>>) offsets(%dma_start3A_169 : memref<64xi32, #tpu.memory_space<vmem>>) semaphore(%run_scoped3A_162 : memref<!tpu.dma_semaphore, #tpu.memory_space<semaphore_mem>>) {add = true}
        %dma_wait3A_173 = arith.constant 0 : i32
        %dma_wait3A_174 = arith.constant 0 : i32
        %dma_wait3A_175 = tpu.memref_slice %arg8[%run_scoped3A_143, %dma_wait3A_173, %dma_wait3A_174] : memref<4x64x128xf32, #tpu.memory_space<vmem>> -> memref<1x64x128xf32, #tpu.memory_space<vmem>>
        %dma_wait3A_176 = tpu.memref_squeeze %dma_wait3A_175 : memref<1x64x128xf32, #tpu.memory_space<vmem>> -> memref<64x128xf32, #tpu.memory_space<vmem>>
        %dma_wait3A_177 = arith.constant 0 : i32
        %dma_wait3A_178 = tpu.memref_slice %arg7[%run_scoped3A_144, %dma_wait3A_177] : memref<40x64xi32, #tpu.memory_space<vmem>> -> memref<1x64xi32, #tpu.memory_space<vmem>>
        %dma_wait3A_179 = tpu.memref_squeeze %dma_wait3A_178 : memref<1x64xi32, #tpu.memory_space<vmem>> -> memref<64xi32, #tpu.memory_space<vmem>>
        %dma_wait3A_180 = arith.constant 0 : i32
        %dma_wait3A_181 = arith.constant 0 : i32
        %dma_wait3A_182 = tpu.memref_slice %arg10[%dma_wait3A_180, %dma_wait3A_181] : memref<10240x128xf32, #tpu.memory_space<vmem_shared>> -> memref<10240x128xf32, #tpu.memory_space<vmem_shared>>
        tpu.wait_indirect_dma semaphore(%run_scoped3A_162 : memref<!tpu.dma_semaphore, #tpu.memory_space<semaphore_mem>>) src(%dma_wait3A_176 : memref<64x128xf32, #tpu.memory_space<vmem>>) dst(%dma_wait3A_182 : memref<10240x128xf32, #tpu.memory_space<vmem_shared>>)
        tpu.yield
      }) : () -> ()
      %dma_wait3A_145 = arith.constant 39 : i32
      %dma_wait3A_146 = arith.constant 3 : i32
      %dma_wait3A_147 = arith.constant 3 : i32
      %dma_wait3A_148 = arith.constant 0 : i32
      %dma_wait3A_149 = arith.constant 0 : i32
      %dma_wait3A_150 = tpu.memref_slice %arg8[%dma_wait3A_146, %dma_wait3A_148, %dma_wait3A_149] : memref<4x64x128xf32, #tpu.memory_space<vmem>> -> memref<1x64x128xf32, #tpu.memory_space<vmem>>
      %dma_wait3A_151 = tpu.memref_squeeze %dma_wait3A_150 : memref<1x64x128xf32, #tpu.memory_space<vmem>> -> memref<64x128xf32, #tpu.memory_space<vmem>>
      %dma_wait3A_152 = arith.constant 0 : i32
      %dma_wait3A_153 = tpu.memref_slice %arg6[%dma_wait3A_145, %dma_wait3A_152] : memref<40x64xi32, #tpu.memory_space<vmem>> -> memref<1x64xi32, #tpu.memory_space<vmem>>
      %dma_wait3A_154 = tpu.memref_squeeze %dma_wait3A_153 : memref<1x64xi32, #tpu.memory_space<vmem>> -> memref<64xi32, #tpu.memory_space<vmem>>
      %dma_wait3A_155 = arith.constant 0 : i32
      %dma_wait3A_156 = arith.constant 0 : i32
      %dma_wait3A_157 = tpu.memref_slice %arg2[%dma_wait3A_155, %dma_wait3A_156] : memref<10000x128xf32, #tpu.memory_space<hbm>> -> memref<10000x128xf32, #tpu.memory_space<hbm>>
      %dma_wait3A_158 = tpu.memref_slice %arg9[%dma_wait3A_147] : memref<4x!tpu.dma_semaphore, #tpu.memory_space<semaphore_mem>> -> memref<1x!tpu.dma_semaphore, #tpu.memory_space<semaphore_mem>>
      %dma_wait3A_159 = tpu.memref_squeeze %dma_wait3A_158 : memref<1x!tpu.dma_semaphore, #tpu.memory_space<semaphore_mem>> -> memref<!tpu.dma_semaphore, #tpu.memory_space<semaphore_mem>>
      tpu.wait_indirect_dma semaphore(%dma_wait3A_159 : memref<!tpu.dma_semaphore, #tpu.memory_space<semaphore_mem>>) src(%dma_wait3A_157 : memref<10000x128xf32, #tpu.memory_space<hbm>>) dst(%dma_wait3A_151 : memref<64x128xf32, #tpu.memory_space<vmem>>)
      %run_scoped3A_160 = arith.constant 3 : i32
      %run_scoped3A_161 = arith.constant 39 : i32
      "tpu.region"() ({
        %run_scoped3A_162 = tpu.sem_alloc : memref<!tpu.dma_semaphore, #tpu.memory_space<semaphore_mem>>
        %dma_start3A_163 = arith.constant 0 : i32
        %dma_start3A_164 = arith.constant 0 : i32
        %dma_start3A_165 = tpu.memref_slice %arg8[%run_scoped3A_160, %dma_start3A_163, %dma_start3A_164] : memref<4x64x128xf32, #tpu.memory_space<vmem>> -> memref<1x64x128xf32, #tpu.memory_space<vmem>>
        %dma_start3A_166 = tpu.memref_squeeze %dma_start3A_165 : memref<1x64x128xf32, #tpu.memory_space<vmem>> -> memref<64x128xf32, #tpu.memory_space<vmem>>
        %dma_start3A_167 = arith.constant 0 : i32
        %dma_start3A_168 = tpu.memref_slice %arg7[%run_scoped3A_161, %dma_start3A_167] : memref<40x64xi32, #tpu.memory_space<vmem>> -> memref<1x64xi32, #tpu.memory_space<vmem>>
        %dma_start3A_169 = tpu.memref_squeeze %dma_start3A_168 : memref<1x64xi32, #tpu.memory_space<vmem>> -> memref<64xi32, #tpu.memory_space<vmem>>
        %dma_start3A_170 = arith.constant 0 : i32
        %dma_start3A_171 = arith.constant 0 : i32
        %dma_start3A_172 = tpu.memref_slice %arg10[%dma_start3A_170, %dma_start3A_171] : memref<10240x128xf32, #tpu.memory_space<vmem_shared>> -> memref<10240x128xf32, #tpu.memory_space<vmem_shared>>
        tpu.enqueue_indirect_dma source(%dma_start3A_166 : memref<64x128xf32, #tpu.memory_space<vmem>>) target(%dma_start3A_172 : memref<10240x128xf32, #tpu.memory_space<vmem_shared>>) offsets(%dma_start3A_169 : memref<64xi32, #tpu.memory_space<vmem>>) semaphore(%run_scoped3A_162 : memref<!tpu.dma_semaphore, #tpu.memory_space<semaphore_mem>>) {add = true}
        %dma_wait3A_173 = arith.constant 0 : i32
        %dma_wait3A_174 = arith.constant 0 : i32
        %dma_wait3A_175 = tpu.memref_slice %arg8[%run_scoped3A_160, %dma_wait3A_173, %dma_wait3A_174] : memref<4x64x128xf32, #tpu.memory_space<vmem>> -> memref<1x64x128xf32, #tpu.memory_space<vmem>>
        %dma_wait3A_176 = tpu.memref_squeeze %dma_wait3A_175 : memref<1x64x128xf32, #tpu.memory_space<vmem>> -> memref<64x128xf32, #tpu.memory_space<vmem>>
        %dma_wait3A_177 = arith.constant 0 : i32
        %dma_wait3A_178 = tpu.memref_slice %arg7[%run_scoped3A_161, %dma_wait3A_177] : memref<40x64xi32, #tpu.memory_space<vmem>> -> memref<1x64xi32, #tpu.memory_space<vmem>>
        %dma_wait3A_179 = tpu.memref_squeeze %dma_wait3A_178 : memref<1x64xi32, #tpu.memory_space<vmem>> -> memref<64xi32, #tpu.memory_space<vmem>>
        %dma_wait3A_180 = arith.constant 0 : i32
        %dma_wait3A_181 = arith.constant 0 : i32
        %dma_wait3A_182 = tpu.memref_slice %arg10[%dma_wait3A_180, %dma_wait3A_181] : memref<10240x128xf32, #tpu.memory_space<vmem_shared>> -> memref<10240x128xf32, #tpu.memory_space<vmem_shared>>
        tpu.wait_indirect_dma semaphore(%run_scoped3A_162 : memref<!tpu.dma_semaphore, #tpu.memory_space<semaphore_mem>>) src(%dma_wait3A_176 : memref<64x128xf32, #tpu.memory_space<vmem>>) dst(%dma_wait3A_182 : memref<10240x128xf32, #tpu.memory_space<vmem_shared>>)
        tpu.yield
      }) : () -> ()
    }
    %scan3A_16 = arith.constant 4 : i32
    %barrier3A_17 = arith.constant 0 : index
    tpu.barrier barrier_id(%barrier3A_17)
    %mul3A_18 = arith.constant 640 : i32
    %mul3A_19 = arith.muli %arg1, %mul3A_18 : i32
    %mul3A_20 = arith.constant 640 : i32
    %mul3A_21 = arith.muli %arg1, %mul3A_20 : i32
    "tpu.region"() ({
      %run_scoped3A = tpu.sem_alloc : memref<!tpu.dma_semaphore, #tpu.memory_space<semaphore_mem>>
      %dma_start3A = arith.constant 0 : i32
      %dma_start3A_22 = tpu.memref_slice %arg5[%arg0, %mul3A_21, %dma_start3A] : memref<2x10240x128xf32, #tpu.memory_space<hbm>> -> memref<1x640x128xf32, #tpu.memory_space<hbm>>
      %dma_start3A_23 = tpu.memref_squeeze %dma_start3A_22 : memref<1x640x128xf32, #tpu.memory_space<hbm>> -> memref<640x128xf32, #tpu.memory_space<hbm>>
      %dma_start3A_24 = arith.constant 0 : i32
      %dma_start3A_25 = tpu.memref_slice %arg10[%mul3A_19, %dma_start3A_24] : memref<10240x128xf32, #tpu.memory_space<vmem_shared>> -> memref<640x128xf32, #tpu.memory_space<vmem_shared>>
      tpu.enqueue_dma source(%dma_start3A_25 : memref<640x128xf32, #tpu.memory_space<vmem_shared>>) target(%dma_start3A_23 : memref<640x128xf32, #tpu.memory_space<hbm>>) target_semaphore(%run_scoped3A : memref<!tpu.dma_semaphore, #tpu.memory_space<semaphore_mem>>)
      %dma_wait3A = arith.constant 0 : i32
      %dma_wait3A_26 = tpu.memref_slice %arg5[%arg0, %mul3A_21, %dma_wait3A] : memref<2x10240x128xf32, #tpu.memory_space<hbm>> -> memref<1x640x128xf32, #tpu.memory_space<hbm>>
      %dma_wait3A_27 = tpu.memref_squeeze %dma_wait3A_26 : memref<1x640x128xf32, #tpu.memory_space<hbm>> -> memref<640x128xf32, #tpu.memory_space<hbm>>
      %dma_wait3A_28 = arith.constant 0 : i32
      %dma_wait3A_29 = tpu.memref_slice %arg10[%mul3A_19, %dma_wait3A_28] : memref<10240x128xf32, #tpu.memory_space<vmem_shared>> -> memref<640x128xf32, #tpu.memory_space<vmem_shared>>
      tpu.wait_dma2 semaphore(%run_scoped3A : memref<!tpu.dma_semaphore, #tpu.memory_space<semaphore_mem>>) src(%dma_wait3A_29 : memref<640x128xf32, #tpu.memory_space<vmem_shared>>) dst(%dma_wait3A_27 : memref<640x128xf32, #tpu.memory_space<hbm>>)
      tpu.yield
    }) : () -> ()
    return
  }
}

#map = affine_map<(d0, d1) -> (0, 0)>
#map1 = affine_map<(d0, d1) -> (0, 0, 0)>
module attributes {stable_mosaic.version = 14 : i64} {
  func.func @_sc_agg_body(%arg0: i32, %arg1: i32, %arg2: memref<10000x128xf32, #tpu.memory_space<hbm>>, %arg3: memref<5120x64xi32, #tpu.memory_space<hbm>>, %arg4: memref<5120x64xi32, #tpu.memory_space<hbm>>, %arg5: memref<2x10240x128xf32, #tpu.memory_space<hbm>>, %arg6: memref<40x64xi32, #tpu.memory_space<vmem>>, %arg7: memref<40x64xi32, #tpu.memory_space<vmem>>, %arg8: memref<4x64x128xf32, #tpu.memory_space<vmem>>, %arg9: memref<4x!tpu.dma_semaphore, #tpu.memory_space<semaphore_mem>>, %arg10: memref<10240x128xf32, #tpu.memory_space<vmem_shared>>) attributes {dimension_semantics = [#tpu.dimension_semantics<core_parallel>, #tpu.dimension_semantics<subcore_parallel>], iteration_bounds = array<i64: 2, 16>, scalar_prefetch = 0 : i64, scratch_operands = 5 : i64, tpu.core_type = #tpu.core_type<sc_vector_subcore>, window_params = [{transform_indices = #map}, {transform_indices = #map}, {transform_indices = #map}, {transform_indices = #map1}]} {
    %mul3A = arith.constant 2 : i32
    %mul3A_0 = arith.muli %arg1, %mul3A : i32
    %add3A = arith.addi %mul3A_0, %arg0 : i32
    %scan3A = arith.constant 0 : i32
    %scan3A_1 = arith.constant 0 : i32
    %scan3A_2 = arith.constant 64 : i32
    %scan3A_3 = arith.addi %scan3A_1, %scan3A_2 : i32
    %scan3A_4 = arith.constant 1 : i32
    scf.for %scan3A_22 = %scan3A_1 to %scan3A_3 step %scan3A_4  : i32 {
      %mul3A_23 = arith.constant 1 : i32
      %mul3A_24 = arith.muli %scan3A_22, %mul3A_23 : i32
      %add3A_25 = arith.constant 0 : i32
      %add3A_26 = arith.addi %add3A_25, %mul3A_24 : i32
      %scan3A_27 = arith.constant 0 : i32
      %scan3A_28 = arith.constant 8 : i32
      %scan3A_29 = arith.addi %scan3A_27, %scan3A_28 : i32
      %scan3A_30 = arith.constant 1 : i32
      scf.for %scan3A_32 = %scan3A_27 to %scan3A_29 step %scan3A_30  : i32 {
        %mul3A_33 = arith.constant 16 : i32
        %mul3A_34 = arith.muli %scan3A_32, %mul3A_33 : i32
        %add3A_35 = arith.constant 0 : i32
        %add3A_36 = arith.addi %add3A_35, %mul3A_34 : i32
        %broadcast_in_dim3A = arith.constant 0.000000e+00 : f32
        %broadcast_in_dim3A_37 = vector.broadcast %broadcast_in_dim3A : f32 to vector<16xf32>
        %swap3A = arith.constant 0 : i32
        %swap3A_38 = arith.constant 0 : i32
        %swap3A_39 = tpu.memref_slice %arg8[%scan3A, %swap3A, %swap3A_38] : memref<4x64x128xf32, #tpu.memory_space<vmem>> -> memref<1x64x128xf32, #tpu.memory_space<vmem>>
        %swap3A_40 = tpu.memref_squeeze %swap3A_39 : memref<1x64x128xf32, #tpu.memory_space<vmem>> -> memref<64x128xf32, #tpu.memory_space<vmem>>
        %swap3A_41 = arith.index_cast %add3A_26 : i32 to index
        %swap3A_42 = arith.index_cast %add3A_36 : i32 to index
        %swap3A_43 = tpu.vector_load %swap3A_40[%swap3A_41, %swap3A_42] {strides = array<i32>} : memref<64x128xf32, #tpu.memory_space<vmem>>, vector<1x16xf32>,
        %swap3A_44 = vector.shape_cast %swap3A_43 : vector<1x16xf32> to vector<16xf32>
        %swap3A_45 = vector.shape_cast %broadcast_in_dim3A_37 : vector<16xf32> to vector<1x16xf32>
        tpu.vector_store %swap3A_40[%swap3A_41, %swap3A_42], %swap3A_45 {strides = array<i32>} : memref<64x128xf32, #tpu.memory_space<vmem>>, vector<1x16xf32>,
      }
      %scan3A_31 = arith.constant 8 : i32
    }
    %scan3A_5 = arith.constant 64 : i32
    %scan3A_6 = arith.constant 0 : i32
    %scan3A_7 = arith.constant 0 : i32
    %scan3A_8 = arith.constant 10 : i32
    %scan3A_9 = arith.addi %scan3A_7, %scan3A_8 : i32
    %scan3A_10 = arith.constant 1 : i32
    scf.for %scan3A_22 = %scan3A_7 to %scan3A_9 step %scan3A_10  : i32 {
      %mul3A_23 = arith.constant 1 : i32
      %mul3A_24 = arith.muli %scan3A_22, %mul3A_23 : i32
      %add3A_25 = arith.constant 0 : i32
      %add3A_26 = arith.addi %add3A_25, %mul3A_24 : i32
      %mul3A_27 = arith.constant 640 : i32
      %mul3A_28 = arith.muli %arg1, %mul3A_27 : i32
      %mul3A_29 = arith.constant 64 : i32
      %mul3A_30 = arith.muli %add3A_26, %mul3A_29 : i32
      %add3A_31 = arith.addi %mul3A_28, %mul3A_30 : i32
      "tpu.region"() ({
        %run_scoped3A = tpu.sem_alloc : memref<!tpu.dma_semaphore, #tpu.memory_space<semaphore_mem>>
        %dma_start3A = arith.constant 0 : i32
        %dma_start3A_32 = arith.constant 0 : i32
        %dma_start3A_33 = tpu.memref_slice %arg8[%scan3A_6, %dma_start3A, %dma_start3A_32] : memref<4x64x128xf32, #tpu.memory_space<vmem>> -> memref<1x64x128xf32, #tpu.memory_space<vmem>>
        %dma_start3A_34 = tpu.memref_squeeze %dma_start3A_33 : memref<1x64x128xf32, #tpu.memory_space<vmem>> -> memref<64x128xf32, #tpu.memory_space<vmem>>
        %dma_start3A_35 = arith.constant 0 : i32
        %dma_start3A_36 = tpu.memref_slice %arg10[%add3A_31, %dma_start3A_35] : memref<10240x128xf32, #tpu.memory_space<vmem_shared>> -> memref<64x128xf32, #tpu.memory_space<vmem_shared>>
        %dma_start3A_37 = arith.constant 0 : i32
        %dma_start3A_38 = tpu.memref_slice %arg10[%add3A_31, %dma_start3A_37] : memref<10240x128xf32, #tpu.memory_space<vmem_shared>> -> memref<64x128xf32, #tpu.memory_space<vmem_shared>>
        %dma_start3A_39 = arith.constant 0 : i32
        %dma_start3A_40 = arith.constant 0 : i32
        %dma_start3A_41 = tpu.memref_slice %arg8[%scan3A_6, %dma_start3A_39, %dma_start3A_40] : memref<4x64x128xf32, #tpu.memory_space<vmem>> -> memref<1x64x128xf32, #tpu.memory_space<vmem>>
        %dma_start3A_42 = tpu.memref_squeeze %dma_start3A_41 : memref<1x64x128xf32, #tpu.memory_space<vmem>> -> memref<64x128xf32, #tpu.memory_space<vmem>>
        tpu.enqueue_dma source(%dma_start3A_42 : memref<64x128xf32, #tpu.memory_space<vmem>>) target(%dma_start3A_38 : memref<64x128xf32, #tpu.memory_space<vmem_shared>>) target_semaphore(%run_scoped3A : memref<!tpu.dma_semaphore, #tpu.memory_space<semaphore_mem>>)
        %dma_wait3A = arith.constant 0 : i32
        %dma_wait3A_43 = arith.constant 0 : i32
        %dma_wait3A_44 = tpu.memref_slice %arg8[%scan3A_6, %dma_wait3A, %dma_wait3A_43] : memref<4x64x128xf32, #tpu.memory_space<vmem>> -> memref<1x64x128xf32, #tpu.memory_space<vmem>>
        %dma_wait3A_45 = tpu.memref_squeeze %dma_wait3A_44 : memref<1x64x128xf32, #tpu.memory_space<vmem>> -> memref<64x128xf32, #tpu.memory_space<vmem>>
        %dma_wait3A_46 = arith.constant 0 : i32
        %dma_wait3A_47 = tpu.memref_slice %arg10[%add3A_31, %dma_wait3A_46] : memref<10240x128xf32, #tpu.memory_space<vmem_shared>> -> memref<64x128xf32, #tpu.memory_space<vmem_shared>>
        %dma_wait3A_48 = arith.constant 0 : i32
        %dma_wait3A_49 = tpu.memref_slice %arg10[%add3A_31, %dma_wait3A_48] : memref<10240x128xf32, #tpu.memory_space<vmem_shared>> -> memref<64x128xf32, #tpu.memory_space<vmem_shared>>
        %dma_wait3A_50 = arith.constant 0 : i32
        %dma_wait3A_51 = arith.constant 0 : i32
        %dma_wait3A_52 = tpu.memref_slice %arg8[%scan3A_6, %dma_wait3A_50, %dma_wait3A_51] : memref<4x64x128xf32, #tpu.memory_space<vmem>> -> memref<1x64x128xf32, #tpu.memory_space<vmem>>
        %dma_wait3A_53 = tpu.memref_squeeze %dma_wait3A_52 : memref<1x64x128xf32, #tpu.memory_space<vmem>> -> memref<64x128xf32, #tpu.memory_space<vmem>>
        tpu.wait_dma2 semaphore(%run_scoped3A : memref<!tpu.dma_semaphore, #tpu.memory_space<semaphore_mem>>) src(%dma_wait3A_53 : memref<64x128xf32, #tpu.memory_space<vmem>>) dst(%dma_wait3A_49 : memref<64x128xf32, #tpu.memory_space<vmem_shared>>)
        tpu.yield
      }) : () -> ()
    }
    %scan3A_11 = arith.constant 10 : i32
    %barrier3A = arith.constant 0 : index
    tpu.barrier barrier_id(%barrier3A)
    %scan3A_12 = arith.constant 0 : i32
    %scan3A_13 = arith.constant 4 : i32
    %scan3A_14 = arith.addi %scan3A_12, %scan3A_13 : i32
    %scan3A_15 = arith.constant 1 : i32
    scf.for %scan3A_22 = %scan3A_12 to %scan3A_14 step %scan3A_15  : i32 {
      %mul3A_23 = arith.constant 1 : i32
      %mul3A_24 = arith.muli %scan3A_22, %mul3A_23 : i32
      %add3A_25 = arith.constant 0 : i32
      %add3A_26 = arith.addi %add3A_25, %mul3A_24 : i32
      %mul3A_27 = arith.constant 160 : i32
      %mul3A_28 = arith.muli %add3A, %mul3A_27 : i32
      %mul3A_29 = arith.constant 40 : i32
      %mul3A_30 = arith.muli %add3A_26, %mul3A_29 : i32
      %add3A_31 = arith.addi %mul3A_28, %mul3A_30 : i32
      "tpu.region"() ({
        %run_scoped3A_162 = tpu.sem_alloc : memref<!tpu.dma_semaphore, #tpu.memory_space<semaphore_mem>>
        %dma_start3A_163 = arith.constant 0 : i32
        %dma_start3A_164 = tpu.memref_slice %arg3[%add3A_31, %dma_start3A_163] : memref<5120x64xi32, #tpu.memory_space<hbm>> -> memref<40x64xi32, #tpu.memory_space<hbm>>
        %dma_start3A_165 = arith.constant 0 : i32
        %dma_start3A_166 = tpu.memref_slice %arg3[%add3A_31, %dma_start3A_165] : memref<5120x64xi32, #tpu.memory_space<hbm>> -> memref<40x64xi32, #tpu.memory_space<hbm>>
        tpu.enqueue_dma source(%dma_start3A_166 : memref<40x64xi32, #tpu.memory_space<hbm>>) target(%arg6 : memref<40x64xi32, #tpu.memory_space<vmem>>) target_semaphore(%run_scoped3A_162 : memref<!tpu.dma_semaphore, #tpu.memory_space<semaphore_mem>>)
        %dma_wait3A_167 = arith.constant 0 : i32
        %dma_wait3A_168 = tpu.memref_slice %arg3[%add3A_31, %dma_wait3A_167] : memref<5120x64xi32, #tpu.memory_space<hbm>> -> memref<40x64xi32, #tpu.memory_space<hbm>>
        %dma_wait3A_169 = arith.constant 0 : i32
        %dma_wait3A_170 = tpu.memref_slice %arg3[%add3A_31, %dma_wait3A_169] : memref<5120x64xi32, #tpu.memory_space<hbm>> -> memref<40x64xi32, #tpu.memory_space<hbm>>
        tpu.wait_dma2 semaphore(%run_scoped3A_162 : memref<!tpu.dma_semaphore, #tpu.memory_space<semaphore_mem>>) src(%dma_wait3A_170 : memref<40x64xi32, #tpu.memory_space<hbm>>) dst(%arg6 : memref<40x64xi32, #tpu.memory_space<vmem>>)
        tpu.yield
      }) : () -> ()
      "tpu.region"() ({
        %run_scoped3A_162 = tpu.sem_alloc : memref<!tpu.dma_semaphore, #tpu.memory_space<semaphore_mem>>
        %dma_start3A_163 = arith.constant 0 : i32
        %dma_start3A_164 = tpu.memref_slice %arg4[%add3A_31, %dma_start3A_163] : memref<5120x64xi32, #tpu.memory_space<hbm>> -> memref<40x64xi32, #tpu.memory_space<hbm>>
        %dma_start3A_165 = arith.constant 0 : i32
        %dma_start3A_166 = tpu.memref_slice %arg4[%add3A_31, %dma_start3A_165] : memref<5120x64xi32, #tpu.memory_space<hbm>> -> memref<40x64xi32, #tpu.memory_space<hbm>>
        tpu.enqueue_dma source(%dma_start3A_166 : memref<40x64xi32, #tpu.memory_space<hbm>>) target(%arg7 : memref<40x64xi32, #tpu.memory_space<vmem>>) target_semaphore(%run_scoped3A_162 : memref<!tpu.dma_semaphore, #tpu.memory_space<semaphore_mem>>)
        %dma_wait3A_167 = arith.constant 0 : i32
        %dma_wait3A_168 = tpu.memref_slice %arg4[%add3A_31, %dma_wait3A_167] : memref<5120x64xi32, #tpu.memory_space<hbm>> -> memref<40x64xi32, #tpu.memory_space<hbm>>
        %dma_wait3A_169 = arith.constant 0 : i32
        %dma_wait3A_170 = tpu.memref_slice %arg4[%add3A_31, %dma_wait3A_169] : memref<5120x64xi32, #tpu.memory_space<hbm>> -> memref<40x64xi32, #tpu.memory_space<hbm>>
        tpu.wait_dma2 semaphore(%run_scoped3A_162 : memref<!tpu.dma_semaphore, #tpu.memory_space<semaphore_mem>>) src(%dma_wait3A_170 : memref<40x64xi32, #tpu.memory_space<hbm>>) dst(%arg7 : memref<40x64xi32, #tpu.memory_space<vmem>>)
        tpu.yield
      }) : () -> ()
      %dma_start3A = arith.constant 0 : i32
      %dma_start3A_32 = arith.constant 0 : i32
      %dma_start3A_33 = arith.constant 0 : i32
      %dma_start3A_34 = arith.constant 0 : i32
      %dma_start3A_35 = arith.constant 0 : i32
      %dma_start3A_36 = tpu.memref_slice %arg8[%dma_start3A_32, %dma_start3A_34, %dma_start3A_35] : memref<4x64x128xf32, #tpu.memory_space<vmem>> -> memref<1x64x128xf32, #tpu.memory_space<vmem>>
      %dma_start3A_37 = tpu.memref_squeeze %dma_start3A_36 : memref<1x64x128xf32, #tpu.memory_space<vmem>> -> memref<64x128xf32, #tpu.memory_space<vmem>>
      %dma_start3A_38 = arith.constant 0 : i32
      %dma_start3A_39 = tpu.memref_slice %arg6[%dma_start3A, %dma_start3A_38] : memref<40x64xi32, #tpu.memory_space<vmem>> -> memref<1x64xi32, #tpu.memory_space<vmem>>
      %dma_start3A_40 = tpu.memref_squeeze %dma_start3A_39 : memref<1x64xi32, #tpu.memory_space<vmem>> -> memref<64xi32, #tpu.memory_space<vmem>>
      %dma_start3A_41 = arith.constant 0 : i32
      %dma_start3A_42 = arith.constant 0 : i32
      %dma_start3A_43 = tpu.memref_slice %arg2[%dma_start3A_41, %dma_start3A_42] : memref<10000x128xf32, #tpu.memory_space<hbm>> -> memref<10000x128xf32, #tpu.memory_space<hbm>>
      %dma_start3A_44 = tpu.memref_slice %arg9[%dma_start3A_33] : memref<4x!tpu.dma_semaphore, #tpu.memory_space<semaphore_mem>> -> memref<1x!tpu.dma_semaphore, #tpu.memory_space<semaphore_mem>>
      %dma_start3A_45 = tpu.memref_squeeze %dma_start3A_44 : memref<1x!tpu.dma_semaphore, #tpu.memory_space<semaphore_mem>> -> memref<!tpu.dma_semaphore, #tpu.memory_space<semaphore_mem>>
      tpu.enqueue_indirect_dma source(%dma_start3A_43 : memref<10000x128xf32, #tpu.memory_space<hbm>>) target(%dma_start3A_37 : memref<64x128xf32, #tpu.memory_space<vmem>>) offsets(%dma_start3A_40 : memref<64xi32, #tpu.memory_space<vmem>>) semaphore(%dma_start3A_45 : memref<!tpu.dma_semaphore, #tpu.memory_space<semaphore_mem>>)
      %dma_start3A_46 = arith.constant 1 : i32
      %dma_start3A_47 = arith.constant 1 : i32
      %dma_start3A_48 = arith.constant 1 : i32
      %dma_start3A_49 = arith.constant 0 : i32
      %dma_start3A_50 = arith.constant 0 : i32
      %dma_start3A_51 = tpu.memref_slice %arg8[%dma_start3A_47, %dma_start3A_49, %dma_start3A_50] : memref<4x64x128xf32, #tpu.memory_space<vmem>> -> memref<1x64x128xf32, #tpu.memory_space<vmem>>
      %dma_start3A_52 = tpu.memref_squeeze %dma_start3A_51 : memref<1x64x128xf32, #tpu.memory_space<vmem>> -> memref<64x128xf32, #tpu.memory_space<vmem>>
      %dma_start3A_53 = arith.constant 0 : i32
      %dma_start3A_54 = tpu.memref_slice %arg6[%dma_start3A_46, %dma_start3A_53] : memref<40x64xi32, #tpu.memory_space<vmem>> -> memref<1x64xi32, #tpu.memory_space<vmem>>
      %dma_start3A_55 = tpu.memref_squeeze %dma_start3A_54 : memref<1x64xi32, #tpu.memory_space<vmem>> -> memref<64xi32, #tpu.memory_space<vmem>>
      %dma_start3A_56 = arith.constant 0 : i32
      %dma_start3A_57 = arith.constant 0 : i32
      %dma_start3A_58 = tpu.memref_slice %arg2[%dma_start3A_56, %dma_start3A_57] : memref<10000x128xf32, #tpu.memory_space<hbm>> -> memref<10000x128xf32, #tpu.memory_space<hbm>>
      %dma_start3A_59 = tpu.memref_slice %arg9[%dma_start3A_48] : memref<4x!tpu.dma_semaphore, #tpu.memory_space<semaphore_mem>> -> memref<1x!tpu.dma_semaphore, #tpu.memory_space<semaphore_mem>>
      %dma_start3A_60 = tpu.memref_squeeze %dma_start3A_59 : memref<1x!tpu.dma_semaphore, #tpu.memory_space<semaphore_mem>> -> memref<!tpu.dma_semaphore, #tpu.memory_space<semaphore_mem>>
      tpu.enqueue_indirect_dma source(%dma_start3A_58 : memref<10000x128xf32, #tpu.memory_space<hbm>>) target(%dma_start3A_52 : memref<64x128xf32, #tpu.memory_space<vmem>>) offsets(%dma_start3A_55 : memref<64xi32, #tpu.memory_space<vmem>>) semaphore(%dma_start3A_60 : memref<!tpu.dma_semaphore, #tpu.memory_space<semaphore_mem>>)
      %dma_start3A_61 = arith.constant 2 : i32
      %dma_start3A_62 = arith.constant 2 : i32
      %dma_start3A_63 = arith.constant 2 : i32
      %dma_start3A_64 = arith.constant 0 : i32
      %dma_start3A_65 = arith.constant 0 : i32
      %dma_start3A_66 = tpu.memref_slice %arg8[%dma_start3A_62, %dma_start3A_64, %dma_start3A_65] : memref<4x64x128xf32, #tpu.memory_space<vmem>> -> memref<1x64x128xf32, #tpu.memory_space<vmem>>
      %dma_start3A_67 = tpu.memref_squeeze %dma_start3A_66 : memref<1x64x128xf32, #tpu.memory_space<vmem>> -> memref<64x128xf32, #tpu.memory_space<vmem>>
      %dma_start3A_68 = arith.constant 0 : i32
      %dma_start3A_69 = tpu.memref_slice %arg6[%dma_start3A_61, %dma_start3A_68] : memref<40x64xi32, #tpu.memory_space<vmem>> -> memref<1x64xi32, #tpu.memory_space<vmem>>
      %dma_start3A_70 = tpu.memref_squeeze %dma_start3A_69 : memref<1x64xi32, #tpu.memory_space<vmem>> -> memref<64xi32, #tpu.memory_space<vmem>>
      %dma_start3A_71 = arith.constant 0 : i32
      %dma_start3A_72 = arith.constant 0 : i32
      %dma_start3A_73 = tpu.memref_slice %arg2[%dma_start3A_71, %dma_start3A_72] : memref<10000x128xf32, #tpu.memory_space<hbm>> -> memref<10000x128xf32, #tpu.memory_space<hbm>>
      %dma_start3A_74 = tpu.memref_slice %arg9[%dma_start3A_63] : memref<4x!tpu.dma_semaphore, #tpu.memory_space<semaphore_mem>> -> memref<1x!tpu.dma_semaphore, #tpu.memory_space<semaphore_mem>>
      %dma_start3A_75 = tpu.memref_squeeze %dma_start3A_74 : memref<1x!tpu.dma_semaphore, #tpu.memory_space<semaphore_mem>> -> memref<!tpu.dma_semaphore, #tpu.memory_space<semaphore_mem>>
      tpu.enqueue_indirect_dma source(%dma_start3A_73 : memref<10000x128xf32, #tpu.memory_space<hbm>>) target(%dma_start3A_67 : memref<64x128xf32, #tpu.memory_space<vmem>>) offsets(%dma_start3A_70 : memref<64xi32, #tpu.memory_space<vmem>>) semaphore(%dma_start3A_75 : memref<!tpu.dma_semaphore, #tpu.memory_space<semaphore_mem>>)
      %dma_start3A_76 = arith.constant 3 : i32
      %dma_start3A_77 = arith.constant 3 : i32
      %dma_start3A_78 = arith.constant 3 : i32
      %dma_start3A_79 = arith.constant 0 : i32
      %dma_start3A_80 = arith.constant 0 : i32
      %dma_start3A_81 = tpu.memref_slice %arg8[%dma_start3A_77, %dma_start3A_79, %dma_start3A_80] : memref<4x64x128xf32, #tpu.memory_space<vmem>> -> memref<1x64x128xf32, #tpu.memory_space<vmem>>
      %dma_start3A_82 = tpu.memref_squeeze %dma_start3A_81 : memref<1x64x128xf32, #tpu.memory_space<vmem>> -> memref<64x128xf32, #tpu.memory_space<vmem>>
      %dma_start3A_83 = arith.constant 0 : i32
      %dma_start3A_84 = tpu.memref_slice %arg6[%dma_start3A_76, %dma_start3A_83] : memref<40x64xi32, #tpu.memory_space<vmem>> -> memref<1x64xi32, #tpu.memory_space<vmem>>
      %dma_start3A_85 = tpu.memref_squeeze %dma_start3A_84 : memref<1x64xi32, #tpu.memory_space<vmem>> -> memref<64xi32, #tpu.memory_space<vmem>>
      %dma_start3A_86 = arith.constant 0 : i32
      %dma_start3A_87 = arith.constant 0 : i32
      %dma_start3A_88 = tpu.memref_slice %arg2[%dma_start3A_86, %dma_start3A_87] : memref<10000x128xf32, #tpu.memory_space<hbm>> -> memref<10000x128xf32, #tpu.memory_space<hbm>>
      %dma_start3A_89 = tpu.memref_slice %arg9[%dma_start3A_78] : memref<4x!tpu.dma_semaphore, #tpu.memory_space<semaphore_mem>> -> memref<1x!tpu.dma_semaphore, #tpu.memory_space<semaphore_mem>>
      %dma_start3A_90 = tpu.memref_squeeze %dma_start3A_89 : memref<1x!tpu.dma_semaphore, #tpu.memory_space<semaphore_mem>> -> memref<!tpu.dma_semaphore, #tpu.memory_space<semaphore_mem>>
      tpu.enqueue_indirect_dma source(%dma_start3A_88 : memref<10000x128xf32, #tpu.memory_space<hbm>>) target(%dma_start3A_82 : memref<64x128xf32, #tpu.memory_space<vmem>>) offsets(%dma_start3A_85 : memref<64xi32, #tpu.memory_space<vmem>>) semaphore(%dma_start3A_90 : memref<!tpu.dma_semaphore, #tpu.memory_space<semaphore_mem>>)
      %scan3A_91 = arith.constant 0 : i32
      %scan3A_92 = arith.constant 9 : i32
      %scan3A_93 = arith.addi %scan3A_91, %scan3A_92 : i32
      %scan3A_94 = arith.constant 1 : i32
      scf.for %scan3A_162 = %scan3A_91 to %scan3A_93 step %scan3A_94  : i32 {
        %mul3A_163 = arith.constant 4 : i32
        %mul3A_164 = arith.muli %scan3A_162, %mul3A_163 : i32
        %add3A_165 = arith.constant 0 : i32
        %add3A_166 = arith.addi %add3A_165, %mul3A_164 : i32
        %add3A_167 = arith.constant 0 : i32
        %add3A_168 = arith.addi %add3A_166, %add3A_167 : i32
        %dma_wait3A_169 = arith.constant 0 : i32
        %dma_wait3A_170 = arith.constant 0 : i32
        %dma_wait3A_171 = arith.constant 0 : i32
        %dma_wait3A_172 = arith.constant 0 : i32
        %dma_wait3A_173 = tpu.memref_slice %arg8[%dma_wait3A_169, %dma_wait3A_171, %dma_wait3A_172] : memref<4x64x128xf32, #tpu.memory_space<vmem>> -> memref<1x64x128xf32, #tpu.memory_space<vmem>>
        %dma_wait3A_174 = tpu.memref_squeeze %dma_wait3A_173 : memref<1x64x128xf32, #tpu.memory_space<vmem>> -> memref<64x128xf32, #tpu.memory_space<vmem>>
        %dma_wait3A_175 = arith.constant 0 : i32
        %dma_wait3A_176 = tpu.memref_slice %arg6[%add3A_168, %dma_wait3A_175] : memref<40x64xi32, #tpu.memory_space<vmem>> -> memref<1x64xi32, #tpu.memory_space<vmem>>
        %dma_wait3A_177 = tpu.memref_squeeze %dma_wait3A_176 : memref<1x64xi32, #tpu.memory_space<vmem>> -> memref<64xi32, #tpu.memory_space<vmem>>
        %dma_wait3A_178 = arith.constant 0 : i32
        %dma_wait3A_179 = arith.constant 0 : i32
        %dma_wait3A_180 = tpu.memref_slice %arg2[%dma_wait3A_178, %dma_wait3A_179] : memref<10000x128xf32, #tpu.memory_space<hbm>> -> memref<10000x128xf32, #tpu.memory_space<hbm>>
        %dma_wait3A_181 = tpu.memref_slice %arg9[%dma_wait3A_170] : memref<4x!tpu.dma_semaphore, #tpu.memory_space<semaphore_mem>> -> memref<1x!tpu.dma_semaphore, #tpu.memory_space<semaphore_mem>>
        %dma_wait3A_182 = tpu.memref_squeeze %dma_wait3A_181 : memref<1x!tpu.dma_semaphore, #tpu.memory_space<semaphore_mem>> -> memref<!tpu.dma_semaphore, #tpu.memory_space<semaphore_mem>>
        tpu.wait_indirect_dma semaphore(%dma_wait3A_182 : memref<!tpu.dma_semaphore, #tpu.memory_space<semaphore_mem>>) src(%dma_wait3A_180 : memref<10000x128xf32, #tpu.memory_space<hbm>>) dst(%dma_wait3A_174 : memref<64x128xf32, #tpu.memory_space<vmem>>)
        %run_scoped3A_183 = arith.constant 0 : i32
        "tpu.region"() ({
          %run_scoped3A_299 = tpu.sem_alloc : memref<!tpu.dma_semaphore, #tpu.memory_space<semaphore_mem>>
          %dma_start3A_300 = arith.constant 0 : i32
          %dma_start3A_301 = arith.constant 0 : i32
          %dma_start3A_302 = tpu.memref_slice %arg8[%run_scoped3A_183, %dma_start3A_300, %dma_start3A_301] : memref<4x64x128xf32, #tpu.memory_space<vmem>> -> memref<1x64x128xf32, #tpu.memory_space<vmem>>
          %dma_start3A_303 = tpu.memref_squeeze %dma_start3A_302 : memref<1x64x128xf32, #tpu.memory_space<vmem>> -> memref<64x128xf32, #tpu.memory_space<vmem>>
          %dma_start3A_304 = arith.constant 0 : i32
          %dma_start3A_305 = tpu.memref_slice %arg7[%add3A_168, %dma_start3A_304] : memref<40x64xi32, #tpu.memory_space<vmem>> -> memref<1x64xi32, #tpu.memory_space<vmem>>
          %dma_start3A_306 = tpu.memref_squeeze %dma_start3A_305 : memref<1x64xi32, #tpu.memory_space<vmem>> -> memref<64xi32, #tpu.memory_space<vmem>>
          %dma_start3A_307 = arith.constant 0 : i32
          %dma_start3A_308 = arith.constant 0 : i32
          %dma_start3A_309 = tpu.memref_slice %arg10[%dma_start3A_307, %dma_start3A_308] : memref<10240x128xf32, #tpu.memory_space<vmem_shared>> -> memref<10240x128xf32, #tpu.memory_space<vmem_shared>>
          tpu.enqueue_indirect_dma source(%dma_start3A_303 : memref<64x128xf32, #tpu.memory_space<vmem>>) target(%dma_start3A_309 : memref<10240x128xf32, #tpu.memory_space<vmem_shared>>) offsets(%dma_start3A_306 : memref<64xi32, #tpu.memory_space<vmem>>) semaphore(%run_scoped3A_299 : memref<!tpu.dma_semaphore, #tpu.memory_space<semaphore_mem>>) {add = true}
          %dma_wait3A_310 = arith.constant 0 : i32
          %dma_wait3A_311 = arith.constant 0 : i32
          %dma_wait3A_312 = tpu.memref_slice %arg8[%run_scoped3A_183, %dma_wait3A_310, %dma_wait3A_311] : memref<4x64x128xf32, #tpu.memory_space<vmem>> -> memref<1x64x128xf32, #tpu.memory_space<vmem>>
          %dma_wait3A_313 = tpu.memref_squeeze %dma_wait3A_312 : memref<1x64x128xf32, #tpu.memory_space<vmem>> -> memref<64x128xf32, #tpu.memory_space<vmem>>
          %dma_wait3A_314 = arith.constant 0 : i32
          %dma_wait3A_315 = tpu.memref_slice %arg7[%add3A_168, %dma_wait3A_314] : memref<40x64xi32, #tpu.memory_space<vmem>> -> memref<1x64xi32, #tpu.memory_space<vmem>>
          %dma_wait3A_316 = tpu.memref_squeeze %dma_wait3A_315 : memref<1x64xi32, #tpu.memory_space<vmem>> -> memref<64xi32, #tpu.memory_space<vmem>>
          %dma_wait3A_317 = arith.constant 0 : i32
          %dma_wait3A_318 = arith.constant 0 : i32
          %dma_wait3A_319 = tpu.memref_slice %arg10[%dma_wait3A_317, %dma_wait3A_318] : memref<10240x128xf32, #tpu.memory_space<vmem_shared>> -> memref<10240x128xf32, #tpu.memory_space<vmem_shared>>
          tpu.wait_indirect_dma semaphore(%run_scoped3A_299 : memref<!tpu.dma_semaphore, #tpu.memory_space<semaphore_mem>>) src(%dma_wait3A_313 : memref<64x128xf32, #tpu.memory_space<vmem>>) dst(%dma_wait3A_319 : memref<10240x128xf32, #tpu.memory_space<vmem_shared>>)
          tpu.yield
        }) : () -> ()
        %add3A_184 = arith.constant 4 : i32
        %add3A_185 = arith.addi %add3A_168, %add3A_184 : i32
        %dma_start3A_186 = arith.constant 0 : i32
        %dma_start3A_187 = arith.constant 0 : i32
        %dma_start3A_188 = arith.constant 0 : i32
        %dma_start3A_189 = arith.constant 0 : i32
        %dma_start3A_190 = tpu.memref_slice %arg8[%dma_start3A_186, %dma_start3A_188, %dma_start3A_189] : memref<4x64x128xf32, #tpu.memory_space<vmem>> -> memref<1x64x128xf32, #tpu.memory_space<vmem>>
        %dma_start3A_191 = tpu.memref_squeeze %dma_start3A_190 : memref<1x64x128xf32, #tpu.memory_space<vmem>> -> memref<64x128xf32, #tpu.memory_space<vmem>>
        %dma_start3A_192 = arith.constant 0 : i32
        %dma_start3A_193 = tpu.memref_slice %arg6[%add3A_185, %dma_start3A_192] : memref<40x64xi32, #tpu.memory_space<vmem>> -> memref<1x64xi32, #tpu.memory_space<vmem>>
        %dma_start3A_194 = tpu.memref_squeeze %dma_start3A_193 : memref<1x64xi32, #tpu.memory_space<vmem>> -> memref<64xi32, #tpu.memory_space<vmem>>
        %dma_start3A_195 = arith.constant 0 : i32
        %dma_start3A_196 = arith.constant 0 : i32
        %dma_start3A_197 = tpu.memref_slice %arg2[%dma_start3A_195, %dma_start3A_196] : memref<10000x128xf32, #tpu.memory_space<hbm>> -> memref<10000x128xf32, #tpu.memory_space<hbm>>
        %dma_start3A_198 = tpu.memref_slice %arg9[%dma_start3A_187] : memref<4x!tpu.dma_semaphore, #tpu.memory_space<semaphore_mem>> -> memref<1x!tpu.dma_semaphore, #tpu.memory_space<semaphore_mem>>
        %dma_start3A_199 = tpu.memref_squeeze %dma_start3A_198 : memref<1x!tpu.dma_semaphore, #tpu.memory_space<semaphore_mem>> -> memref<!tpu.dma_semaphore, #tpu.memory_space<semaphore_mem>>
        tpu.enqueue_indirect_dma source(%dma_start3A_197 : memref<10000x128xf32, #tpu.memory_space<hbm>>) target(%dma_start3A_191 : memref<64x128xf32, #tpu.memory_space<vmem>>) offsets(%dma_start3A_194 : memref<64xi32, #tpu.memory_space<vmem>>) semaphore(%dma_start3A_199 : memref<!tpu.dma_semaphore, #tpu.memory_space<semaphore_mem>>)
        %add3A_200 = arith.constant 1 : i32
        %add3A_201 = arith.addi %add3A_166, %add3A_200 : i32
        %dma_wait3A_202 = arith.constant 1 : i32
        %dma_wait3A_203 = arith.constant 1 : i32
        %dma_wait3A_204 = arith.constant 0 : i32
        %dma_wait3A_205 = arith.constant 0 : i32
        %dma_wait3A_206 = tpu.memref_slice %arg8[%dma_wait3A_202, %dma_wait3A_204, %dma_wait3A_205] : memref<4x64x128xf32, #tpu.memory_space<vmem>> -> memref<1x64x128xf32, #tpu.memory_space<vmem>>
        %dma_wait3A_207 = tpu.memref_squeeze %dma_wait3A_206 : memref<1x64x128xf32, #tpu.memory_space<vmem>> -> memref<64x128xf32, #tpu.memory_space<vmem>>
        %dma_wait3A_208 = arith.constant 0 : i32
        %dma_wait3A_209 = tpu.memref_slice %arg6[%add3A_201, %dma_wait3A_208] : memref<40x64xi32, #tpu.memory_space<vmem>> -> memref<1x64xi32, #tpu.memory_space<vmem>>
        %dma_wait3A_210 = tpu.memref_squeeze %dma_wait3A_209 : memref<1x64xi32, #tpu.memory_space<vmem>> -> memref<64xi32, #tpu.memory_space<vmem>>
        %dma_wait3A_211 = arith.constant 0 : i32
        %dma_wait3A_212 = arith.constant 0 : i32
        %dma_wait3A_213 = tpu.memref_slice %arg2[%dma_wait3A_211, %dma_wait3A_212] : memref<10000x128xf32, #tpu.memory_space<hbm>> -> memref<10000x128xf32, #tpu.memory_space<hbm>>
        %dma_wait3A_214 = tpu.memref_slice %arg9[%dma_wait3A_203] : memref<4x!tpu.dma_semaphore, #tpu.memory_space<semaphore_mem>> -> memref<1x!tpu.dma_semaphore, #tpu.memory_space<semaphore_mem>>
        %dma_wait3A_215 = tpu.memref_squeeze %dma_wait3A_214 : memref<1x!tpu.dma_semaphore, #tpu.memory_space<semaphore_mem>> -> memref<!tpu.dma_semaphore, #tpu.memory_space<semaphore_mem>>
        tpu.wait_indirect_dma semaphore(%dma_wait3A_215 : memref<!tpu.dma_semaphore, #tpu.memory_space<semaphore_mem>>) src(%dma_wait3A_213 : memref<10000x128xf32, #tpu.memory_space<hbm>>) dst(%dma_wait3A_207 : memref<64x128xf32, #tpu.memory_space<vmem>>)
        %run_scoped3A_216 = arith.constant 1 : i32
        "tpu.region"() ({
          %run_scoped3A_299 = tpu.sem_alloc : memref<!tpu.dma_semaphore, #tpu.memory_space<semaphore_mem>>
          %dma_start3A_300 = arith.constant 0 : i32
          %dma_start3A_301 = arith.constant 0 : i32
          %dma_start3A_302 = tpu.memref_slice %arg8[%run_scoped3A_216, %dma_start3A_300, %dma_start3A_301] : memref<4x64x128xf32, #tpu.memory_space<vmem>> -> memref<1x64x128xf32, #tpu.memory_space<vmem>>
          %dma_start3A_303 = tpu.memref_squeeze %dma_start3A_302 : memref<1x64x128xf32, #tpu.memory_space<vmem>> -> memref<64x128xf32, #tpu.memory_space<vmem>>
          %dma_start3A_304 = arith.constant 0 : i32
          %dma_start3A_305 = tpu.memref_slice %arg7[%add3A_201, %dma_start3A_304] : memref<40x64xi32, #tpu.memory_space<vmem>> -> memref<1x64xi32, #tpu.memory_space<vmem>>
          %dma_start3A_306 = tpu.memref_squeeze %dma_start3A_305 : memref<1x64xi32, #tpu.memory_space<vmem>> -> memref<64xi32, #tpu.memory_space<vmem>>
          %dma_start3A_307 = arith.constant 0 : i32
          %dma_start3A_308 = arith.constant 0 : i32
          %dma_start3A_309 = tpu.memref_slice %arg10[%dma_start3A_307, %dma_start3A_308] : memref<10240x128xf32, #tpu.memory_space<vmem_shared>> -> memref<10240x128xf32, #tpu.memory_space<vmem_shared>>
          tpu.enqueue_indirect_dma source(%dma_start3A_303 : memref<64x128xf32, #tpu.memory_space<vmem>>) target(%dma_start3A_309 : memref<10240x128xf32, #tpu.memory_space<vmem_shared>>) offsets(%dma_start3A_306 : memref<64xi32, #tpu.memory_space<vmem>>) semaphore(%run_scoped3A_299 : memref<!tpu.dma_semaphore, #tpu.memory_space<semaphore_mem>>) {add = true}
          %dma_wait3A_310 = arith.constant 0 : i32
          %dma_wait3A_311 = arith.constant 0 : i32
          %dma_wait3A_312 = tpu.memref_slice %arg8[%run_scoped3A_216, %dma_wait3A_310, %dma_wait3A_311] : memref<4x64x128xf32, #tpu.memory_space<vmem>> -> memref<1x64x128xf32, #tpu.memory_space<vmem>>
          %dma_wait3A_313 = tpu.memref_squeeze %dma_wait3A_312 : memref<1x64x128xf32, #tpu.memory_space<vmem>> -> memref<64x128xf32, #tpu.memory_space<vmem>>
          %dma_wait3A_314 = arith.constant 0 : i32
          %dma_wait3A_315 = tpu.memref_slice %arg7[%add3A_201, %dma_wait3A_314] : memref<40x64xi32, #tpu.memory_space<vmem>> -> memref<1x64xi32, #tpu.memory_space<vmem>>
          %dma_wait3A_316 = tpu.memref_squeeze %dma_wait3A_315 : memref<1x64xi32, #tpu.memory_space<vmem>> -> memref<64xi32, #tpu.memory_space<vmem>>
          %dma_wait3A_317 = arith.constant 0 : i32
          %dma_wait3A_318 = arith.constant 0 : i32
          %dma_wait3A_319 = tpu.memref_slice %arg10[%dma_wait3A_317, %dma_wait3A_318] : memref<10240x128xf32, #tpu.memory_space<vmem_shared>> -> memref<10240x128xf32, #tpu.memory_space<vmem_shared>>
          tpu.wait_indirect_dma semaphore(%run_scoped3A_299 : memref<!tpu.dma_semaphore, #tpu.memory_space<semaphore_mem>>) src(%dma_wait3A_313 : memref<64x128xf32, #tpu.memory_space<vmem>>) dst(%dma_wait3A_319 : memref<10240x128xf32, #tpu.memory_space<vmem_shared>>)
          tpu.yield
        }) : () -> ()
        %add3A_217 = arith.constant 4 : i32
        %add3A_218 = arith.addi %add3A_201, %add3A_217 : i32
        %dma_start3A_219 = arith.constant 1 : i32
        %dma_start3A_220 = arith.constant 1 : i32
        %dma_start3A_221 = arith.constant 0 : i32
        %dma_start3A_222 = arith.constant 0 : i32
        %dma_start3A_223 = tpu.memref_slice %arg8[%dma_start3A_219, %dma_start3A_221, %dma_start3A_222] : memref<4x64x128xf32, #tpu.memory_space<vmem>> -> memref<1x64x128xf32, #tpu.memory_space<vmem>>
        %dma_start3A_224 = tpu.memref_squeeze %dma_start3A_223 : memref<1x64x128xf32, #tpu.memory_space<vmem>> -> memref<64x128xf32, #tpu.memory_space<vmem>>
        %dma_start3A_225 = arith.constant 0 : i32
        %dma_start3A_226 = tpu.memref_slice %arg6[%add3A_218, %dma_start3A_225] : memref<40x64xi32, #tpu.memory_space<vmem>> -> memref<1x64xi32, #tpu.memory_space<vmem>>
        %dma_start3A_227 = tpu.memref_squeeze %dma_start3A_226 : memref<1x64xi32, #tpu.memory_space<vmem>> -> memref<64xi32, #tpu.memory_space<vmem>>
        %dma_start3A_228 = arith.constant 0 : i32
        %dma_start3A_229 = arith.constant 0 : i32
        %dma_start3A_230 = tpu.memref_slice %arg2[%dma_start3A_228, %dma_start3A_229] : memref<10000x128xf32, #tpu.memory_space<hbm>> -> memref<10000x128xf32, #tpu.memory_space<hbm>>
        %dma_start3A_231 = tpu.memref_slice %arg9[%dma_start3A_220] : memref<4x!tpu.dma_semaphore, #tpu.memory_space<semaphore_mem>> -> memref<1x!tpu.dma_semaphore, #tpu.memory_space<semaphore_mem>>
        %dma_start3A_232 = tpu.memref_squeeze %dma_start3A_231 : memref<1x!tpu.dma_semaphore, #tpu.memory_space<semaphore_mem>> -> memref<!tpu.dma_semaphore, #tpu.memory_space<semaphore_mem>>
        tpu.enqueue_indirect_dma source(%dma_start3A_230 : memref<10000x128xf32, #tpu.memory_space<hbm>>) target(%dma_start3A_224 : memref<64x128xf32, #tpu.memory_space<vmem>>) offsets(%dma_start3A_227 : memref<64xi32, #tpu.memory_space<vmem>>) semaphore(%dma_start3A_232 : memref<!tpu.dma_semaphore, #tpu.memory_space<semaphore_mem>>)
        %add3A_233 = arith.constant 2 : i32
        %add3A_234 = arith.addi %add3A_166, %add3A_233 : i32
        %dma_wait3A_235 = arith.constant 2 : i32
        %dma_wait3A_236 = arith.constant 2 : i32
        %dma_wait3A_237 = arith.constant 0 : i32
        %dma_wait3A_238 = arith.constant 0 : i32
        %dma_wait3A_239 = tpu.memref_slice %arg8[%dma_wait3A_235, %dma_wait3A_237, %dma_wait3A_238] : memref<4x64x128xf32, #tpu.memory_space<vmem>> -> memref<1x64x128xf32, #tpu.memory_space<vmem>>
        %dma_wait3A_240 = tpu.memref_squeeze %dma_wait3A_239 : memref<1x64x128xf32, #tpu.memory_space<vmem>> -> memref<64x128xf32, #tpu.memory_space<vmem>>
        %dma_wait3A_241 = arith.constant 0 : i32
        %dma_wait3A_242 = tpu.memref_slice %arg6[%add3A_234, %dma_wait3A_241] : memref<40x64xi32, #tpu.memory_space<vmem>> -> memref<1x64xi32, #tpu.memory_space<vmem>>
        %dma_wait3A_243 = tpu.memref_squeeze %dma_wait3A_242 : memref<1x64xi32, #tpu.memory_space<vmem>> -> memref<64xi32, #tpu.memory_space<vmem>>
        %dma_wait3A_244 = arith.constant 0 : i32
        %dma_wait3A_245 = arith.constant 0 : i32
        %dma_wait3A_246 = tpu.memref_slice %arg2[%dma_wait3A_244, %dma_wait3A_245] : memref<10000x128xf32, #tpu.memory_space<hbm>> -> memref<10000x128xf32, #tpu.memory_space<hbm>>
        %dma_wait3A_247 = tpu.memref_slice %arg9[%dma_wait3A_236] : memref<4x!tpu.dma_semaphore, #tpu.memory_space<semaphore_mem>> -> memref<1x!tpu.dma_semaphore, #tpu.memory_space<semaphore_mem>>
        %dma_wait3A_248 = tpu.memref_squeeze %dma_wait3A_247 : memref<1x!tpu.dma_semaphore, #tpu.memory_space<semaphore_mem>> -> memref<!tpu.dma_semaphore, #tpu.memory_space<semaphore_mem>>
        tpu.wait_indirect_dma semaphore(%dma_wait3A_248 : memref<!tpu.dma_semaphore, #tpu.memory_space<semaphore_mem>>) src(%dma_wait3A_246 : memref<10000x128xf32, #tpu.memory_space<hbm>>) dst(%dma_wait3A_240 : memref<64x128xf32, #tpu.memory_space<vmem>>)
        %run_scoped3A_249 = arith.constant 2 : i32
        "tpu.region"() ({
          %run_scoped3A_299 = tpu.sem_alloc : memref<!tpu.dma_semaphore, #tpu.memory_space<semaphore_mem>>
          %dma_start3A_300 = arith.constant 0 : i32
          %dma_start3A_301 = arith.constant 0 : i32
          %dma_start3A_302 = tpu.memref_slice %arg8[%run_scoped3A_249, %dma_start3A_300, %dma_start3A_301] : memref<4x64x128xf32, #tpu.memory_space<vmem>> -> memref<1x64x128xf32, #tpu.memory_space<vmem>>
          %dma_start3A_303 = tpu.memref_squeeze %dma_start3A_302 : memref<1x64x128xf32, #tpu.memory_space<vmem>> -> memref<64x128xf32, #tpu.memory_space<vmem>>
          %dma_start3A_304 = arith.constant 0 : i32
          %dma_start3A_305 = tpu.memref_slice %arg7[%add3A_234, %dma_start3A_304] : memref<40x64xi32, #tpu.memory_space<vmem>> -> memref<1x64xi32, #tpu.memory_space<vmem>>
          %dma_start3A_306 = tpu.memref_squeeze %dma_start3A_305 : memref<1x64xi32, #tpu.memory_space<vmem>> -> memref<64xi32, #tpu.memory_space<vmem>>
          %dma_start3A_307 = arith.constant 0 : i32
          %dma_start3A_308 = arith.constant 0 : i32
          %dma_start3A_309 = tpu.memref_slice %arg10[%dma_start3A_307, %dma_start3A_308] : memref<10240x128xf32, #tpu.memory_space<vmem_shared>> -> memref<10240x128xf32, #tpu.memory_space<vmem_shared>>
          tpu.enqueue_indirect_dma source(%dma_start3A_303 : memref<64x128xf32, #tpu.memory_space<vmem>>) target(%dma_start3A_309 : memref<10240x128xf32, #tpu.memory_space<vmem_shared>>) offsets(%dma_start3A_306 : memref<64xi32, #tpu.memory_space<vmem>>) semaphore(%run_scoped3A_299 : memref<!tpu.dma_semaphore, #tpu.memory_space<semaphore_mem>>) {add = true}
          %dma_wait3A_310 = arith.constant 0 : i32
          %dma_wait3A_311 = arith.constant 0 : i32
          %dma_wait3A_312 = tpu.memref_slice %arg8[%run_scoped3A_249, %dma_wait3A_310, %dma_wait3A_311] : memref<4x64x128xf32, #tpu.memory_space<vmem>> -> memref<1x64x128xf32, #tpu.memory_space<vmem>>
          %dma_wait3A_313 = tpu.memref_squeeze %dma_wait3A_312 : memref<1x64x128xf32, #tpu.memory_space<vmem>> -> memref<64x128xf32, #tpu.memory_space<vmem>>
          %dma_wait3A_314 = arith.constant 0 : i32
          %dma_wait3A_315 = tpu.memref_slice %arg7[%add3A_234, %dma_wait3A_314] : memref<40x64xi32, #tpu.memory_space<vmem>> -> memref<1x64xi32, #tpu.memory_space<vmem>>
          %dma_wait3A_316 = tpu.memref_squeeze %dma_wait3A_315 : memref<1x64xi32, #tpu.memory_space<vmem>> -> memref<64xi32, #tpu.memory_space<vmem>>
          %dma_wait3A_317 = arith.constant 0 : i32
          %dma_wait3A_318 = arith.constant 0 : i32
          %dma_wait3A_319 = tpu.memref_slice %arg10[%dma_wait3A_317, %dma_wait3A_318] : memref<10240x128xf32, #tpu.memory_space<vmem_shared>> -> memref<10240x128xf32, #tpu.memory_space<vmem_shared>>
          tpu.wait_indirect_dma semaphore(%run_scoped3A_299 : memref<!tpu.dma_semaphore, #tpu.memory_space<semaphore_mem>>) src(%dma_wait3A_313 : memref<64x128xf32, #tpu.memory_space<vmem>>) dst(%dma_wait3A_319 : memref<10240x128xf32, #tpu.memory_space<vmem_shared>>)
          tpu.yield
        }) : () -> ()
        %add3A_250 = arith.constant 4 : i32
        %add3A_251 = arith.addi %add3A_234, %add3A_250 : i32
        %dma_start3A_252 = arith.constant 2 : i32
        %dma_start3A_253 = arith.constant 2 : i32
        %dma_start3A_254 = arith.constant 0 : i32
        %dma_start3A_255 = arith.constant 0 : i32
        %dma_start3A_256 = tpu.memref_slice %arg8[%dma_start3A_252, %dma_start3A_254, %dma_start3A_255] : memref<4x64x128xf32, #tpu.memory_space<vmem>> -> memref<1x64x128xf32, #tpu.memory_space<vmem>>
        %dma_start3A_257 = tpu.memref_squeeze %dma_start3A_256 : memref<1x64x128xf32, #tpu.memory_space<vmem>> -> memref<64x128xf32, #tpu.memory_space<vmem>>
        %dma_start3A_258 = arith.constant 0 : i32
        %dma_start3A_259 = tpu.memref_slice %arg6[%add3A_251, %dma_start3A_258] : memref<40x64xi32, #tpu.memory_space<vmem>> -> memref<1x64xi32, #tpu.memory_space<vmem>>
        %dma_start3A_260 = tpu.memref_squeeze %dma_start3A_259 : memref<1x64xi32, #tpu.memory_space<vmem>> -> memref<64xi32, #tpu.memory_space<vmem>>
        %dma_start3A_261 = arith.constant 0 : i32
        %dma_start3A_262 = arith.constant 0 : i32
        %dma_start3A_263 = tpu.memref_slice %arg2[%dma_start3A_261, %dma_start3A_262] : memref<10000x128xf32, #tpu.memory_space<hbm>> -> memref<10000x128xf32, #tpu.memory_space<hbm>>
        %dma_start3A_264 = tpu.memref_slice %arg9[%dma_start3A_253] : memref<4x!tpu.dma_semaphore, #tpu.memory_space<semaphore_mem>> -> memref<1x!tpu.dma_semaphore, #tpu.memory_space<semaphore_mem>>
        %dma_start3A_265 = tpu.memref_squeeze %dma_start3A_264 : memref<1x!tpu.dma_semaphore, #tpu.memory_space<semaphore_mem>> -> memref<!tpu.dma_semaphore, #tpu.memory_space<semaphore_mem>>
        tpu.enqueue_indirect_dma source(%dma_start3A_263 : memref<10000x128xf32, #tpu.memory_space<hbm>>) target(%dma_start3A_257 : memref<64x128xf32, #tpu.memory_space<vmem>>) offsets(%dma_start3A_260 : memref<64xi32, #tpu.memory_space<vmem>>) semaphore(%dma_start3A_265 : memref<!tpu.dma_semaphore, #tpu.memory_space<semaphore_mem>>)
        %add3A_266 = arith.constant 3 : i32
        %add3A_267 = arith.addi %add3A_166, %add3A_266 : i32
        %dma_wait3A_268 = arith.constant 3 : i32
        %dma_wait3A_269 = arith.constant 3 : i32
        %dma_wait3A_270 = arith.constant 0 : i32
        %dma_wait3A_271 = arith.constant 0 : i32
        %dma_wait3A_272 = tpu.memref_slice %arg8[%dma_wait3A_268, %dma_wait3A_270, %dma_wait3A_271] : memref<4x64x128xf32, #tpu.memory_space<vmem>> -> memref<1x64x128xf32, #tpu.memory_space<vmem>>
        %dma_wait3A_273 = tpu.memref_squeeze %dma_wait3A_272 : memref<1x64x128xf32, #tpu.memory_space<vmem>> -> memref<64x128xf32, #tpu.memory_space<vmem>>
        %dma_wait3A_274 = arith.constant 0 : i32
        %dma_wait3A_275 = tpu.memref_slice %arg6[%add3A_267, %dma_wait3A_274] : memref<40x64xi32, #tpu.memory_space<vmem>> -> memref<1x64xi32, #tpu.memory_space<vmem>>
        %dma_wait3A_276 = tpu.memref_squeeze %dma_wait3A_275 : memref<1x64xi32, #tpu.memory_space<vmem>> -> memref<64xi32, #tpu.memory_space<vmem>>
        %dma_wait3A_277 = arith.constant 0 : i32
        %dma_wait3A_278 = arith.constant 0 : i32
        %dma_wait3A_279 = tpu.memref_slice %arg2[%dma_wait3A_277, %dma_wait3A_278] : memref<10000x128xf32, #tpu.memory_space<hbm>> -> memref<10000x128xf32, #tpu.memory_space<hbm>>
        %dma_wait3A_280 = tpu.memref_slice %arg9[%dma_wait3A_269] : memref<4x!tpu.dma_semaphore, #tpu.memory_space<semaphore_mem>> -> memref<1x!tpu.dma_semaphore, #tpu.memory_space<semaphore_mem>>
        %dma_wait3A_281 = tpu.memref_squeeze %dma_wait3A_280 : memref<1x!tpu.dma_semaphore, #tpu.memory_space<semaphore_mem>> -> memref<!tpu.dma_semaphore, #tpu.memory_space<semaphore_mem>>
        tpu.wait_indirect_dma semaphore(%dma_wait3A_281 : memref<!tpu.dma_semaphore, #tpu.memory_space<semaphore_mem>>) src(%dma_wait3A_279 : memref<10000x128xf32, #tpu.memory_space<hbm>>) dst(%dma_wait3A_273 : memref<64x128xf32, #tpu.memory_space<vmem>>)
        %run_scoped3A_282 = arith.constant 3 : i32
        "tpu.region"() ({
          %run_scoped3A_299 = tpu.sem_alloc : memref<!tpu.dma_semaphore, #tpu.memory_space<semaphore_mem>>
          %dma_start3A_300 = arith.constant 0 : i32
          %dma_start3A_301 = arith.constant 0 : i32
          %dma_start3A_302 = tpu.memref_slice %arg8[%run_scoped3A_282, %dma_start3A_300, %dma_start3A_301] : memref<4x64x128xf32, #tpu.memory_space<vmem>> -> memref<1x64x128xf32, #tpu.memory_space<vmem>>
          %dma_start3A_303 = tpu.memref_squeeze %dma_start3A_302 : memref<1x64x128xf32, #tpu.memory_space<vmem>> -> memref<64x128xf32, #tpu.memory_space<vmem>>
          %dma_start3A_304 = arith.constant 0 : i32
          %dma_start3A_305 = tpu.memref_slice %arg7[%add3A_267, %dma_start3A_304] : memref<40x64xi32, #tpu.memory_space<vmem>> -> memref<1x64xi32, #tpu.memory_space<vmem>>
          %dma_start3A_306 = tpu.memref_squeeze %dma_start3A_305 : memref<1x64xi32, #tpu.memory_space<vmem>> -> memref<64xi32, #tpu.memory_space<vmem>>
          %dma_start3A_307 = arith.constant 0 : i32
          %dma_start3A_308 = arith.constant 0 : i32
          %dma_start3A_309 = tpu.memref_slice %arg10[%dma_start3A_307, %dma_start3A_308] : memref<10240x128xf32, #tpu.memory_space<vmem_shared>> -> memref<10240x128xf32, #tpu.memory_space<vmem_shared>>
          tpu.enqueue_indirect_dma source(%dma_start3A_303 : memref<64x128xf32, #tpu.memory_space<vmem>>) target(%dma_start3A_309 : memref<10240x128xf32, #tpu.memory_space<vmem_shared>>) offsets(%dma_start3A_306 : memref<64xi32, #tpu.memory_space<vmem>>) semaphore(%run_scoped3A_299 : memref<!tpu.dma_semaphore, #tpu.memory_space<semaphore_mem>>) {add = true}
          %dma_wait3A_310 = arith.constant 0 : i32
          %dma_wait3A_311 = arith.constant 0 : i32
          %dma_wait3A_312 = tpu.memref_slice %arg8[%run_scoped3A_282, %dma_wait3A_310, %dma_wait3A_311] : memref<4x64x128xf32, #tpu.memory_space<vmem>> -> memref<1x64x128xf32, #tpu.memory_space<vmem>>
          %dma_wait3A_313 = tpu.memref_squeeze %dma_wait3A_312 : memref<1x64x128xf32, #tpu.memory_space<vmem>> -> memref<64x128xf32, #tpu.memory_space<vmem>>
          %dma_wait3A_314 = arith.constant 0 : i32
          %dma_wait3A_315 = tpu.memref_slice %arg7[%add3A_267, %dma_wait3A_314] : memref<40x64xi32, #tpu.memory_space<vmem>> -> memref<1x64xi32, #tpu.memory_space<vmem>>
          %dma_wait3A_316 = tpu.memref_squeeze %dma_wait3A_315 : memref<1x64xi32, #tpu.memory_space<vmem>> -> memref<64xi32, #tpu.memory_space<vmem>>
          %dma_wait3A_317 = arith.constant 0 : i32
          %dma_wait3A_318 = arith.constant 0 : i32
          %dma_wait3A_319 = tpu.memref_slice %arg10[%dma_wait3A_317, %dma_wait3A_318] : memref<10240x128xf32, #tpu.memory_space<vmem_shared>> -> memref<10240x128xf32, #tpu.memory_space<vmem_shared>>
          tpu.wait_indirect_dma semaphore(%run_scoped3A_299 : memref<!tpu.dma_semaphore, #tpu.memory_space<semaphore_mem>>) src(%dma_wait3A_313 : memref<64x128xf32, #tpu.memory_space<vmem>>) dst(%dma_wait3A_319 : memref<10240x128xf32, #tpu.memory_space<vmem_shared>>)
          tpu.yield
        }) : () -> ()
        %add3A_283 = arith.constant 4 : i32
        %add3A_284 = arith.addi %add3A_267, %add3A_283 : i32
        %dma_start3A_285 = arith.constant 3 : i32
        %dma_start3A_286 = arith.constant 3 : i32
        %dma_start3A_287 = arith.constant 0 : i32
        %dma_start3A_288 = arith.constant 0 : i32
        %dma_start3A_289 = tpu.memref_slice %arg8[%dma_start3A_285, %dma_start3A_287, %dma_start3A_288] : memref<4x64x128xf32, #tpu.memory_space<vmem>> -> memref<1x64x128xf32, #tpu.memory_space<vmem>>
        %dma_start3A_290 = tpu.memref_squeeze %dma_start3A_289 : memref<1x64x128xf32, #tpu.memory_space<vmem>> -> memref<64x128xf32, #tpu.memory_space<vmem>>
        %dma_start3A_291 = arith.constant 0 : i32
        %dma_start3A_292 = tpu.memref_slice %arg6[%add3A_284, %dma_start3A_291] : memref<40x64xi32, #tpu.memory_space<vmem>> -> memref<1x64xi32, #tpu.memory_space<vmem>>
        %dma_start3A_293 = tpu.memref_squeeze %dma_start3A_292 : memref<1x64xi32, #tpu.memory_space<vmem>> -> memref<64xi32, #tpu.memory_space<vmem>>
        %dma_start3A_294 = arith.constant 0 : i32
        %dma_start3A_295 = arith.constant 0 : i32
        %dma_start3A_296 = tpu.memref_slice %arg2[%dma_start3A_294, %dma_start3A_295] : memref<10000x128xf32, #tpu.memory_space<hbm>> -> memref<10000x128xf32, #tpu.memory_space<hbm>>
        %dma_start3A_297 = tpu.memref_slice %arg9[%dma_start3A_286] : memref<4x!tpu.dma_semaphore, #tpu.memory_space<semaphore_mem>> -> memref<1x!tpu.dma_semaphore, #tpu.memory_space<semaphore_mem>>
        %dma_start3A_298 = tpu.memref_squeeze %dma_start3A_297 : memref<1x!tpu.dma_semaphore, #tpu.memory_space<semaphore_mem>> -> memref<!tpu.dma_semaphore, #tpu.memory_space<semaphore_mem>>
        tpu.enqueue_indirect_dma source(%dma_start3A_296 : memref<10000x128xf32, #tpu.memory_space<hbm>>) target(%dma_start3A_290 : memref<64x128xf32, #tpu.memory_space<vmem>>) offsets(%dma_start3A_293 : memref<64xi32, #tpu.memory_space<vmem>>) semaphore(%dma_start3A_298 : memref<!tpu.dma_semaphore, #tpu.memory_space<semaphore_mem>>)
      }
      %scan3A_95 = arith.constant 9 : i32
      %dma_wait3A = arith.constant 36 : i32
      %dma_wait3A_96 = arith.constant 0 : i32
      %dma_wait3A_97 = arith.constant 0 : i32
      %dma_wait3A_98 = arith.constant 0 : i32
      %dma_wait3A_99 = arith.constant 0 : i32
      %dma_wait3A_100 = tpu.memref_slice %arg8[%dma_wait3A_96, %dma_wait3A_98, %dma_wait3A_99] : memref<4x64x128xf32, #tpu.memory_space<vmem>> -> memref<1x64x128xf32, #tpu.memory_space<vmem>>
      %dma_wait3A_101 = tpu.memref_squeeze %dma_wait3A_100 : memref<1x64x128xf32, #tpu.memory_space<vmem>> -> memref<64x128xf32, #tpu.memory_space<vmem>>
      %dma_wait3A_102 = arith.constant 0 : i32
      %dma_wait3A_103 = tpu.memref_slice %arg6[%dma_wait3A, %dma_wait3A_102] : memref<40x64xi32, #tpu.memory_space<vmem>> -> memref<1x64xi32, #tpu.memory_space<vmem>>
      %dma_wait3A_104 = tpu.memref_squeeze %dma_wait3A_103 : memref<1x64xi32, #tpu.memory_space<vmem>> -> memref<64xi32, #tpu.memory_space<vmem>>
      %dma_wait3A_105 = arith.constant 0 : i32
      %dma_wait3A_106 = arith.constant 0 : i32
      %dma_wait3A_107 = tpu.memref_slice %arg2[%dma_wait3A_105, %dma_wait3A_106] : memref<10000x128xf32, #tpu.memory_space<hbm>> -> memref<10000x128xf32, #tpu.memory_space<hbm>>
      %dma_wait3A_108 = tpu.memref_slice %arg9[%dma_wait3A_97] : memref<4x!tpu.dma_semaphore, #tpu.memory_space<semaphore_mem>> -> memref<1x!tpu.dma_semaphore, #tpu.memory_space<semaphore_mem>>
      %dma_wait3A_109 = tpu.memref_squeeze %dma_wait3A_108 : memref<1x!tpu.dma_semaphore, #tpu.memory_space<semaphore_mem>> -> memref<!tpu.dma_semaphore, #tpu.memory_space<semaphore_mem>>
      tpu.wait_indirect_dma semaphore(%dma_wait3A_109 : memref<!tpu.dma_semaphore, #tpu.memory_space<semaphore_mem>>) src(%dma_wait3A_107 : memref<10000x128xf32, #tpu.memory_space<hbm>>) dst(%dma_wait3A_101 : memref<64x128xf32, #tpu.memory_space<vmem>>)
      %run_scoped3A = arith.constant 0 : i32
      %run_scoped3A_110 = arith.constant 36 : i32
      "tpu.region"() ({
        %run_scoped3A_162 = tpu.sem_alloc : memref<!tpu.dma_semaphore, #tpu.memory_space<semaphore_mem>>
        %dma_start3A_163 = arith.constant 0 : i32
        %dma_start3A_164 = arith.constant 0 : i32
        %dma_start3A_165 = tpu.memref_slice %arg8[%run_scoped3A, %dma_start3A_163, %dma_start3A_164] : memref<4x64x128xf32, #tpu.memory_space<vmem>> -> memref<1x64x128xf32, #tpu.memory_space<vmem>>
        %dma_start3A_166 = tpu.memref_squeeze %dma_start3A_165 : memref<1x64x128xf32, #tpu.memory_space<vmem>> -> memref<64x128xf32, #tpu.memory_space<vmem>>
        %dma_start3A_167 = arith.constant 0 : i32
        %dma_start3A_168 = tpu.memref_slice %arg7[%run_scoped3A_110, %dma_start3A_167] : memref<40x64xi32, #tpu.memory_space<vmem>> -> memref<1x64xi32, #tpu.memory_space<vmem>>
        %dma_start3A_169 = tpu.memref_squeeze %dma_start3A_168 : memref<1x64xi32, #tpu.memory_space<vmem>> -> memref<64xi32, #tpu.memory_space<vmem>>
        %dma_start3A_170 = arith.constant 0 : i32
        %dma_start3A_171 = arith.constant 0 : i32
        %dma_start3A_172 = tpu.memref_slice %arg10[%dma_start3A_170, %dma_start3A_171] : memref<10240x128xf32, #tpu.memory_space<vmem_shared>> -> memref<10240x128xf32, #tpu.memory_space<vmem_shared>>
        tpu.enqueue_indirect_dma source(%dma_start3A_166 : memref<64x128xf32, #tpu.memory_space<vmem>>) target(%dma_start3A_172 : memref<10240x128xf32, #tpu.memory_space<vmem_shared>>) offsets(%dma_start3A_169 : memref<64xi32, #tpu.memory_space<vmem>>) semaphore(%run_scoped3A_162 : memref<!tpu.dma_semaphore, #tpu.memory_space<semaphore_mem>>) {add = true}
        %dma_wait3A_173 = arith.constant 0 : i32
        %dma_wait3A_174 = arith.constant 0 : i32
        %dma_wait3A_175 = tpu.memref_slice %arg8[%run_scoped3A, %dma_wait3A_173, %dma_wait3A_174] : memref<4x64x128xf32, #tpu.memory_space<vmem>> -> memref<1x64x128xf32, #tpu.memory_space<vmem>>
        %dma_wait3A_176 = tpu.memref_squeeze %dma_wait3A_175 : memref<1x64x128xf32, #tpu.memory_space<vmem>> -> memref<64x128xf32, #tpu.memory_space<vmem>>
        %dma_wait3A_177 = arith.constant 0 : i32
        %dma_wait3A_178 = tpu.memref_slice %arg7[%run_scoped3A_110, %dma_wait3A_177] : memref<40x64xi32, #tpu.memory_space<vmem>> -> memref<1x64xi32, #tpu.memory_space<vmem>>
        %dma_wait3A_179 = tpu.memref_squeeze %dma_wait3A_178 : memref<1x64xi32, #tpu.memory_space<vmem>> -> memref<64xi32, #tpu.memory_space<vmem>>
        %dma_wait3A_180 = arith.constant 0 : i32
        %dma_wait3A_181 = arith.constant 0 : i32
        %dma_wait3A_182 = tpu.memref_slice %arg10[%dma_wait3A_180, %dma_wait3A_181] : memref<10240x128xf32, #tpu.memory_space<vmem_shared>> -> memref<10240x128xf32, #tpu.memory_space<vmem_shared>>
        tpu.wait_indirect_dma semaphore(%run_scoped3A_162 : memref<!tpu.dma_semaphore, #tpu.memory_space<semaphore_mem>>) src(%dma_wait3A_176 : memref<64x128xf32, #tpu.memory_space<vmem>>) dst(%dma_wait3A_182 : memref<10240x128xf32, #tpu.memory_space<vmem_shared>>)
        tpu.yield
      }) : () -> ()
      %dma_wait3A_111 = arith.constant 37 : i32
      %dma_wait3A_112 = arith.constant 1 : i32
      %dma_wait3A_113 = arith.constant 1 : i32
      %dma_wait3A_114 = arith.constant 0 : i32
      %dma_wait3A_115 = arith.constant 0 : i32
      %dma_wait3A_116 = tpu.memref_slice %arg8[%dma_wait3A_112, %dma_wait3A_114, %dma_wait3A_115] : memref<4x64x128xf32, #tpu.memory_space<vmem>> -> memref<1x64x128xf32, #tpu.memory_space<vmem>>
      %dma_wait3A_117 = tpu.memref_squeeze %dma_wait3A_116 : memref<1x64x128xf32, #tpu.memory_space<vmem>> -> memref<64x128xf32, #tpu.memory_space<vmem>>
      %dma_wait3A_118 = arith.constant 0 : i32
      %dma_wait3A_119 = tpu.memref_slice %arg6[%dma_wait3A_111, %dma_wait3A_118] : memref<40x64xi32, #tpu.memory_space<vmem>> -> memref<1x64xi32, #tpu.memory_space<vmem>>
      %dma_wait3A_120 = tpu.memref_squeeze %dma_wait3A_119 : memref<1x64xi32, #tpu.memory_space<vmem>> -> memref<64xi32, #tpu.memory_space<vmem>>
      %dma_wait3A_121 = arith.constant 0 : i32
      %dma_wait3A_122 = arith.constant 0 : i32
      %dma_wait3A_123 = tpu.memref_slice %arg2[%dma_wait3A_121, %dma_wait3A_122] : memref<10000x128xf32, #tpu.memory_space<hbm>> -> memref<10000x128xf32, #tpu.memory_space<hbm>>
      %dma_wait3A_124 = tpu.memref_slice %arg9[%dma_wait3A_113] : memref<4x!tpu.dma_semaphore, #tpu.memory_space<semaphore_mem>> -> memref<1x!tpu.dma_semaphore, #tpu.memory_space<semaphore_mem>>
      %dma_wait3A_125 = tpu.memref_squeeze %dma_wait3A_124 : memref<1x!tpu.dma_semaphore, #tpu.memory_space<semaphore_mem>> -> memref<!tpu.dma_semaphore, #tpu.memory_space<semaphore_mem>>
      tpu.wait_indirect_dma semaphore(%dma_wait3A_125 : memref<!tpu.dma_semaphore, #tpu.memory_space<semaphore_mem>>) src(%dma_wait3A_123 : memref<10000x128xf32, #tpu.memory_space<hbm>>) dst(%dma_wait3A_117 : memref<64x128xf32, #tpu.memory_space<vmem>>)
      %run_scoped3A_126 = arith.constant 1 : i32
      %run_scoped3A_127 = arith.constant 37 : i32
      "tpu.region"() ({
        %run_scoped3A_162 = tpu.sem_alloc : memref<!tpu.dma_semaphore, #tpu.memory_space<semaphore_mem>>
        %dma_start3A_163 = arith.constant 0 : i32
        %dma_start3A_164 = arith.constant 0 : i32
        %dma_start3A_165 = tpu.memref_slice %arg8[%run_scoped3A_126, %dma_start3A_163, %dma_start3A_164] : memref<4x64x128xf32, #tpu.memory_space<vmem>> -> memref<1x64x128xf32, #tpu.memory_space<vmem>>
        %dma_start3A_166 = tpu.memref_squeeze %dma_start3A_165 : memref<1x64x128xf32, #tpu.memory_space<vmem>> -> memref<64x128xf32, #tpu.memory_space<vmem>>
        %dma_start3A_167 = arith.constant 0 : i32
        %dma_start3A_168 = tpu.memref_slice %arg7[%run_scoped3A_127, %dma_start3A_167] : memref<40x64xi32, #tpu.memory_space<vmem>> -> memref<1x64xi32, #tpu.memory_space<vmem>>
        %dma_start3A_169 = tpu.memref_squeeze %dma_start3A_168 : memref<1x64xi32, #tpu.memory_space<vmem>> -> memref<64xi32, #tpu.memory_space<vmem>>
        %dma_start3A_170 = arith.constant 0 : i32
        %dma_start3A_171 = arith.constant 0 : i32
        %dma_start3A_172 = tpu.memref_slice %arg10[%dma_start3A_170, %dma_start3A_171] : memref<10240x128xf32, #tpu.memory_space<vmem_shared>> -> memref<10240x128xf32, #tpu.memory_space<vmem_shared>>
        tpu.enqueue_indirect_dma source(%dma_start3A_166 : memref<64x128xf32, #tpu.memory_space<vmem>>) target(%dma_start3A_172 : memref<10240x128xf32, #tpu.memory_space<vmem_shared>>) offsets(%dma_start3A_169 : memref<64xi32, #tpu.memory_space<vmem>>) semaphore(%run_scoped3A_162 : memref<!tpu.dma_semaphore, #tpu.memory_space<semaphore_mem>>) {add = true}
        %dma_wait3A_173 = arith.constant 0 : i32
        %dma_wait3A_174 = arith.constant 0 : i32
        %dma_wait3A_175 = tpu.memref_slice %arg8[%run_scoped3A_126, %dma_wait3A_173, %dma_wait3A_174] : memref<4x64x128xf32, #tpu.memory_space<vmem>> -> memref<1x64x128xf32, #tpu.memory_space<vmem>>
        %dma_wait3A_176 = tpu.memref_squeeze %dma_wait3A_175 : memref<1x64x128xf32, #tpu.memory_space<vmem>> -> memref<64x128xf32, #tpu.memory_space<vmem>>
        %dma_wait3A_177 = arith.constant 0 : i32
        %dma_wait3A_178 = tpu.memref_slice %arg7[%run_scoped3A_127, %dma_wait3A_177] : memref<40x64xi32, #tpu.memory_space<vmem>> -> memref<1x64xi32, #tpu.memory_space<vmem>>
        %dma_wait3A_179 = tpu.memref_squeeze %dma_wait3A_178 : memref<1x64xi32, #tpu.memory_space<vmem>> -> memref<64xi32, #tpu.memory_space<vmem>>
        %dma_wait3A_180 = arith.constant 0 : i32
        %dma_wait3A_181 = arith.constant 0 : i32
        %dma_wait3A_182 = tpu.memref_slice %arg10[%dma_wait3A_180, %dma_wait3A_181] : memref<10240x128xf32, #tpu.memory_space<vmem_shared>> -> memref<10240x128xf32, #tpu.memory_space<vmem_shared>>
        tpu.wait_indirect_dma semaphore(%run_scoped3A_162 : memref<!tpu.dma_semaphore, #tpu.memory_space<semaphore_mem>>) src(%dma_wait3A_176 : memref<64x128xf32, #tpu.memory_space<vmem>>) dst(%dma_wait3A_182 : memref<10240x128xf32, #tpu.memory_space<vmem_shared>>)
        tpu.yield
      }) : () -> ()
      %dma_wait3A_128 = arith.constant 38 : i32
      %dma_wait3A_129 = arith.constant 2 : i32
      %dma_wait3A_130 = arith.constant 2 : i32
      %dma_wait3A_131 = arith.constant 0 : i32
      %dma_wait3A_132 = arith.constant 0 : i32
      %dma_wait3A_133 = tpu.memref_slice %arg8[%dma_wait3A_129, %dma_wait3A_131, %dma_wait3A_132] : memref<4x64x128xf32, #tpu.memory_space<vmem>> -> memref<1x64x128xf32, #tpu.memory_space<vmem>>
      %dma_wait3A_134 = tpu.memref_squeeze %dma_wait3A_133 : memref<1x64x128xf32, #tpu.memory_space<vmem>> -> memref<64x128xf32, #tpu.memory_space<vmem>>
      %dma_wait3A_135 = arith.constant 0 : i32
      %dma_wait3A_136 = tpu.memref_slice %arg6[%dma_wait3A_128, %dma_wait3A_135] : memref<40x64xi32, #tpu.memory_space<vmem>> -> memref<1x64xi32, #tpu.memory_space<vmem>>
      %dma_wait3A_137 = tpu.memref_squeeze %dma_wait3A_136 : memref<1x64xi32, #tpu.memory_space<vmem>> -> memref<64xi32, #tpu.memory_space<vmem>>
      %dma_wait3A_138 = arith.constant 0 : i32
      %dma_wait3A_139 = arith.constant 0 : i32
      %dma_wait3A_140 = tpu.memref_slice %arg2[%dma_wait3A_138, %dma_wait3A_139] : memref<10000x128xf32, #tpu.memory_space<hbm>> -> memref<10000x128xf32, #tpu.memory_space<hbm>>
      %dma_wait3A_141 = tpu.memref_slice %arg9[%dma_wait3A_130] : memref<4x!tpu.dma_semaphore, #tpu.memory_space<semaphore_mem>> -> memref<1x!tpu.dma_semaphore, #tpu.memory_space<semaphore_mem>>
      %dma_wait3A_142 = tpu.memref_squeeze %dma_wait3A_141 : memref<1x!tpu.dma_semaphore, #tpu.memory_space<semaphore_mem>> -> memref<!tpu.dma_semaphore, #tpu.memory_space<semaphore_mem>>
      tpu.wait_indirect_dma semaphore(%dma_wait3A_142 : memref<!tpu.dma_semaphore, #tpu.memory_space<semaphore_mem>>) src(%dma_wait3A_140 : memref<10000x128xf32, #tpu.memory_space<hbm>>) dst(%dma_wait3A_134 : memref<64x128xf32, #tpu.memory_space<vmem>>)
      %run_scoped3A_143 = arith.constant 2 : i32
      %run_scoped3A_144 = arith.constant 38 : i32
      "tpu.region"() ({
        %run_scoped3A_162 = tpu.sem_alloc : memref<!tpu.dma_semaphore, #tpu.memory_space<semaphore_mem>>
        %dma_start3A_163 = arith.constant 0 : i32
        %dma_start3A_164 = arith.constant 0 : i32
        %dma_start3A_165 = tpu.memref_slice %arg8[%run_scoped3A_143, %dma_start3A_163, %dma_start3A_164] : memref<4x64x128xf32, #tpu.memory_space<vmem>> -> memref<1x64x128xf32, #tpu.memory_space<vmem>>
        %dma_start3A_166 = tpu.memref_squeeze %dma_start3A_165 : memref<1x64x128xf32, #tpu.memory_space<vmem>> -> memref<64x128xf32, #tpu.memory_space<vmem>>
        %dma_start3A_167 = arith.constant 0 : i32
        %dma_start3A_168 = tpu.memref_slice %arg7[%run_scoped3A_144, %dma_start3A_167] : memref<40x64xi32, #tpu.memory_space<vmem>> -> memref<1x64xi32, #tpu.memory_space<vmem>>
        %dma_start3A_169 = tpu.memref_squeeze %dma_start3A_168 : memref<1x64xi32, #tpu.memory_space<vmem>> -> memref<64xi32, #tpu.memory_space<vmem>>
        %dma_start3A_170 = arith.constant 0 : i32
        %dma_start3A_171 = arith.constant 0 : i32
        %dma_start3A_172 = tpu.memref_slice %arg10[%dma_start3A_170, %dma_start3A_171] : memref<10240x128xf32, #tpu.memory_space<vmem_shared>> -> memref<10240x128xf32, #tpu.memory_space<vmem_shared>>
        tpu.enqueue_indirect_dma source(%dma_start3A_166 : memref<64x128xf32, #tpu.memory_space<vmem>>) target(%dma_start3A_172 : memref<10240x128xf32, #tpu.memory_space<vmem_shared>>) offsets(%dma_start3A_169 : memref<64xi32, #tpu.memory_space<vmem>>) semaphore(%run_scoped3A_162 : memref<!tpu.dma_semaphore, #tpu.memory_space<semaphore_mem>>) {add = true}
        %dma_wait3A_173 = arith.constant 0 : i32
        %dma_wait3A_174 = arith.constant 0 : i32
        %dma_wait3A_175 = tpu.memref_slice %arg8[%run_scoped3A_143, %dma_wait3A_173, %dma_wait3A_174] : memref<4x64x128xf32, #tpu.memory_space<vmem>> -> memref<1x64x128xf32, #tpu.memory_space<vmem>>
        %dma_wait3A_176 = tpu.memref_squeeze %dma_wait3A_175 : memref<1x64x128xf32, #tpu.memory_space<vmem>> -> memref<64x128xf32, #tpu.memory_space<vmem>>
        %dma_wait3A_177 = arith.constant 0 : i32
        %dma_wait3A_178 = tpu.memref_slice %arg7[%run_scoped3A_144, %dma_wait3A_177] : memref<40x64xi32, #tpu.memory_space<vmem>> -> memref<1x64xi32, #tpu.memory_space<vmem>>
        %dma_wait3A_179 = tpu.memref_squeeze %dma_wait3A_178 : memref<1x64xi32, #tpu.memory_space<vmem>> -> memref<64xi32, #tpu.memory_space<vmem>>
        %dma_wait3A_180 = arith.constant 0 : i32
        %dma_wait3A_181 = arith.constant 0 : i32
        %dma_wait3A_182 = tpu.memref_slice %arg10[%dma_wait3A_180, %dma_wait3A_181] : memref<10240x128xf32, #tpu.memory_space<vmem_shared>> -> memref<10240x128xf32, #tpu.memory_space<vmem_shared>>
        tpu.wait_indirect_dma semaphore(%run_scoped3A_162 : memref<!tpu.dma_semaphore, #tpu.memory_space<semaphore_mem>>) src(%dma_wait3A_176 : memref<64x128xf32, #tpu.memory_space<vmem>>) dst(%dma_wait3A_182 : memref<10240x128xf32, #tpu.memory_space<vmem_shared>>)
        tpu.yield
      }) : () -> ()
      %dma_wait3A_145 = arith.constant 39 : i32
      %dma_wait3A_146 = arith.constant 3 : i32
      %dma_wait3A_147 = arith.constant 3 : i32
      %dma_wait3A_148 = arith.constant 0 : i32
      %dma_wait3A_149 = arith.constant 0 : i32
      %dma_wait3A_150 = tpu.memref_slice %arg8[%dma_wait3A_146, %dma_wait3A_148, %dma_wait3A_149] : memref<4x64x128xf32, #tpu.memory_space<vmem>> -> memref<1x64x128xf32, #tpu.memory_space<vmem>>
      %dma_wait3A_151 = tpu.memref_squeeze %dma_wait3A_150 : memref<1x64x128xf32, #tpu.memory_space<vmem>> -> memref<64x128xf32, #tpu.memory_space<vmem>>
      %dma_wait3A_152 = arith.constant 0 : i32
      %dma_wait3A_153 = tpu.memref_slice %arg6[%dma_wait3A_145, %dma_wait3A_152] : memref<40x64xi32, #tpu.memory_space<vmem>> -> memref<1x64xi32, #tpu.memory_space<vmem>>
      %dma_wait3A_154 = tpu.memref_squeeze %dma_wait3A_153 : memref<1x64xi32, #tpu.memory_space<vmem>> -> memref<64xi32, #tpu.memory_space<vmem>>
      %dma_wait3A_155 = arith.constant 0 : i32
      %dma_wait3A_156 = arith.constant 0 : i32
      %dma_wait3A_157 = tpu.memref_slice %arg2[%dma_wait3A_155, %dma_wait3A_156] : memref<10000x128xf32, #tpu.memory_space<hbm>> -> memref<10000x128xf32, #tpu.memory_space<hbm>>
      %dma_wait3A_158 = tpu.memref_slice %arg9[%dma_wait3A_147] : memref<4x!tpu.dma_semaphore, #tpu.memory_space<semaphore_mem>> -> memref<1x!tpu.dma_semaphore, #tpu.memory_space<semaphore_mem>>
      %dma_wait3A_159 = tpu.memref_squeeze %dma_wait3A_158 : memref<1x!tpu.dma_semaphore, #tpu.memory_space<semaphore_mem>> -> memref<!tpu.dma_semaphore, #tpu.memory_space<semaphore_mem>>
      tpu.wait_indirect_dma semaphore(%dma_wait3A_159 : memref<!tpu.dma_semaphore, #tpu.memory_space<semaphore_mem>>) src(%dma_wait3A_157 : memref<10000x128xf32, #tpu.memory_space<hbm>>) dst(%dma_wait3A_151 : memref<64x128xf32, #tpu.memory_space<vmem>>)
      %run_scoped3A_160 = arith.constant 3 : i32
      %run_scoped3A_161 = arith.constant 39 : i32
      "tpu.region"() ({
        %run_scoped3A_162 = tpu.sem_alloc : memref<!tpu.dma_semaphore, #tpu.memory_space<semaphore_mem>>
        %dma_start3A_163 = arith.constant 0 : i32
        %dma_start3A_164 = arith.constant 0 : i32
        %dma_start3A_165 = tpu.memref_slice %arg8[%run_scoped3A_160, %dma_start3A_163, %dma_start3A_164] : memref<4x64x128xf32, #tpu.memory_space<vmem>> -> memref<1x64x128xf32, #tpu.memory_space<vmem>>
        %dma_start3A_166 = tpu.memref_squeeze %dma_start3A_165 : memref<1x64x128xf32, #tpu.memory_space<vmem>> -> memref<64x128xf32, #tpu.memory_space<vmem>>
        %dma_start3A_167 = arith.constant 0 : i32
        %dma_start3A_168 = tpu.memref_slice %arg7[%run_scoped3A_161, %dma_start3A_167] : memref<40x64xi32, #tpu.memory_space<vmem>> -> memref<1x64xi32, #tpu.memory_space<vmem>>
        %dma_start3A_169 = tpu.memref_squeeze %dma_start3A_168 : memref<1x64xi32, #tpu.memory_space<vmem>> -> memref<64xi32, #tpu.memory_space<vmem>>
        %dma_start3A_170 = arith.constant 0 : i32
        %dma_start3A_171 = arith.constant 0 : i32
        %dma_start3A_172 = tpu.memref_slice %arg10[%dma_start3A_170, %dma_start3A_171] : memref<10240x128xf32, #tpu.memory_space<vmem_shared>> -> memref<10240x128xf32, #tpu.memory_space<vmem_shared>>
        tpu.enqueue_indirect_dma source(%dma_start3A_166 : memref<64x128xf32, #tpu.memory_space<vmem>>) target(%dma_start3A_172 : memref<10240x128xf32, #tpu.memory_space<vmem_shared>>) offsets(%dma_start3A_169 : memref<64xi32, #tpu.memory_space<vmem>>) semaphore(%run_scoped3A_162 : memref<!tpu.dma_semaphore, #tpu.memory_space<semaphore_mem>>) {add = true}
        %dma_wait3A_173 = arith.constant 0 : i32
        %dma_wait3A_174 = arith.constant 0 : i32
        %dma_wait3A_175 = tpu.memref_slice %arg8[%run_scoped3A_160, %dma_wait3A_173, %dma_wait3A_174] : memref<4x64x128xf32, #tpu.memory_space<vmem>> -> memref<1x64x128xf32, #tpu.memory_space<vmem>>
        %dma_wait3A_176 = tpu.memref_squeeze %dma_wait3A_175 : memref<1x64x128xf32, #tpu.memory_space<vmem>> -> memref<64x128xf32, #tpu.memory_space<vmem>>
        %dma_wait3A_177 = arith.constant 0 : i32
        %dma_wait3A_178 = tpu.memref_slice %arg7[%run_scoped3A_161, %dma_wait3A_177] : memref<40x64xi32, #tpu.memory_space<vmem>> -> memref<1x64xi32, #tpu.memory_space<vmem>>
        %dma_wait3A_179 = tpu.memref_squeeze %dma_wait3A_178 : memref<1x64xi32, #tpu.memory_space<vmem>> -> memref<64xi32, #tpu.memory_space<vmem>>
        %dma_wait3A_180 = arith.constant 0 : i32
        %dma_wait3A_181 = arith.constant 0 : i32
        %dma_wait3A_182 = tpu.memref_slice %arg10[%dma_wait3A_180, %dma_wait3A_181] : memref<10240x128xf32, #tpu.memory_space<vmem_shared>> -> memref<10240x128xf32, #tpu.memory_space<vmem_shared>>
        tpu.wait_indirect_dma semaphore(%run_scoped3A_162 : memref<!tpu.dma_semaphore, #tpu.memory_space<semaphore_mem>>) src(%dma_wait3A_176 : memref<64x128xf32, #tpu.memory_space<vmem>>) dst(%dma_wait3A_182 : memref<10240x128xf32, #tpu.memory_space<vmem_shared>>)
        tpu.yield
      }) : () -> ()
    }
    %scan3A_16 = arith.constant 4 : i32
    %barrier3A_17 = arith.constant 0 : index
    tpu.barrier barrier_id(%barrier3A_17)
    %mul3A_18 = arith.constant 640 : i32
    %mul3A_19 = arith.muli %arg1, %mul3A_18 : i32
    %mul3A_20 = arith.constant 640 : i32
    %mul3A_21 = arith.muli %arg1, %mul3A_20 : i32
    "tpu.region"() ({
      %run_scoped3A = tpu.sem_alloc : memref<!tpu.dma_semaphore, #tpu.memory_space<semaphore_mem>>
      %dma_start3A = arith.constant 0 : i32
      %dma_start3A_22 = tpu.memref_slice %arg5[%arg0, %mul3A_21, %dma_start3A] : memref<2x10240x128xf32, #tpu.memory_space<hbm>> -> memref<1x640x128xf32, #tpu.memory_space<hbm>>
      %dma_start3A_23 = tpu.memref_squeeze %dma_start3A_22 : memref<1x640x128xf32, #tpu.memory_space<hbm>> -> memref<640x128xf32, #tpu.memory_space<hbm>>
      %dma_start3A_24 = arith.constant 0 : i32
      %dma_start3A_25 = tpu.memref_slice %arg10[%mul3A_19, %dma_start3A_24] : memref<10240x128xf32, #tpu.memory_space<vmem_shared>> -> memref<640x128xf32, #tpu.memory_space<vmem_shared>>
      tpu.enqueue_dma source(%dma_start3A_25 : memref<640x128xf32, #tpu.memory_space<vmem_shared>>) target(%dma_start3A_23 : memref<640x128xf32, #tpu.memory_space<hbm>>) target_semaphore(%run_scoped3A : memref<!tpu.dma_semaphore, #tpu.memory_space<semaphore_mem>>)
      %dma_wait3A = arith.constant 0 : i32
      %dma_wait3A_26 = tpu.memref_slice %arg5[%arg0, %mul3A_21, %dma_wait3A] : memref<2x10240x128xf32, #tpu.memory_space<hbm>> -> memref<1x640x128xf32, #tpu.memory_space<hbm>>
      %dma_wait3A_27 = tpu.memref_squeeze %dma_wait3A_26 : memref<1x640x128xf32, #tpu.memory_space<hbm>> -> memref<640x128xf32, #tpu.memory_space<hbm>>
      %dma_wait3A_28 = arith.constant 0 : i32
      %dma_wait3A_29 = tpu.memref_slice %arg10[%mul3A_19, %dma_wait3A_28] : memref<10240x128xf32, #tpu.memory_space<vmem_shared>> -> memref<640x128xf32, #tpu.memory_space<vmem_shared>>
      tpu.wait_dma2 semaphore(%run_scoped3A : memref<!tpu.dma_semaphore, #tpu.memory_space<semaphore_mem>>) src(%dma_wait3A_29 : memref<640x128xf32, #tpu.memory_space<vmem_shared>>) dst(%dma_wait3A_27 : memref<640x128xf32, #tpu.memory_space<hbm>>)
      tpu.yield
    }) : () -> ()
    return
  }
}

#map = affine_map<(d0, d1) -> (0, 0)>
#map1 = affine_map<(d0, d1) -> (0, 0, 0)>
module attributes {stable_mosaic.version = 14 : i64} {
  func.func @_sc_agg_body(%arg0: i32, %arg1: i32, %arg2: memref<10000x128xf32, #tpu.memory_space<hbm>>, %arg3: memref<5120x64xi32, #tpu.memory_space<hbm>>, %arg4: memref<5120x64xi32, #tpu.memory_space<hbm>>, %arg5: memref<2x10240x128xf32, #tpu.memory_space<hbm>>, %arg6: memref<40x64xi32, #tpu.memory_space<vmem>>, %arg7: memref<40x64xi32, #tpu.memory_space<vmem>>, %arg8: memref<4x64x128xf32, #tpu.memory_space<vmem>>, %arg9: memref<4x!tpu.dma_semaphore, #tpu.memory_space<semaphore_mem>>, %arg10: memref<10240x128xf32, #tpu.memory_space<vmem_shared>>) attributes {dimension_semantics = [#tpu.dimension_semantics<core_parallel>, #tpu.dimension_semantics<subcore_parallel>], iteration_bounds = array<i64: 2, 16>, scalar_prefetch = 0 : i64, scratch_operands = 5 : i64, tpu.core_type = #tpu.core_type<sc_vector_subcore>, window_params = [{transform_indices = #map}, {transform_indices = #map}, {transform_indices = #map}, {transform_indices = #map1}]} {
    %mul3A = arith.constant 2 : i32
    %mul3A_0 = arith.muli %arg1, %mul3A : i32
    %add3A = arith.addi %mul3A_0, %arg0 : i32
    %scan3A = arith.constant 0 : i32
    %scan3A_1 = arith.constant 0 : i32
    %scan3A_2 = arith.constant 64 : i32
    %scan3A_3 = arith.addi %scan3A_1, %scan3A_2 : i32
    %scan3A_4 = arith.constant 1 : i32
    scf.for %scan3A_22 = %scan3A_1 to %scan3A_3 step %scan3A_4  : i32 {
      %mul3A_23 = arith.constant 1 : i32
      %mul3A_24 = arith.muli %scan3A_22, %mul3A_23 : i32
      %add3A_25 = arith.constant 0 : i32
      %add3A_26 = arith.addi %add3A_25, %mul3A_24 : i32
      %scan3A_27 = arith.constant 0 : i32
      %scan3A_28 = arith.constant 8 : i32
      %scan3A_29 = arith.addi %scan3A_27, %scan3A_28 : i32
      %scan3A_30 = arith.constant 1 : i32
      scf.for %scan3A_32 = %scan3A_27 to %scan3A_29 step %scan3A_30  : i32 {
        %mul3A_33 = arith.constant 16 : i32
        %mul3A_34 = arith.muli %scan3A_32, %mul3A_33 : i32
        %add3A_35 = arith.constant 0 : i32
        %add3A_36 = arith.addi %add3A_35, %mul3A_34 : i32
        %broadcast_in_dim3A = arith.constant 0.000000e+00 : f32
        %broadcast_in_dim3A_37 = vector.broadcast %broadcast_in_dim3A : f32 to vector<16xf32>
        %swap3A = arith.constant 0 : i32
        %swap3A_38 = arith.constant 0 : i32
        %swap3A_39 = tpu.memref_slice %arg8[%scan3A, %swap3A, %swap3A_38] : memref<4x64x128xf32, #tpu.memory_space<vmem>> -> memref<1x64x128xf32, #tpu.memory_space<vmem>>
        %swap3A_40 = tpu.memref_squeeze %swap3A_39 : memref<1x64x128xf32, #tpu.memory_space<vmem>> -> memref<64x128xf32, #tpu.memory_space<vmem>>
        %swap3A_41 = arith.index_cast %add3A_26 : i32 to index
        %swap3A_42 = arith.index_cast %add3A_36 : i32 to index
        %swap3A_43 = tpu.vector_load %swap3A_40[%swap3A_41, %swap3A_42] {strides = array<i32>} : memref<64x128xf32, #tpu.memory_space<vmem>>, vector<1x16xf32>,
        %swap3A_44 = vector.shape_cast %swap3A_43 : vector<1x16xf32> to vector<16xf32>
        %swap3A_45 = vector.shape_cast %broadcast_in_dim3A_37 : vector<16xf32> to vector<1x16xf32>
        tpu.vector_store %swap3A_40[%swap3A_41, %swap3A_42], %swap3A_45 {strides = array<i32>} : memref<64x128xf32, #tpu.memory_space<vmem>>, vector<1x16xf32>,
      }
      %scan3A_31 = arith.constant 8 : i32
    }
    %scan3A_5 = arith.constant 64 : i32
    %scan3A_6 = arith.constant 0 : i32
    %scan3A_7 = arith.constant 0 : i32
    %scan3A_8 = arith.constant 10 : i32
    %scan3A_9 = arith.addi %scan3A_7, %scan3A_8 : i32
    %scan3A_10 = arith.constant 1 : i32
    scf.for %scan3A_22 = %scan3A_7 to %scan3A_9 step %scan3A_10  : i32 {
      %mul3A_23 = arith.constant 1 : i32
      %mul3A_24 = arith.muli %scan3A_22, %mul3A_23 : i32
      %add3A_25 = arith.constant 0 : i32
      %add3A_26 = arith.addi %add3A_25, %mul3A_24 : i32
      %mul3A_27 = arith.constant 640 : i32
      %mul3A_28 = arith.muli %arg1, %mul3A_27 : i32
      %mul3A_29 = arith.constant 64 : i32
      %mul3A_30 = arith.muli %add3A_26, %mul3A_29 : i32
      %add3A_31 = arith.addi %mul3A_28, %mul3A_30 : i32
      "tpu.region"() ({
        %run_scoped3A = tpu.sem_alloc : memref<!tpu.dma_semaphore, #tpu.memory_space<semaphore_mem>>
        %dma_start3A = arith.constant 0 : i32
        %dma_start3A_32 = arith.constant 0 : i32
        %dma_start3A_33 = tpu.memref_slice %arg8[%scan3A_6, %dma_start3A, %dma_start3A_32] : memref<4x64x128xf32, #tpu.memory_space<vmem>> -> memref<1x64x128xf32, #tpu.memory_space<vmem>>
        %dma_start3A_34 = tpu.memref_squeeze %dma_start3A_33 : memref<1x64x128xf32, #tpu.memory_space<vmem>> -> memref<64x128xf32, #tpu.memory_space<vmem>>
        %dma_start3A_35 = arith.constant 0 : i32
        %dma_start3A_36 = tpu.memref_slice %arg10[%add3A_31, %dma_start3A_35] : memref<10240x128xf32, #tpu.memory_space<vmem_shared>> -> memref<64x128xf32, #tpu.memory_space<vmem_shared>>
        %dma_start3A_37 = arith.constant 0 : i32
        %dma_start3A_38 = tpu.memref_slice %arg10[%add3A_31, %dma_start3A_37] : memref<10240x128xf32, #tpu.memory_space<vmem_shared>> -> memref<64x128xf32, #tpu.memory_space<vmem_shared>>
        %dma_start3A_39 = arith.constant 0 : i32
        %dma_start3A_40 = arith.constant 0 : i32
        %dma_start3A_41 = tpu.memref_slice %arg8[%scan3A_6, %dma_start3A_39, %dma_start3A_40] : memref<4x64x128xf32, #tpu.memory_space<vmem>> -> memref<1x64x128xf32, #tpu.memory_space<vmem>>
        %dma_start3A_42 = tpu.memref_squeeze %dma_start3A_41 : memref<1x64x128xf32, #tpu.memory_space<vmem>> -> memref<64x128xf32, #tpu.memory_space<vmem>>
        tpu.enqueue_dma source(%dma_start3A_42 : memref<64x128xf32, #tpu.memory_space<vmem>>) target(%dma_start3A_38 : memref<64x128xf32, #tpu.memory_space<vmem_shared>>) target_semaphore(%run_scoped3A : memref<!tpu.dma_semaphore, #tpu.memory_space<semaphore_mem>>)
        %dma_wait3A = arith.constant 0 : i32
        %dma_wait3A_43 = arith.constant 0 : i32
        %dma_wait3A_44 = tpu.memref_slice %arg8[%scan3A_6, %dma_wait3A, %dma_wait3A_43] : memref<4x64x128xf32, #tpu.memory_space<vmem>> -> memref<1x64x128xf32, #tpu.memory_space<vmem>>
        %dma_wait3A_45 = tpu.memref_squeeze %dma_wait3A_44 : memref<1x64x128xf32, #tpu.memory_space<vmem>> -> memref<64x128xf32, #tpu.memory_space<vmem>>
        %dma_wait3A_46 = arith.constant 0 : i32
        %dma_wait3A_47 = tpu.memref_slice %arg10[%add3A_31, %dma_wait3A_46] : memref<10240x128xf32, #tpu.memory_space<vmem_shared>> -> memref<64x128xf32, #tpu.memory_space<vmem_shared>>
        %dma_wait3A_48 = arith.constant 0 : i32
        %dma_wait3A_49 = tpu.memref_slice %arg10[%add3A_31, %dma_wait3A_48] : memref<10240x128xf32, #tpu.memory_space<vmem_shared>> -> memref<64x128xf32, #tpu.memory_space<vmem_shared>>
        %dma_wait3A_50 = arith.constant 0 : i32
        %dma_wait3A_51 = arith.constant 0 : i32
        %dma_wait3A_52 = tpu.memref_slice %arg8[%scan3A_6, %dma_wait3A_50, %dma_wait3A_51] : memref<4x64x128xf32, #tpu.memory_space<vmem>> -> memref<1x64x128xf32, #tpu.memory_space<vmem>>
        %dma_wait3A_53 = tpu.memref_squeeze %dma_wait3A_52 : memref<1x64x128xf32, #tpu.memory_space<vmem>> -> memref<64x128xf32, #tpu.memory_space<vmem>>
        tpu.wait_dma2 semaphore(%run_scoped3A : memref<!tpu.dma_semaphore, #tpu.memory_space<semaphore_mem>>) src(%dma_wait3A_53 : memref<64x128xf32, #tpu.memory_space<vmem>>) dst(%dma_wait3A_49 : memref<64x128xf32, #tpu.memory_space<vmem_shared>>)
        tpu.yield
      }) : () -> ()
    }
    %scan3A_11 = arith.constant 10 : i32
    %barrier3A = arith.constant 0 : index
    tpu.barrier barrier_id(%barrier3A)
    %scan3A_12 = arith.constant 0 : i32
    %scan3A_13 = arith.constant 4 : i32
    %scan3A_14 = arith.addi %scan3A_12, %scan3A_13 : i32
    %scan3A_15 = arith.constant 1 : i32
    scf.for %scan3A_22 = %scan3A_12 to %scan3A_14 step %scan3A_15  : i32 {
      %mul3A_23 = arith.constant 1 : i32
      %mul3A_24 = arith.muli %scan3A_22, %mul3A_23 : i32
      %add3A_25 = arith.constant 0 : i32
      %add3A_26 = arith.addi %add3A_25, %mul3A_24 : i32
      %mul3A_27 = arith.constant 160 : i32
      %mul3A_28 = arith.muli %add3A, %mul3A_27 : i32
      %mul3A_29 = arith.constant 40 : i32
      %mul3A_30 = arith.muli %add3A_26, %mul3A_29 : i32
      %add3A_31 = arith.addi %mul3A_28, %mul3A_30 : i32
      "tpu.region"() ({
        %run_scoped3A_162 = tpu.sem_alloc : memref<!tpu.dma_semaphore, #tpu.memory_space<semaphore_mem>>
        %dma_start3A_163 = arith.constant 0 : i32
        %dma_start3A_164 = tpu.memref_slice %arg3[%add3A_31, %dma_start3A_163] : memref<5120x64xi32, #tpu.memory_space<hbm>> -> memref<40x64xi32, #tpu.memory_space<hbm>>
        %dma_start3A_165 = arith.constant 0 : i32
        %dma_start3A_166 = tpu.memref_slice %arg3[%add3A_31, %dma_start3A_165] : memref<5120x64xi32, #tpu.memory_space<hbm>> -> memref<40x64xi32, #tpu.memory_space<hbm>>
        tpu.enqueue_dma source(%dma_start3A_166 : memref<40x64xi32, #tpu.memory_space<hbm>>) target(%arg6 : memref<40x64xi32, #tpu.memory_space<vmem>>) target_semaphore(%run_scoped3A_162 : memref<!tpu.dma_semaphore, #tpu.memory_space<semaphore_mem>>)
        %dma_wait3A_167 = arith.constant 0 : i32
        %dma_wait3A_168 = tpu.memref_slice %arg3[%add3A_31, %dma_wait3A_167] : memref<5120x64xi32, #tpu.memory_space<hbm>> -> memref<40x64xi32, #tpu.memory_space<hbm>>
        %dma_wait3A_169 = arith.constant 0 : i32
        %dma_wait3A_170 = tpu.memref_slice %arg3[%add3A_31, %dma_wait3A_169] : memref<5120x64xi32, #tpu.memory_space<hbm>> -> memref<40x64xi32, #tpu.memory_space<hbm>>
        tpu.wait_dma2 semaphore(%run_scoped3A_162 : memref<!tpu.dma_semaphore, #tpu.memory_space<semaphore_mem>>) src(%dma_wait3A_170 : memref<40x64xi32, #tpu.memory_space<hbm>>) dst(%arg6 : memref<40x64xi32, #tpu.memory_space<vmem>>)
        tpu.yield
      }) : () -> ()
      "tpu.region"() ({
        %run_scoped3A_162 = tpu.sem_alloc : memref<!tpu.dma_semaphore, #tpu.memory_space<semaphore_mem>>
        %dma_start3A_163 = arith.constant 0 : i32
        %dma_start3A_164 = tpu.memref_slice %arg4[%add3A_31, %dma_start3A_163] : memref<5120x64xi32, #tpu.memory_space<hbm>> -> memref<40x64xi32, #tpu.memory_space<hbm>>
        %dma_start3A_165 = arith.constant 0 : i32
        %dma_start3A_166 = tpu.memref_slice %arg4[%add3A_31, %dma_start3A_165] : memref<5120x64xi32, #tpu.memory_space<hbm>> -> memref<40x64xi32, #tpu.memory_space<hbm>>
        tpu.enqueue_dma source(%dma_start3A_166 : memref<40x64xi32, #tpu.memory_space<hbm>>) target(%arg7 : memref<40x64xi32, #tpu.memory_space<vmem>>) target_semaphore(%run_scoped3A_162 : memref<!tpu.dma_semaphore, #tpu.memory_space<semaphore_mem>>)
        %dma_wait3A_167 = arith.constant 0 : i32
        %dma_wait3A_168 = tpu.memref_slice %arg4[%add3A_31, %dma_wait3A_167] : memref<5120x64xi32, #tpu.memory_space<hbm>> -> memref<40x64xi32, #tpu.memory_space<hbm>>
        %dma_wait3A_169 = arith.constant 0 : i32
        %dma_wait3A_170 = tpu.memref_slice %arg4[%add3A_31, %dma_wait3A_169] : memref<5120x64xi32, #tpu.memory_space<hbm>> -> memref<40x64xi32, #tpu.memory_space<hbm>>
        tpu.wait_dma2 semaphore(%run_scoped3A_162 : memref<!tpu.dma_semaphore, #tpu.memory_space<semaphore_mem>>) src(%dma_wait3A_170 : memref<40x64xi32, #tpu.memory_space<hbm>>) dst(%arg7 : memref<40x64xi32, #tpu.memory_space<vmem>>)
        tpu.yield
      }) : () -> ()
      %dma_start3A = arith.constant 0 : i32
      %dma_start3A_32 = arith.constant 0 : i32
      %dma_start3A_33 = arith.constant 0 : i32
      %dma_start3A_34 = arith.constant 0 : i32
      %dma_start3A_35 = arith.constant 0 : i32
      %dma_start3A_36 = tpu.memref_slice %arg8[%dma_start3A_32, %dma_start3A_34, %dma_start3A_35] : memref<4x64x128xf32, #tpu.memory_space<vmem>> -> memref<1x64x128xf32, #tpu.memory_space<vmem>>
      %dma_start3A_37 = tpu.memref_squeeze %dma_start3A_36 : memref<1x64x128xf32, #tpu.memory_space<vmem>> -> memref<64x128xf32, #tpu.memory_space<vmem>>
      %dma_start3A_38 = arith.constant 0 : i32
      %dma_start3A_39 = tpu.memref_slice %arg6[%dma_start3A, %dma_start3A_38] : memref<40x64xi32, #tpu.memory_space<vmem>> -> memref<1x64xi32, #tpu.memory_space<vmem>>
      %dma_start3A_40 = tpu.memref_squeeze %dma_start3A_39 : memref<1x64xi32, #tpu.memory_space<vmem>> -> memref<64xi32, #tpu.memory_space<vmem>>
      %dma_start3A_41 = arith.constant 0 : i32
      %dma_start3A_42 = arith.constant 0 : i32
      %dma_start3A_43 = tpu.memref_slice %arg2[%dma_start3A_41, %dma_start3A_42] : memref<10000x128xf32, #tpu.memory_space<hbm>> -> memref<10000x128xf32, #tpu.memory_space<hbm>>
      %dma_start3A_44 = tpu.memref_slice %arg9[%dma_start3A_33] : memref<4x!tpu.dma_semaphore, #tpu.memory_space<semaphore_mem>> -> memref<1x!tpu.dma_semaphore, #tpu.memory_space<semaphore_mem>>
      %dma_start3A_45 = tpu.memref_squeeze %dma_start3A_44 : memref<1x!tpu.dma_semaphore, #tpu.memory_space<semaphore_mem>> -> memref<!tpu.dma_semaphore, #tpu.memory_space<semaphore_mem>>
      tpu.enqueue_indirect_dma source(%dma_start3A_43 : memref<10000x128xf32, #tpu.memory_space<hbm>>) target(%dma_start3A_37 : memref<64x128xf32, #tpu.memory_space<vmem>>) offsets(%dma_start3A_40 : memref<64xi32, #tpu.memory_space<vmem>>) semaphore(%dma_start3A_45 : memref<!tpu.dma_semaphore, #tpu.memory_space<semaphore_mem>>)
      %dma_start3A_46 = arith.constant 1 : i32
      %dma_start3A_47 = arith.constant 1 : i32
      %dma_start3A_48 = arith.constant 1 : i32
      %dma_start3A_49 = arith.constant 0 : i32
      %dma_start3A_50 = arith.constant 0 : i32
      %dma_start3A_51 = tpu.memref_slice %arg8[%dma_start3A_47, %dma_start3A_49, %dma_start3A_50] : memref<4x64x128xf32, #tpu.memory_space<vmem>> -> memref<1x64x128xf32, #tpu.memory_space<vmem>>
      %dma_start3A_52 = tpu.memref_squeeze %dma_start3A_51 : memref<1x64x128xf32, #tpu.memory_space<vmem>> -> memref<64x128xf32, #tpu.memory_space<vmem>>
      %dma_start3A_53 = arith.constant 0 : i32
      %dma_start3A_54 = tpu.memref_slice %arg6[%dma_start3A_46, %dma_start3A_53] : memref<40x64xi32, #tpu.memory_space<vmem>> -> memref<1x64xi32, #tpu.memory_space<vmem>>
      %dma_start3A_55 = tpu.memref_squeeze %dma_start3A_54 : memref<1x64xi32, #tpu.memory_space<vmem>> -> memref<64xi32, #tpu.memory_space<vmem>>
      %dma_start3A_56 = arith.constant 0 : i32
      %dma_start3A_57 = arith.constant 0 : i32
      %dma_start3A_58 = tpu.memref_slice %arg2[%dma_start3A_56, %dma_start3A_57] : memref<10000x128xf32, #tpu.memory_space<hbm>> -> memref<10000x128xf32, #tpu.memory_space<hbm>>
      %dma_start3A_59 = tpu.memref_slice %arg9[%dma_start3A_48] : memref<4x!tpu.dma_semaphore, #tpu.memory_space<semaphore_mem>> -> memref<1x!tpu.dma_semaphore, #tpu.memory_space<semaphore_mem>>
      %dma_start3A_60 = tpu.memref_squeeze %dma_start3A_59 : memref<1x!tpu.dma_semaphore, #tpu.memory_space<semaphore_mem>> -> memref<!tpu.dma_semaphore, #tpu.memory_space<semaphore_mem>>
      tpu.enqueue_indirect_dma source(%dma_start3A_58 : memref<10000x128xf32, #tpu.memory_space<hbm>>) target(%dma_start3A_52 : memref<64x128xf32, #tpu.memory_space<vmem>>) offsets(%dma_start3A_55 : memref<64xi32, #tpu.memory_space<vmem>>) semaphore(%dma_start3A_60 : memref<!tpu.dma_semaphore, #tpu.memory_space<semaphore_mem>>)
      %dma_start3A_61 = arith.constant 2 : i32
      %dma_start3A_62 = arith.constant 2 : i32
      %dma_start3A_63 = arith.constant 2 : i32
      %dma_start3A_64 = arith.constant 0 : i32
      %dma_start3A_65 = arith.constant 0 : i32
      %dma_start3A_66 = tpu.memref_slice %arg8[%dma_start3A_62, %dma_start3A_64, %dma_start3A_65] : memref<4x64x128xf32, #tpu.memory_space<vmem>> -> memref<1x64x128xf32, #tpu.memory_space<vmem>>
      %dma_start3A_67 = tpu.memref_squeeze %dma_start3A_66 : memref<1x64x128xf32, #tpu.memory_space<vmem>> -> memref<64x128xf32, #tpu.memory_space<vmem>>
      %dma_start3A_68 = arith.constant 0 : i32
      %dma_start3A_69 = tpu.memref_slice %arg6[%dma_start3A_61, %dma_start3A_68] : memref<40x64xi32, #tpu.memory_space<vmem>> -> memref<1x64xi32, #tpu.memory_space<vmem>>
      %dma_start3A_70 = tpu.memref_squeeze %dma_start3A_69 : memref<1x64xi32, #tpu.memory_space<vmem>> -> memref<64xi32, #tpu.memory_space<vmem>>
      %dma_start3A_71 = arith.constant 0 : i32
      %dma_start3A_72 = arith.constant 0 : i32
      %dma_start3A_73 = tpu.memref_slice %arg2[%dma_start3A_71, %dma_start3A_72] : memref<10000x128xf32, #tpu.memory_space<hbm>> -> memref<10000x128xf32, #tpu.memory_space<hbm>>
      %dma_start3A_74 = tpu.memref_slice %arg9[%dma_start3A_63] : memref<4x!tpu.dma_semaphore, #tpu.memory_space<semaphore_mem>> -> memref<1x!tpu.dma_semaphore, #tpu.memory_space<semaphore_mem>>
      %dma_start3A_75 = tpu.memref_squeeze %dma_start3A_74 : memref<1x!tpu.dma_semaphore, #tpu.memory_space<semaphore_mem>> -> memref<!tpu.dma_semaphore, #tpu.memory_space<semaphore_mem>>
      tpu.enqueue_indirect_dma source(%dma_start3A_73 : memref<10000x128xf32, #tpu.memory_space<hbm>>) target(%dma_start3A_67 : memref<64x128xf32, #tpu.memory_space<vmem>>) offsets(%dma_start3A_70 : memref<64xi32, #tpu.memory_space<vmem>>) semaphore(%dma_start3A_75 : memref<!tpu.dma_semaphore, #tpu.memory_space<semaphore_mem>>)
      %dma_start3A_76 = arith.constant 3 : i32
      %dma_start3A_77 = arith.constant 3 : i32
      %dma_start3A_78 = arith.constant 3 : i32
      %dma_start3A_79 = arith.constant 0 : i32
      %dma_start3A_80 = arith.constant 0 : i32
      %dma_start3A_81 = tpu.memref_slice %arg8[%dma_start3A_77, %dma_start3A_79, %dma_start3A_80] : memref<4x64x128xf32, #tpu.memory_space<vmem>> -> memref<1x64x128xf32, #tpu.memory_space<vmem>>
      %dma_start3A_82 = tpu.memref_squeeze %dma_start3A_81 : memref<1x64x128xf32, #tpu.memory_space<vmem>> -> memref<64x128xf32, #tpu.memory_space<vmem>>
      %dma_start3A_83 = arith.constant 0 : i32
      %dma_start3A_84 = tpu.memref_slice %arg6[%dma_start3A_76, %dma_start3A_83] : memref<40x64xi32, #tpu.memory_space<vmem>> -> memref<1x64xi32, #tpu.memory_space<vmem>>
      %dma_start3A_85 = tpu.memref_squeeze %dma_start3A_84 : memref<1x64xi32, #tpu.memory_space<vmem>> -> memref<64xi32, #tpu.memory_space<vmem>>
      %dma_start3A_86 = arith.constant 0 : i32
      %dma_start3A_87 = arith.constant 0 : i32
      %dma_start3A_88 = tpu.memref_slice %arg2[%dma_start3A_86, %dma_start3A_87] : memref<10000x128xf32, #tpu.memory_space<hbm>> -> memref<10000x128xf32, #tpu.memory_space<hbm>>
      %dma_start3A_89 = tpu.memref_slice %arg9[%dma_start3A_78] : memref<4x!tpu.dma_semaphore, #tpu.memory_space<semaphore_mem>> -> memref<1x!tpu.dma_semaphore, #tpu.memory_space<semaphore_mem>>
      %dma_start3A_90 = tpu.memref_squeeze %dma_start3A_89 : memref<1x!tpu.dma_semaphore, #tpu.memory_space<semaphore_mem>> -> memref<!tpu.dma_semaphore, #tpu.memory_space<semaphore_mem>>
      tpu.enqueue_indirect_dma source(%dma_start3A_88 : memref<10000x128xf32, #tpu.memory_space<hbm>>) target(%dma_start3A_82 : memref<64x128xf32, #tpu.memory_space<vmem>>) offsets(%dma_start3A_85 : memref<64xi32, #tpu.memory_space<vmem>>) semaphore(%dma_start3A_90 : memref<!tpu.dma_semaphore, #tpu.memory_space<semaphore_mem>>)
      %scan3A_91 = arith.constant 0 : i32
      %scan3A_92 = arith.constant 9 : i32
      %scan3A_93 = arith.addi %scan3A_91, %scan3A_92 : i32
      %scan3A_94 = arith.constant 1 : i32
      scf.for %scan3A_162 = %scan3A_91 to %scan3A_93 step %scan3A_94  : i32 {
        %mul3A_163 = arith.constant 4 : i32
        %mul3A_164 = arith.muli %scan3A_162, %mul3A_163 : i32
        %add3A_165 = arith.constant 0 : i32
        %add3A_166 = arith.addi %add3A_165, %mul3A_164 : i32
        %add3A_167 = arith.constant 0 : i32
        %add3A_168 = arith.addi %add3A_166, %add3A_167 : i32
        %dma_wait3A_169 = arith.constant 0 : i32
        %dma_wait3A_170 = arith.constant 0 : i32
        %dma_wait3A_171 = arith.constant 0 : i32
        %dma_wait3A_172 = arith.constant 0 : i32
        %dma_wait3A_173 = tpu.memref_slice %arg8[%dma_wait3A_169, %dma_wait3A_171, %dma_wait3A_172] : memref<4x64x128xf32, #tpu.memory_space<vmem>> -> memref<1x64x128xf32, #tpu.memory_space<vmem>>
        %dma_wait3A_174 = tpu.memref_squeeze %dma_wait3A_173 : memref<1x64x128xf32, #tpu.memory_space<vmem>> -> memref<64x128xf32, #tpu.memory_space<vmem>>
        %dma_wait3A_175 = arith.constant 0 : i32
        %dma_wait3A_176 = tpu.memref_slice %arg6[%add3A_168, %dma_wait3A_175] : memref<40x64xi32, #tpu.memory_space<vmem>> -> memref<1x64xi32, #tpu.memory_space<vmem>>
        %dma_wait3A_177 = tpu.memref_squeeze %dma_wait3A_176 : memref<1x64xi32, #tpu.memory_space<vmem>> -> memref<64xi32, #tpu.memory_space<vmem>>
        %dma_wait3A_178 = arith.constant 0 : i32
        %dma_wait3A_179 = arith.constant 0 : i32
        %dma_wait3A_180 = tpu.memref_slice %arg2[%dma_wait3A_178, %dma_wait3A_179] : memref<10000x128xf32, #tpu.memory_space<hbm>> -> memref<10000x128xf32, #tpu.memory_space<hbm>>
        %dma_wait3A_181 = tpu.memref_slice %arg9[%dma_wait3A_170] : memref<4x!tpu.dma_semaphore, #tpu.memory_space<semaphore_mem>> -> memref<1x!tpu.dma_semaphore, #tpu.memory_space<semaphore_mem>>
        %dma_wait3A_182 = tpu.memref_squeeze %dma_wait3A_181 : memref<1x!tpu.dma_semaphore, #tpu.memory_space<semaphore_mem>> -> memref<!tpu.dma_semaphore, #tpu.memory_space<semaphore_mem>>
        tpu.wait_indirect_dma semaphore(%dma_wait3A_182 : memref<!tpu.dma_semaphore, #tpu.memory_space<semaphore_mem>>) src(%dma_wait3A_180 : memref<10000x128xf32, #tpu.memory_space<hbm>>) dst(%dma_wait3A_174 : memref<64x128xf32, #tpu.memory_space<vmem>>)
        %run_scoped3A_183 = arith.constant 0 : i32
        "tpu.region"() ({
          %run_scoped3A_299 = tpu.sem_alloc : memref<!tpu.dma_semaphore, #tpu.memory_space<semaphore_mem>>
          %dma_start3A_300 = arith.constant 0 : i32
          %dma_start3A_301 = arith.constant 0 : i32
          %dma_start3A_302 = tpu.memref_slice %arg8[%run_scoped3A_183, %dma_start3A_300, %dma_start3A_301] : memref<4x64x128xf32, #tpu.memory_space<vmem>> -> memref<1x64x128xf32, #tpu.memory_space<vmem>>
          %dma_start3A_303 = tpu.memref_squeeze %dma_start3A_302 : memref<1x64x128xf32, #tpu.memory_space<vmem>> -> memref<64x128xf32, #tpu.memory_space<vmem>>
          %dma_start3A_304 = arith.constant 0 : i32
          %dma_start3A_305 = tpu.memref_slice %arg7[%add3A_168, %dma_start3A_304] : memref<40x64xi32, #tpu.memory_space<vmem>> -> memref<1x64xi32, #tpu.memory_space<vmem>>
          %dma_start3A_306 = tpu.memref_squeeze %dma_start3A_305 : memref<1x64xi32, #tpu.memory_space<vmem>> -> memref<64xi32, #tpu.memory_space<vmem>>
          %dma_start3A_307 = arith.constant 0 : i32
          %dma_start3A_308 = arith.constant 0 : i32
          %dma_start3A_309 = tpu.memref_slice %arg10[%dma_start3A_307, %dma_start3A_308] : memref<10240x128xf32, #tpu.memory_space<vmem_shared>> -> memref<10240x128xf32, #tpu.memory_space<vmem_shared>>
          tpu.enqueue_indirect_dma source(%dma_start3A_303 : memref<64x128xf32, #tpu.memory_space<vmem>>) target(%dma_start3A_309 : memref<10240x128xf32, #tpu.memory_space<vmem_shared>>) offsets(%dma_start3A_306 : memref<64xi32, #tpu.memory_space<vmem>>) semaphore(%run_scoped3A_299 : memref<!tpu.dma_semaphore, #tpu.memory_space<semaphore_mem>>) {add = true}
          %dma_wait3A_310 = arith.constant 0 : i32
          %dma_wait3A_311 = arith.constant 0 : i32
          %dma_wait3A_312 = tpu.memref_slice %arg8[%run_scoped3A_183, %dma_wait3A_310, %dma_wait3A_311] : memref<4x64x128xf32, #tpu.memory_space<vmem>> -> memref<1x64x128xf32, #tpu.memory_space<vmem>>
          %dma_wait3A_313 = tpu.memref_squeeze %dma_wait3A_312 : memref<1x64x128xf32, #tpu.memory_space<vmem>> -> memref<64x128xf32, #tpu.memory_space<vmem>>
          %dma_wait3A_314 = arith.constant 0 : i32
          %dma_wait3A_315 = tpu.memref_slice %arg7[%add3A_168, %dma_wait3A_314] : memref<40x64xi32, #tpu.memory_space<vmem>> -> memref<1x64xi32, #tpu.memory_space<vmem>>
          %dma_wait3A_316 = tpu.memref_squeeze %dma_wait3A_315 : memref<1x64xi32, #tpu.memory_space<vmem>> -> memref<64xi32, #tpu.memory_space<vmem>>
          %dma_wait3A_317 = arith.constant 0 : i32
          %dma_wait3A_318 = arith.constant 0 : i32
          %dma_wait3A_319 = tpu.memref_slice %arg10[%dma_wait3A_317, %dma_wait3A_318] : memref<10240x128xf32, #tpu.memory_space<vmem_shared>> -> memref<10240x128xf32, #tpu.memory_space<vmem_shared>>
          tpu.wait_indirect_dma semaphore(%run_scoped3A_299 : memref<!tpu.dma_semaphore, #tpu.memory_space<semaphore_mem>>) src(%dma_wait3A_313 : memref<64x128xf32, #tpu.memory_space<vmem>>) dst(%dma_wait3A_319 : memref<10240x128xf32, #tpu.memory_space<vmem_shared>>)
          tpu.yield
        }) : () -> ()
        %add3A_184 = arith.constant 4 : i32
        %add3A_185 = arith.addi %add3A_168, %add3A_184 : i32
        %dma_start3A_186 = arith.constant 0 : i32
        %dma_start3A_187 = arith.constant 0 : i32
        %dma_start3A_188 = arith.constant 0 : i32
        %dma_start3A_189 = arith.constant 0 : i32
        %dma_start3A_190 = tpu.memref_slice %arg8[%dma_start3A_186, %dma_start3A_188, %dma_start3A_189] : memref<4x64x128xf32, #tpu.memory_space<vmem>> -> memref<1x64x128xf32, #tpu.memory_space<vmem>>
        %dma_start3A_191 = tpu.memref_squeeze %dma_start3A_190 : memref<1x64x128xf32, #tpu.memory_space<vmem>> -> memref<64x128xf32, #tpu.memory_space<vmem>>
        %dma_start3A_192 = arith.constant 0 : i32
        %dma_start3A_193 = tpu.memref_slice %arg6[%add3A_185, %dma_start3A_192] : memref<40x64xi32, #tpu.memory_space<vmem>> -> memref<1x64xi32, #tpu.memory_space<vmem>>
        %dma_start3A_194 = tpu.memref_squeeze %dma_start3A_193 : memref<1x64xi32, #tpu.memory_space<vmem>> -> memref<64xi32, #tpu.memory_space<vmem>>
        %dma_start3A_195 = arith.constant 0 : i32
        %dma_start3A_196 = arith.constant 0 : i32
        %dma_start3A_197 = tpu.memref_slice %arg2[%dma_start3A_195, %dma_start3A_196] : memref<10000x128xf32, #tpu.memory_space<hbm>> -> memref<10000x128xf32, #tpu.memory_space<hbm>>
        %dma_start3A_198 = tpu.memref_slice %arg9[%dma_start3A_187] : memref<4x!tpu.dma_semaphore, #tpu.memory_space<semaphore_mem>> -> memref<1x!tpu.dma_semaphore, #tpu.memory_space<semaphore_mem>>
        %dma_start3A_199 = tpu.memref_squeeze %dma_start3A_198 : memref<1x!tpu.dma_semaphore, #tpu.memory_space<semaphore_mem>> -> memref<!tpu.dma_semaphore, #tpu.memory_space<semaphore_mem>>
        tpu.enqueue_indirect_dma source(%dma_start3A_197 : memref<10000x128xf32, #tpu.memory_space<hbm>>) target(%dma_start3A_191 : memref<64x128xf32, #tpu.memory_space<vmem>>) offsets(%dma_start3A_194 : memref<64xi32, #tpu.memory_space<vmem>>) semaphore(%dma_start3A_199 : memref<!tpu.dma_semaphore, #tpu.memory_space<semaphore_mem>>)
        %add3A_200 = arith.constant 1 : i32
        %add3A_201 = arith.addi %add3A_166, %add3A_200 : i32
        %dma_wait3A_202 = arith.constant 1 : i32
        %dma_wait3A_203 = arith.constant 1 : i32
        %dma_wait3A_204 = arith.constant 0 : i32
        %dma_wait3A_205 = arith.constant 0 : i32
        %dma_wait3A_206 = tpu.memref_slice %arg8[%dma_wait3A_202, %dma_wait3A_204, %dma_wait3A_205] : memref<4x64x128xf32, #tpu.memory_space<vmem>> -> memref<1x64x128xf32, #tpu.memory_space<vmem>>
        %dma_wait3A_207 = tpu.memref_squeeze %dma_wait3A_206 : memref<1x64x128xf32, #tpu.memory_space<vmem>> -> memref<64x128xf32, #tpu.memory_space<vmem>>
        %dma_wait3A_208 = arith.constant 0 : i32
        %dma_wait3A_209 = tpu.memref_slice %arg6[%add3A_201, %dma_wait3A_208] : memref<40x64xi32, #tpu.memory_space<vmem>> -> memref<1x64xi32, #tpu.memory_space<vmem>>
        %dma_wait3A_210 = tpu.memref_squeeze %dma_wait3A_209 : memref<1x64xi32, #tpu.memory_space<vmem>> -> memref<64xi32, #tpu.memory_space<vmem>>
        %dma_wait3A_211 = arith.constant 0 : i32
        %dma_wait3A_212 = arith.constant 0 : i32
        %dma_wait3A_213 = tpu.memref_slice %arg2[%dma_wait3A_211, %dma_wait3A_212] : memref<10000x128xf32, #tpu.memory_space<hbm>> -> memref<10000x128xf32, #tpu.memory_space<hbm>>
        %dma_wait3A_214 = tpu.memref_slice %arg9[%dma_wait3A_203] : memref<4x!tpu.dma_semaphore, #tpu.memory_space<semaphore_mem>> -> memref<1x!tpu.dma_semaphore, #tpu.memory_space<semaphore_mem>>
        %dma_wait3A_215 = tpu.memref_squeeze %dma_wait3A_214 : memref<1x!tpu.dma_semaphore, #tpu.memory_space<semaphore_mem>> -> memref<!tpu.dma_semaphore, #tpu.memory_space<semaphore_mem>>
        tpu.wait_indirect_dma semaphore(%dma_wait3A_215 : memref<!tpu.dma_semaphore, #tpu.memory_space<semaphore_mem>>) src(%dma_wait3A_213 : memref<10000x128xf32, #tpu.memory_space<hbm>>) dst(%dma_wait3A_207 : memref<64x128xf32, #tpu.memory_space<vmem>>)
        %run_scoped3A_216 = arith.constant 1 : i32
        "tpu.region"() ({
          %run_scoped3A_299 = tpu.sem_alloc : memref<!tpu.dma_semaphore, #tpu.memory_space<semaphore_mem>>
          %dma_start3A_300 = arith.constant 0 : i32
          %dma_start3A_301 = arith.constant 0 : i32
          %dma_start3A_302 = tpu.memref_slice %arg8[%run_scoped3A_216, %dma_start3A_300, %dma_start3A_301] : memref<4x64x128xf32, #tpu.memory_space<vmem>> -> memref<1x64x128xf32, #tpu.memory_space<vmem>>
          %dma_start3A_303 = tpu.memref_squeeze %dma_start3A_302 : memref<1x64x128xf32, #tpu.memory_space<vmem>> -> memref<64x128xf32, #tpu.memory_space<vmem>>
          %dma_start3A_304 = arith.constant 0 : i32
          %dma_start3A_305 = tpu.memref_slice %arg7[%add3A_201, %dma_start3A_304] : memref<40x64xi32, #tpu.memory_space<vmem>> -> memref<1x64xi32, #tpu.memory_space<vmem>>
          %dma_start3A_306 = tpu.memref_squeeze %dma_start3A_305 : memref<1x64xi32, #tpu.memory_space<vmem>> -> memref<64xi32, #tpu.memory_space<vmem>>
          %dma_start3A_307 = arith.constant 0 : i32
          %dma_start3A_308 = arith.constant 0 : i32
          %dma_start3A_309 = tpu.memref_slice %arg10[%dma_start3A_307, %dma_start3A_308] : memref<10240x128xf32, #tpu.memory_space<vmem_shared>> -> memref<10240x128xf32, #tpu.memory_space<vmem_shared>>
          tpu.enqueue_indirect_dma source(%dma_start3A_303 : memref<64x128xf32, #tpu.memory_space<vmem>>) target(%dma_start3A_309 : memref<10240x128xf32, #tpu.memory_space<vmem_shared>>) offsets(%dma_start3A_306 : memref<64xi32, #tpu.memory_space<vmem>>) semaphore(%run_scoped3A_299 : memref<!tpu.dma_semaphore, #tpu.memory_space<semaphore_mem>>) {add = true}
          %dma_wait3A_310 = arith.constant 0 : i32
          %dma_wait3A_311 = arith.constant 0 : i32
          %dma_wait3A_312 = tpu.memref_slice %arg8[%run_scoped3A_216, %dma_wait3A_310, %dma_wait3A_311] : memref<4x64x128xf32, #tpu.memory_space<vmem>> -> memref<1x64x128xf32, #tpu.memory_space<vmem>>
          %dma_wait3A_313 = tpu.memref_squeeze %dma_wait3A_312 : memref<1x64x128xf32, #tpu.memory_space<vmem>> -> memref<64x128xf32, #tpu.memory_space<vmem>>
          %dma_wait3A_314 = arith.constant 0 : i32
          %dma_wait3A_315 = tpu.memref_slice %arg7[%add3A_201, %dma_wait3A_314] : memref<40x64xi32, #tpu.memory_space<vmem>> -> memref<1x64xi32, #tpu.memory_space<vmem>>
          %dma_wait3A_316 = tpu.memref_squeeze %dma_wait3A_315 : memref<1x64xi32, #tpu.memory_space<vmem>> -> memref<64xi32, #tpu.memory_space<vmem>>
          %dma_wait3A_317 = arith.constant 0 : i32
          %dma_wait3A_318 = arith.constant 0 : i32
          %dma_wait3A_319 = tpu.memref_slice %arg10[%dma_wait3A_317, %dma_wait3A_318] : memref<10240x128xf32, #tpu.memory_space<vmem_shared>> -> memref<10240x128xf32, #tpu.memory_space<vmem_shared>>
          tpu.wait_indirect_dma semaphore(%run_scoped3A_299 : memref<!tpu.dma_semaphore, #tpu.memory_space<semaphore_mem>>) src(%dma_wait3A_313 : memref<64x128xf32, #tpu.memory_space<vmem>>) dst(%dma_wait3A_319 : memref<10240x128xf32, #tpu.memory_space<vmem_shared>>)
          tpu.yield
        }) : () -> ()
        %add3A_217 = arith.constant 4 : i32
        %add3A_218 = arith.addi %add3A_201, %add3A_217 : i32
        %dma_start3A_219 = arith.constant 1 : i32
        %dma_start3A_220 = arith.constant 1 : i32
        %dma_start3A_221 = arith.constant 0 : i32
        %dma_start3A_222 = arith.constant 0 : i32
        %dma_start3A_223 = tpu.memref_slice %arg8[%dma_start3A_219, %dma_start3A_221, %dma_start3A_222] : memref<4x64x128xf32, #tpu.memory_space<vmem>> -> memref<1x64x128xf32, #tpu.memory_space<vmem>>
        %dma_start3A_224 = tpu.memref_squeeze %dma_start3A_223 : memref<1x64x128xf32, #tpu.memory_space<vmem>> -> memref<64x128xf32, #tpu.memory_space<vmem>>
        %dma_start3A_225 = arith.constant 0 : i32
        %dma_start3A_226 = tpu.memref_slice %arg6[%add3A_218, %dma_start3A_225] : memref<40x64xi32, #tpu.memory_space<vmem>> -> memref<1x64xi32, #tpu.memory_space<vmem>>
        %dma_start3A_227 = tpu.memref_squeeze %dma_start3A_226 : memref<1x64xi32, #tpu.memory_space<vmem>> -> memref<64xi32, #tpu.memory_space<vmem>>
        %dma_start3A_228 = arith.constant 0 : i32
        %dma_start3A_229 = arith.constant 0 : i32
        %dma_start3A_230 = tpu.memref_slice %arg2[%dma_start3A_228, %dma_start3A_229] : memref<10000x128xf32, #tpu.memory_space<hbm>> -> memref<10000x128xf32, #tpu.memory_space<hbm>>
        %dma_start3A_231 = tpu.memref_slice %arg9[%dma_start3A_220] : memref<4x!tpu.dma_semaphore, #tpu.memory_space<semaphore_mem>> -> memref<1x!tpu.dma_semaphore, #tpu.memory_space<semaphore_mem>>
        %dma_start3A_232 = tpu.memref_squeeze %dma_start3A_231 : memref<1x!tpu.dma_semaphore, #tpu.memory_space<semaphore_mem>> -> memref<!tpu.dma_semaphore, #tpu.memory_space<semaphore_mem>>
        tpu.enqueue_indirect_dma source(%dma_start3A_230 : memref<10000x128xf32, #tpu.memory_space<hbm>>) target(%dma_start3A_224 : memref<64x128xf32, #tpu.memory_space<vmem>>) offsets(%dma_start3A_227 : memref<64xi32, #tpu.memory_space<vmem>>) semaphore(%dma_start3A_232 : memref<!tpu.dma_semaphore, #tpu.memory_space<semaphore_mem>>)
        %add3A_233 = arith.constant 2 : i32
        %add3A_234 = arith.addi %add3A_166, %add3A_233 : i32
        %dma_wait3A_235 = arith.constant 2 : i32
        %dma_wait3A_236 = arith.constant 2 : i32
        %dma_wait3A_237 = arith.constant 0 : i32
        %dma_wait3A_238 = arith.constant 0 : i32
        %dma_wait3A_239 = tpu.memref_slice %arg8[%dma_wait3A_235, %dma_wait3A_237, %dma_wait3A_238] : memref<4x64x128xf32, #tpu.memory_space<vmem>> -> memref<1x64x128xf32, #tpu.memory_space<vmem>>
        %dma_wait3A_240 = tpu.memref_squeeze %dma_wait3A_239 : memref<1x64x128xf32, #tpu.memory_space<vmem>> -> memref<64x128xf32, #tpu.memory_space<vmem>>
        %dma_wait3A_241 = arith.constant 0 : i32
        %dma_wait3A_242 = tpu.memref_slice %arg6[%add3A_234, %dma_wait3A_241] : memref<40x64xi32, #tpu.memory_space<vmem>> -> memref<1x64xi32, #tpu.memory_space<vmem>>
        %dma_wait3A_243 = tpu.memref_squeeze %dma_wait3A_242 : memref<1x64xi32, #tpu.memory_space<vmem>> -> memref<64xi32, #tpu.memory_space<vmem>>
        %dma_wait3A_244 = arith.constant 0 : i32
        %dma_wait3A_245 = arith.constant 0 : i32
        %dma_wait3A_246 = tpu.memref_slice %arg2[%dma_wait3A_244, %dma_wait3A_245] : memref<10000x128xf32, #tpu.memory_space<hbm>> -> memref<10000x128xf32, #tpu.memory_space<hbm>>
        %dma_wait3A_247 = tpu.memref_slice %arg9[%dma_wait3A_236] : memref<4x!tpu.dma_semaphore, #tpu.memory_space<semaphore_mem>> -> memref<1x!tpu.dma_semaphore, #tpu.memory_space<semaphore_mem>>
        %dma_wait3A_248 = tpu.memref_squeeze %dma_wait3A_247 : memref<1x!tpu.dma_semaphore, #tpu.memory_space<semaphore_mem>> -> memref<!tpu.dma_semaphore, #tpu.memory_space<semaphore_mem>>
        tpu.wait_indirect_dma semaphore(%dma_wait3A_248 : memref<!tpu.dma_semaphore, #tpu.memory_space<semaphore_mem>>) src(%dma_wait3A_246 : memref<10000x128xf32, #tpu.memory_space<hbm>>) dst(%dma_wait3A_240 : memref<64x128xf32, #tpu.memory_space<vmem>>)
        %run_scoped3A_249 = arith.constant 2 : i32
        "tpu.region"() ({
          %run_scoped3A_299 = tpu.sem_alloc : memref<!tpu.dma_semaphore, #tpu.memory_space<semaphore_mem>>
          %dma_start3A_300 = arith.constant 0 : i32
          %dma_start3A_301 = arith.constant 0 : i32
          %dma_start3A_302 = tpu.memref_slice %arg8[%run_scoped3A_249, %dma_start3A_300, %dma_start3A_301] : memref<4x64x128xf32, #tpu.memory_space<vmem>> -> memref<1x64x128xf32, #tpu.memory_space<vmem>>
          %dma_start3A_303 = tpu.memref_squeeze %dma_start3A_302 : memref<1x64x128xf32, #tpu.memory_space<vmem>> -> memref<64x128xf32, #tpu.memory_space<vmem>>
          %dma_start3A_304 = arith.constant 0 : i32
          %dma_start3A_305 = tpu.memref_slice %arg7[%add3A_234, %dma_start3A_304] : memref<40x64xi32, #tpu.memory_space<vmem>> -> memref<1x64xi32, #tpu.memory_space<vmem>>
          %dma_start3A_306 = tpu.memref_squeeze %dma_start3A_305 : memref<1x64xi32, #tpu.memory_space<vmem>> -> memref<64xi32, #tpu.memory_space<vmem>>
          %dma_start3A_307 = arith.constant 0 : i32
          %dma_start3A_308 = arith.constant 0 : i32
          %dma_start3A_309 = tpu.memref_slice %arg10[%dma_start3A_307, %dma_start3A_308] : memref<10240x128xf32, #tpu.memory_space<vmem_shared>> -> memref<10240x128xf32, #tpu.memory_space<vmem_shared>>
          tpu.enqueue_indirect_dma source(%dma_start3A_303 : memref<64x128xf32, #tpu.memory_space<vmem>>) target(%dma_start3A_309 : memref<10240x128xf32, #tpu.memory_space<vmem_shared>>) offsets(%dma_start3A_306 : memref<64xi32, #tpu.memory_space<vmem>>) semaphore(%run_scoped3A_299 : memref<!tpu.dma_semaphore, #tpu.memory_space<semaphore_mem>>) {add = true}
          %dma_wait3A_310 = arith.constant 0 : i32
          %dma_wait3A_311 = arith.constant 0 : i32
          %dma_wait3A_312 = tpu.memref_slice %arg8[%run_scoped3A_249, %dma_wait3A_310, %dma_wait3A_311] : memref<4x64x128xf32, #tpu.memory_space<vmem>> -> memref<1x64x128xf32, #tpu.memory_space<vmem>>
          %dma_wait3A_313 = tpu.memref_squeeze %dma_wait3A_312 : memref<1x64x128xf32, #tpu.memory_space<vmem>> -> memref<64x128xf32, #tpu.memory_space<vmem>>
          %dma_wait3A_314 = arith.constant 0 : i32
          %dma_wait3A_315 = tpu.memref_slice %arg7[%add3A_234, %dma_wait3A_314] : memref<40x64xi32, #tpu.memory_space<vmem>> -> memref<1x64xi32, #tpu.memory_space<vmem>>
          %dma_wait3A_316 = tpu.memref_squeeze %dma_wait3A_315 : memref<1x64xi32, #tpu.memory_space<vmem>> -> memref<64xi32, #tpu.memory_space<vmem>>
          %dma_wait3A_317 = arith.constant 0 : i32
          %dma_wait3A_318 = arith.constant 0 : i32
          %dma_wait3A_319 = tpu.memref_slice %arg10[%dma_wait3A_317, %dma_wait3A_318] : memref<10240x128xf32, #tpu.memory_space<vmem_shared>> -> memref<10240x128xf32, #tpu.memory_space<vmem_shared>>
          tpu.wait_indirect_dma semaphore(%run_scoped3A_299 : memref<!tpu.dma_semaphore, #tpu.memory_space<semaphore_mem>>) src(%dma_wait3A_313 : memref<64x128xf32, #tpu.memory_space<vmem>>) dst(%dma_wait3A_319 : memref<10240x128xf32, #tpu.memory_space<vmem_shared>>)
          tpu.yield
        }) : () -> ()
        %add3A_250 = arith.constant 4 : i32
        %add3A_251 = arith.addi %add3A_234, %add3A_250 : i32
        %dma_start3A_252 = arith.constant 2 : i32
        %dma_start3A_253 = arith.constant 2 : i32
        %dma_start3A_254 = arith.constant 0 : i32
        %dma_start3A_255 = arith.constant 0 : i32
        %dma_start3A_256 = tpu.memref_slice %arg8[%dma_start3A_252, %dma_start3A_254, %dma_start3A_255] : memref<4x64x128xf32, #tpu.memory_space<vmem>> -> memref<1x64x128xf32, #tpu.memory_space<vmem>>
        %dma_start3A_257 = tpu.memref_squeeze %dma_start3A_256 : memref<1x64x128xf32, #tpu.memory_space<vmem>> -> memref<64x128xf32, #tpu.memory_space<vmem>>
        %dma_start3A_258 = arith.constant 0 : i32
        %dma_start3A_259 = tpu.memref_slice %arg6[%add3A_251, %dma_start3A_258] : memref<40x64xi32, #tpu.memory_space<vmem>> -> memref<1x64xi32, #tpu.memory_space<vmem>>
        %dma_start3A_260 = tpu.memref_squeeze %dma_start3A_259 : memref<1x64xi32, #tpu.memory_space<vmem>> -> memref<64xi32, #tpu.memory_space<vmem>>
        %dma_start3A_261 = arith.constant 0 : i32
        %dma_start3A_262 = arith.constant 0 : i32
        %dma_start3A_263 = tpu.memref_slice %arg2[%dma_start3A_261, %dma_start3A_262] : memref<10000x128xf32, #tpu.memory_space<hbm>> -> memref<10000x128xf32, #tpu.memory_space<hbm>>
        %dma_start3A_264 = tpu.memref_slice %arg9[%dma_start3A_253] : memref<4x!tpu.dma_semaphore, #tpu.memory_space<semaphore_mem>> -> memref<1x!tpu.dma_semaphore, #tpu.memory_space<semaphore_mem>>
        %dma_start3A_265 = tpu.memref_squeeze %dma_start3A_264 : memref<1x!tpu.dma_semaphore, #tpu.memory_space<semaphore_mem>> -> memref<!tpu.dma_semaphore, #tpu.memory_space<semaphore_mem>>
        tpu.enqueue_indirect_dma source(%dma_start3A_263 : memref<10000x128xf32, #tpu.memory_space<hbm>>) target(%dma_start3A_257 : memref<64x128xf32, #tpu.memory_space<vmem>>) offsets(%dma_start3A_260 : memref<64xi32, #tpu.memory_space<vmem>>) semaphore(%dma_start3A_265 : memref<!tpu.dma_semaphore, #tpu.memory_space<semaphore_mem>>)
        %add3A_266 = arith.constant 3 : i32
        %add3A_267 = arith.addi %add3A_166, %add3A_266 : i32
        %dma_wait3A_268 = arith.constant 3 : i32
        %dma_wait3A_269 = arith.constant 3 : i32
        %dma_wait3A_270 = arith.constant 0 : i32
        %dma_wait3A_271 = arith.constant 0 : i32
        %dma_wait3A_272 = tpu.memref_slice %arg8[%dma_wait3A_268, %dma_wait3A_270, %dma_wait3A_271] : memref<4x64x128xf32, #tpu.memory_space<vmem>> -> memref<1x64x128xf32, #tpu.memory_space<vmem>>
        %dma_wait3A_273 = tpu.memref_squeeze %dma_wait3A_272 : memref<1x64x128xf32, #tpu.memory_space<vmem>> -> memref<64x128xf32, #tpu.memory_space<vmem>>
        %dma_wait3A_274 = arith.constant 0 : i32
        %dma_wait3A_275 = tpu.memref_slice %arg6[%add3A_267, %dma_wait3A_274] : memref<40x64xi32, #tpu.memory_space<vmem>> -> memref<1x64xi32, #tpu.memory_space<vmem>>
        %dma_wait3A_276 = tpu.memref_squeeze %dma_wait3A_275 : memref<1x64xi32, #tpu.memory_space<vmem>> -> memref<64xi32, #tpu.memory_space<vmem>>
        %dma_wait3A_277 = arith.constant 0 : i32
        %dma_wait3A_278 = arith.constant 0 : i32
        %dma_wait3A_279 = tpu.memref_slice %arg2[%dma_wait3A_277, %dma_wait3A_278] : memref<10000x128xf32, #tpu.memory_space<hbm>> -> memref<10000x128xf32, #tpu.memory_space<hbm>>
        %dma_wait3A_280 = tpu.memref_slice %arg9[%dma_wait3A_269] : memref<4x!tpu.dma_semaphore, #tpu.memory_space<semaphore_mem>> -> memref<1x!tpu.dma_semaphore, #tpu.memory_space<semaphore_mem>>
        %dma_wait3A_281 = tpu.memref_squeeze %dma_wait3A_280 : memref<1x!tpu.dma_semaphore, #tpu.memory_space<semaphore_mem>> -> memref<!tpu.dma_semaphore, #tpu.memory_space<semaphore_mem>>
        tpu.wait_indirect_dma semaphore(%dma_wait3A_281 : memref<!tpu.dma_semaphore, #tpu.memory_space<semaphore_mem>>) src(%dma_wait3A_279 : memref<10000x128xf32, #tpu.memory_space<hbm>>) dst(%dma_wait3A_273 : memref<64x128xf32, #tpu.memory_space<vmem>>)
        %run_scoped3A_282 = arith.constant 3 : i32
        "tpu.region"() ({
          %run_scoped3A_299 = tpu.sem_alloc : memref<!tpu.dma_semaphore, #tpu.memory_space<semaphore_mem>>
          %dma_start3A_300 = arith.constant 0 : i32
          %dma_start3A_301 = arith.constant 0 : i32
          %dma_start3A_302 = tpu.memref_slice %arg8[%run_scoped3A_282, %dma_start3A_300, %dma_start3A_301] : memref<4x64x128xf32, #tpu.memory_space<vmem>> -> memref<1x64x128xf32, #tpu.memory_space<vmem>>
          %dma_start3A_303 = tpu.memref_squeeze %dma_start3A_302 : memref<1x64x128xf32, #tpu.memory_space<vmem>> -> memref<64x128xf32, #tpu.memory_space<vmem>>
          %dma_start3A_304 = arith.constant 0 : i32
          %dma_start3A_305 = tpu.memref_slice %arg7[%add3A_267, %dma_start3A_304] : memref<40x64xi32, #tpu.memory_space<vmem>> -> memref<1x64xi32, #tpu.memory_space<vmem>>
          %dma_start3A_306 = tpu.memref_squeeze %dma_start3A_305 : memref<1x64xi32, #tpu.memory_space<vmem>> -> memref<64xi32, #tpu.memory_space<vmem>>
          %dma_start3A_307 = arith.constant 0 : i32
          %dma_start3A_308 = arith.constant 0 : i32
          %dma_start3A_309 = tpu.memref_slice %arg10[%dma_start3A_307, %dma_start3A_308] : memref<10240x128xf32, #tpu.memory_space<vmem_shared>> -> memref<10240x128xf32, #tpu.memory_space<vmem_shared>>
          tpu.enqueue_indirect_dma source(%dma_start3A_303 : memref<64x128xf32, #tpu.memory_space<vmem>>) target(%dma_start3A_309 : memref<10240x128xf32, #tpu.memory_space<vmem_shared>>) offsets(%dma_start3A_306 : memref<64xi32, #tpu.memory_space<vmem>>) semaphore(%run_scoped3A_299 : memref<!tpu.dma_semaphore, #tpu.memory_space<semaphore_mem>>) {add = true}
          %dma_wait3A_310 = arith.constant 0 : i32
          %dma_wait3A_311 = arith.constant 0 : i32
          %dma_wait3A_312 = tpu.memref_slice %arg8[%run_scoped3A_282, %dma_wait3A_310, %dma_wait3A_311] : memref<4x64x128xf32, #tpu.memory_space<vmem>> -> memref<1x64x128xf32, #tpu.memory_space<vmem>>
          %dma_wait3A_313 = tpu.memref_squeeze %dma_wait3A_312 : memref<1x64x128xf32, #tpu.memory_space<vmem>> -> memref<64x128xf32, #tpu.memory_space<vmem>>
          %dma_wait3A_314 = arith.constant 0 : i32
          %dma_wait3A_315 = tpu.memref_slice %arg7[%add3A_267, %dma_wait3A_314] : memref<40x64xi32, #tpu.memory_space<vmem>> -> memref<1x64xi32, #tpu.memory_space<vmem>>
          %dma_wait3A_316 = tpu.memref_squeeze %dma_wait3A_315 : memref<1x64xi32, #tpu.memory_space<vmem>> -> memref<64xi32, #tpu.memory_space<vmem>>
          %dma_wait3A_317 = arith.constant 0 : i32
          %dma_wait3A_318 = arith.constant 0 : i32
          %dma_wait3A_319 = tpu.memref_slice %arg10[%dma_wait3A_317, %dma_wait3A_318] : memref<10240x128xf32, #tpu.memory_space<vmem_shared>> -> memref<10240x128xf32, #tpu.memory_space<vmem_shared>>
          tpu.wait_indirect_dma semaphore(%run_scoped3A_299 : memref<!tpu.dma_semaphore, #tpu.memory_space<semaphore_mem>>) src(%dma_wait3A_313 : memref<64x128xf32, #tpu.memory_space<vmem>>) dst(%dma_wait3A_319 : memref<10240x128xf32, #tpu.memory_space<vmem_shared>>)
          tpu.yield
        }) : () -> ()
        %add3A_283 = arith.constant 4 : i32
        %add3A_284 = arith.addi %add3A_267, %add3A_283 : i32
        %dma_start3A_285 = arith.constant 3 : i32
        %dma_start3A_286 = arith.constant 3 : i32
        %dma_start3A_287 = arith.constant 0 : i32
        %dma_start3A_288 = arith.constant 0 : i32
        %dma_start3A_289 = tpu.memref_slice %arg8[%dma_start3A_285, %dma_start3A_287, %dma_start3A_288] : memref<4x64x128xf32, #tpu.memory_space<vmem>> -> memref<1x64x128xf32, #tpu.memory_space<vmem>>
        %dma_start3A_290 = tpu.memref_squeeze %dma_start3A_289 : memref<1x64x128xf32, #tpu.memory_space<vmem>> -> memref<64x128xf32, #tpu.memory_space<vmem>>
        %dma_start3A_291 = arith.constant 0 : i32
        %dma_start3A_292 = tpu.memref_slice %arg6[%add3A_284, %dma_start3A_291] : memref<40x64xi32, #tpu.memory_space<vmem>> -> memref<1x64xi32, #tpu.memory_space<vmem>>
        %dma_start3A_293 = tpu.memref_squeeze %dma_start3A_292 : memref<1x64xi32, #tpu.memory_space<vmem>> -> memref<64xi32, #tpu.memory_space<vmem>>
        %dma_start3A_294 = arith.constant 0 : i32
        %dma_start3A_295 = arith.constant 0 : i32
        %dma_start3A_296 = tpu.memref_slice %arg2[%dma_start3A_294, %dma_start3A_295] : memref<10000x128xf32, #tpu.memory_space<hbm>> -> memref<10000x128xf32, #tpu.memory_space<hbm>>
        %dma_start3A_297 = tpu.memref_slice %arg9[%dma_start3A_286] : memref<4x!tpu.dma_semaphore, #tpu.memory_space<semaphore_mem>> -> memref<1x!tpu.dma_semaphore, #tpu.memory_space<semaphore_mem>>
        %dma_start3A_298 = tpu.memref_squeeze %dma_start3A_297 : memref<1x!tpu.dma_semaphore, #tpu.memory_space<semaphore_mem>> -> memref<!tpu.dma_semaphore, #tpu.memory_space<semaphore_mem>>
        tpu.enqueue_indirect_dma source(%dma_start3A_296 : memref<10000x128xf32, #tpu.memory_space<hbm>>) target(%dma_start3A_290 : memref<64x128xf32, #tpu.memory_space<vmem>>) offsets(%dma_start3A_293 : memref<64xi32, #tpu.memory_space<vmem>>) semaphore(%dma_start3A_298 : memref<!tpu.dma_semaphore, #tpu.memory_space<semaphore_mem>>)
      }
      %scan3A_95 = arith.constant 9 : i32
      %dma_wait3A = arith.constant 36 : i32
      %dma_wait3A_96 = arith.constant 0 : i32
      %dma_wait3A_97 = arith.constant 0 : i32
      %dma_wait3A_98 = arith.constant 0 : i32
      %dma_wait3A_99 = arith.constant 0 : i32
      %dma_wait3A_100 = tpu.memref_slice %arg8[%dma_wait3A_96, %dma_wait3A_98, %dma_wait3A_99] : memref<4x64x128xf32, #tpu.memory_space<vmem>> -> memref<1x64x128xf32, #tpu.memory_space<vmem>>
      %dma_wait3A_101 = tpu.memref_squeeze %dma_wait3A_100 : memref<1x64x128xf32, #tpu.memory_space<vmem>> -> memref<64x128xf32, #tpu.memory_space<vmem>>
      %dma_wait3A_102 = arith.constant 0 : i32
      %dma_wait3A_103 = tpu.memref_slice %arg6[%dma_wait3A, %dma_wait3A_102] : memref<40x64xi32, #tpu.memory_space<vmem>> -> memref<1x64xi32, #tpu.memory_space<vmem>>
      %dma_wait3A_104 = tpu.memref_squeeze %dma_wait3A_103 : memref<1x64xi32, #tpu.memory_space<vmem>> -> memref<64xi32, #tpu.memory_space<vmem>>
      %dma_wait3A_105 = arith.constant 0 : i32
      %dma_wait3A_106 = arith.constant 0 : i32
      %dma_wait3A_107 = tpu.memref_slice %arg2[%dma_wait3A_105, %dma_wait3A_106] : memref<10000x128xf32, #tpu.memory_space<hbm>> -> memref<10000x128xf32, #tpu.memory_space<hbm>>
      %dma_wait3A_108 = tpu.memref_slice %arg9[%dma_wait3A_97] : memref<4x!tpu.dma_semaphore, #tpu.memory_space<semaphore_mem>> -> memref<1x!tpu.dma_semaphore, #tpu.memory_space<semaphore_mem>>
      %dma_wait3A_109 = tpu.memref_squeeze %dma_wait3A_108 : memref<1x!tpu.dma_semaphore, #tpu.memory_space<semaphore_mem>> -> memref<!tpu.dma_semaphore, #tpu.memory_space<semaphore_mem>>
      tpu.wait_indirect_dma semaphore(%dma_wait3A_109 : memref<!tpu.dma_semaphore, #tpu.memory_space<semaphore_mem>>) src(%dma_wait3A_107 : memref<10000x128xf32, #tpu.memory_space<hbm>>) dst(%dma_wait3A_101 : memref<64x128xf32, #tpu.memory_space<vmem>>)
      %run_scoped3A = arith.constant 0 : i32
      %run_scoped3A_110 = arith.constant 36 : i32
      "tpu.region"() ({
        %run_scoped3A_162 = tpu.sem_alloc : memref<!tpu.dma_semaphore, #tpu.memory_space<semaphore_mem>>
        %dma_start3A_163 = arith.constant 0 : i32
        %dma_start3A_164 = arith.constant 0 : i32
        %dma_start3A_165 = tpu.memref_slice %arg8[%run_scoped3A, %dma_start3A_163, %dma_start3A_164] : memref<4x64x128xf32, #tpu.memory_space<vmem>> -> memref<1x64x128xf32, #tpu.memory_space<vmem>>
        %dma_start3A_166 = tpu.memref_squeeze %dma_start3A_165 : memref<1x64x128xf32, #tpu.memory_space<vmem>> -> memref<64x128xf32, #tpu.memory_space<vmem>>
        %dma_start3A_167 = arith.constant 0 : i32
        %dma_start3A_168 = tpu.memref_slice %arg7[%run_scoped3A_110, %dma_start3A_167] : memref<40x64xi32, #tpu.memory_space<vmem>> -> memref<1x64xi32, #tpu.memory_space<vmem>>
        %dma_start3A_169 = tpu.memref_squeeze %dma_start3A_168 : memref<1x64xi32, #tpu.memory_space<vmem>> -> memref<64xi32, #tpu.memory_space<vmem>>
        %dma_start3A_170 = arith.constant 0 : i32
        %dma_start3A_171 = arith.constant 0 : i32
        %dma_start3A_172 = tpu.memref_slice %arg10[%dma_start3A_170, %dma_start3A_171] : memref<10240x128xf32, #tpu.memory_space<vmem_shared>> -> memref<10240x128xf32, #tpu.memory_space<vmem_shared>>
        tpu.enqueue_indirect_dma source(%dma_start3A_166 : memref<64x128xf32, #tpu.memory_space<vmem>>) target(%dma_start3A_172 : memref<10240x128xf32, #tpu.memory_space<vmem_shared>>) offsets(%dma_start3A_169 : memref<64xi32, #tpu.memory_space<vmem>>) semaphore(%run_scoped3A_162 : memref<!tpu.dma_semaphore, #tpu.memory_space<semaphore_mem>>) {add = true}
        %dma_wait3A_173 = arith.constant 0 : i32
        %dma_wait3A_174 = arith.constant 0 : i32
        %dma_wait3A_175 = tpu.memref_slice %arg8[%run_scoped3A, %dma_wait3A_173, %dma_wait3A_174] : memref<4x64x128xf32, #tpu.memory_space<vmem>> -> memref<1x64x128xf32, #tpu.memory_space<vmem>>
        %dma_wait3A_176 = tpu.memref_squeeze %dma_wait3A_175 : memref<1x64x128xf32, #tpu.memory_space<vmem>> -> memref<64x128xf32, #tpu.memory_space<vmem>>
        %dma_wait3A_177 = arith.constant 0 : i32
        %dma_wait3A_178 = tpu.memref_slice %arg7[%run_scoped3A_110, %dma_wait3A_177] : memref<40x64xi32, #tpu.memory_space<vmem>> -> memref<1x64xi32, #tpu.memory_space<vmem>>
        %dma_wait3A_179 = tpu.memref_squeeze %dma_wait3A_178 : memref<1x64xi32, #tpu.memory_space<vmem>> -> memref<64xi32, #tpu.memory_space<vmem>>
        %dma_wait3A_180 = arith.constant 0 : i32
        %dma_wait3A_181 = arith.constant 0 : i32
        %dma_wait3A_182 = tpu.memref_slice %arg10[%dma_wait3A_180, %dma_wait3A_181] : memref<10240x128xf32, #tpu.memory_space<vmem_shared>> -> memref<10240x128xf32, #tpu.memory_space<vmem_shared>>
        tpu.wait_indirect_dma semaphore(%run_scoped3A_162 : memref<!tpu.dma_semaphore, #tpu.memory_space<semaphore_mem>>) src(%dma_wait3A_176 : memref<64x128xf32, #tpu.memory_space<vmem>>) dst(%dma_wait3A_182 : memref<10240x128xf32, #tpu.memory_space<vmem_shared>>)
        tpu.yield
      }) : () -> ()
      %dma_wait3A_111 = arith.constant 37 : i32
      %dma_wait3A_112 = arith.constant 1 : i32
      %dma_wait3A_113 = arith.constant 1 : i32
      %dma_wait3A_114 = arith.constant 0 : i32
      %dma_wait3A_115 = arith.constant 0 : i32
      %dma_wait3A_116 = tpu.memref_slice %arg8[%dma_wait3A_112, %dma_wait3A_114, %dma_wait3A_115] : memref<4x64x128xf32, #tpu.memory_space<vmem>> -> memref<1x64x128xf32, #tpu.memory_space<vmem>>
      %dma_wait3A_117 = tpu.memref_squeeze %dma_wait3A_116 : memref<1x64x128xf32, #tpu.memory_space<vmem>> -> memref<64x128xf32, #tpu.memory_space<vmem>>
      %dma_wait3A_118 = arith.constant 0 : i32
      %dma_wait3A_119 = tpu.memref_slice %arg6[%dma_wait3A_111, %dma_wait3A_118] : memref<40x64xi32, #tpu.memory_space<vmem>> -> memref<1x64xi32, #tpu.memory_space<vmem>>
      %dma_wait3A_120 = tpu.memref_squeeze %dma_wait3A_119 : memref<1x64xi32, #tpu.memory_space<vmem>> -> memref<64xi32, #tpu.memory_space<vmem>>
      %dma_wait3A_121 = arith.constant 0 : i32
      %dma_wait3A_122 = arith.constant 0 : i32
      %dma_wait3A_123 = tpu.memref_slice %arg2[%dma_wait3A_121, %dma_wait3A_122] : memref<10000x128xf32, #tpu.memory_space<hbm>> -> memref<10000x128xf32, #tpu.memory_space<hbm>>
      %dma_wait3A_124 = tpu.memref_slice %arg9[%dma_wait3A_113] : memref<4x!tpu.dma_semaphore, #tpu.memory_space<semaphore_mem>> -> memref<1x!tpu.dma_semaphore, #tpu.memory_space<semaphore_mem>>
      %dma_wait3A_125 = tpu.memref_squeeze %dma_wait3A_124 : memref<1x!tpu.dma_semaphore, #tpu.memory_space<semaphore_mem>> -> memref<!tpu.dma_semaphore, #tpu.memory_space<semaphore_mem>>
      tpu.wait_indirect_dma semaphore(%dma_wait3A_125 : memref<!tpu.dma_semaphore, #tpu.memory_space<semaphore_mem>>) src(%dma_wait3A_123 : memref<10000x128xf32, #tpu.memory_space<hbm>>) dst(%dma_wait3A_117 : memref<64x128xf32, #tpu.memory_space<vmem>>)
      %run_scoped3A_126 = arith.constant 1 : i32
      %run_scoped3A_127 = arith.constant 37 : i32
      "tpu.region"() ({
        %run_scoped3A_162 = tpu.sem_alloc : memref<!tpu.dma_semaphore, #tpu.memory_space<semaphore_mem>>
        %dma_start3A_163 = arith.constant 0 : i32
        %dma_start3A_164 = arith.constant 0 : i32
        %dma_start3A_165 = tpu.memref_slice %arg8[%run_scoped3A_126, %dma_start3A_163, %dma_start3A_164] : memref<4x64x128xf32, #tpu.memory_space<vmem>> -> memref<1x64x128xf32, #tpu.memory_space<vmem>>
        %dma_start3A_166 = tpu.memref_squeeze %dma_start3A_165 : memref<1x64x128xf32, #tpu.memory_space<vmem>> -> memref<64x128xf32, #tpu.memory_space<vmem>>
        %dma_start3A_167 = arith.constant 0 : i32
        %dma_start3A_168 = tpu.memref_slice %arg7[%run_scoped3A_127, %dma_start3A_167] : memref<40x64xi32, #tpu.memory_space<vmem>> -> memref<1x64xi32, #tpu.memory_space<vmem>>
        %dma_start3A_169 = tpu.memref_squeeze %dma_start3A_168 : memref<1x64xi32, #tpu.memory_space<vmem>> -> memref<64xi32, #tpu.memory_space<vmem>>
        %dma_start3A_170 = arith.constant 0 : i32
        %dma_start3A_171 = arith.constant 0 : i32
        %dma_start3A_172 = tpu.memref_slice %arg10[%dma_start3A_170, %dma_start3A_171] : memref<10240x128xf32, #tpu.memory_space<vmem_shared>> -> memref<10240x128xf32, #tpu.memory_space<vmem_shared>>
        tpu.enqueue_indirect_dma source(%dma_start3A_166 : memref<64x128xf32, #tpu.memory_space<vmem>>) target(%dma_start3A_172 : memref<10240x128xf32, #tpu.memory_space<vmem_shared>>) offsets(%dma_start3A_169 : memref<64xi32, #tpu.memory_space<vmem>>) semaphore(%run_scoped3A_162 : memref<!tpu.dma_semaphore, #tpu.memory_space<semaphore_mem>>) {add = true}
        %dma_wait3A_173 = arith.constant 0 : i32
        %dma_wait3A_174 = arith.constant 0 : i32
        %dma_wait3A_175 = tpu.memref_slice %arg8[%run_scoped3A_126, %dma_wait3A_173, %dma_wait3A_174] : memref<4x64x128xf32, #tpu.memory_space<vmem>> -> memref<1x64x128xf32, #tpu.memory_space<vmem>>
        %dma_wait3A_176 = tpu.memref_squeeze %dma_wait3A_175 : memref<1x64x128xf32, #tpu.memory_space<vmem>> -> memref<64x128xf32, #tpu.memory_space<vmem>>
        %dma_wait3A_177 = arith.constant 0 : i32
        %dma_wait3A_178 = tpu.memref_slice %arg7[%run_scoped3A_127, %dma_wait3A_177] : memref<40x64xi32, #tpu.memory_space<vmem>> -> memref<1x64xi32, #tpu.memory_space<vmem>>
        %dma_wait3A_179 = tpu.memref_squeeze %dma_wait3A_178 : memref<1x64xi32, #tpu.memory_space<vmem>> -> memref<64xi32, #tpu.memory_space<vmem>>
        %dma_wait3A_180 = arith.constant 0 : i32
        %dma_wait3A_181 = arith.constant 0 : i32
        %dma_wait3A_182 = tpu.memref_slice %arg10[%dma_wait3A_180, %dma_wait3A_181] : memref<10240x128xf32, #tpu.memory_space<vmem_shared>> -> memref<10240x128xf32, #tpu.memory_space<vmem_shared>>
        tpu.wait_indirect_dma semaphore(%run_scoped3A_162 : memref<!tpu.dma_semaphore, #tpu.memory_space<semaphore_mem>>) src(%dma_wait3A_176 : memref<64x128xf32, #tpu.memory_space<vmem>>) dst(%dma_wait3A_182 : memref<10240x128xf32, #tpu.memory_space<vmem_shared>>)
        tpu.yield
      }) : () -> ()
      %dma_wait3A_128 = arith.constant 38 : i32
      %dma_wait3A_129 = arith.constant 2 : i32
      %dma_wait3A_130 = arith.constant 2 : i32
      %dma_wait3A_131 = arith.constant 0 : i32
      %dma_wait3A_132 = arith.constant 0 : i32
      %dma_wait3A_133 = tpu.memref_slice %arg8[%dma_wait3A_129, %dma_wait3A_131, %dma_wait3A_132] : memref<4x64x128xf32, #tpu.memory_space<vmem>> -> memref<1x64x128xf32, #tpu.memory_space<vmem>>
      %dma_wait3A_134 = tpu.memref_squeeze %dma_wait3A_133 : memref<1x64x128xf32, #tpu.memory_space<vmem>> -> memref<64x128xf32, #tpu.memory_space<vmem>>
      %dma_wait3A_135 = arith.constant 0 : i32
      %dma_wait3A_136 = tpu.memref_slice %arg6[%dma_wait3A_128, %dma_wait3A_135] : memref<40x64xi32, #tpu.memory_space<vmem>> -> memref<1x64xi32, #tpu.memory_space<vmem>>
      %dma_wait3A_137 = tpu.memref_squeeze %dma_wait3A_136 : memref<1x64xi32, #tpu.memory_space<vmem>> -> memref<64xi32, #tpu.memory_space<vmem>>
      %dma_wait3A_138 = arith.constant 0 : i32
      %dma_wait3A_139 = arith.constant 0 : i32
      %dma_wait3A_140 = tpu.memref_slice %arg2[%dma_wait3A_138, %dma_wait3A_139] : memref<10000x128xf32, #tpu.memory_space<hbm>> -> memref<10000x128xf32, #tpu.memory_space<hbm>>
      %dma_wait3A_141 = tpu.memref_slice %arg9[%dma_wait3A_130] : memref<4x!tpu.dma_semaphore, #tpu.memory_space<semaphore_mem>> -> memref<1x!tpu.dma_semaphore, #tpu.memory_space<semaphore_mem>>
      %dma_wait3A_142 = tpu.memref_squeeze %dma_wait3A_141 : memref<1x!tpu.dma_semaphore, #tpu.memory_space<semaphore_mem>> -> memref<!tpu.dma_semaphore, #tpu.memory_space<semaphore_mem>>
      tpu.wait_indirect_dma semaphore(%dma_wait3A_142 : memref<!tpu.dma_semaphore, #tpu.memory_space<semaphore_mem>>) src(%dma_wait3A_140 : memref<10000x128xf32, #tpu.memory_space<hbm>>) dst(%dma_wait3A_134 : memref<64x128xf32, #tpu.memory_space<vmem>>)
      %run_scoped3A_143 = arith.constant 2 : i32
      %run_scoped3A_144 = arith.constant 38 : i32
      "tpu.region"() ({
        %run_scoped3A_162 = tpu.sem_alloc : memref<!tpu.dma_semaphore, #tpu.memory_space<semaphore_mem>>
        %dma_start3A_163 = arith.constant 0 : i32
        %dma_start3A_164 = arith.constant 0 : i32
        %dma_start3A_165 = tpu.memref_slice %arg8[%run_scoped3A_143, %dma_start3A_163, %dma_start3A_164] : memref<4x64x128xf32, #tpu.memory_space<vmem>> -> memref<1x64x128xf32, #tpu.memory_space<vmem>>
        %dma_start3A_166 = tpu.memref_squeeze %dma_start3A_165 : memref<1x64x128xf32, #tpu.memory_space<vmem>> -> memref<64x128xf32, #tpu.memory_space<vmem>>
        %dma_start3A_167 = arith.constant 0 : i32
        %dma_start3A_168 = tpu.memref_slice %arg7[%run_scoped3A_144, %dma_start3A_167] : memref<40x64xi32, #tpu.memory_space<vmem>> -> memref<1x64xi32, #tpu.memory_space<vmem>>
        %dma_start3A_169 = tpu.memref_squeeze %dma_start3A_168 : memref<1x64xi32, #tpu.memory_space<vmem>> -> memref<64xi32, #tpu.memory_space<vmem>>
        %dma_start3A_170 = arith.constant 0 : i32
        %dma_start3A_171 = arith.constant 0 : i32
        %dma_start3A_172 = tpu.memref_slice %arg10[%dma_start3A_170, %dma_start3A_171] : memref<10240x128xf32, #tpu.memory_space<vmem_shared>> -> memref<10240x128xf32, #tpu.memory_space<vmem_shared>>
        tpu.enqueue_indirect_dma source(%dma_start3A_166 : memref<64x128xf32, #tpu.memory_space<vmem>>) target(%dma_start3A_172 : memref<10240x128xf32, #tpu.memory_space<vmem_shared>>) offsets(%dma_start3A_169 : memref<64xi32, #tpu.memory_space<vmem>>) semaphore(%run_scoped3A_162 : memref<!tpu.dma_semaphore, #tpu.memory_space<semaphore_mem>>) {add = true}
        %dma_wait3A_173 = arith.constant 0 : i32
        %dma_wait3A_174 = arith.constant 0 : i32
        %dma_wait3A_175 = tpu.memref_slice %arg8[%run_scoped3A_143, %dma_wait3A_173, %dma_wait3A_174] : memref<4x64x128xf32, #tpu.memory_space<vmem>> -> memref<1x64x128xf32, #tpu.memory_space<vmem>>
        %dma_wait3A_176 = tpu.memref_squeeze %dma_wait3A_175 : memref<1x64x128xf32, #tpu.memory_space<vmem>> -> memref<64x128xf32, #tpu.memory_space<vmem>>
        %dma_wait3A_177 = arith.constant 0 : i32
        %dma_wait3A_178 = tpu.memref_slice %arg7[%run_scoped3A_144, %dma_wait3A_177] : memref<40x64xi32, #tpu.memory_space<vmem>> -> memref<1x64xi32, #tpu.memory_space<vmem>>
        %dma_wait3A_179 = tpu.memref_squeeze %dma_wait3A_178 : memref<1x64xi32, #tpu.memory_space<vmem>> -> memref<64xi32, #tpu.memory_space<vmem>>
        %dma_wait3A_180 = arith.constant 0 : i32
        %dma_wait3A_181 = arith.constant 0 : i32
        %dma_wait3A_182 = tpu.memref_slice %arg10[%dma_wait3A_180, %dma_wait3A_181] : memref<10240x128xf32, #tpu.memory_space<vmem_shared>> -> memref<10240x128xf32, #tpu.memory_space<vmem_shared>>
        tpu.wait_indirect_dma semaphore(%run_scoped3A_162 : memref<!tpu.dma_semaphore, #tpu.memory_space<semaphore_mem>>) src(%dma_wait3A_176 : memref<64x128xf32, #tpu.memory_space<vmem>>) dst(%dma_wait3A_182 : memref<10240x128xf32, #tpu.memory_space<vmem_shared>>)
        tpu.yield
      }) : () -> ()
      %dma_wait3A_145 = arith.constant 39 : i32
      %dma_wait3A_146 = arith.constant 3 : i32
      %dma_wait3A_147 = arith.constant 3 : i32
      %dma_wait3A_148 = arith.constant 0 : i32
      %dma_wait3A_149 = arith.constant 0 : i32
      %dma_wait3A_150 = tpu.memref_slice %arg8[%dma_wait3A_146, %dma_wait3A_148, %dma_wait3A_149] : memref<4x64x128xf32, #tpu.memory_space<vmem>> -> memref<1x64x128xf32, #tpu.memory_space<vmem>>
      %dma_wait3A_151 = tpu.memref_squeeze %dma_wait3A_150 : memref<1x64x128xf32, #tpu.memory_space<vmem>> -> memref<64x128xf32, #tpu.memory_space<vmem>>
      %dma_wait3A_152 = arith.constant 0 : i32
      %dma_wait3A_153 = tpu.memref_slice %arg6[%dma_wait3A_145, %dma_wait3A_152] : memref<40x64xi32, #tpu.memory_space<vmem>> -> memref<1x64xi32, #tpu.memory_space<vmem>>
      %dma_wait3A_154 = tpu.memref_squeeze %dma_wait3A_153 : memref<1x64xi32, #tpu.memory_space<vmem>> -> memref<64xi32, #tpu.memory_space<vmem>>
      %dma_wait3A_155 = arith.constant 0 : i32
      %dma_wait3A_156 = arith.constant 0 : i32
      %dma_wait3A_157 = tpu.memref_slice %arg2[%dma_wait3A_155, %dma_wait3A_156] : memref<10000x128xf32, #tpu.memory_space<hbm>> -> memref<10000x128xf32, #tpu.memory_space<hbm>>
      %dma_wait3A_158 = tpu.memref_slice %arg9[%dma_wait3A_147] : memref<4x!tpu.dma_semaphore, #tpu.memory_space<semaphore_mem>> -> memref<1x!tpu.dma_semaphore, #tpu.memory_space<semaphore_mem>>
      %dma_wait3A_159 = tpu.memref_squeeze %dma_wait3A_158 : memref<1x!tpu.dma_semaphore, #tpu.memory_space<semaphore_mem>> -> memref<!tpu.dma_semaphore, #tpu.memory_space<semaphore_mem>>
      tpu.wait_indirect_dma semaphore(%dma_wait3A_159 : memref<!tpu.dma_semaphore, #tpu.memory_space<semaphore_mem>>) src(%dma_wait3A_157 : memref<10000x128xf32, #tpu.memory_space<hbm>>) dst(%dma_wait3A_151 : memref<64x128xf32, #tpu.memory_space<vmem>>)
      %run_scoped3A_160 = arith.constant 3 : i32
      %run_scoped3A_161 = arith.constant 39 : i32
      "tpu.region"() ({
        %run_scoped3A_162 = tpu.sem_alloc : memref<!tpu.dma_semaphore, #tpu.memory_space<semaphore_mem>>
        %dma_start3A_163 = arith.constant 0 : i32
        %dma_start3A_164 = arith.constant 0 : i32
        %dma_start3A_165 = tpu.memref_slice %arg8[%run_scoped3A_160, %dma_start3A_163, %dma_start3A_164] : memref<4x64x128xf32, #tpu.memory_space<vmem>> -> memref<1x64x128xf32, #tpu.memory_space<vmem>>
        %dma_start3A_166 = tpu.memref_squeeze %dma_start3A_165 : memref<1x64x128xf32, #tpu.memory_space<vmem>> -> memref<64x128xf32, #tpu.memory_space<vmem>>
        %dma_start3A_167 = arith.constant 0 : i32
        %dma_start3A_168 = tpu.memref_slice %arg7[%run_scoped3A_161, %dma_start3A_167] : memref<40x64xi32, #tpu.memory_space<vmem>> -> memref<1x64xi32, #tpu.memory_space<vmem>>
        %dma_start3A_169 = tpu.memref_squeeze %dma_start3A_168 : memref<1x64xi32, #tpu.memory_space<vmem>> -> memref<64xi32, #tpu.memory_space<vmem>>
        %dma_start3A_170 = arith.constant 0 : i32
        %dma_start3A_171 = arith.constant 0 : i32
        %dma_start3A_172 = tpu.memref_slice %arg10[%dma_start3A_170, %dma_start3A_171] : memref<10240x128xf32, #tpu.memory_space<vmem_shared>> -> memref<10240x128xf32, #tpu.memory_space<vmem_shared>>
        tpu.enqueue_indirect_dma source(%dma_start3A_166 : memref<64x128xf32, #tpu.memory_space<vmem>>) target(%dma_start3A_172 : memref<10240x128xf32, #tpu.memory_space<vmem_shared>>) offsets(%dma_start3A_169 : memref<64xi32, #tpu.memory_space<vmem>>) semaphore(%run_scoped3A_162 : memref<!tpu.dma_semaphore, #tpu.memory_space<semaphore_mem>>) {add = true}
        %dma_wait3A_173 = arith.constant 0 : i32
        %dma_wait3A_174 = arith.constant 0 : i32
        %dma_wait3A_175 = tpu.memref_slice %arg8[%run_scoped3A_160, %dma_wait3A_173, %dma_wait3A_174] : memref<4x64x128xf32, #tpu.memory_space<vmem>> -> memref<1x64x128xf32, #tpu.memory_space<vmem>>
        %dma_wait3A_176 = tpu.memref_squeeze %dma_wait3A_175 : memref<1x64x128xf32, #tpu.memory_space<vmem>> -> memref<64x128xf32, #tpu.memory_space<vmem>>
        %dma_wait3A_177 = arith.constant 0 : i32
        %dma_wait3A_178 = tpu.memref_slice %arg7[%run_scoped3A_161, %dma_wait3A_177] : memref<40x64xi32, #tpu.memory_space<vmem>> -> memref<1x64xi32, #tpu.memory_space<vmem>>
        %dma_wait3A_179 = tpu.memref_squeeze %dma_wait3A_178 : memref<1x64xi32, #tpu.memory_space<vmem>> -> memref<64xi32, #tpu.memory_space<vmem>>
        %dma_wait3A_180 = arith.constant 0 : i32
        %dma_wait3A_181 = arith.constant 0 : i32
        %dma_wait3A_182 = tpu.memref_slice %arg10[%dma_wait3A_180, %dma_wait3A_181] : memref<10240x128xf32, #tpu.memory_space<vmem_shared>> -> memref<10240x128xf32, #tpu.memory_space<vmem_shared>>
        tpu.wait_indirect_dma semaphore(%run_scoped3A_162 : memref<!tpu.dma_semaphore, #tpu.memory_space<semaphore_mem>>) src(%dma_wait3A_176 : memref<64x128xf32, #tpu.memory_space<vmem>>) dst(%dma_wait3A_182 : memref<10240x128xf32, #tpu.memory_space<vmem_shared>>)
        tpu.yield
      }) : () -> ()
    }
    %scan3A_16 = arith.constant 4 : i32
    %barrier3A_17 = arith.constant 0 : index
    tpu.barrier barrier_id(%barrier3A_17)
    %mul3A_18 = arith.constant 640 : i32
    %mul3A_19 = arith.muli %arg1, %mul3A_18 : i32
    %mul3A_20 = arith.constant 640 : i32
    %mul3A_21 = arith.muli %arg1, %mul3A_20 : i32
    "tpu.region"() ({
      %run_scoped3A = tpu.sem_alloc : memref<!tpu.dma_semaphore, #tpu.memory_space<semaphore_mem>>
      %dma_start3A = arith.constant 0 : i32
      %dma_start3A_22 = tpu.memref_slice %arg5[%arg0, %mul3A_21, %dma_start3A] : memref<2x10240x128xf32, #tpu.memory_space<hbm>> -> memref<1x640x128xf32, #tpu.memory_space<hbm>>
      %dma_start3A_23 = tpu.memref_squeeze %dma_start3A_22 : memref<1x640x128xf32, #tpu.memory_space<hbm>> -> memref<640x128xf32, #tpu.memory_space<hbm>>
      %dma_start3A_24 = arith.constant 0 : i32
      %dma_start3A_25 = tpu.memref_slice %arg10[%mul3A_19, %dma_start3A_24] : memref<10240x128xf32, #tpu.memory_space<vmem_shared>> -> memref<640x128xf32, #tpu.memory_space<vmem_shared>>
      tpu.enqueue_dma source(%dma_start3A_25 : memref<640x128xf32, #tpu.memory_space<vmem_shared>>) target(%dma_start3A_23 : memref<640x128xf32, #tpu.memory_space<hbm>>) target_semaphore(%run_scoped3A : memref<!tpu.dma_semaphore, #tpu.memory_space<semaphore_mem>>)
      %dma_wait3A = arith.constant 0 : i32
      %dma_wait3A_26 = tpu.memref_slice %arg5[%arg0, %mul3A_21, %dma_wait3A] : memref<2x10240x128xf32, #tpu.memory_space<hbm>> -> memref<1x640x128xf32, #tpu.memory_space<hbm>>
      %dma_wait3A_27 = tpu.memref_squeeze %dma_wait3A_26 : memref<1x640x128xf32, #tpu.memory_space<hbm>> -> memref<640x128xf32, #tpu.memory_space<hbm>>
      %dma_wait3A_28 = arith.constant 0 : i32
      %dma_wait3A_29 = tpu.memref_slice %arg10[%mul3A_19, %dma_wait3A_28] : memref<10240x128xf32, #tpu.memory_space<vmem_shared>> -> memref<640x128xf32, #tpu.memory_space<vmem_shared>>
      tpu.wait_dma2 semaphore(%run_scoped3A : memref<!tpu.dma_semaphore, #tpu.memory_space<semaphore_mem>>) src(%dma_wait3A_29 : memref<640x128xf32, #tpu.memory_space<vmem_shared>>) dst(%dma_wait3A_27 : memref<640x128xf32, #tpu.memory_space<hbm>>)
      tpu.yield
    }) : () -> ()
    return
  }
}

module attributes {stable_mosaic.version = 14 : i64} {
  func.func @_update_body(%arg0: i32, %arg1: memref<1000x128xf32, #tpu.memory_space<vmem>>, %arg2: memref<2x1000x128xf32, #tpu.memory_space<vmem>>, %arg3: memref<128x128xf32, #tpu.memory_space<vmem>>, %arg4: memref<1x128xf32, #tpu.memory_space<vmem>>, %arg5: memref<1000x128xf32, #tpu.memory_space<vmem>>) attributes {dimension_semantics = [#tpu.dimension_semantics<arbitrary>], iteration_bounds = array<i64: 10>, scalar_prefetch = 0 : i64, scratch_operands = 0 : i64, tpu.core_type = #tpu.core_type<tc>, window_params = [{transform_indices = @transform_0, window_bounds = array<i64: 1000, 128>}, {transform_indices = @transform_1, window_bounds = array<i64: 2, 1000, 128>}, {pipeline_mode = #tpu.pipeline_mode<synchronous>, transform_indices = @transform_2, window_bounds = array<i64: 128, 128>}, {pipeline_mode = #tpu.pipeline_mode<synchronous>, transform_indices = @transform_3, window_bounds = array<i64: 1, 128>}, {transform_indices = @transform_4, window_bounds = array<i64: 1000, 128>}]} {
    %get3A = arith.constant 0 : index
    %get3A_0 = arith.constant 0 : index
    %get3A_1 = vector.load %arg1[%get3A, %get3A_0] : memref<1000x128xf32, #tpu.memory_space<vmem>>, vector<1000x128xf32>
    %get3A_2 = arith.constant 0 : index
    %get3A_3 = arith.constant 0 : index
    %get3A_4 = arith.constant 0 : index
    %get3A_5 = vector.load %arg2[%get3A_2, %get3A_3, %get3A_4] : memref<2x1000x128xf32, #tpu.memory_space<vmem>>, vector<1x1000x128xf32>
    %get3A_6 = vector.shape_cast %get3A_5 : vector<1x1000x128xf32> to vector<1000x128xf32>
    %add3A = arith.addf %get3A_1, %get3A_6 : vector<1000x128xf32>
    %get3A_7 = arith.constant 1 : index
    %get3A_8 = arith.constant 0 : index
    %get3A_9 = arith.constant 0 : index
    %get3A_10 = vector.load %arg2[%get3A_7, %get3A_8, %get3A_9] : memref<2x1000x128xf32, #tpu.memory_space<vmem>>, vector<1x1000x128xf32>
    %get3A_11 = vector.shape_cast %get3A_10 : vector<1x1000x128xf32> to vector<1000x128xf32>
    %add3A_12 = arith.addf %add3A, %get3A_11 : vector<1000x128xf32>
    %get3A_13 = arith.constant 0 : index
    %get3A_14 = arith.constant 0 : index
    %get3A_15 = vector.load %arg3[%get3A_13, %get3A_14] : memref<128x128xf32, #tpu.memory_space<vmem>>, vector<128x128xf32>
    %dot_general3A = arith.constant dense<0.000000e+00> : vector<1000x128xf32>
    %dot_general3A_16 = tpu.matmul %add3A_12, %get3A_15, %dot_general3A {dimension_numbers = #tpu.dot_dimension_numbers<[1], [0], [0], [1], [0, 0, 1, 1], [], []>, precision = #tpu.contract_precision<fp32>, transpose_lhs_hint = false} : vector<1000x128xf32>, vector<128x128xf32>, vector<1000x128xf32> -> vector<1000x128xf32>
    %get3A_17 = arith.constant 0 : index
    %get3A_18 = arith.constant 0 : index
    %get3A_19 = vector.load %arg4[%get3A_17, %get3A_18] : memref<1x128xf32, #tpu.memory_space<vmem>>, vector<1x128xf32>
    %add3A_20 = vector.broadcast %get3A_19 : vector<1x128xf32> to vector<1000x128xf32>
    %add3A_21 = arith.addf %dot_general3A_16, %add3A_20 : vector<1000x128xf32>
    %max3A = arith.constant 0.000000e+00 : f32
    %max3A_22 = vector.broadcast %max3A : f32 to vector<1000x128xf32>
    %max3A_23 = arith.maximumf %add3A_21, %max3A_22 : vector<1000x128xf32>
    %swap3A = arith.constant 0 : index
    %swap3A_24 = arith.constant 0 : index
    %swap3A_25 = vector.load %arg5[%swap3A, %swap3A_24] : memref<1000x128xf32, #tpu.memory_space<vmem>>, vector<1000x128xf32>
    tpu.vector_store %arg5[%swap3A, %swap3A_24], %max3A_23 {strides = array<i32>} : memref<1000x128xf32, #tpu.memory_space<vmem>>, vector<1000x128xf32>,
    return
  }
  func.func @transform_0(%arg0: i32) -> (i32, i32) {
    %c0_i32 = arith.constant 0 : i32
    %c0_i32_0 = arith.constant 0 : i32
    return %arg0, %c0_i32 : i32, i32
  }
  func.func @transform_1(%arg0: i32) -> (i32, i32, i32) {
    %c0_i32 = arith.constant 0 : i32
    %c0_i32_0 = arith.constant 0 : i32
    %c0_i32_1 = arith.constant 0 : i32
    return %c0_i32, %arg0, %c0_i32_0 : i32, i32, i32
  }
  func.func @transform_2(%arg0: i32) -> (i32, i32) {
    %c0_i32 = arith.constant 0 : i32
    %c0_i32_0 = arith.constant 0 : i32
    %c0_i32_1 = arith.constant 0 : i32
    return %c0_i32, %c0_i32_0 : i32, i32
  }
  func.func @transform_3(%arg0: i32) -> (i32, i32) {
    %c0_i32 = arith.constant 0 : i32
    %c0_i32_0 = arith.constant 0 : i32
    %c0_i32_1 = arith.constant 0 : i32
    return %c0_i32, %c0_i32_0 : i32, i32
  }
  func.func @transform_4(%arg0: i32) -> (i32, i32) {
    %c0_i32 = arith.constant 0 : i32
    %c0_i32_0 = arith.constant 0 : i32
    return %arg0, %c0_i32 : i32, i32
  }
}

module attributes {stable_mosaic.version = 14 : i64} {
  func.func @_head_body(%arg0: memref<10000x128xf32, #tpu.memory_space<vmem>>, %arg1: memref<1x10000xi32, #tpu.memory_space<vmem>>, %arg2: memref<2x128x128xf32, #tpu.memory_space<vmem>>, %arg3: memref<2x128xf32, #tpu.memory_space<vmem>>, %arg4: memref<128x1xf32, #tpu.memory_space<vmem>>, %arg5: memref<1x1xf32, #tpu.memory_space<vmem>>, %arg6: memref<64x1xf32, #tpu.memory_space<vmem>>) attributes {dimension_semantics = [], scalar_prefetch = 0 : i64, scratch_operands = 0 : i64, tpu.core_type = #tpu.core_type<tc>} {
    %iota3A = tpu.iota {dimensions = array<i32: 0>} : vector<64x10000xi32>
    %get3A = arith.constant 0 : index
    %get3A_0 = arith.constant 0 : index
    %get3A_1 = vector.load %arg1[%get3A, %get3A_0] : memref<1x10000xi32, #tpu.memory_space<vmem>>, vector<1x10000xi32>
    %eq3A = vector.broadcast %get3A_1 : vector<1x10000xi32> to vector<64x10000xi32>
    %eq3A_2 = arith.cmpi eq, %eq3A, %iota3A : vector<64x10000xi32>
    %convert_element_type3A = arith.extui %eq3A_2 : vector<64x10000xi1> to vector<64x10000xi32>
    %convert_element_type3A_3 = arith.sitofp %convert_element_type3A : vector<64x10000xi32> to vector<64x10000xf32>
    %get3A_4 = arith.constant 0 : index
    %get3A_5 = arith.constant 0 : index
    %get3A_6 = vector.load %arg0[%get3A_4, %get3A_5] : memref<10000x128xf32, #tpu.memory_space<vmem>>, vector<10000x128xf32>
    %dot_general3A = arith.constant dense<0.000000e+00> : vector<64x128xf32>
    %dot_general3A_7 = tpu.matmul %convert_element_type3A_3, %get3A_6, %dot_general3A {dimension_numbers = #tpu.dot_dimension_numbers<[1], [0], [0], [1], [0, 0, 1, 1], [], []>, precision = #tpu.contract_precision<fp32>, transpose_lhs_hint = false} : vector<64x10000xf32>, vector<10000x128xf32>, vector<64x128xf32> -> vector<64x128xf32>
    %reduce_sum3A = arith.constant dense<0.000000e+00> : vector<64xf32>
    %reduce_sum3A_8 = vector.multi_reduction <add>, %convert_element_type3A_3, %reduce_sum3A [1] : vector<64x10000xf32> to vector<64xf32>
    %broadcast_in_dim3A = vector.shape_cast %reduce_sum3A_8 : vector<64xf32> to vector<64x1xf32>
    %max3A = arith.constant 1.000000e+00 : f32
    %max3A_9 = vector.broadcast %max3A : f32 to vector<64x1xf32>
    %max3A_10 = arith.maximumf %broadcast_in_dim3A, %max3A_9 : vector<64x1xf32>
    %div3A = vector.broadcast %max3A_10 : vector<64x1xf32> to vector<64x128xf32>
    %div3A_11 = arith.divf %dot_general3A_7, %div3A : vector<64x128xf32>
    %max3A_12 = arith.constant 0.000000e+00 : f32
    %max3A_13 = vector.broadcast %max3A_12 : f32 to vector<64x128xf32>
    %max3A_14 = arith.maximumf %div3A_11, %max3A_13 : vector<64x128xf32>
    %get3A_15 = arith.constant 0 : index
    %get3A_16 = arith.constant 0 : index
    %get3A_17 = arith.constant 0 : index
    %get3A_18 = vector.load %arg2[%get3A_15, %get3A_16, %get3A_17] : memref<2x128x128xf32, #tpu.memory_space<vmem>>, vector<1x128x128xf32>
    %get3A_19 = vector.shape_cast %get3A_18 : vector<1x128x128xf32> to vector<128x128xf32>
    %dot_general3A_20 = arith.constant dense<0.000000e+00> : vector<64x128xf32>
    %dot_general3A_21 = tpu.matmul %max3A_14, %get3A_19, %dot_general3A_20 {dimension_numbers = #tpu.dot_dimension_numbers<[1], [0], [0], [1], [0, 0, 1, 1], [], []>, precision = #tpu.contract_precision<fp32>, transpose_lhs_hint = false} : vector<64x128xf32>, vector<128x128xf32>, vector<64x128xf32> -> vector<64x128xf32>
    %get3A_22 = arith.constant 0 : index
    %get3A_23 = arith.constant 0 : index
    %get3A_24 = vector.load %arg3[%get3A_22, %get3A_23] : memref<2x128xf32, #tpu.memory_space<vmem>>, vector<1x128xf32>
    %get3A_25 = vector.shape_cast %get3A_24 : vector<1x128xf32> to vector<128xf32>
    %broadcast_in_dim3A_26 = vector.shape_cast %get3A_25 : vector<128xf32> to vector<1x128xf32>
    %add3A = vector.broadcast %broadcast_in_dim3A_26 : vector<1x128xf32> to vector<64x128xf32>
    %add3A_27 = arith.addf %dot_general3A_21, %add3A : vector<64x128xf32>
    %max3A_28 = arith.constant 0.000000e+00 : f32
    %max3A_29 = vector.broadcast %max3A_28 : f32 to vector<64x128xf32>
    %max3A_30 = arith.maximumf %add3A_27, %max3A_29 : vector<64x128xf32>
    %get3A_31 = arith.constant 1 : index
    %get3A_32 = arith.constant 0 : index
    %get3A_33 = arith.constant 0 : index
    %get3A_34 = vector.load %arg2[%get3A_31, %get3A_32, %get3A_33] : memref<2x128x128xf32, #tpu.memory_space<vmem>>, vector<1x128x128xf32>
    %get3A_35 = vector.shape_cast %get3A_34 : vector<1x128x128xf32> to vector<128x128xf32>
    %dot_general3A_36 = arith.constant dense<0.000000e+00> : vector<64x128xf32>
    %dot_general3A_37 = tpu.matmul %max3A_30, %get3A_35, %dot_general3A_36 {dimension_numbers = #tpu.dot_dimension_numbers<[1], [0], [0], [1], [0, 0, 1, 1], [], []>, precision = #tpu.contract_precision<fp32>, transpose_lhs_hint = false} : vector<64x128xf32>, vector<128x128xf32>, vector<64x128xf32> -> vector<64x128xf32>
    %get3A_38 = arith.constant 1 : index
    %get3A_39 = arith.constant 0 : index
    %get3A_40 = vector.load %arg3[%get3A_38, %get3A_39] : memref<2x128xf32, #tpu.memory_space<vmem>>, vector<1x128xf32>
    %get3A_41 = vector.shape_cast %get3A_40 : vector<1x128xf32> to vector<128xf32>
    %broadcast_in_dim3A_42 = vector.shape_cast %get3A_41 : vector<128xf32> to vector<1x128xf32>
    %add3A_43 = vector.broadcast %broadcast_in_dim3A_42 : vector<1x128xf32> to vector<64x128xf32>
    %add3A_44 = arith.addf %dot_general3A_37, %add3A_43 : vector<64x128xf32>
    %max3A_45 = arith.constant 0.000000e+00 : f32
    %max3A_46 = vector.broadcast %max3A_45 : f32 to vector<64x128xf32>
    %max3A_47 = arith.maximumf %add3A_44, %max3A_46 : vector<64x128xf32>
    %get3A_48 = arith.constant 0 : index
    %get3A_49 = arith.constant 0 : index
    %get3A_50 = vector.load %arg4[%get3A_48, %get3A_49] : memref<128x1xf32, #tpu.memory_space<vmem>>, vector<128x1xf32>
    %dot_general3A_51 = arith.constant dense<0.000000e+00> : vector<64x1xf32>
    %dot_general3A_52 = tpu.matmul %max3A_47, %get3A_50, %dot_general3A_51 {dimension_numbers = #tpu.dot_dimension_numbers<[1], [0], [0], [1], [0, 0, 1, 1], [], []>, precision = #tpu.contract_precision<fp32>, transpose_lhs_hint = false} : vector<64x128xf32>, vector<128x1xf32>, vector<64x1xf32> -> vector<64x1xf32>
    %get3A_53 = arith.constant 0 : index
    %get3A_54 = arith.constant 0 : index
    %get3A_55 = vector.load %arg5[%get3A_53, %get3A_54] : memref<1x1xf32, #tpu.memory_space<vmem>>, vector<1x1xf32>
    %add3A_56 = vector.broadcast %get3A_55 : vector<1x1xf32> to vector<64x1xf32>
    %add3A_57 = arith.addf %dot_general3A_52, %add3A_56 : vector<64x1xf32>
    %swap3A = arith.constant 0 : index
    %swap3A_58 = arith.constant 0 : index
    %swap3A_59 = vector.load %arg6[%swap3A, %swap3A_58] : memref<64x1xf32, #tpu.memory_space<vmem>>, vector<64x1xf32>
    tpu.vector_store %arg6[%swap3A, %swap3A_58], %add3A_57 {strides = array<i32>} : memref<64x1xf32, #tpu.memory_space<vmem>>, vector<64x1xf32>,
    return
  }
}

</mosaic_0001>

<sc_bundles>
// kernel: kernel.13.cloned.1.call-start
scs
__scs_entry_jumppad:
0x0: {  	(pc) =	sbr.rel $0x88, $3  }
0x1: {  	(tag) =	ssettag $0x0;
	lr =	simm.s32 $0x1  }
0x2: {  	[smem:$0x3F98] =	sst lr;
	_ =	strace $0xD0000000  }
0x3: {  	_ = 	snop  }
0x4: {  	_ = 	snop  }
0x5: {  	_ = 	snop  }
0x6: {  	_ = 	snop  }
0x7: {  	_ = 	snop  }
__scs_overlays_trampoline_lowered:
0x8: {  	[smem:$0x3FA7] =	sst s0  }
0x9: {  	[smem:$0x3FA8] =	sst s1  }
0xa: {  	[smem:$0x3FA9] =	sst s2  }
0xb: {  	[smem:$0x3FAA] =	sst s3  }
0xc: {  	[smem:$0x3FAB] =	sst s4  }
0xd: {  	[smem:$0x3FAC] =	sst s5  }
0xe: {  	[smem:$0x3FAD] =	sst s6  }
0xf: {  	[smem:$0x3FAE] =	sst s7  }
0x10: {  	[smem:$0x3FAF] =	sst s8  }
0x11: {  	[smem:$0x3FB0] =	sst s9;
	s0 =	simm.s32 @!p0 $0x0  }
0x12: {  	s1 =	sld [smem:$0x3F96];
	s0 =	simm.s32 @p0 $0x1  }
0x13: {  	[smem:$0x3FB1] =	sst s0;
	s0 =	simm.s32 @!p1 $0x0  }
0x14: {  	s2 =	sld [smem:$0x3F95];
	s0 =	simm.s32 @p1 $0x1  }
0x15: {  	[smem:$0x3FB2] =	sst s0;
	s0 =	simm.s32 @!p2 $0x0  }
0x16: {  	s3 =	sld [smem:$0x3FDB];
	s0 =	simm.s32 @p2 $0x1  }
0x17: {  	s4 =	simm.s32 $0x1BF5;
	[smem:$0x3FB4] =	sst s0  }
0x18: {  	s0 =	sld [smem:$0x3F97];
	_ =	swait.ge [sflag:s4], $0x0  }
0x19: {  	s7 =	sld [smem:$0x3F98]  }
0x1a: {  	s8 =	sadd.s32 $0xFFFFE003, lr  }
0x1b: {  	s9 =	sadd.s32 $0xFFFFFEF7, lr;
	s5 =	simm.s32 $0xFFFFFFFF;
	p2 =	slt.u32 s8, $0xFFFFF086  }
0x1c: {  	p1 =	slt.u32 s9, $0xF7A;
	s5 =	simm.s32 @!p2 $0x0  }
0x1d: {  	s5 =	simm.s32 @p1 $0x1;
	p0 =	seq.s32 s7, s2  }
0x1e: {  	s7 =	smul.u32 @!p0 $0xF7A, s2;
	p2 =	seq.s32 @!p0 s5, $0x0  }
0x1f: {  	s9 =	smul.u32 $0xF7A, s1;
	s8 =	simm.s32 @!p0 $0x1BF5;
	p2 =	por !p2, p0  }
0x20: {  	[sflag:s8] =	ssyncset.s32 @!p0 $0xFFFFF086;
	s6 =	sadd.s32 @!p0 s3, s7;
	s7 =	simm.s32 @!p0 $0x108  }
0x21: {  	s3 =	sadd.s32 s3, s9;
	s6 =	sadd.s32 @!p0 $0x88, s6;
	s7 =	simm.s32 @p2 $0x1082  }
0x22: {  	[simem:s7], [sflag:s8] =	dma.local @!p0 [hbm:s6], $0xF7A  }
0x23: {  	s9 =	sor.u32 $0xD0000000, s2;
	s6 =	simm.s32 $0x108;
	_ =	swait.ge @!p0 [sflag:s8], $0x0  }
0x24: {  	s3 =	sadd.s32 $0x88, s3;
	s6 =	simm.s32 @!p1 $0x1082;
	[sflag:s4] =	ssyncset.s32 $0xFFFFF086  }
0x25: {  	[simem:s6], [sflag:s4] =	dma.local [hbm:s3], $0xF7A  }
0x26: {  	[smem:$0x3F98] =	sst s1;
	(tag) =	ssettag s2;
	_ =	strace s9  }
0x27: {  	s1 =	sld [smem:$0x3FA8]  }
0x28: {  	s2 =	sld [smem:$0x3FA9]  }
0x29: {  	s4 =	sld [smem:$0x3FAB]  }
0x2a: {  	p0 =	seq.s32 s5, $0x0;
	s5 =	sld [smem:$0x3FAC]  }
0x2b: {  	s6 =	sld [smem:$0x3FAD]  }
0x2c: {  	s7 =	sld [smem:$0x3FAE]  }
0x2d: {  	s3 =	simm.s32 $0x108;
	s8 =	sld [smem:$0x3FAF]  }
0x2e: {  	s3 =	simm.s32 @!p0 $0x1082;
	s9 =	sld [smem:$0x3FB0]  }
0x2f: {  	lr =	sadd.s32 s0, s3;
	s0 =	sld [smem:$0x3FA7]  }
0x30: {  	s3 =	sld [smem:$0x3FAA]  }
0x31: {  	[smem:$0x3FB3] =	sst s10  }
0x32: {  	s10 =	sld [smem:$0x3FB1];
	_ =	sdelay $0x3  }
0x33: {  	p0 =	seq.s32 s10, $0x1;
	s10 =	sld [smem:$0x3FB3];
	_ =	sdelay $0x3  }
0x34: {  	[smem:$0x3FB3] =	sst s10  }
0x35: {  	s10 =	sld [smem:$0x3FB2];
	_ =	sdelay $0x3  }
0x36: {  	p1 =	seq.s32 s10, $0x1;
	s10 =	sld [smem:$0x3FB3];
	_ =	sdelay $0x3  }
0x37: {  	[smem:$0x3FB3] =	sst s10  }
0x38: {  	s10 =	sld [smem:$0x3FB4]  }
0x39: {  	_ = 	snop;
	(pc) =	sbr.ind lr, $3  }
0x3a: {  	_ = 	snop  }
0x3b: {  	_ = 	snop  }
0x3c: {  	p2 =	seq.s32 s10, $0x1;
	s10 =	sld [smem:$0x3FB3]  }
0x3d: {  	_ =	shalt  }
0x3e: {  	_ =	shalt  }
0x3f: {  	_ =	shalt  }
0x40: {  	_ =	shalt  }
0x41: {  	_ =	shalt  }
0x42: {  	_ =	shalt  }
0x43: {  	_ =	shalt  }
0x44: {  	_ =	shalt  }
0x45: {  	_ =	shalt  }
0x46: {  	_ =	shalt  }
0x47: {  	_ =	shalt  }
0x48: {  	_ =	shalt  }
0x49: {  	_ =	shalt  }
0x4a: {  	_ =	shalt  }
0x4b: {  	_ =	shalt  }
0x4c: {  	_ =	shalt  }
0x4d: {  	_ =	shalt  }
0x4e: {  	_ =	shalt  }
0x4f: {  	_ =	shalt  }
0x50: {  	_ =	shalt  }
0x51: {  	_ =	shalt  }
0x52: {  	_ =	shalt  }
0x53: {  	_ =	shalt  }
0x54: {  	_ =	shalt  }
0x55: {  	_ =	shalt  }
0x56: {  	_ =	shalt  }
0x57: {  	_ =	shalt  }
0x58: {  	_ =	shalt  }
0x59: {  	_ =	shalt  }
0x5a: {  	_ =	shalt  }
0x5b: {  	_ =	shalt  }
0x5c: {  	_ =	shalt  }
0x5d: {  	_ =	shalt  }
0x5e: {  	_ =	shalt  }
0x5f: {  	_ =	shalt  }
0x60: {  	_ =	shalt  }
0x61: {  	_ =	shalt  }
0x62: {  	_ =	shalt  }
0x63: {  	_ =	shalt  }
0x64: {  	_ =	shalt  }
0x65: {  	_ =	shalt  }
0x66: {  	_ =	shalt  }
0x67: {  	_ =	shalt  }
0x68: {  	_ =	shalt  }
0x69: {  	_ =	shalt  }
0x6a: {  	_ =	shalt  }
0x6b: {  	_ =	shalt  }
0x6c: {  	_ =	shalt  }
0x6d: {  	_ =	shalt  }
0x6e: {  	_ =	shalt  }
0x6f: {  	_ =	shalt  }
0x70: {  	_ =	shalt  }
0x71: {  	_ =	shalt  }
0x72: {  	_ =	shalt  }
0x73: {  	_ =	shalt  }
0x74: {  	_ =	shalt  }
0x75: {  	_ =	shalt  }
0x76: {  	_ =	shalt  }
0x77: {  	_ =	shalt  }
0x78: {  	_ =	shalt  }
0x79: {  	_ =	shalt  }
0x7a: {  	_ =	shalt  }
0x7b: {  	_ =	shalt  }
0x7c: {  	_ =	shalt  }
0x7d: {  	_ =	shalt  }
0x7e: {  	_ =	shalt  }
0x7f: {  	_ =	shalt  }
0x80: {  	_ =	shalt  }
0x81: {  	_ =	shalt  }
0x82: {  	_ =	shalt  }
0x83: {  	_ =	shalt  }
0x84: {  	_ =	shalt  }
0x85: {  	_ =	shalt  }
0x86: {  	_ =	shalt  }
0x87: {  	_ =	shalt  }
.Lfunc_end0:
.L_simem_size_0:
called_computation_lowered:
.L_overlay_start_0:
0x88: {  	s2 =	sld [smem:$0x3FD9]  }
0x89: {  	s3 =	sld [smem:$0x3FFE];
	_ =	sdelay $0x1  }
0x8a: {  	s1 =	srdreg.scid  }
0x8b: {  	s0 =	sand.u32 $0x1, s1  }
0x8c: {  	s17 =	sshll.u32 s0, $0xA;
	s2 =	sadd.s32 s3, s2  }
0x8d: {  	s2 =	sadd.s32 s2, s17  }
0x8e: {  	[smem:$0x3FBF] =	sst s2  }
0x8f: {  	_ = 	snop  }
0x90: {  	s2 =	sld [smem:$0x3FC9];
	(tm) =	ssettm $0x1  }
0x91: {  	s18 =	sld [smem:$0x3FFB];
	_ =	sdelay $0x3  }
0x92: {  	_ =	strace s18  }
0x93: {  	s3 =	sld [smem:$0x3FFC];
	_ =	sdelay $0x3  }
0x94: {  	_ =	strace s3  }
0x95: {  	s3 =	sld [smem:$0x3FFD];
	_ =	sdelay $0x3  }
0x96: {  	_ =	strace s3  }
0x97: {  	_ =	strace $0x8FFFFFFF  }
0x98: {  	s19 =	sld [smem:$0x3FDB];
	_ =	sdelay $0x1  }
0x99: {  	s4 =	simm.s32 $_scs_section_size  }
0x9a: {  	s5 =	simm.s32 $_size__tile_overlayer_lowered;
	s6 =	simm.s32 $_tile_overlayer_lowered  }
0x9b: {  	s22 =	simm.s32 $0x1BFF;
	s21 =	sshll.u32 s6, $0x1;
	s3 =	sadd.s32 s4, s19  }
0x9c: {  	s7 =	simm.s32 $0x0;
	s20 =	sshll.u32 s5, $0x1;
	s5 =	sadd.s32 s21, s3  }
0x9d: {  	[timem:s7], [sflag:s22] =	dma.local [hbm:s5], s20  }
0x9e: {  	_ =	swait.ge [sflag:s22], s20  }
0x9f: {  	s4 =	ssub.s32 $0x0, s20;
	[sflag:s22] =	ssyncset.done $0x0  }
0xa0: {  	[sflag:s22] =	ssyncadd.s32 s4;
	_ =	sdelay $0x1  }
0xa1: {  	s23 =	simm.s32 $0x1B8B  }
0xa2: {  	_ =	swait.ge [sflag:s23], $0x1  }
0xa3: {  	[sflag:s23] =	ssyncset.done $0x0  }
0xa4: {  	s25 =	simm.s32 $0x1B8E;
	s24 =	sld [smem:$0x3FFE];
	[sflag:s23] =	ssyncadd.s32 $0xFFFFFFFF  }
0xa5: {  	s26 =	simm.s32 $execute0_lowered;
	[smem:$0x3FD2] =	sst s25  }
0xa6: {  	s5 =	sshll.u32 s26, $0x1;
	_ =	strace $0x80000046;
	[dreg:$0x1] =	wrdreg $0xFFFFFFFF  }
0xa7: {  	s28 =	simm.s32 $_size_execute0_lowered;
	s3 =	sadd.s32 s3, s5;
	[dreg:$0x0] =	wrdreg $0x0  }
0xa8: {  	s5 =	sshll.u32 s28, $0x1;
	[dreg:$0x2] =	wrdreg s3  }
0xa9: {  	[dreg:$0x3] =	wrdreg s5  }
0xaa: {  	[dreg:$0x4] =	wrdreg $0xC0  }
0xab: {  	_ =	task [dreg:s7], $0x5FFFF  }
0xac: {  	[dreg:$0x1] =	wrdreg $0xFFFFFFFF  }
0xad: {  	[dreg:$0x0] =	wrdreg $0x60  }
0xae: {  	[dreg:$0x2] =	wrdreg s2  }
0xaf: {  	[dreg:$0x3] =	wrdreg s24  }
0xb0: {  	[dreg:$0x4] =	wrdreg $0xA8000  }
0xb1: {  	[dreg:$0x5] =	wrdreg $0x9  }
0xb2: {  	_ =	task.clear_ibuf [dreg:s7], $0x6FFFF;
	_ =	strace $0x90000046  }
0xb3: {  	s29 =	simm.s32 $0x9;
	_ =	strace $0x80000048  }
0xb4: {  	_ =	swait.ge [sflag:s29], $0x1  }
0xb5: {  	[sflag:s29] =	ssyncadd.s32 $0xFFFFFFFF  }
0xb6: {  	_ =	strace $0x90000048  }
0xb7: {  	_ =	sfence  }
0xb8: {  	s30 =	sld [smem:$0x0];
	_ =	sdelay $0x2  }
0xb9: {  	s31 =	sshll.u32 s1, $0xD;
	s1 =	sshrl.u32 s1, $0x2  }
0xba: {  	s3 =	sand.u32 $0x4000, s31;
	s1 =	sadd.s32 s1, s30  }
0xbb: {  	s0 =	sor.u32 s3, s0;
	s1 =	sshll.u32 s1, $0x11  }
0xbc: {  	s0 =	sor.u32 s1, s0  }
0xbd: {  	s0 =	sadd.s32 $0x8F2B, s0  }
0xbe: {  	[sflag:s0] =	ssyncadd.remote.s32 $0x1  }
0xbf: {  	_ =	sfence.sel $0xFFFF  }
0xc0: {  	[dreg:$0x0] =	wrdreg $0xFFFFFFFF;
	(pc) =	sbr.abs _section_cstart, $3  }
0xc1: {  	[dreg:$0x1] =	wrdreg $0xFFFFFFFF  }
0xc2: {  	_ =	task.clear_ibuf [dreg:s7], $0x2FFFF;
	_ =	strace $0x9FFFFFFF  }
0xc3: {  	(tm) =	ssettm $0x7FFFFFFF  }
tec
execute0_lowered:
.L_overlay_start_1:
0x0: {  	(tag) =	ssettag $0x1  }
0x1: {  	s0 =	rddreg [dreg:$0x0]  }
0x2: {  	s1 =	rddreg [dreg:$0x1]  }
0x3: {  	s2 =	srdreg.scid;
	s10 =	stileid.u32  }
0x4: {  	s3 =	rddreg [dreg:$0x2];
	s4 =	simm.s32 $0x0;
	s6 =	smul.u32 $0x14000, s10  }
0x5: {  	s28 =	simm.s32 $0x6800;
	s2 =	sand.u32 $0x1, s2;
	s8 =	smul.u32 $0x50000, s10  }
0x6: {  	s29 =	simm.s32 $0x180;
	[smem:$0x7FF] =	sst s4;
	s5 =	smul.u32 $0x140000, s2  }
0x7: {  	s30 =	simm.s32 $0x8800;
	_ =	strace $0x80000047;
	s17 =	ssub.s32 $0x2, s2  }
0x8: {  	s9 =	sshrl.u32 s17, $0x1;
	s8 =	sshrl.u32 s8, $0x2;
	s6 =	sadd.s32 s6, s5  }
0x9: {  	s5 =	sadd.s32 $0x3800, s1;
	s9 =	ssub.s32 s17, s9;
	s7 =	sshrl.u32 s6, $0x3  }
0xa: {  	s6 =	sadd.s32 $0x17800, s1;
	s18 =	smax.u32 s9, $0x1;
	s1 =	sadd.s32 s7, s1  }
0xb: {  	s7 =	sadd.s32 s8, s3;
	[dreg:$0x5] =	wrdreg s18;
	s1 =	sadd.s32 $0x2B800, s1  }
0xc: {  	s31 =	simm.s32 $0x1;
	s19 =	sadd.s32 $0x2000, s7;
	[dreg:$0x4] =	wrdreg s1  }
0xd: {  	s11 =	simm.s32 $0x2680;
	s20 =	sadd.s32 $0x4000, s7;
	[dreg:$0x6] =	wrdreg s19  }
0xe: {  	s12 =	simm.s32 $0x2700;
	s21 =	sadd.s32 $0x6000, s7;
	[dreg:$0x7] =	wrdreg s20  }
0xf: {  	s13 =	simm.s32 $0x2780;
	s22 =	sadd.s32 $0x8000, s7;
	[dreg:$0x8] =	wrdreg s21  }
0x10: {  	s10 =	sshll.u32 s10, $0x1;
	s23 =	sadd.s32 $0xA000, s7;
	[dreg:$0x9] =	wrdreg s22  }
0x11: {  	s2 =	sor.u32 s2, s10;
	s24 =	sadd.s32 $0xC000, s7;
	[dreg:$0xa] =	wrdreg s23  }
0x12: {  	s10 =	simm.s32 $0x2600;
	s25 =	sadd.s32 $0xE000, s7;
	[dreg:$0xb] =	wrdreg s24  }
0x13: {  	s9 =	simm.s32 $0x4;
	s26 =	sadd.s32 $0x10000, s7;
	[dreg:$0xc] =	wrdreg s25  }
0x14: {  	s8 =	smul.u32 $0xA0, s2;
	s2 =	simm.s32 $0x3;
	[dreg:$0xd] =	wrdreg s26  }
0x15: {  	s19 =	sadd.s32 $0x12000, s7;
	s20 =	simm.s32 $0x2800;
	s21 =	simm.s32 $0x5  }
0x16: {  	s22 =	simm.s32 $0x1400;
	s23 =	simm.s32 $0x40;
	s24 =	simm.s32 $0x80  }
0x17: {  	v0 =	vimm.f32 $0.0e+00;
	s25 =	simm.s32 $0x4800;
	s26 =	simm.s32 $0x100;
	s1 =	simm.s32 $0x2  }
.LBB2_1:
0x18: {  	s14 =	simm.s32 $0x0;
	s15 =	simm.s32 $0x200  }
.LBB2_2:
0x19: {  	p0 =	sne.s32 s15, $0x7E00;
	[tilespmem:s14+$0x2870] =	vst v0  }
0x1a: {  	[tilespmem:s14+$0x2800] =	vst v0  }
0x1b: {  	[tilespmem:s14+$0x2810] =	vst v0  }
.Ltmp0:
0x1c: {  	[tilespmem:s14+$0x2820] =	vst v0;
	(pc) =	sbr.rel @p0 .LBB2_2-.Ltmp0, $4  }
0x1d: {  	[tilespmem:s14+$0x2830] =	vst v0  }
0x1e: {  	[tilespmem:s14+$0x2840] =	vst v0  }
0x1f: {  	[tilespmem:s14+$0x2850] =	vst v0  }
0x20: {  	[tilespmem:s14+$0x2860] =	vst v0;
	s14 =	sshra.s32 s15, $0x2;
	s15 =	sadd.s32 $0x200, s15  }
0x21: {  	[tilespmem:s14+$0x2870] =	vst v0  }
0x22: {  	[tilespmem:s14+$0x2800] =	vst v0  }
0x23: {  	[tilespmem:s14+$0x2810] =	vst v0  }
0x24: {  	[tilespmem:s14+$0x2820] =	vst v0  }
0x25: {  	[tilespmem:s14+$0x2830] =	vst v0  }
0x26: {  	[tilespmem:s14+$0x2840] =	vst v0  }
0x27: {  	[tilespmem:s14+$0x2850] =	vst v0  }
0x28: {  	[tilespmem:s14+$0x2860] =	vst v0  }
0x29: {  	[spmem:s7] =	stream.linear.scatter [tilespmem:s20], [sflag:$0x5], $0x2000, $0x38;
	[tilespmem:$0x1E800] =	vst v63  }
0x2a: {  	_ =	swait.ge [sflag:s21], $0x2000  }
0x2b: {  	[sflag:s21] =	ssyncset.done $0x0  }
0x2c: {  	s15 =	rddreg [dreg:$0x6];
	[sflag:s21] =	ssyncadd.s32 $0xFFFFE000  }
0x2d: {  	[spmem:s15] =	stream.linear.scatter [tilespmem:s20], [sflag:$0x5], $0x2000, $0x38;
	[tilespmem:$0x1E800] =	vst v63  }
0x2e: {  	_ =	swait.ge [sflag:s21], $0x2000  }
0x2f: {  	[sflag:s21] =	ssyncset.done $0x0  }
0x30: {  	s16 =	rddreg [dreg:$0x7];
	[sflag:s21] =	ssyncadd.s32 $0xFFFFE000  }
0x31: {  	[spmem:s16] =	stream.linear.scatter [tilespmem:s20], [sflag:$0x5], $0x2000, $0x38;
	[tilespmem:$0x1E800] =	vst v63  }
0x32: {  	_ =	swait.ge [sflag:s21], $0x2000  }
0x33: {  	[sflag:s21] =	ssyncset.done $0x0  }
0x34: {  	s17 =	rddreg [dreg:$0x8];
	[sflag:s21] =	ssyncadd.s32 $0xFFFFE000  }
0x35: {  	[spmem:s17] =	stream.linear.scatter [tilespmem:s20], [sflag:$0x5], $0x2000, $0x38;
	[tilespmem:$0x1E800] =	vst v63  }
0x36: {  	_ =	swait.ge [sflag:s21], $0x2000  }
0x37: {  	[sflag:s21] =	ssyncset.done $0x0  }
0x38: {  	s18 =	rddreg [dreg:$0x9];
	[sflag:s21] =	ssyncadd.s32 $0xFFFFE000  }
0x39: {  	[spmem:s18] =	stream.linear.scatter [tilespmem:s20], [sflag:$0x5], $0x2000, $0x38;
	[tilespmem:$0x1E800] =	vst v63  }
0x3a: {  	_ =	swait.ge [sflag:s21], $0x2000  }
0x3b: {  	[sflag:s21] =	ssyncset.done $0x0  }
0x3c: {  	s15 =	rddreg [dreg:$0xa];
	[sflag:s21] =	ssyncadd.s32 $0xFFFFE000  }
0x3d: {  	[spmem:s15] =	stream.linear.scatter [tilespmem:s20], [sflag:$0x5], $0x2000, $0x38;
	[tilespmem:$0x1E800] =	vst v63  }
0x3e: {  	_ =	swait.ge [sflag:s21], $0x2000  }
0x3f: {  	[sflag:s21] =	ssyncset.done $0x0  }
0x40: {  	s16 =	rddreg [dreg:$0xb];
	[sflag:s21] =	ssyncadd.s32 $0xFFFFE000  }
0x41: {  	[spmem:s16] =	stream.linear.scatter [tilespmem:s20], [sflag:$0x5], $0x2000, $0x38;
	[tilespmem:$0x1E800] =	vst v63  }
0x42: {  	_ =	swait.ge [sflag:s21], $0x2000  }
0x43: {  	[sflag:s21] =	ssyncset.done $0x0  }
0x44: {  	s17 =	rddreg [dreg:$0xc];
	[sflag:s21] =	ssyncadd.s32 $0xFFFFE000  }
0x45: {  	[spmem:s17] =	stream.linear.scatter [tilespmem:s20], [sflag:$0x5], $0x2000, $0x38;
	[tilespmem:$0x1E800] =	vst v63  }
0x46: {  	_ =	swait.ge [sflag:s21], $0x2000  }
0x47: {  	[sflag:s21] =	ssyncset.done $0x0  }
0x48: {  	s18 =	rddreg [dreg:$0xd];
	[sflag:s21] =	ssyncadd.s32 $0xFFFFE000  }
0x49: {  	[spmem:s18] =	stream.linear.scatter [tilespmem:s20], [sflag:$0x5], $0x2000, $0x38;
	[tilespmem:$0x1E800] =	vst v63  }
0x4a: {  	_ =	swait.ge [sflag:s21], $0x2000  }
0x4b: {  	[sflag:s21] =	ssyncset.done $0x0  }
0x4c: {  	[sflag:s21] =	ssyncadd.s32 $0xFFFFE000  }
0x4d: {  	[spmem:s19] =	stream.linear.scatter [tilespmem:s20], [sflag:$0x5], $0x2000, $0x38;
	[tilespmem:$0x1E800] =	vst v63  }
0x4e: {  	_ =	swait.ge [sflag:s21], $0x2000  }
0x4f: {  	[sflag:s21] =	ssyncset.done $0x0  }
0x50: {  	[sflag:s21] =	ssyncadd.s32 $0xFFFFE000  }
0x51: {  	s14 =	simm.s32 $0x0;
	s15 =	simm.s32 $0x0;
	[bflag:$0x0] =	sbarrier.arrive $0xFFFF  }
.LBB2_4:
0x52: {  	s16 =	smul.u32 $0x28, s15;
	_ =	sdelay $0x1  }
0x53: {  	s16 =	sadd.s32 s8, s16  }
0x54: {  	s16 =	sshll.u32 s16, $0x4  }
0x55: {  	s17 =	sadd.s32 s5, s16  }
0x56: {  	[tilespmem:s14], [sflag:$0x5] =	stream.linear.gather [hbm4b:s17+s14], $0x1400, $0x38;
	[tilespmem:$0x1E800] =	vst v63  }
0x57: {  	_ =	swait.ge [sflag:s21], $0x1400  }
0x58: {  	[sflag:s21] =	ssyncset.done $0x0  }
0x59: {  	s16 =	sadd.s32 s6, s16;
	[sflag:s21] =	ssyncadd.s32 $0xFFFFEC00  }
0x5a: {  	[tilespmem:s22], [sflag:$0x5] =	stream.linear.gather [hbm4b:s16+s14], $0x1400, $0x38;
	[tilespmem:$0x1E800] =	vst v63  }
0x5b: {  	_ =	swait.ge [sflag:s21], $0x1400  }
0x5c: {  	[sflag:s21] =	ssyncset.done $0x0  }
0x5d: {  	[sflag:s21] =	ssyncadd.s32 $0xFFFFEC00  }
0x5e: {  	[tilespmem:s20], [sflag:$0x1] =	stream.indirect.gather [hbm4b:s0+s23], $0x80, s14, s23, $0xb8;
	[tilespmem:$0x1E800] =	vst v63  }
0x5f: {  	_ = 	snop  }
0x60: {  	[tilespmem:s25], [sflag:$0x2] =	stream.indirect.gather [hbm4b:s0+s23], $0x80, s24, s23, $0xb8;
	[tilespmem:$0x1E800] =	vst v63  }
0x61: {  	_ = 	snop  }
0x62: {  	[tilespmem:s28], [sflag:$0x3] =	stream.indirect.gather [hbm4b:s0+s23], $0x80, s26, s23, $0xb8;
	[tilespmem:$0x1E800] =	vst v63  }
0x63: {  	_ = 	snop  }
0x64: {  	[tilespmem:s30], [sflag:$0x4] =	stream.indirect.gather [hbm4b:s0+s23], $0x80, s29, s23, $0xb8;
	[tilespmem:$0x1E800] =	vst v63  }
0x65: {  	_ =	swait.ge [sflag:s31], $0x2000  }
0x66: {  	[sflag:s31] =	ssyncset.done $0x0  }
0x67: {  	s18 =	simm.s32 $0x1400;
	[sflag:s31] =	ssyncadd.s32 $0xFFFFE000  }
0x68: {  	[spmem:s3] =	stream.indirect.scatter.add.f32 [tilespmem:s20], [sflag:$0x5], $0x80, s18, s23, $0xb8;
	[tilespmem:$0x1E800] =	vst v63  }
0x69: {  	_ =	swait.ge [sflag:s21], $0x2000  }
0x6a: {  	[sflag:s21] =	ssyncset.done $0x0  }
0x6b: {  	s17 =	simm.s32 $0x200;
	[sflag:s21] =	ssyncadd.s32 $0xFFFFE000  }
0x6c: {  	[tilespmem:s20], [sflag:$0x1] =	stream.indirect.gather [hbm4b:s0+s23], $0x80, s17, s23, $0xb8;
	[tilespmem:$0x1E800] =	vst v63  }
0x6d: {  	_ =	swait.ge [sflag:s1], $0x2000  }
0x6e: {  	[sflag:s1] =	ssyncset.done $0x0  }
0x6f: {  	s18 =	simm.s32 $0x1480;
	[sflag:s1] =	ssyncadd.s32 $0xFFFFE000  }
0x70: {  	[spmem:s3] =	stream.indirect.scatter.add.f32 [tilespmem:s25], [sflag:$0x5], $0x80, s18, s23, $0xb8;
	[tilespmem:$0x1E800] =	vst v63  }
0x71: {  	_ =	swait.ge [sflag:s21], $0x2000  }
0x72: {  	[sflag:s21] =	ssyncset.done $0x0  }
0x73: {  	s17 =	simm.s32 $0x280;
	[sflag:s21] =	ssyncadd.s32 $0xFFFFE000  }
0x74: {  	[tilespmem:s25], [sflag:$0x2] =	stream.indirect.gather [hbm4b:s0+s23], $0x80, s17, s23, $0xb8;
	[tilespmem:$0x1E800] =	vst v63  }
0x75: {  	_ =	swait.ge [sflag:s2], $0x2000  }
0x76: {  	[sflag:s2] =	ssyncset.done $0x0  }
0x77: {  	s18 =	simm.s32 $0x1500;
	[sflag:s2] =	ssyncadd.s32 $0xFFFFE000  }
0x78: {  	[spmem:s3] =	stream.indirect.scatter.add.f32 [tilespmem:s28], [sflag:$0x5], $0x80, s18, s23, $0xb8;
	[tilespmem:$0x1E800] =	vst v63  }
0x79: {  	_ =	swait.ge [sflag:s21], $0x2000  }
0x7a: {  	[sflag:s21] =	ssyncset.done $0x0  }
0x7b: {  	s17 =	simm.s32 $0x300;
	[sflag:s21] =	ssyncadd.s32 $0xFFFFE000  }
0x7c: {  	[tilespmem:s28], [sflag:$0x3] =	stream.indirect.gather [hbm4b:s0+s23], $0x80, s17, s23, $0xb8;
	[tilespmem:$0x1E800] =	vst v63  }
0x7d: {  	_ =	swait.ge [sflag:s9], $0x2000  }
0x7e: {  	[sflag:s9] =	ssyncset.done $0x0  }
0x7f: {  	s18 =	simm.s32 $0x1580;
	[sflag:s9] =	ssyncadd.s32 $0xFFFFE000  }
0x80: {  	[spmem:s3] =	stream.indirect.scatter.add.f32 [tilespmem:s30], [sflag:$0x5], $0x80, s18, s23, $0xb8;
	[tilespmem:$0x1E800] =	vst v63  }
0x81: {  	_ =	swait.ge [sflag:s21], $0x2000  }
0x82: {  	[sflag:s21] =	ssyncset.done $0x0  }
0x83: {  	s16 =	simm.s32 $0x800;
	s17 =	simm.s32 $0x380;
	[sflag:s21] =	ssyncadd.s32 $0xFFFFE000  }
.LBB2_5:
0x84: {  	[tilespmem:s30], [sflag:$0x4] =	stream.indirect.gather [hbm4b:s0+s23], $0x80, s17, s23, $0xb8;
	[tilespmem:$0x1E800] =	vst v63  }
0x85: {  	s17 =	smov.u32 s16  }
0x86: {  	p0 =	sne.s32 s16, $0x4000;
	s16 =	sadd.s32 $0x800, s16;
	_ =	swait.ge [sflag:s31], $0x2000  }
0x87: {  	s17 =	sshra.s32 s17, $0x2;
	[sflag:s31] =	ssyncset.done $0x0  }
0x88: {  	s18 =	sadd.s32 $0x1400, s17;
	[sflag:s31] =	ssyncadd.s32 $0xFFFFE000  }
0x89: {  	[spmem:s3] =	stream.indirect.scatter.add.f32 [tilespmem:s20], [sflag:$0x5], $0x80, s18, s23, $0xb8;
	[tilespmem:$0x1E800] =	vst v63  }
0x8a: {  	_ =	swait.ge [sflag:s21], $0x2000  }
0x8b: {  	[sflag:s21] =	ssyncset.done $0x0  }
0x8c: {  	s18 =	sadd.s32 $0x200, s17;
	[sflag:s21] =	ssyncadd.s32 $0xFFFFE000  }
0x8d: {  	[tilespmem:s20], [sflag:$0x1] =	stream.indirect.gather [hbm4b:s0+s23], $0x80, s18, s23, $0xb8;
	[tilespmem:$0x1E800] =	vst v63  }
0x8e: {  	_ =	swait.ge [sflag:s1], $0x2000  }
0x8f: {  	[sflag:s1] =	ssyncset.done $0x0  }
0x90: {  	s18 =	sadd.s32 $0x1480, s17;
	[sflag:s1] =	ssyncadd.s32 $0xFFFFE000  }
0x91: {  	[spmem:s3] =	stream.indirect.scatter.add.f32 [tilespmem:s25], [sflag:$0x5], $0x80, s18, s23, $0xb8;
	[tilespmem:$0x1E800] =	vst v63  }
0x92: {  	_ =	swait.ge [sflag:s21], $0x2000  }
0x93: {  	[sflag:s21] =	ssyncset.done $0x0  }
0x94: {  	s18 =	sadd.s32 $0x280, s17;
	[sflag:s21] =	ssyncadd.s32 $0xFFFFE000  }
0x95: {  	[tilespmem:s25], [sflag:$0x2] =	stream.indirect.gather [hbm4b:s0+s23], $0x80, s18, s23, $0xb8;
	[tilespmem:$0x1E800] =	vst v63  }
0x96: {  	_ =	swait.ge [sflag:s2], $0x2000  }
0x97: {  	[sflag:s2] =	ssyncset.done $0x0  }
0x98: {  	s18 =	sadd.s32 $0x1500, s17;
	[sflag:s2] =	ssyncadd.s32 $0xFFFFE000  }
0x99: {  	[spmem:s3] =	stream.indirect.scatter.add.f32 [tilespmem:s28], [sflag:$0x5], $0x80, s18, s23, $0xb8;
	[tilespmem:$0x1E800] =	vst v63  }
0x9a: {  	_ =	swait.ge [sflag:s21], $0x2000  }
0x9b: {  	[sflag:s21] =	ssyncset.done $0x0  }
0x9c: {  	s18 =	sadd.s32 $0x300, s17;
	[sflag:s21] =	ssyncadd.s32 $0xFFFFE000  }
0x9d: {  	[tilespmem:s28], [sflag:$0x3] =	stream.indirect.gather [hbm4b:s0+s23], $0x80, s18, s23, $0xb8;
	[tilespmem:$0x1E800] =	vst v63  }
0x9e: {  	_ =	swait.ge [sflag:s9], $0x2000  }
0x9f: {  	[sflag:s9] =	ssyncset.done $0x0  }
.Ltmp1:
0xa0: {  	s18 =	sadd.s32 $0x1580, s17;
	[sflag:s9] =	ssyncadd.s32 $0xFFFFE000;
	(pc) =	sbr.rel @p0 .LBB2_5-.Ltmp1, $4  }
0xa1: {  	[spmem:s3] =	stream.indirect.scatter.add.f32 [tilespmem:s30], [sflag:$0x5], $0x80, s18, s23, $0xb8;
	[tilespmem:$0x1E800] =	vst v63  }
0xa2: {  	_ =	swait.ge [sflag:s21], $0x2000  }
0xa3: {  	[sflag:s21] =	ssyncset.done $0x0  }
0xa4: {  	s17 =	sadd.s32 $0x380, s17;
	[sflag:s21] =	ssyncadd.s32 $0xFFFFE000  }
0xa5: {  	[tilespmem:s30], [sflag:$0x4] =	stream.indirect.gather [hbm4b:s0+s23], $0x80, s17, s23, $0xb8;
	[tilespmem:$0x1E800] =	vst v63  }
0xa6: {  	_ =	swait.ge [sflag:s31], $0x2000  }
0xa7: {  	[sflag:s31] =	ssyncset.done $0x0  }
0xa8: {  	[sflag:s31] =	ssyncadd.s32 $0xFFFFE000  }
0xa9: {  	[spmem:s3] =	stream.indirect.scatter.add.f32 [tilespmem:s20], [sflag:$0x5], $0x80, s10, s23, $0xb8;
	[tilespmem:$0x1E800] =	vst v63  }
0xaa: {  	_ =	swait.ge [sflag:s21], $0x2000  }
0xab: {  	[sflag:s21] =	ssyncset.done $0x0  }
0xac: {  	[sflag:s21] =	ssyncadd.s32 $0xFFFFE000  }
0xad: {  	_ =	swait.ge [sflag:s1], $0x2000  }
0xae: {  	[sflag:s1] =	ssyncset.done $0x0  }
0xaf: {  	[sflag:s1] =	ssyncadd.s32 $0xFFFFE000  }
0xb0: {  	[spmem:s3] =	stream.indirect.scatter.add.f32 [tilespmem:s25], [sflag:$0x5], $0x80, s11, s23, $0xb8;
	[tilespmem:$0x1E800] =	vst v63  }
0xb1: {  	_ =	swait.ge [sflag:s21], $0x2000  }
0xb2: {  	[sflag:s21] =	ssyncset.done $0x0  }
0xb3: {  	[sflag:s21] =	ssyncadd.s32 $0xFFFFE000  }
0xb4: {  	_ =	swait.ge [sflag:s2], $0x2000  }
0xb5: {  	[sflag:s2] =	ssyncset.done $0x0  }
0xb6: {  	[sflag:s2] =	ssyncadd.s32 $0xFFFFE000  }
0xb7: {  	[spmem:s3] =	stream.indirect.scatter.add.f32 [tilespmem:s28], [sflag:$0x5], $0x80, s12, s23, $0xb8;
	[tilespmem:$0x1E800] =	vst v63  }
0xb8: {  	_ =	swait.ge [sflag:s21], $0x2000  }
0xb9: {  	[sflag:s21] =	ssyncset.done $0x0  }
0xba: {  	[sflag:s21] =	ssyncadd.s32 $0xFFFFE000  }
0xbb: {  	s15 =	sadd.s32 $0x1, s15;
	_ =	swait.ge [sflag:s9], $0x2000  }
0xbc: {  	p0 =	sne.s32 s15, $0x4;
	[sflag:s9] =	ssyncset.done $0x0  }
.Ltmp2:
0xbd: {  	[sflag:s9] =	ssyncadd.s32 $0xFFFFE000;
	(pc) =	sbr.rel @p0 .LBB2_4-.Ltmp2, $4  }
0xbe: {  	[spmem:s3] =	stream.indirect.scatter.add.f32 [tilespmem:s30], [sflag:$0x5], $0x80, s13, s23, $0xb8;
	[tilespmem:$0x1E800] =	vst v63  }
0xbf: {  	_ =	swait.ge [sflag:s21], $0x2000  }
0xc0: {  	[sflag:s21] =	ssyncset.done $0x0  }
0xc1: {  	[sflag:s21] =	ssyncadd.s32 $0xFFFFE000  }
0xc2: {  	s14 =	stileid.u32  }
0xc3: {  	[bflag:$0x0] =	sbarrier.arrive $0xFFFF;
	s14 =	sshll.u32 s14, $0x6  }
0xc4: {  	s15 =	sshrl.u32 s7, $0x3;
	s16 =	rddreg [dreg:$0x4];
	s14 =	sor.u32 $0x1C05, s14  }
0xc5: {  	[hbm:s16], [sflag:s14] =	dma.local [spmem:s15], $0x2800  }
0xc6: {  	_ =	swait.ge [sflag:s21], $0x2800  }
0xc7: {  	s4 =	sadd.s32 $0x1, s4;
	s18 =	rddreg [dreg:$0x5]  }
0xc8: {  	p0 =	sne.s32 s4, s18  }
.Ltmp3:
0xc9: {  	_ = 	snop;
	(pc) =	sbr.rel @p0 .LBB2_1-.Ltmp3, $3  }
0xca: {  	_ =	sdelay $0x1  }
0xcb: {  	[sflag:s21] =	ssyncset.done $0x0  }
0xcc: {  	[sflag:s21] =	ssyncadd.s32 $0xFFFFD800  }
0xcd: {  	_ =	sfence.sel $0x180000  }
0xce: {  	[bflag:$0x0] =	sbarrier.arrive $0xFFFF  }
0xcf: {  	_ =	strace $0x90000047  }
0xd0: {  	s0 =	stileid.u32;
	[bflag:$0x2] =	sbarrier.arrive $0xFFFF  }
0xd1: {  	p0 =	sne.s32 s0, $0x0;
	s0 =	rddreg [dreg:$0x3]  }
0xd2: {  	s0 =	sadd.s32 @!p0 $0x100000, s0  }
0xd3: {  	[sflag:s0] =	ssyncadd.tile.s32 @!p0 $0x1;
	_ =	shalt  }
.Lfunc_end2:
_tile_overlayer_lowered:
.L_overlay_start_2:
0xd4: {  	(tag) =	ssettag $0x2  }
0xd5: {  	s0 =	rddreg [dreg:$0x0];
	s2 =	stileid.u32  }
0xd6: {  	s1 =	rddreg [dreg:$0x1];
	p0 =	sne.s32 s2, $0x0  }
0xd7: {  	s3 =	rddreg [dreg:$0x2];
	[bflag:$0x3] =	sbarrier.arrive $0xFFFF;
	s2 =	simm.s32 @!p0 $0x1C05  }
0xd8: {  	[timem:s3], [sflag:s2] =	dma.local @!p0 [hbm:s0], s1  }
0xd9: {  	s0 =	simm.s32 @!p0 $0x5  }
0xda: {  	_ =	swait.ge @!p0 [sflag:s0], s1  }
0xdb: {  	s1 =	ssub.s32 @!p0 $0x0, s1;
	[sflag:s0] =	ssyncset.done @!p0 $0x0  }
0xdc: {  	[sflag:s0] =	ssyncadd.s32 @!p0 s1  }
0xdd: {  	[bflag:$0x3] =	sbarrier.arrive $0xFFFF  }
0xde: {  	_ =	shalt  }

// kernel: kernel.16.cloned.1.call-start
scs
__scs_entry_jumppad:
0x0: {  	(pc) =	sbr.rel $0x88, $3  }
0x1: {  	(tag) =	ssettag $0x0;
	lr =	simm.s32 $0x1  }
0x2: {  	[smem:$0x3F98] =	sst lr;
	_ =	strace $0xD0000000  }
0x3: {  	_ = 	snop  }
0x4: {  	_ = 	snop  }
0x5: {  	_ = 	snop  }
0x6: {  	_ = 	snop  }
0x7: {  	_ = 	snop  }
__scs_overlays_trampoline_lowered:
0x8: {  	[smem:$0x3FA7] =	sst s0  }
0x9: {  	[smem:$0x3FA8] =	sst s1  }
0xa: {  	[smem:$0x3FA9] =	sst s2  }
0xb: {  	[smem:$0x3FAA] =	sst s3  }
0xc: {  	[smem:$0x3FAB] =	sst s4  }
0xd: {  	[smem:$0x3FAC] =	sst s5  }
0xe: {  	[smem:$0x3FAD] =	sst s6  }
0xf: {  	[smem:$0x3FAE] =	sst s7  }
0x10: {  	[smem:$0x3FAF] =	sst s8  }
0x11: {  	[smem:$0x3FB0] =	sst s9;
	s0 =	simm.s32 @!p0 $0x0  }
0x12: {  	s1 =	sld [smem:$0x3F96];
	s0 =	simm.s32 @p0 $0x1  }
0x13: {  	[smem:$0x3FB1] =	sst s0;
	s0 =	simm.s32 @!p1 $0x0  }
0x14: {  	s2 =	sld [smem:$0x3F95];
	s0 =	simm.s32 @p1 $0x1  }
0x15: {  	[smem:$0x3FB2] =	sst s0;
	s0 =	simm.s32 @!p2 $0x0  }
0x16: {  	s3 =	sld [smem:$0x3FDB];
	s0 =	simm.s32 @p2 $0x1  }
0x17: {  	s4 =	simm.s32 $0x1BF5;
	[smem:$0x3FB4] =	sst s0  }
0x18: {  	s0 =	sld [smem:$0x3F97];
	_ =	swait.ge [sflag:s4], $0x0  }
0x19: {  	s7 =	sld [smem:$0x3F98]  }
0x1a: {  	s8 =	sadd.s32 $0xFFFFE003, lr  }
0x1b: {  	s9 =	sadd.s32 $0xFFFFFEF7, lr;
	s5 =	simm.s32 $0xFFFFFFFF;
	p2 =	slt.u32 s8, $0xFFFFF086  }
0x1c: {  	p1 =	slt.u32 s9, $0xF7A;
	s5 =	simm.s32 @!p2 $0x0  }
0x1d: {  	s5 =	simm.s32 @p1 $0x1;
	p0 =	seq.s32 s7, s2  }
0x1e: {  	s7 =	smul.u32 @!p0 $0xF7A, s2;
	p2 =	seq.s32 @!p0 s5, $0x0  }
0x1f: {  	s9 =	smul.u32 $0xF7A, s1;
	s8 =	simm.s32 @!p0 $0x1BF5;
	p2 =	por !p2, p0  }
0x20: {  	[sflag:s8] =	ssyncset.s32 @!p0 $0xFFFFF086;
	s6 =	sadd.s32 @!p0 s3, s7;
	s7 =	simm.s32 @!p0 $0x108  }
0x21: {  	s3 =	sadd.s32 s3, s9;
	s6 =	sadd.s32 @!p0 $0x88, s6;
	s7 =	simm.s32 @p2 $0x1082  }
0x22: {  	[simem:s7], [sflag:s8] =	dma.local @!p0 [hbm:s6], $0xF7A  }
0x23: {  	s9 =	sor.u32 $0xD0000000, s2;
	s6 =	simm.s32 $0x108;
	_ =	swait.ge @!p0 [sflag:s8], $0x0  }
0x24: {  	s3 =	sadd.s32 $0x88, s3;
	s6 =	simm.s32 @!p1 $0x1082;
	[sflag:s4] =	ssyncset.s32 $0xFFFFF086  }
0x25: {  	[simem:s6], [sflag:s4] =	dma.local [hbm:s3], $0xF7A  }
0x26: {  	[smem:$0x3F98] =	sst s1;
	(tag) =	ssettag s2;
	_ =	strace s9  }
0x27: {  	s1 =	sld [smem:$0x3FA8]  }
0x28: {  	s2 =	sld [smem:$0x3FA9]  }
0x29: {  	s4 =	sld [smem:$0x3FAB]  }
0x2a: {  	p0 =	seq.s32 s5, $0x0;
	s5 =	sld [smem:$0x3FAC]  }
0x2b: {  	s6 =	sld [smem:$0x3FAD]  }
0x2c: {  	s7 =	sld [smem:$0x3FAE]  }
0x2d: {  	s3 =	simm.s32 $0x108;
	s8 =	sld [smem:$0x3FAF]  }
0x2e: {  	s3 =	simm.s32 @!p0 $0x1082;
	s9 =	sld [smem:$0x3FB0]  }
0x2f: {  	lr =	sadd.s32 s0, s3;
	s0 =	sld [smem:$0x3FA7]  }
0x30: {  	s3 =	sld [smem:$0x3FAA]  }
0x31: {  	[smem:$0x3FB3] =	sst s10  }
0x32: {  	s10 =	sld [smem:$0x3FB1];
	_ =	sdelay $0x3  }
0x33: {  	p0 =	seq.s32 s10, $0x1;
	s10 =	sld [smem:$0x3FB3];
	_ =	sdelay $0x3  }
0x34: {  	[smem:$0x3FB3] =	sst s10  }
0x35: {  	s10 =	sld [smem:$0x3FB2];
	_ =	sdelay $0x3  }
0x36: {  	p1 =	seq.s32 s10, $0x1;
	s10 =	sld [smem:$0x3FB3];
	_ =	sdelay $0x3  }
0x37: {  	[smem:$0x3FB3] =	sst s10  }
0x38: {  	s10 =	sld [smem:$0x3FB4]  }
0x39: {  	_ = 	snop;
	(pc) =	sbr.ind lr, $3  }
0x3a: {  	_ = 	snop  }
0x3b: {  	_ = 	snop  }
0x3c: {  	p2 =	seq.s32 s10, $0x1;
	s10 =	sld [smem:$0x3FB3]  }
0x3d: {  	_ =	shalt  }
0x3e: {  	_ =	shalt  }
0x3f: {  	_ =	shalt  }
0x40: {  	_ =	shalt  }
0x41: {  	_ =	shalt  }
0x42: {  	_ =	shalt  }
0x43: {  	_ =	shalt  }
0x44: {  	_ =	shalt  }
0x45: {  	_ =	shalt  }
0x46: {  	_ =	shalt  }
0x47: {  	_ =	shalt  }
0x48: {  	_ =	shalt  }
0x49: {  	_ =	shalt  }
0x4a: {  	_ =	shalt  }
0x4b: {  	_ =	shalt  }
0x4c: {  	_ =	shalt  }
0x4d: {  	_ =	shalt  }
0x4e: {  	_ =	shalt  }
0x4f: {  	_ =	shalt  }
0x50: {  	_ =	shalt  }
0x51: {  	_ =	shalt  }
0x52: {  	_ =	shalt  }
0x53: {  	_ =	shalt  }
0x54: {  	_ =	shalt  }
0x55: {  	_ =	shalt  }
0x56: {  	_ =	shalt  }
0x57: {  	_ =	shalt  }
0x58: {  	_ =	shalt  }
0x59: {  	_ =	shalt  }
0x5a: {  	_ =	shalt  }
0x5b: {  	_ =	shalt  }
0x5c: {  	_ =	shalt  }
0x5d: {  	_ =	shalt  }
0x5e: {  	_ =	shalt  }
0x5f: {  	_ =	shalt  }
0x60: {  	_ =	shalt  }
0x61: {  	_ =	shalt  }
0x62: {  	_ =	shalt  }
0x63: {  	_ =	shalt  }
0x64: {  	_ =	shalt  }
0x65: {  	_ =	shalt  }
0x66: {  	_ =	shalt  }
0x67: {  	_ =	shalt  }
0x68: {  	_ =	shalt  }
0x69: {  	_ =	shalt  }
0x6a: {  	_ =	shalt  }
0x6b: {  	_ =	shalt  }
0x6c: {  	_ =	shalt  }
0x6d: {  	_ =	shalt  }
0x6e: {  	_ =	shalt  }
0x6f: {  	_ =	shalt  }
0x70: {  	_ =	shalt  }
0x71: {  	_ =	shalt  }
0x72: {  	_ =	shalt  }
0x73: {  	_ =	shalt  }
0x74: {  	_ =	shalt  }
0x75: {  	_ =	shalt  }
0x76: {  	_ =	shalt  }
0x77: {  	_ =	shalt  }
0x78: {  	_ =	shalt  }
0x79: {  	_ =	shalt  }
0x7a: {  	_ =	shalt  }
0x7b: {  	_ =	shalt  }
0x7c: {  	_ =	shalt  }
0x7d: {  	_ =	shalt  }
0x7e: {  	_ =	shalt  }
0x7f: {  	_ =	shalt  }
0x80: {  	_ =	shalt  }
0x81: {  	_ =	shalt  }
0x82: {  	_ =	shalt  }
0x83: {  	_ =	shalt  }
0x84: {  	_ =	shalt  }
0x85: {  	_ =	shalt  }
0x86: {  	_ =	shalt  }
0x87: {  	_ =	shalt  }
.Lfunc_end0:
.L_simem_size_0:
called_computation.1_lowered:
.L_overlay_start_0:
0x88: {  	s2 =	sld [smem:$0x3FD9]  }
0x89: {  	s3 =	sld [smem:$0x3FFE];
	_ =	sdelay $0x1  }
0x8a: {  	s1 =	srdreg.scid  }
0x8b: {  	s0 =	sand.u32 $0x1, s1  }
0x8c: {  	s16 =	sshll.u32 s0, $0xA;
	s2 =	sadd.s32 s3, s2  }
0x8d: {  	s2 =	sadd.s32 s2, s16  }
0x8e: {  	[smem:$0x3FBF] =	sst s2  }
0x8f: {  	_ = 	snop  }
0x90: {  	(tm) =	ssettm $0x1  }
0x91: {  	s17 =	sld [smem:$0x3FFB];
	_ =	sdelay $0x3  }
0x92: {  	_ =	strace s17  }
0x93: {  	s2 =	sld [smem:$0x3FFC];
	_ =	sdelay $0x3  }
0x94: {  	_ =	strace s2  }
0x95: {  	s2 =	sld [smem:$0x3FFD];
	_ =	sdelay $0x3  }
0x96: {  	_ =	strace s2  }
0x97: {  	_ =	strace $0x8FFFFFFF  }
0x98: {  	s18 =	sld [smem:$0x3FDB];
	_ =	sdelay $0x1  }
0x99: {  	s19 =	simm.s32 $_scs_section_size  }
0x9a: {  	s4 =	simm.s32 $_size__tile_overlayer_lowered;
	s5 =	simm.s32 $_tile_overlayer_lowered  }
0x9b: {  	s22 =	simm.s32 $0x1BFF;
	s21 =	sshll.u32 s5, $0x1;
	s2 =	sadd.s32 s19, s18  }
0x9c: {  	s6 =	simm.s32 $0x0;
	s20 =	sshll.u32 s4, $0x1;
	s4 =	sadd.s32 s21, s2  }
0x9d: {  	[timem:s6], [sflag:s22] =	dma.local [hbm:s4], s20  }
0x9e: {  	_ =	swait.ge [sflag:s22], s20  }
0x9f: {  	s3 =	ssub.s32 $0x0, s20;
	[sflag:s22] =	ssyncset.done $0x0  }
0xa0: {  	[sflag:s22] =	ssyncadd.s32 s3;
	_ =	sdelay $0x1  }
0xa1: {  	s23 =	simm.s32 $0x1B8B  }
0xa2: {  	_ =	swait.ge [sflag:s23], $0x1  }
0xa3: {  	[sflag:s23] =	ssyncset.done $0x0  }
0xa4: {  	s25 =	simm.s32 $0x1B8E;
	s24 =	sld [smem:$0x3FFE];
	[sflag:s23] =	ssyncadd.s32 $0xFFFFFFFF  }
0xa5: {  	s26 =	simm.s32 $execute0_lowered;
	[smem:$0x3FD2] =	sst s25  }
0xa6: {  	s4 =	sshll.u32 s26, $0x1;
	_ =	strace $0x80000049;
	[dreg:$0x1] =	wrdreg $0xFFFFFFFF  }
0xa7: {  	s28 =	simm.s32 $_size_execute0_lowered;
	s2 =	sadd.s32 s2, s4;
	[dreg:$0x0] =	wrdreg $0x0  }
0xa8: {  	s4 =	sshll.u32 s28, $0x1;
	[dreg:$0x2] =	wrdreg s2  }
0xa9: {  	[dreg:$0x3] =	wrdreg s4  }
0xaa: {  	[dreg:$0x4] =	wrdreg $0xC0  }
0xab: {  	_ =	task [dreg:s6], $0x5FFFF  }
0xac: {  	[dreg:$0x1] =	wrdreg $0xFFFFFFFF  }
0xad: {  	[dreg:$0x0] =	wrdreg $0x60  }
0xae: {  	[dreg:$0x2] =	wrdreg s24  }
0xaf: {  	[dreg:$0x3] =	wrdreg $0xA8000  }
0xb0: {  	[dreg:$0x4] =	wrdreg $0x9  }
0xb1: {  	_ =	task.clear_ibuf [dreg:s6], $0x5FFFF;
	_ =	strace $0x90000049  }
0xb2: {  	s29 =	simm.s32 $0x9;
	_ =	strace $0x8000004B  }
0xb3: {  	_ =	swait.ge [sflag:s29], $0x1  }
0xb4: {  	[sflag:s29] =	ssyncadd.s32 $0xFFFFFFFF  }
0xb5: {  	_ =	strace $0x9000004B  }
0xb6: {  	_ =	sfence  }
0xb7: {  	s30 =	sld [smem:$0x0];
	_ =	sdelay $0x2  }
0xb8: {  	s31 =	sshll.u32 s1, $0xD;
	s1 =	sshrl.u32 s1, $0x2  }
0xb9: {  	s3 =	sand.u32 $0x4000, s31;
	s1 =	sadd.s32 s1, s30  }
0xba: {  	s0 =	sor.u32 s3, s0;
	s1 =	sshll.u32 s1, $0x11  }
0xbb: {  	s0 =	sor.u32 s1, s0  }
0xbc: {  	s0 =	sadd.s32 $0x8F2B, s0  }
0xbd: {  	[sflag:s0] =	ssyncadd.remote.s32 $0x1  }
0xbe: {  	_ =	sfence.sel $0xFFFF  }
0xbf: {  	[dreg:$0x0] =	wrdreg $0xFFFFFFFF;
	(pc) =	sbr.abs _section_cstart, $3  }
0xc0: {  	[dreg:$0x1] =	wrdreg $0xFFFFFFFF  }
0xc1: {  	_ =	task.clear_ibuf [dreg:s6], $0x2FFFF;
	_ =	strace $0x9FFFFFFF  }
0xc2: {  	(tm) =	ssettm $0x7FFFFFFF  }
0xc3: {  	_ =	shalt  }
tec
execute0_lowered:
.L_overlay_start_1:
0x0: {  	(tag) =	ssettag $0x1  }
0x1: {  	s0 =	rddreg [dreg:$0x0];
	s1 =	srdreg.scid  }
0x2: {  	s2 =	rddreg [dreg:$0x1];
	s10 =	stileid.u32  }
0x3: {  	s3 =	simm.s32 $0x0;
	s28 =	simm.s32 $0x6800;
	s6 =	smul.u32 $0x14000, s10  }
0x4: {  	s29 =	simm.s32 $0x180;
	s1 =	sand.u32 $0x1, s1;
	s8 =	smul.u32 $0x50000, s10  }
0x5: {  	s30 =	simm.s32 $0x8800;
	[smem:$0x7FF] =	sst s3;
	s5 =	smul.u32 $0x140000, s1  }
0x6: {  	s4 =	sadd.s32 $0x2B800, s0;
	_ =	strace $0x8000004A;
	s17 =	ssub.s32 $0x2, s1  }
0x7: {  	s9 =	sshrl.u32 s17, $0x1;
	s8 =	sshrl.u32 s8, $0x2;
	s6 =	sadd.s32 s6, s5  }
0x8: {  	s5 =	sadd.s32 $0x3800, s0;
	s9 =	ssub.s32 s17, s9;
	s7 =	sshrl.u32 s6, $0x3  }
0x9: {  	s6 =	sadd.s32 $0x17800, s0;
	s18 =	smax.u32 s9, $0x1;
	s0 =	sadd.s32 s7, s0  }
0xa: {  	s7 =	sadd.s32 s8, s2;
	[dreg:$0x4] =	wrdreg s18;
	s0 =	sadd.s32 $0x52A00, s0  }
0xb: {  	s31 =	simm.s32 $0x1;
	s19 =	sadd.s32 $0x2000, s7;
	[dreg:$0x3] =	wrdreg s0  }
0xc: {  	s11 =	simm.s32 $0x2680;
	s20 =	sadd.s32 $0x4000, s7;
	[dreg:$0x5] =	wrdreg s19  }
0xd: {  	s12 =	simm.s32 $0x2700;
	s21 =	sadd.s32 $0x6000, s7;
	[dreg:$0x6] =	wrdreg s20  }
0xe: {  	s13 =	simm.s32 $0x2780;
	s22 =	sadd.s32 $0x8000, s7;
	[dreg:$0x7] =	wrdreg s21  }
0xf: {  	s10 =	sshll.u32 s10, $0x1;
	s23 =	sadd.s32 $0xA000, s7;
	[dreg:$0x8] =	wrdreg s22  }
0x10: {  	s1 =	sor.u32 s1, s10;
	s24 =	sadd.s32 $0xC000, s7;
	[dreg:$0x9] =	wrdreg s23  }
0x11: {  	s10 =	simm.s32 $0x2600;
	s25 =	sadd.s32 $0xE000, s7;
	[dreg:$0xa] =	wrdreg s24  }
0x12: {  	s9 =	simm.s32 $0x4;
	s26 =	sadd.s32 $0x10000, s7;
	[dreg:$0xb] =	wrdreg s25  }
0x13: {  	s8 =	smul.u32 $0xA0, s1;
	s1 =	simm.s32 $0x3;
	[dreg:$0xc] =	wrdreg s26  }
0x14: {  	s19 =	sadd.s32 $0x12000, s7;
	s20 =	simm.s32 $0x2800;
	s21 =	simm.s32 $0x5  }
0x15: {  	s22 =	simm.s32 $0x1400;
	s23 =	simm.s32 $0x40;
	s24 =	simm.s32 $0x80  }
0x16: {  	v0 =	vimm.f32 $0.0e+00;
	s25 =	simm.s32 $0x4800;
	s26 =	simm.s32 $0x100;
	s0 =	simm.s32 $0x2  }
.LBB2_1:
0x17: {  	s14 =	simm.s32 $0x0;
	s15 =	simm.s32 $0x200  }
.LBB2_2:
0x18: {  	p0 =	sne.s32 s15, $0x7E00;
	[tilespmem:s14+$0x2870] =	vst v0  }
0x19: {  	[tilespmem:s14+$0x2800] =	vst v0  }
0x1a: {  	[tilespmem:s14+$0x2810] =	vst v0  }
.Ltmp0:
0x1b: {  	[tilespmem:s14+$0x2820] =	vst v0;
	(pc) =	sbr.rel @p0 .LBB2_2-.Ltmp0, $4  }
0x1c: {  	[tilespmem:s14+$0x2830] =	vst v0  }
0x1d: {  	[tilespmem:s14+$0x2840] =	vst v0  }
0x1e: {  	[tilespmem:s14+$0x2850] =	vst v0  }
0x1f: {  	[tilespmem:s14+$0x2860] =	vst v0;
	s14 =	sshra.s32 s15, $0x2;
	s15 =	sadd.s32 $0x200, s15  }
0x20: {  	[tilespmem:s14+$0x2870] =	vst v0  }
0x21: {  	[tilespmem:s14+$0x2800] =	vst v0  }
0x22: {  	[tilespmem:s14+$0x2810] =	vst v0  }
0x23: {  	[tilespmem:s14+$0x2820] =	vst v0  }
0x24: {  	[tilespmem:s14+$0x2830] =	vst v0  }
0x25: {  	[tilespmem:s14+$0x2840] =	vst v0  }
0x26: {  	[tilespmem:s14+$0x2850] =	vst v0  }
0x27: {  	[tilespmem:s14+$0x2860] =	vst v0  }
0x28: {  	[spmem:s7] =	stream.linear.scatter [tilespmem:s20], [sflag:$0x5], $0x2000, $0x38;
	[tilespmem:$0x1E800] =	vst v63  }
0x29: {  	_ =	swait.ge [sflag:s21], $0x2000  }
0x2a: {  	[sflag:s21] =	ssyncset.done $0x0  }
0x2b: {  	s15 =	rddreg [dreg:$0x5];
	[sflag:s21] =	ssyncadd.s32 $0xFFFFE000  }
0x2c: {  	[spmem:s15] =	stream.linear.scatter [tilespmem:s20], [sflag:$0x5], $0x2000, $0x38;
	[tilespmem:$0x1E800] =	vst v63  }
0x2d: {  	_ =	swait.ge [sflag:s21], $0x2000  }
0x2e: {  	[sflag:s21] =	ssyncset.done $0x0  }
0x2f: {  	s16 =	rddreg [dreg:$0x6];
	[sflag:s21] =	ssyncadd.s32 $0xFFFFE000  }
0x30: {  	[spmem:s16] =	stream.linear.scatter [tilespmem:s20], [sflag:$0x5], $0x2000, $0x38;
	[tilespmem:$0x1E800] =	vst v63  }
0x31: {  	_ =	swait.ge [sflag:s21], $0x2000  }
0x32: {  	[sflag:s21] =	ssyncset.done $0x0  }
0x33: {  	s17 =	rddreg [dreg:$0x7];
	[sflag:s21] =	ssyncadd.s32 $0xFFFFE000  }
0x34: {  	[spmem:s17] =	stream.linear.scatter [tilespmem:s20], [sflag:$0x5], $0x2000, $0x38;
	[tilespmem:$0x1E800] =	vst v63  }
0x35: {  	_ =	swait.ge [sflag:s21], $0x2000  }
0x36: {  	[sflag:s21] =	ssyncset.done $0x0  }
0x37: {  	s18 =	rddreg [dreg:$0x8];
	[sflag:s21] =	ssyncadd.s32 $0xFFFFE000  }
0x38: {  	[spmem:s18] =	stream.linear.scatter [tilespmem:s20], [sflag:$0x5], $0x2000, $0x38;
	[tilespmem:$0x1E800] =	vst v63  }
0x39: {  	_ =	swait.ge [sflag:s21], $0x2000  }
0x3a: {  	[sflag:s21] =	ssyncset.done $0x0  }
0x3b: {  	s15 =	rddreg [dreg:$0x9];
	[sflag:s21] =	ssyncadd.s32 $0xFFFFE000  }
0x3c: {  	[spmem:s15] =	stream.linear.scatter [tilespmem:s20], [sflag:$0x5], $0x2000, $0x38;
	[tilespmem:$0x1E800] =	vst v63  }
0x3d: {  	_ =	swait.ge [sflag:s21], $0x2000  }
0x3e: {  	[sflag:s21] =	ssyncset.done $0x0  }
0x3f: {  	s16 =	rddreg [dreg:$0xa];
	[sflag:s21] =	ssyncadd.s32 $0xFFFFE000  }
0x40: {  	[spmem:s16] =	stream.linear.scatter [tilespmem:s20], [sflag:$0x5], $0x2000, $0x38;
	[tilespmem:$0x1E800] =	vst v63  }
0x41: {  	_ =	swait.ge [sflag:s21], $0x2000  }
0x42: {  	[sflag:s21] =	ssyncset.done $0x0  }
0x43: {  	s17 =	rddreg [dreg:$0xb];
	[sflag:s21] =	ssyncadd.s32 $0xFFFFE000  }
0x44: {  	[spmem:s17] =	stream.linear.scatter [tilespmem:s20], [sflag:$0x5], $0x2000, $0x38;
	[tilespmem:$0x1E800] =	vst v63  }
0x45: {  	_ =	swait.ge [sflag:s21], $0x2000  }
0x46: {  	[sflag:s21] =	ssyncset.done $0x0  }
0x47: {  	s18 =	rddreg [dreg:$0xc];
	[sflag:s21] =	ssyncadd.s32 $0xFFFFE000  }
0x48: {  	[spmem:s18] =	stream.linear.scatter [tilespmem:s20], [sflag:$0x5], $0x2000, $0x38;
	[tilespmem:$0x1E800] =	vst v63  }
0x49: {  	_ =	swait.ge [sflag:s21], $0x2000  }
0x4a: {  	[sflag:s21] =	ssyncset.done $0x0  }
0x4b: {  	[sflag:s21] =	ssyncadd.s32 $0xFFFFE000  }
0x4c: {  	[spmem:s19] =	stream.linear.scatter [tilespmem:s20], [sflag:$0x5], $0x2000, $0x38;
	[tilespmem:$0x1E800] =	vst v63  }
0x4d: {  	_ =	swait.ge [sflag:s21], $0x2000  }
0x4e: {  	[sflag:s21] =	ssyncset.done $0x0  }
0x4f: {  	[sflag:s21] =	ssyncadd.s32 $0xFFFFE000  }
0x50: {  	s14 =	simm.s32 $0x0;
	s15 =	simm.s32 $0x0;
	[bflag:$0x0] =	sbarrier.arrive $0xFFFF  }
.LBB2_4:
0x51: {  	s16 =	smul.u32 $0x28, s15;
	_ =	sdelay $0x1  }
0x52: {  	s16 =	sadd.s32 s8, s16  }
0x53: {  	s16 =	sshll.u32 s16, $0x4  }
0x54: {  	s17 =	sadd.s32 s5, s16  }
0x55: {  	[tilespmem:s14], [sflag:$0x5] =	stream.linear.gather [hbm4b:s17+s14], $0x1400, $0x38;
	[tilespmem:$0x1E800] =	vst v63  }
0x56: {  	_ =	swait.ge [sflag:s21], $0x1400  }
0x57: {  	[sflag:s21] =	ssyncset.done $0x0  }
0x58: {  	s16 =	sadd.s32 s6, s16;
	[sflag:s21] =	ssyncadd.s32 $0xFFFFEC00  }
0x59: {  	[tilespmem:s22], [sflag:$0x5] =	stream.linear.gather [hbm4b:s16+s14], $0x1400, $0x38;
	[tilespmem:$0x1E800] =	vst v63  }
0x5a: {  	_ =	swait.ge [sflag:s21], $0x1400  }
0x5b: {  	[sflag:s21] =	ssyncset.done $0x0  }
0x5c: {  	[sflag:s21] =	ssyncadd.s32 $0xFFFFEC00  }
0x5d: {  	[tilespmem:s20], [sflag:$0x1] =	stream.indirect.gather [hbm4b:s4+s23], $0x80, s14, s23, $0xb8;
	[tilespmem:$0x1E800] =	vst v63  }
0x5e: {  	_ = 	snop  }
0x5f: {  	[tilespmem:s25], [sflag:$0x2] =	stream.indirect.gather [hbm4b:s4+s23], $0x80, s24, s23, $0xb8;
	[tilespmem:$0x1E800] =	vst v63  }
0x60: {  	_ = 	snop  }
0x61: {  	[tilespmem:s28], [sflag:$0x3] =	stream.indirect.gather [hbm4b:s4+s23], $0x80, s26, s23, $0xb8;
	[tilespmem:$0x1E800] =	vst v63  }
0x62: {  	_ = 	snop  }
0x63: {  	[tilespmem:s30], [sflag:$0x4] =	stream.indirect.gather [hbm4b:s4+s23], $0x80, s29, s23, $0xb8;
	[tilespmem:$0x1E800] =	vst v63  }
0x64: {  	_ =	swait.ge [sflag:s31], $0x2000  }
0x65: {  	[sflag:s31] =	ssyncset.done $0x0  }
0x66: {  	s18 =	simm.s32 $0x1400;
	[sflag:s31] =	ssyncadd.s32 $0xFFFFE000  }
0x67: {  	[spmem:s2] =	stream.indirect.scatter.add.f32 [tilespmem:s20], [sflag:$0x5], $0x80, s18, s23, $0xb8;
	[tilespmem:$0x1E800] =	vst v63  }
0x68: {  	_ =	swait.ge [sflag:s21], $0x2000  }
0x69: {  	[sflag:s21] =	ssyncset.done $0x0  }
0x6a: {  	s17 =	simm.s32 $0x200;
	[sflag:s21] =	ssyncadd.s32 $0xFFFFE000  }
0x6b: {  	[tilespmem:s20], [sflag:$0x1] =	stream.indirect.gather [hbm4b:s4+s23], $0x80, s17, s23, $0xb8;
	[tilespmem:$0x1E800] =	vst v63  }
0x6c: {  	_ =	swait.ge [sflag:s0], $0x2000  }
0x6d: {  	[sflag:s0] =	ssyncset.done $0x0  }
0x6e: {  	s18 =	simm.s32 $0x1480;
	[sflag:s0] =	ssyncadd.s32 $0xFFFFE000  }
0x6f: {  	[spmem:s2] =	stream.indirect.scatter.add.f32 [tilespmem:s25], [sflag:$0x5], $0x80, s18, s23, $0xb8;
	[tilespmem:$0x1E800] =	vst v63  }
0x70: {  	_ =	swait.ge [sflag:s21], $0x2000  }
0x71: {  	[sflag:s21] =	ssyncset.done $0x0  }
0x72: {  	s17 =	simm.s32 $0x280;
	[sflag:s21] =	ssyncadd.s32 $0xFFFFE000  }
0x73: {  	[tilespmem:s25], [sflag:$0x2] =	stream.indirect.gather [hbm4b:s4+s23], $0x80, s17, s23, $0xb8;
	[tilespmem:$0x1E800] =	vst v63  }
0x74: {  	_ =	swait.ge [sflag:s1], $0x2000  }
0x75: {  	[sflag:s1] =	ssyncset.done $0x0  }
0x76: {  	s18 =	simm.s32 $0x1500;
	[sflag:s1] =	ssyncadd.s32 $0xFFFFE000  }
0x77: {  	[spmem:s2] =	stream.indirect.scatter.add.f32 [tilespmem:s28], [sflag:$0x5], $0x80, s18, s23, $0xb8;
	[tilespmem:$0x1E800] =	vst v63  }
0x78: {  	_ =	swait.ge [sflag:s21], $0x2000  }
0x79: {  	[sflag:s21] =	ssyncset.done $0x0  }
0x7a: {  	s17 =	simm.s32 $0x300;
	[sflag:s21] =	ssyncadd.s32 $0xFFFFE000  }
0x7b: {  	[tilespmem:s28], [sflag:$0x3] =	stream.indirect.gather [hbm4b:s4+s23], $0x80, s17, s23, $0xb8;
	[tilespmem:$0x1E800] =	vst v63  }
0x7c: {  	_ =	swait.ge [sflag:s9], $0x2000  }
0x7d: {  	[sflag:s9] =	ssyncset.done $0x0  }
0x7e: {  	s18 =	simm.s32 $0x1580;
	[sflag:s9] =	ssyncadd.s32 $0xFFFFE000  }
0x7f: {  	[spmem:s2] =	stream.indirect.scatter.add.f32 [tilespmem:s30], [sflag:$0x5], $0x80, s18, s23, $0xb8;
	[tilespmem:$0x1E800] =	vst v63  }
0x80: {  	_ =	swait.ge [sflag:s21], $0x2000  }
0x81: {  	[sflag:s21] =	ssyncset.done $0x0  }
0x82: {  	s16 =	simm.s32 $0x800;
	s17 =	simm.s32 $0x380;
	[sflag:s21] =	ssyncadd.s32 $0xFFFFE000  }
.LBB2_5:
0x83: {  	[tilespmem:s30], [sflag:$0x4] =	stream.indirect.gather [hbm4b:s4+s23], $0x80, s17, s23, $0xb8;
	[tilespmem:$0x1E800] =	vst v63  }
0x84: {  	s17 =	smov.u32 s16  }
0x85: {  	p0 =	sne.s32 s16, $0x4000;
	s16 =	sadd.s32 $0x800, s16;
	_ =	swait.ge [sflag:s31], $0x2000  }
0x86: {  	s17 =	sshra.s32 s17, $0x2;
	[sflag:s31] =	ssyncset.done $0x0  }
0x87: {  	s18 =	sadd.s32 $0x1400, s17;
	[sflag:s31] =	ssyncadd.s32 $0xFFFFE000  }
0x88: {  	[spmem:s2] =	stream.indirect.scatter.add.f32 [tilespmem:s20], [sflag:$0x5], $0x80, s18, s23, $0xb8;
	[tilespmem:$0x1E800] =	vst v63  }
0x89: {  	_ =	swait.ge [sflag:s21], $0x2000  }
0x8a: {  	[sflag:s21] =	ssyncset.done $0x0  }
0x8b: {  	s18 =	sadd.s32 $0x200, s17;
	[sflag:s21] =	ssyncadd.s32 $0xFFFFE000  }
0x8c: {  	[tilespmem:s20], [sflag:$0x1] =	stream.indirect.gather [hbm4b:s4+s23], $0x80, s18, s23, $0xb8;
	[tilespmem:$0x1E800] =	vst v63  }
0x8d: {  	_ =	swait.ge [sflag:s0], $0x2000  }
0x8e: {  	[sflag:s0] =	ssyncset.done $0x0  }
0x8f: {  	s18 =	sadd.s32 $0x1480, s17;
	[sflag:s0] =	ssyncadd.s32 $0xFFFFE000  }
0x90: {  	[spmem:s2] =	stream.indirect.scatter.add.f32 [tilespmem:s25], [sflag:$0x5], $0x80, s18, s23, $0xb8;
	[tilespmem:$0x1E800] =	vst v63  }
0x91: {  	_ =	swait.ge [sflag:s21], $0x2000  }
0x92: {  	[sflag:s21] =	ssyncset.done $0x0  }
0x93: {  	s18 =	sadd.s32 $0x280, s17;
	[sflag:s21] =	ssyncadd.s32 $0xFFFFE000  }
0x94: {  	[tilespmem:s25], [sflag:$0x2] =	stream.indirect.gather [hbm4b:s4+s23], $0x80, s18, s23, $0xb8;
	[tilespmem:$0x1E800] =	vst v63  }
0x95: {  	_ =	swait.ge [sflag:s1], $0x2000  }
0x96: {  	[sflag:s1] =	ssyncset.done $0x0  }
0x97: {  	s18 =	sadd.s32 $0x1500, s17;
	[sflag:s1] =	ssyncadd.s32 $0xFFFFE000  }
0x98: {  	[spmem:s2] =	stream.indirect.scatter.add.f32 [tilespmem:s28], [sflag:$0x5], $0x80, s18, s23, $0xb8;
	[tilespmem:$0x1E800] =	vst v63  }
0x99: {  	_ =	swait.ge [sflag:s21], $0x2000  }
0x9a: {  	[sflag:s21] =	ssyncset.done $0x0  }
0x9b: {  	s18 =	sadd.s32 $0x300, s17;
	[sflag:s21] =	ssyncadd.s32 $0xFFFFE000  }
0x9c: {  	[tilespmem:s28], [sflag:$0x3] =	stream.indirect.gather [hbm4b:s4+s23], $0x80, s18, s23, $0xb8;
	[tilespmem:$0x1E800] =	vst v63  }
0x9d: {  	_ =	swait.ge [sflag:s9], $0x2000  }
0x9e: {  	[sflag:s9] =	ssyncset.done $0x0  }
.Ltmp1:
0x9f: {  	s18 =	sadd.s32 $0x1580, s17;
	[sflag:s9] =	ssyncadd.s32 $0xFFFFE000;
	(pc) =	sbr.rel @p0 .LBB2_5-.Ltmp1, $4  }
0xa0: {  	[spmem:s2] =	stream.indirect.scatter.add.f32 [tilespmem:s30], [sflag:$0x5], $0x80, s18, s23, $0xb8;
	[tilespmem:$0x1E800] =	vst v63  }
0xa1: {  	_ =	swait.ge [sflag:s21], $0x2000  }
0xa2: {  	[sflag:s21] =	ssyncset.done $0x0  }
0xa3: {  	s17 =	sadd.s32 $0x380, s17;
	[sflag:s21] =	ssyncadd.s32 $0xFFFFE000  }
0xa4: {  	[tilespmem:s30], [sflag:$0x4] =	stream.indirect.gather [hbm4b:s4+s23], $0x80, s17, s23, $0xb8;
	[tilespmem:$0x1E800] =	vst v63  }
0xa5: {  	_ =	swait.ge [sflag:s31], $0x2000  }
0xa6: {  	[sflag:s31] =	ssyncset.done $0x0  }
0xa7: {  	[sflag:s31] =	ssyncadd.s32 $0xFFFFE000  }
0xa8: {  	[spmem:s2] =	stream.indirect.scatter.add.f32 [tilespmem:s20], [sflag:$0x5], $0x80, s10, s23, $0xb8;
	[tilespmem:$0x1E800] =	vst v63  }
0xa9: {  	_ =	swait.ge [sflag:s21], $0x2000  }
0xaa: {  	[sflag:s21] =	ssyncset.done $0x0  }
0xab: {  	[sflag:s21] =	ssyncadd.s32 $0xFFFFE000  }
0xac: {  	_ =	swait.ge [sflag:s0], $0x2000  }
0xad: {  	[sflag:s0] =	ssyncset.done $0x0  }
0xae: {  	[sflag:s0] =	ssyncadd.s32 $0xFFFFE000  }
0xaf: {  	[spmem:s2] =	stream.indirect.scatter.add.f32 [tilespmem:s25], [sflag:$0x5], $0x80, s11, s23, $0xb8;
	[tilespmem:$0x1E800] =	vst v63  }
0xb0: {  	_ =	swait.ge [sflag:s21], $0x2000  }
0xb1: {  	[sflag:s21] =	ssyncset.done $0x0  }
0xb2: {  	[sflag:s21] =	ssyncadd.s32 $0xFFFFE000  }
0xb3: {  	_ =	swait.ge [sflag:s1], $0x2000  }
0xb4: {  	[sflag:s1] =	ssyncset.done $0x0  }
0xb5: {  	[sflag:s1] =	ssyncadd.s32 $0xFFFFE000  }
0xb6: {  	[spmem:s2] =	stream.indirect.scatter.add.f32 [tilespmem:s28], [sflag:$0x5], $0x80, s12, s23, $0xb8;
	[tilespmem:$0x1E800] =	vst v63  }
0xb7: {  	_ =	swait.ge [sflag:s21], $0x2000  }
0xb8: {  	[sflag:s21] =	ssyncset.done $0x0  }
0xb9: {  	[sflag:s21] =	ssyncadd.s32 $0xFFFFE000  }
0xba: {  	s15 =	sadd.s32 $0x1, s15;
	_ =	swait.ge [sflag:s9], $0x2000  }
0xbb: {  	p0 =	sne.s32 s15, $0x4;
	[sflag:s9] =	ssyncset.done $0x0  }
.Ltmp2:
0xbc: {  	[sflag:s9] =	ssyncadd.s32 $0xFFFFE000;
	(pc) =	sbr.rel @p0 .LBB2_4-.Ltmp2, $4  }
0xbd: {  	[spmem:s2] =	stream.indirect.scatter.add.f32 [tilespmem:s30], [sflag:$0x5], $0x80, s13, s23, $0xb8;
	[tilespmem:$0x1E800] =	vst v63  }
0xbe: {  	_ =	swait.ge [sflag:s21], $0x2000  }
0xbf: {  	[sflag:s21] =	ssyncset.done $0x0  }
0xc0: {  	[sflag:s21] =	ssyncadd.s32 $0xFFFFE000  }
0xc1: {  	s14 =	stileid.u32  }
0xc2: {  	[bflag:$0x0] =	sbarrier.arrive $0xFFFF;
	s14 =	sshll.u32 s14, $0x6  }
0xc3: {  	s15 =	sshrl.u32 s7, $0x3;
	s16 =	rddreg [dreg:$0x3];
	s14 =	sor.u32 $0x1C05, s14  }
0xc4: {  	[hbm:s16], [sflag:s14] =	dma.local [spmem:s15], $0x2800  }
0xc5: {  	_ =	swait.ge [sflag:s21], $0x2800  }
0xc6: {  	s3 =	sadd.s32 $0x1, s3;
	s18 =	rddreg [dreg:$0x4]  }
0xc7: {  	p0 =	sne.s32 s3, s18  }
.Ltmp3:
0xc8: {  	_ = 	snop;
	(pc) =	sbr.rel @p0 .LBB2_1-.Ltmp3, $3  }
0xc9: {  	_ =	sdelay $0x1  }
0xca: {  	[sflag:s21] =	ssyncset.done $0x0  }
0xcb: {  	[sflag:s21] =	ssyncadd.s32 $0xFFFFD800  }
0xcc: {  	_ =	sfence.sel $0x180000  }
0xcd: {  	[bflag:$0x0] =	sbarrier.arrive $0xFFFF  }
0xce: {  	_ =	strace $0x9000004A  }
0xcf: {  	s0 =	stileid.u32;
	[bflag:$0x2] =	sbarrier.arrive $0xFFFF  }
0xd0: {  	p0 =	sne.s32 s0, $0x0;
	s0 =	rddreg [dreg:$0x2]  }
0xd1: {  	s0 =	sadd.s32 @!p0 $0x100000, s0  }
0xd2: {  	[sflag:s0] =	ssyncadd.tile.s32 @!p0 $0x1;
	_ =	shalt  }
.Lfunc_end2:
_tile_overlayer_lowered:
.L_overlay_start_2:
0xd3: {  	(tag) =	ssettag $0x2  }
0xd4: {  	s0 =	rddreg [dreg:$0x0];
	s2 =	stileid.u32  }
0xd5: {  	s1 =	rddreg [dreg:$0x1];
	p0 =	sne.s32 s2, $0x0  }
0xd6: {  	s3 =	rddreg [dreg:$0x2];
	[bflag:$0x3] =	sbarrier.arrive $0xFFFF;
	s2 =	simm.s32 @!p0 $0x1C05  }
0xd7: {  	[timem:s3], [sflag:s2] =	dma.local @!p0 [hbm:s0], s1  }
0xd8: {  	s0 =	simm.s32 @!p0 $0x5  }
0xd9: {  	_ =	swait.ge @!p0 [sflag:s0], s1  }
0xda: {  	s1 =	ssub.s32 @!p0 $0x0, s1;
	[sflag:s0] =	ssyncset.done @!p0 $0x0  }
0xdb: {  	[sflag:s0] =	ssyncadd.s32 @!p0 s1  }
0xdc: {  	[bflag:$0x3] =	sbarrier.arrive $0xFFFF  }
0xdd: {  	_ =	shalt  }

// kernel: kernel.19.cloned.1.call-start
scs
__scs_entry_jumppad:
0x0: {  	(pc) =	sbr.rel $0x88, $3  }
0x1: {  	(tag) =	ssettag $0x0;
	lr =	simm.s32 $0x1  }
0x2: {  	[smem:$0x3F98] =	sst lr;
	_ =	strace $0xD0000000  }
0x3: {  	_ = 	snop  }
0x4: {  	_ = 	snop  }
0x5: {  	_ = 	snop  }
0x6: {  	_ = 	snop  }
0x7: {  	_ = 	snop  }
__scs_overlays_trampoline_lowered:
0x8: {  	[smem:$0x3FA7] =	sst s0  }
0x9: {  	[smem:$0x3FA8] =	sst s1  }
0xa: {  	[smem:$0x3FA9] =	sst s2  }
0xb: {  	[smem:$0x3FAA] =	sst s3  }
0xc: {  	[smem:$0x3FAB] =	sst s4  }
0xd: {  	[smem:$0x3FAC] =	sst s5  }
0xe: {  	[smem:$0x3FAD] =	sst s6  }
0xf: {  	[smem:$0x3FAE] =	sst s7  }
0x10: {  	[smem:$0x3FAF] =	sst s8  }
0x11: {  	[smem:$0x3FB0] =	sst s9;
	s0 =	simm.s32 @!p0 $0x0  }
0x12: {  	s1 =	sld [smem:$0x3F96];
	s0 =	simm.s32 @p0 $0x1  }
0x13: {  	[smem:$0x3FB1] =	sst s0;
	s0 =	simm.s32 @!p1 $0x0  }
0x14: {  	s2 =	sld [smem:$0x3F95];
	s0 =	simm.s32 @p1 $0x1  }
0x15: {  	[smem:$0x3FB2] =	sst s0;
	s0 =	simm.s32 @!p2 $0x0  }
0x16: {  	s3 =	sld [smem:$0x3FDB];
	s0 =	simm.s32 @p2 $0x1  }
0x17: {  	s4 =	simm.s32 $0x1BF5;
	[smem:$0x3FB4] =	sst s0  }
0x18: {  	s0 =	sld [smem:$0x3F97];
	_ =	swait.ge [sflag:s4], $0x0  }
0x19: {  	s7 =	sld [smem:$0x3F98]  }
0x1a: {  	s8 =	sadd.s32 $0xFFFFE003, lr  }
0x1b: {  	s9 =	sadd.s32 $0xFFFFFEF7, lr;
	s5 =	simm.s32 $0xFFFFFFFF;
	p2 =	slt.u32 s8, $0xFFFFF086  }
0x1c: {  	p1 =	slt.u32 s9, $0xF7A;
	s5 =	simm.s32 @!p2 $0x0  }
0x1d: {  	s5 =	simm.s32 @p1 $0x1;
	p0 =	seq.s32 s7, s2  }
0x1e: {  	s7 =	smul.u32 @!p0 $0xF7A, s2;
	p2 =	seq.s32 @!p0 s5, $0x0  }
0x1f: {  	s9 =	smul.u32 $0xF7A, s1;
	s8 =	simm.s32 @!p0 $0x1BF5;
	p2 =	por !p2, p0  }
0x20: {  	[sflag:s8] =	ssyncset.s32 @!p0 $0xFFFFF086;
	s6 =	sadd.s32 @!p0 s3, s7;
	s7 =	simm.s32 @!p0 $0x108  }
0x21: {  	s3 =	sadd.s32 s3, s9;
	s6 =	sadd.s32 @!p0 $0x88, s6;
	s7 =	simm.s32 @p2 $0x1082  }
0x22: {  	[simem:s7], [sflag:s8] =	dma.local @!p0 [hbm:s6], $0xF7A  }
0x23: {  	s9 =	sor.u32 $0xD0000000, s2;
	s6 =	simm.s32 $0x108;
	_ =	swait.ge @!p0 [sflag:s8], $0x0  }
0x24: {  	s3 =	sadd.s32 $0x88, s3;
	s6 =	simm.s32 @!p1 $0x1082;
	[sflag:s4] =	ssyncset.s32 $0xFFFFF086  }
0x25: {  	[simem:s6], [sflag:s4] =	dma.local [hbm:s3], $0xF7A  }
0x26: {  	[smem:$0x3F98] =	sst s1;
	(tag) =	ssettag s2;
	_ =	strace s9  }
0x27: {  	s1 =	sld [smem:$0x3FA8]  }
0x28: {  	s2 =	sld [smem:$0x3FA9]  }
0x29: {  	s4 =	sld [smem:$0x3FAB]  }
0x2a: {  	p0 =	seq.s32 s5, $0x0;
	s5 =	sld [smem:$0x3FAC]  }
0x2b: {  	s6 =	sld [smem:$0x3FAD]  }
0x2c: {  	s7 =	sld [smem:$0x3FAE]  }
0x2d: {  	s3 =	simm.s32 $0x108;
	s8 =	sld [smem:$0x3FAF]  }
0x2e: {  	s3 =	simm.s32 @!p0 $0x1082;
	s9 =	sld [smem:$0x3FB0]  }
0x2f: {  	lr =	sadd.s32 s0, s3;
	s0 =	sld [smem:$0x3FA7]  }
0x30: {  	s3 =	sld [smem:$0x3FAA]  }
0x31: {  	[smem:$0x3FB3] =	sst s10  }
0x32: {  	s10 =	sld [smem:$0x3FB1];
	_ =	sdelay $0x3  }
0x33: {  	p0 =	seq.s32 s10, $0x1;
	s10 =	sld [smem:$0x3FB3];
	_ =	sdelay $0x3  }
0x34: {  	[smem:$0x3FB3] =	sst s10  }
0x35: {  	s10 =	sld [smem:$0x3FB2];
	_ =	sdelay $0x3  }
0x36: {  	p1 =	seq.s32 s10, $0x1;
	s10 =	sld [smem:$0x3FB3];
	_ =	sdelay $0x3  }
0x37: {  	[smem:$0x3FB3] =	sst s10  }
0x38: {  	s10 =	sld [smem:$0x3FB4]  }
0x39: {  	_ = 	snop;
	(pc) =	sbr.ind lr, $3  }
0x3a: {  	_ = 	snop  }
0x3b: {  	_ = 	snop  }
0x3c: {  	p2 =	seq.s32 s10, $0x1;
	s10 =	sld [smem:$0x3FB3]  }
0x3d: {  	_ =	shalt  }
0x3e: {  	_ =	shalt  }
0x3f: {  	_ =	shalt  }
0x40: {  	_ =	shalt  }
0x41: {  	_ =	shalt  }
0x42: {  	_ =	shalt  }
0x43: {  	_ =	shalt  }
0x44: {  	_ =	shalt  }
0x45: {  	_ =	shalt  }
0x46: {  	_ =	shalt  }
0x47: {  	_ =	shalt  }
0x48: {  	_ =	shalt  }
0x49: {  	_ =	shalt  }
0x4a: {  	_ =	shalt  }
0x4b: {  	_ =	shalt  }
0x4c: {  	_ =	shalt  }
0x4d: {  	_ =	shalt  }
0x4e: {  	_ =	shalt  }
0x4f: {  	_ =	shalt  }
0x50: {  	_ =	shalt  }
0x51: {  	_ =	shalt  }
0x52: {  	_ =	shalt  }
0x53: {  	_ =	shalt  }
0x54: {  	_ =	shalt  }
0x55: {  	_ =	shalt  }
0x56: {  	_ =	shalt  }
0x57: {  	_ =	shalt  }
0x58: {  	_ =	shalt  }
0x59: {  	_ =	shalt  }
0x5a: {  	_ =	shalt  }
0x5b: {  	_ =	shalt  }
0x5c: {  	_ =	shalt  }
0x5d: {  	_ =	shalt  }
0x5e: {  	_ =	shalt  }
0x5f: {  	_ =	shalt  }
0x60: {  	_ =	shalt  }
0x61: {  	_ =	shalt  }
0x62: {  	_ =	shalt  }
0x63: {  	_ =	shalt  }
0x64: {  	_ =	shalt  }
0x65: {  	_ =	shalt  }
0x66: {  	_ =	shalt  }
0x67: {  	_ =	shalt  }
0x68: {  	_ =	shalt  }
0x69: {  	_ =	shalt  }
0x6a: {  	_ =	shalt  }
0x6b: {  	_ =	shalt  }
0x6c: {  	_ =	shalt  }
0x6d: {  	_ =	shalt  }
0x6e: {  	_ =	shalt  }
0x6f: {  	_ =	shalt  }
0x70: {  	_ =	shalt  }
0x71: {  	_ =	shalt  }
0x72: {  	_ =	shalt  }
0x73: {  	_ =	shalt  }
0x74: {  	_ =	shalt  }
0x75: {  	_ =	shalt  }
0x76: {  	_ =	shalt  }
0x77: {  	_ =	shalt  }
0x78: {  	_ =	shalt  }
0x79: {  	_ =	shalt  }
0x7a: {  	_ =	shalt  }
0x7b: {  	_ =	shalt  }
0x7c: {  	_ =	shalt  }
0x7d: {  	_ =	shalt  }
0x7e: {  	_ =	shalt  }
0x7f: {  	_ =	shalt  }
0x80: {  	_ =	shalt  }
0x81: {  	_ =	shalt  }
0x82: {  	_ =	shalt  }
0x83: {  	_ =	shalt  }
0x84: {  	_ =	shalt  }
0x85: {  	_ =	shalt  }
0x86: {  	_ =	shalt  }
0x87: {  	_ =	shalt  }
.Lfunc_end0:
.L_simem_size_0:
called_computation.2_lowered:
.L_overlay_start_0:
0x88: {  	s2 =	sld [smem:$0x3FD9]  }
0x89: {  	s3 =	sld [smem:$0x3FFE];
	_ =	sdelay $0x1  }
0x8a: {  	s1 =	srdreg.scid  }
0x8b: {  	s0 =	sand.u32 $0x1, s1  }
0x8c: {  	s16 =	sshll.u32 s0, $0xA;
	s2 =	sadd.s32 s3, s2  }
0x8d: {  	s2 =	sadd.s32 s2, s16  }
0x8e: {  	[smem:$0x3FBF] =	sst s2  }
0x8f: {  	_ = 	snop  }
0x90: {  	(tm) =	ssettm $0x1  }
0x91: {  	s17 =	sld [smem:$0x3FFB];
	_ =	sdelay $0x3  }
0x92: {  	_ =	strace s17  }
0x93: {  	s2 =	sld [smem:$0x3FFC];
	_ =	sdelay $0x3  }
0x94: {  	_ =	strace s2  }
0x95: {  	s2 =	sld [smem:$0x3FFD];
	_ =	sdelay $0x3  }
0x96: {  	_ =	strace s2  }
0x97: {  	_ =	strace $0x8FFFFFFF  }
0x98: {  	s18 =	sld [smem:$0x3FDB];
	_ =	sdelay $0x1  }
0x99: {  	s19 =	simm.s32 $_scs_section_size  }
0x9a: {  	s4 =	simm.s32 $_size__tile_overlayer_lowered;
	s5 =	simm.s32 $_tile_overlayer_lowered  }
0x9b: {  	s22 =	simm.s32 $0x1BFF;
	s21 =	sshll.u32 s5, $0x1;
	s2 =	sadd.s32 s19, s18  }
0x9c: {  	s6 =	simm.s32 $0x0;
	s20 =	sshll.u32 s4, $0x1;
	s4 =	sadd.s32 s21, s2  }
0x9d: {  	[timem:s6], [sflag:s22] =	dma.local [hbm:s4], s20  }
0x9e: {  	_ =	swait.ge [sflag:s22], s20  }
0x9f: {  	s3 =	ssub.s32 $0x0, s20;
	[sflag:s22] =	ssyncset.done $0x0  }
0xa0: {  	[sflag:s22] =	ssyncadd.s32 s3;
	_ =	sdelay $0x1  }
0xa1: {  	s23 =	simm.s32 $0x1B8B  }
0xa2: {  	_ =	swait.ge [sflag:s23], $0x1  }
0xa3: {  	[sflag:s23] =	ssyncset.done $0x0  }
0xa4: {  	s25 =	simm.s32 $0x1B8E;
	s24 =	sld [smem:$0x3FFE];
	[sflag:s23] =	ssyncadd.s32 $0xFFFFFFFF  }
0xa5: {  	s26 =	simm.s32 $execute0_lowered;
	[smem:$0x3FD2] =	sst s25  }
0xa6: {  	s4 =	sshll.u32 s26, $0x1;
	_ =	strace $0x8000004C;
	[dreg:$0x1] =	wrdreg $0xFFFFFFFF  }
0xa7: {  	s28 =	simm.s32 $_size_execute0_lowered;
	s2 =	sadd.s32 s2, s4;
	[dreg:$0x0] =	wrdreg $0x0  }
0xa8: {  	s4 =	sshll.u32 s28, $0x1;
	[dreg:$0x2] =	wrdreg s2  }
0xa9: {  	[dreg:$0x3] =	wrdreg s4  }
0xaa: {  	[dreg:$0x4] =	wrdreg $0xC0  }
0xab: {  	_ =	task [dreg:s6], $0x5FFFF  }
0xac: {  	[dreg:$0x1] =	wrdreg $0xFFFFFFFF  }
0xad: {  	[dreg:$0x0] =	wrdreg $0x60  }
0xae: {  	[dreg:$0x2] =	wrdreg s24  }
0xaf: {  	[dreg:$0x3] =	wrdreg $0xA8000  }
0xb0: {  	[dreg:$0x4] =	wrdreg $0x9  }
0xb1: {  	_ =	task.clear_ibuf [dreg:s6], $0x5FFFF;
	_ =	strace $0x9000004C  }
0xb2: {  	s29 =	simm.s32 $0x9;
	_ =	strace $0x8000004E  }
0xb3: {  	_ =	swait.ge [sflag:s29], $0x1  }
0xb4: {  	[sflag:s29] =	ssyncadd.s32 $0xFFFFFFFF  }
0xb5: {  	_ =	strace $0x9000004E  }
0xb6: {  	_ =	sfence  }
0xb7: {  	s30 =	sld [smem:$0x0];
	_ =	sdelay $0x2  }
0xb8: {  	s31 =	sshll.u32 s1, $0xD;
	s1 =	sshrl.u32 s1, $0x2  }
0xb9: {  	s3 =	sand.u32 $0x4000, s31;
	s1 =	sadd.s32 s1, s30  }
0xba: {  	s0 =	sor.u32 s3, s0;
	s1 =	sshll.u32 s1, $0x11  }
0xbb: {  	s0 =	sor.u32 s1, s0  }
0xbc: {  	s0 =	sadd.s32 $0x8F2B, s0  }
0xbd: {  	[sflag:s0] =	ssyncadd.remote.s32 $0x1  }
0xbe: {  	_ =	sfence.sel $0xFFFF  }
0xbf: {  	[dreg:$0x0] =	wrdreg $0xFFFFFFFF;
	(pc) =	sbr.abs _section_cstart, $3  }
0xc0: {  	[dreg:$0x1] =	wrdreg $0xFFFFFFFF  }
0xc1: {  	_ =	task.clear_ibuf [dreg:s6], $0x2FFFF;
	_ =	strace $0x9FFFFFFF  }
0xc2: {  	(tm) =	ssettm $0x7FFFFFFF  }
0xc3: {  	_ =	shalt  }
tec
execute0_lowered:
.L_overlay_start_1:
0x0: {  	(tag) =	ssettag $0x1  }
0x1: {  	s0 =	rddreg [dreg:$0x0];
	s1 =	srdreg.scid  }
0x2: {  	s2 =	rddreg [dreg:$0x1];
	s10 =	stileid.u32  }
0x3: {  	s3 =	simm.s32 $0x0;
	s28 =	simm.s32 $0x6800;
	s6 =	smul.u32 $0x14000, s10  }
0x4: {  	s29 =	simm.s32 $0x180;
	s1 =	sand.u32 $0x1, s1;
	s8 =	smul.u32 $0x50000, s10  }
0x5: {  	s30 =	simm.s32 $0x8800;
	[smem:$0x7FF] =	sst s3;
	s5 =	smul.u32 $0x140000, s1  }
0x6: {  	s4 =	sadd.s32 $0x2B800, s0;
	_ =	strace $0x8000004D;
	s17 =	ssub.s32 $0x2, s1  }
0x7: {  	s9 =	sshrl.u32 s17, $0x1;
	s8 =	sshrl.u32 s8, $0x2;
	s6 =	sadd.s32 s6, s5  }
0x8: {  	s5 =	sadd.s32 $0x3800, s0;
	s9 =	ssub.s32 s17, s9;
	s7 =	sshrl.u32 s6, $0x3  }
0x9: {  	s6 =	sadd.s32 $0x17800, s0;
	s18 =	smax.u32 s9, $0x1;
	s0 =	sadd.s32 s7, s0  }
0xa: {  	s7 =	sadd.s32 s8, s2;
	[dreg:$0x4] =	wrdreg s18;
	s0 =	sadd.s32 $0x52A00, s0  }
0xb: {  	s31 =	simm.s32 $0x1;
	s19 =	sadd.s32 $0x2000, s7;
	[dreg:$0x3] =	wrdreg s0  }
0xc: {  	s11 =	simm.s32 $0x2680;
	s20 =	sadd.s32 $0x4000, s7;
	[dreg:$0x5] =	wrdreg s19  }
0xd: {  	s12 =	simm.s32 $0x2700;
	s21 =	sadd.s32 $0x6000, s7;
	[dreg:$0x6] =	wrdreg s20  }
0xe: {  	s13 =	simm.s32 $0x2780;
	s22 =	sadd.s32 $0x8000, s7;
	[dreg:$0x7] =	wrdreg s21  }
0xf: {  	s10 =	sshll.u32 s10, $0x1;
	s23 =	sadd.s32 $0xA000, s7;
	[dreg:$0x8] =	wrdreg s22  }
0x10: {  	s1 =	sor.u32 s1, s10;
	s24 =	sadd.s32 $0xC000, s7;
	[dreg:$0x9] =	wrdreg s23  }
0x11: {  	s10 =	simm.s32 $0x2600;
	s25 =	sadd.s32 $0xE000, s7;
	[dreg:$0xa] =	wrdreg s24  }
0x12: {  	s9 =	simm.s32 $0x4;
	s26 =	sadd.s32 $0x10000, s7;
	[dreg:$0xb] =	wrdreg s25  }
0x13: {  	s8 =	smul.u32 $0xA0, s1;
	s1 =	simm.s32 $0x3;
	[dreg:$0xc] =	wrdreg s26  }
0x14: {  	s19 =	sadd.s32 $0x12000, s7;
	s20 =	simm.s32 $0x2800;
	s21 =	simm.s32 $0x5  }
0x15: {  	s22 =	simm.s32 $0x1400;
	s23 =	simm.s32 $0x40;
	s24 =	simm.s32 $0x80  }
0x16: {  	v0 =	vimm.f32 $0.0e+00;
	s25 =	simm.s32 $0x4800;
	s26 =	simm.s32 $0x100;
	s0 =	simm.s32 $0x2  }
.LBB2_1:
0x17: {  	s14 =	simm.s32 $0x0;
	s15 =	simm.s32 $0x200  }
.LBB2_2:
0x18: {  	p0 =	sne.s32 s15, $0x7E00;
	[tilespmem:s14+$0x2870] =	vst v0  }
0x19: {  	[tilespmem:s14+$0x2800] =	vst v0  }
0x1a: {  	[tilespmem:s14+$0x2810] =	vst v0  }
.Ltmp0:
0x1b: {  	[tilespmem:s14+$0x2820] =	vst v0;
	(pc) =	sbr.rel @p0 .LBB2_2-.Ltmp0, $4  }
0x1c: {  	[tilespmem:s14+$0x2830] =	vst v0  }
0x1d: {  	[tilespmem:s14+$0x2840] =	vst v0  }
0x1e: {  	[tilespmem:s14+$0x2850] =	vst v0  }
0x1f: {  	[tilespmem:s14+$0x2860] =	vst v0;
	s14 =	sshra.s32 s15, $0x2;
	s15 =	sadd.s32 $0x200, s15  }
0x20: {  	[tilespmem:s14+$0x2870] =	vst v0  }
0x21: {  	[tilespmem:s14+$0x2800] =	vst v0  }
0x22: {  	[tilespmem:s14+$0x2810] =	vst v0  }
0x23: {  	[tilespmem:s14+$0x2820] =	vst v0  }
0x24: {  	[tilespmem:s14+$0x2830] =	vst v0  }
0x25: {  	[tilespmem:s14+$0x2840] =	vst v0  }
0x26: {  	[tilespmem:s14+$0x2850] =	vst v0  }
0x27: {  	[tilespmem:s14+$0x2860] =	vst v0  }
0x28: {  	[spmem:s7] =	stream.linear.scatter [tilespmem:s20], [sflag:$0x5], $0x2000, $0x38;
	[tilespmem:$0x1E800] =	vst v63  }
0x29: {  	_ =	swait.ge [sflag:s21], $0x2000  }
0x2a: {  	[sflag:s21] =	ssyncset.done $0x0  }
0x2b: {  	s15 =	rddreg [dreg:$0x5];
	[sflag:s21] =	ssyncadd.s32 $0xFFFFE000  }
0x2c: {  	[spmem:s15] =	stream.linear.scatter [tilespmem:s20], [sflag:$0x5], $0x2000, $0x38;
	[tilespmem:$0x1E800] =	vst v63  }
0x2d: {  	_ =	swait.ge [sflag:s21], $0x2000  }
0x2e: {  	[sflag:s21] =	ssyncset.done $0x0  }
0x2f: {  	s16 =	rddreg [dreg:$0x6];
	[sflag:s21] =	ssyncadd.s32 $0xFFFFE000  }
0x30: {  	[spmem:s16] =	stream.linear.scatter [tilespmem:s20], [sflag:$0x5], $0x2000, $0x38;
	[tilespmem:$0x1E800] =	vst v63  }
0x31: {  	_ =	swait.ge [sflag:s21], $0x2000  }
0x32: {  	[sflag:s21] =	ssyncset.done $0x0  }
0x33: {  	s17 =	rddreg [dreg:$0x7];
	[sflag:s21] =	ssyncadd.s32 $0xFFFFE000  }
0x34: {  	[spmem:s17] =	stream.linear.scatter [tilespmem:s20], [sflag:$0x5], $0x2000, $0x38;
	[tilespmem:$0x1E800] =	vst v63  }
0x35: {  	_ =	swait.ge [sflag:s21], $0x2000  }
0x36: {  	[sflag:s21] =	ssyncset.done $0x0  }
0x37: {  	s18 =	rddreg [dreg:$0x8];
	[sflag:s21] =	ssyncadd.s32 $0xFFFFE000  }
0x38: {  	[spmem:s18] =	stream.linear.scatter [tilespmem:s20], [sflag:$0x5], $0x2000, $0x38;
	[tilespmem:$0x1E800] =	vst v63  }
0x39: {  	_ =	swait.ge [sflag:s21], $0x2000  }
0x3a: {  	[sflag:s21] =	ssyncset.done $0x0  }
0x3b: {  	s15 =	rddreg [dreg:$0x9];
	[sflag:s21] =	ssyncadd.s32 $0xFFFFE000  }
0x3c: {  	[spmem:s15] =	stream.linear.scatter [tilespmem:s20], [sflag:$0x5], $0x2000, $0x38;
	[tilespmem:$0x1E800] =	vst v63  }
0x3d: {  	_ =	swait.ge [sflag:s21], $0x2000  }
0x3e: {  	[sflag:s21] =	ssyncset.done $0x0  }
0x3f: {  	s16 =	rddreg [dreg:$0xa];
	[sflag:s21] =	ssyncadd.s32 $0xFFFFE000  }
0x40: {  	[spmem:s16] =	stream.linear.scatter [tilespmem:s20], [sflag:$0x5], $0x2000, $0x38;
	[tilespmem:$0x1E800] =	vst v63  }
0x41: {  	_ =	swait.ge [sflag:s21], $0x2000  }
0x42: {  	[sflag:s21] =	ssyncset.done $0x0  }
0x43: {  	s17 =	rddreg [dreg:$0xb];
	[sflag:s21] =	ssyncadd.s32 $0xFFFFE000  }
0x44: {  	[spmem:s17] =	stream.linear.scatter [tilespmem:s20], [sflag:$0x5], $0x2000, $0x38;
	[tilespmem:$0x1E800] =	vst v63  }
0x45: {  	_ =	swait.ge [sflag:s21], $0x2000  }
0x46: {  	[sflag:s21] =	ssyncset.done $0x0  }
0x47: {  	s18 =	rddreg [dreg:$0xc];
	[sflag:s21] =	ssyncadd.s32 $0xFFFFE000  }
0x48: {  	[spmem:s18] =	stream.linear.scatter [tilespmem:s20], [sflag:$0x5], $0x2000, $0x38;
	[tilespmem:$0x1E800] =	vst v63  }
0x49: {  	_ =	swait.ge [sflag:s21], $0x2000  }
0x4a: {  	[sflag:s21] =	ssyncset.done $0x0  }
0x4b: {  	[sflag:s21] =	ssyncadd.s32 $0xFFFFE000  }
0x4c: {  	[spmem:s19] =	stream.linear.scatter [tilespmem:s20], [sflag:$0x5], $0x2000, $0x38;
	[tilespmem:$0x1E800] =	vst v63  }
0x4d: {  	_ =	swait.ge [sflag:s21], $0x2000  }
0x4e: {  	[sflag:s21] =	ssyncset.done $0x0  }
0x4f: {  	[sflag:s21] =	ssyncadd.s32 $0xFFFFE000  }
0x50: {  	s14 =	simm.s32 $0x0;
	s15 =	simm.s32 $0x0;
	[bflag:$0x0] =	sbarrier.arrive $0xFFFF  }
.LBB2_4:
0x51: {  	s16 =	smul.u32 $0x28, s15;
	_ =	sdelay $0x1  }
0x52: {  	s16 =	sadd.s32 s8, s16  }
0x53: {  	s16 =	sshll.u32 s16, $0x4  }
0x54: {  	s17 =	sadd.s32 s5, s16  }
0x55: {  	[tilespmem:s14], [sflag:$0x5] =	stream.linear.gather [hbm4b:s17+s14], $0x1400, $0x38;
	[tilespmem:$0x1E800] =	vst v63  }
0x56: {  	_ =	swait.ge [sflag:s21], $0x1400  }
0x57: {  	[sflag:s21] =	ssyncset.done $0x0  }
0x58: {  	s16 =	sadd.s32 s6, s16;
	[sflag:s21] =	ssyncadd.s32 $0xFFFFEC00  }
0x59: {  	[tilespmem:s22], [sflag:$0x5] =	stream.linear.gather [hbm4b:s16+s14], $0x1400, $0x38;
	[tilespmem:$0x1E800] =	vst v63  }
0x5a: {  	_ =	swait.ge [sflag:s21], $0x1400  }
0x5b: {  	[sflag:s21] =	ssyncset.done $0x0  }
0x5c: {  	[sflag:s21] =	ssyncadd.s32 $0xFFFFEC00  }
0x5d: {  	[tilespmem:s20], [sflag:$0x1] =	stream.indirect.gather [hbm4b:s4+s23], $0x80, s14, s23, $0xb8;
	[tilespmem:$0x1E800] =	vst v63  }
0x5e: {  	_ = 	snop  }
0x5f: {  	[tilespmem:s25], [sflag:$0x2] =	stream.indirect.gather [hbm4b:s4+s23], $0x80, s24, s23, $0xb8;
	[tilespmem:$0x1E800] =	vst v63  }
0x60: {  	_ = 	snop  }
0x61: {  	[tilespmem:s28], [sflag:$0x3] =	stream.indirect.gather [hbm4b:s4+s23], $0x80, s26, s23, $0xb8;
	[tilespmem:$0x1E800] =	vst v63  }
0x62: {  	_ = 	snop  }
0x63: {  	[tilespmem:s30], [sflag:$0x4] =	stream.indirect.gather [hbm4b:s4+s23], $0x80, s29, s23, $0xb8;
	[tilespmem:$0x1E800] =	vst v63  }
0x64: {  	_ =	swait.ge [sflag:s31], $0x2000  }
0x65: {  	[sflag:s31] =	ssyncset.done $0x0  }
0x66: {  	s18 =	simm.s32 $0x1400;
	[sflag:s31] =	ssyncadd.s32 $0xFFFFE000  }
0x67: {  	[spmem:s2] =	stream.indirect.scatter.add.f32 [tilespmem:s20], [sflag:$0x5], $0x80, s18, s23, $0xb8;
	[tilespmem:$0x1E800] =	vst v63  }
0x68: {  	_ =	swait.ge [sflag:s21], $0x2000  }
0x69: {  	[sflag:s21] =	ssyncset.done $0x0  }
0x6a: {  	s17 =	simm.s32 $0x200;
	[sflag:s21] =	ssyncadd.s32 $0xFFFFE000  }
0x6b: {  	[tilespmem:s20], [sflag:$0x1] =	stream.indirect.gather [hbm4b:s4+s23], $0x80, s17, s23, $0xb8;
	[tilespmem:$0x1E800] =	vst v63  }
0x6c: {  	_ =	swait.ge [sflag:s0], $0x2000  }
0x6d: {  	[sflag:s0] =	ssyncset.done $0x0  }
0x6e: {  	s18 =	simm.s32 $0x1480;
	[sflag:s0] =	ssyncadd.s32 $0xFFFFE000  }
0x6f: {  	[spmem:s2] =	stream.indirect.scatter.add.f32 [tilespmem:s25], [sflag:$0x5], $0x80, s18, s23, $0xb8;
	[tilespmem:$0x1E800] =	vst v63  }
0x70: {  	_ =	swait.ge [sflag:s21], $0x2000  }
0x71: {  	[sflag:s21] =	ssyncset.done $0x0  }
0x72: {  	s17 =	simm.s32 $0x280;
	[sflag:s21] =	ssyncadd.s32 $0xFFFFE000  }
0x73: {  	[tilespmem:s25], [sflag:$0x2] =	stream.indirect.gather [hbm4b:s4+s23], $0x80, s17, s23, $0xb8;
	[tilespmem:$0x1E800] =	vst v63  }
0x74: {  	_ =	swait.ge [sflag:s1], $0x2000  }
0x75: {  	[sflag:s1] =	ssyncset.done $0x0  }
0x76: {  	s18 =	simm.s32 $0x1500;
	[sflag:s1] =	ssyncadd.s32 $0xFFFFE000  }
0x77: {  	[spmem:s2] =	stream.indirect.scatter.add.f32 [tilespmem:s28], [sflag:$0x5], $0x80, s18, s23, $0xb8;
	[tilespmem:$0x1E800] =	vst v63  }
0x78: {  	_ =	swait.ge [sflag:s21], $0x2000  }
0x79: {  	[sflag:s21] =	ssyncset.done $0x0  }
0x7a: {  	s17 =	simm.s32 $0x300;
	[sflag:s21] =	ssyncadd.s32 $0xFFFFE000  }
0x7b: {  	[tilespmem:s28], [sflag:$0x3] =	stream.indirect.gather [hbm4b:s4+s23], $0x80, s17, s23, $0xb8;
	[tilespmem:$0x1E800] =	vst v63  }
0x7c: {  	_ =	swait.ge [sflag:s9], $0x2000  }
0x7d: {  	[sflag:s9] =	ssyncset.done $0x0  }
0x7e: {  	s18 =	simm.s32 $0x1580;
	[sflag:s9] =	ssyncadd.s32 $0xFFFFE000  }
0x7f: {  	[spmem:s2] =	stream.indirect.scatter.add.f32 [tilespmem:s30], [sflag:$0x5], $0x80, s18, s23, $0xb8;
	[tilespmem:$0x1E800] =	vst v63  }
0x80: {  	_ =	swait.ge [sflag:s21], $0x2000  }
0x81: {  	[sflag:s21] =	ssyncset.done $0x0  }
0x82: {  	s16 =	simm.s32 $0x800;
	s17 =	simm.s32 $0x380;
	[sflag:s21] =	ssyncadd.s32 $0xFFFFE000  }
.LBB2_5:
0x83: {  	[tilespmem:s30], [sflag:$0x4] =	stream.indirect.gather [hbm4b:s4+s23], $0x80, s17, s23, $0xb8;
	[tilespmem:$0x1E800] =	vst v63  }
0x84: {  	s17 =	smov.u32 s16  }
0x85: {  	p0 =	sne.s32 s16, $0x4000;
	s16 =	sadd.s32 $0x800, s16;
	_ =	swait.ge [sflag:s31], $0x2000  }
0x86: {  	s17 =	sshra.s32 s17, $0x2;
	[sflag:s31] =	ssyncset.done $0x0  }
0x87: {  	s18 =	sadd.s32 $0x1400, s17;
	[sflag:s31] =	ssyncadd.s32 $0xFFFFE000  }
0x88: {  	[spmem:s2] =	stream.indirect.scatter.add.f32 [tilespmem:s20], [sflag:$0x5], $0x80, s18, s23, $0xb8;
	[tilespmem:$0x1E800] =	vst v63  }
0x89: {  	_ =	swait.ge [sflag:s21], $0x2000  }
0x8a: {  	[sflag:s21] =	ssyncset.done $0x0  }
0x8b: {  	s18 =	sadd.s32 $0x200, s17;
	[sflag:s21] =	ssyncadd.s32 $0xFFFFE000  }
0x8c: {  	[tilespmem:s20], [sflag:$0x1] =	stream.indirect.gather [hbm4b:s4+s23], $0x80, s18, s23, $0xb8;
	[tilespmem:$0x1E800] =	vst v63  }
0x8d: {  	_ =	swait.ge [sflag:s0], $0x2000  }
0x8e: {  	[sflag:s0] =	ssyncset.done $0x0  }
0x8f: {  	s18 =	sadd.s32 $0x1480, s17;
	[sflag:s0] =	ssyncadd.s32 $0xFFFFE000  }
0x90: {  	[spmem:s2] =	stream.indirect.scatter.add.f32 [tilespmem:s25], [sflag:$0x5], $0x80, s18, s23, $0xb8;
	[tilespmem:$0x1E800] =	vst v63  }
0x91: {  	_ =	swait.ge [sflag:s21], $0x2000  }
0x92: {  	[sflag:s21] =	ssyncset.done $0x0  }
0x93: {  	s18 =	sadd.s32 $0x280, s17;
	[sflag:s21] =	ssyncadd.s32 $0xFFFFE000  }
0x94: {  	[tilespmem:s25], [sflag:$0x2] =	stream.indirect.gather [hbm4b:s4+s23], $0x80, s18, s23, $0xb8;
	[tilespmem:$0x1E800] =	vst v63  }
0x95: {  	_ =	swait.ge [sflag:s1], $0x2000  }
0x96: {  	[sflag:s1] =	ssyncset.done $0x0  }
0x97: {  	s18 =	sadd.s32 $0x1500, s17;
	[sflag:s1] =	ssyncadd.s32 $0xFFFFE000  }
0x98: {  	[spmem:s2] =	stream.indirect.scatter.add.f32 [tilespmem:s28], [sflag:$0x5], $0x80, s18, s23, $0xb8;
	[tilespmem:$0x1E800] =	vst v63  }
0x99: {  	_ =	swait.ge [sflag:s21], $0x2000  }
0x9a: {  	[sflag:s21] =	ssyncset.done $0x0  }
0x9b: {  	s18 =	sadd.s32 $0x300, s17;
	[sflag:s21] =	ssyncadd.s32 $0xFFFFE000  }
0x9c: {  	[tilespmem:s28], [sflag:$0x3] =	stream.indirect.gather [hbm4b:s4+s23], $0x80, s18, s23, $0xb8;
	[tilespmem:$0x1E800] =	vst v63  }
0x9d: {  	_ =	swait.ge [sflag:s9], $0x2000  }
0x9e: {  	[sflag:s9] =	ssyncset.done $0x0  }
.Ltmp1:
0x9f: {  	s18 =	sadd.s32 $0x1580, s17;
	[sflag:s9] =	ssyncadd.s32 $0xFFFFE000;
	(pc) =	sbr.rel @p0 .LBB2_5-.Ltmp1, $4  }
0xa0: {  	[spmem:s2] =	stream.indirect.scatter.add.f32 [tilespmem:s30], [sflag:$0x5], $0x80, s18, s23, $0xb8;
	[tilespmem:$0x1E800] =	vst v63  }
0xa1: {  	_ =	swait.ge [sflag:s21], $0x2000  }
0xa2: {  	[sflag:s21] =	ssyncset.done $0x0  }
0xa3: {  	s17 =	sadd.s32 $0x380, s17;
	[sflag:s21] =	ssyncadd.s32 $0xFFFFE000  }
0xa4: {  	[tilespmem:s30], [sflag:$0x4] =	stream.indirect.gather [hbm4b:s4+s23], $0x80, s17, s23, $0xb8;
	[tilespmem:$0x1E800] =	vst v63  }
0xa5: {  	_ =	swait.ge [sflag:s31], $0x2000  }
0xa6: {  	[sflag:s31] =	ssyncset.done $0x0  }
0xa7: {  	[sflag:s31] =	ssyncadd.s32 $0xFFFFE000  }
0xa8: {  	[spmem:s2] =	stream.indirect.scatter.add.f32 [tilespmem:s20], [sflag:$0x5], $0x80, s10, s23, $0xb8;
	[tilespmem:$0x1E800] =	vst v63  }
0xa9: {  	_ =	swait.ge [sflag:s21], $0x2000  }
0xaa: {  	[sflag:s21] =	ssyncset.done $0x0  }
0xab: {  	[sflag:s21] =	ssyncadd.s32 $0xFFFFE000  }
0xac: {  	_ =	swait.ge [sflag:s0], $0x2000  }
0xad: {  	[sflag:s0] =	ssyncset.done $0x0  }
0xae: {  	[sflag:s0] =	ssyncadd.s32 $0xFFFFE000  }
0xaf: {  	[spmem:s2] =	stream.indirect.scatter.add.f32 [tilespmem:s25], [sflag:$0x5], $0x80, s11, s23, $0xb8;
	[tilespmem:$0x1E800] =	vst v63  }
0xb0: {  	_ =	swait.ge [sflag:s21], $0x2000  }
0xb1: {  	[sflag:s21] =	ssyncset.done $0x0  }
0xb2: {  	[sflag:s21] =	ssyncadd.s32 $0xFFFFE000  }
0xb3: {  	_ =	swait.ge [sflag:s1], $0x2000  }
0xb4: {  	[sflag:s1] =	ssyncset.done $0x0  }
0xb5: {  	[sflag:s1] =	ssyncadd.s32 $0xFFFFE000  }
0xb6: {  	[spmem:s2] =	stream.indirect.scatter.add.f32 [tilespmem:s28], [sflag:$0x5], $0x80, s12, s23, $0xb8;
	[tilespmem:$0x1E800] =	vst v63  }
0xb7: {  	_ =	swait.ge [sflag:s21], $0x2000  }
0xb8: {  	[sflag:s21] =	ssyncset.done $0x0  }
0xb9: {  	[sflag:s21] =	ssyncadd.s32 $0xFFFFE000  }
0xba: {  	s15 =	sadd.s32 $0x1, s15;
	_ =	swait.ge [sflag:s9], $0x2000  }
0xbb: {  	p0 =	sne.s32 s15, $0x4;
	[sflag:s9] =	ssyncset.done $0x0  }
.Ltmp2:
0xbc: {  	[sflag:s9] =	ssyncadd.s32 $0xFFFFE000;
	(pc) =	sbr.rel @p0 .LBB2_4-.Ltmp2, $4  }
0xbd: {  	[spmem:s2] =	stream.indirect.scatter.add.f32 [tilespmem:s30], [sflag:$0x5], $0x80, s13, s23, $0xb8;
	[tilespmem:$0x1E800] =	vst v63  }
0xbe: {  	_ =	swait.ge [sflag:s21], $0x2000  }
0xbf: {  	[sflag:s21] =	ssyncset.done $0x0  }
0xc0: {  	[sflag:s21] =	ssyncadd.s32 $0xFFFFE000  }
0xc1: {  	s14 =	stileid.u32  }
0xc2: {  	[bflag:$0x0] =	sbarrier.arrive $0xFFFF;
	s14 =	sshll.u32 s14, $0x6  }
0xc3: {  	s15 =	sshrl.u32 s7, $0x3;
	s16 =	rddreg [dreg:$0x3];
	s14 =	sor.u32 $0x1C05, s14  }
0xc4: {  	[hbm:s16], [sflag:s14] =	dma.local [spmem:s15], $0x2800  }
0xc5: {  	_ =	swait.ge [sflag:s21], $0x2800  }
0xc6: {  	s3 =	sadd.s32 $0x1, s3;
	s18 =	rddreg [dreg:$0x4]  }
0xc7: {  	p0 =	sne.s32 s3, s18  }
.Ltmp3:
0xc8: {  	_ = 	snop;
	(pc) =	sbr.rel @p0 .LBB2_1-.Ltmp3, $3  }
0xc9: {  	_ =	sdelay $0x1  }
0xca: {  	[sflag:s21] =	ssyncset.done $0x0  }
0xcb: {  	[sflag:s21] =	ssyncadd.s32 $0xFFFFD800  }
0xcc: {  	_ =	sfence.sel $0x180000  }
0xcd: {  	[bflag:$0x0] =	sbarrier.arrive $0xFFFF  }
0xce: {  	_ =	strace $0x9000004D  }
0xcf: {  	s0 =	stileid.u32;
	[bflag:$0x2] =	sbarrier.arrive $0xFFFF  }
0xd0: {  	p0 =	sne.s32 s0, $0x0;
	s0 =	rddreg [dreg:$0x2]  }
0xd1: {  	s0 =	sadd.s32 @!p0 $0x100000, s0  }
0xd2: {  	[sflag:s0] =	ssyncadd.tile.s32 @!p0 $0x1;
	_ =	shalt  }
.Lfunc_end2:
_tile_overlayer_lowered:
.L_overlay_start_2:
0xd3: {  	(tag) =	ssettag $0x2  }
0xd4: {  	s0 =	rddreg [dreg:$0x0];
	s2 =	stileid.u32  }
0xd5: {  	s1 =	rddreg [dreg:$0x1];
	p0 =	sne.s32 s2, $0x0  }
0xd6: {  	s3 =	rddreg [dreg:$0x2];
	[bflag:$0x3] =	sbarrier.arrive $0xFFFF;
	s2 =	simm.s32 @!p0 $0x1C05  }
0xd7: {  	[timem:s3], [sflag:s2] =	dma.local @!p0 [hbm:s0], s1  }
0xd8: {  	s0 =	simm.s32 @!p0 $0x5  }
0xd9: {  	_ =	swait.ge @!p0 [sflag:s0], s1  }
0xda: {  	s1 =	ssub.s32 @!p0 $0x0, s1;
	[sflag:s0] =	ssyncset.done @!p0 $0x0  }
0xdb: {  	[sflag:s0] =	ssyncadd.s32 @!p0 s1  }
0xdc: {  	[bflag:$0x3] =	sbarrier.arrive $0xFFFF  }
0xdd: {  	_ =	shalt  }

// kernel: kernel.22.cloned.1.call-start
scs
__scs_entry_jumppad:
0x0: {  	(pc) =	sbr.rel $0x88, $3  }
0x1: {  	(tag) =	ssettag $0x0;
	lr =	simm.s32 $0x1  }
0x2: {  	[smem:$0x3F98] =	sst lr;
	_ =	strace $0xD0000000  }
0x3: {  	_ = 	snop  }
0x4: {  	_ = 	snop  }
0x5: {  	_ = 	snop  }
0x6: {  	_ = 	snop  }
0x7: {  	_ = 	snop  }
__scs_overlays_trampoline_lowered:
0x8: {  	[smem:$0x3FA7] =	sst s0  }
0x9: {  	[smem:$0x3FA8] =	sst s1  }
0xa: {  	[smem:$0x3FA9] =	sst s2  }
0xb: {  	[smem:$0x3FAA] =	sst s3  }
0xc: {  	[smem:$0x3FAB] =	sst s4  }
0xd: {  	[smem:$0x3FAC] =	sst s5  }
0xe: {  	[smem:$0x3FAD] =	sst s6  }
0xf: {  	[smem:$0x3FAE] =	sst s7  }
0x10: {  	[smem:$0x3FAF] =	sst s8  }
0x11: {  	[smem:$0x3FB0] =	sst s9;
	s0 =	simm.s32 @!p0 $0x0  }
0x12: {  	s1 =	sld [smem:$0x3F96];
	s0 =	simm.s32 @p0 $0x1  }
0x13: {  	[smem:$0x3FB1] =	sst s0;
	s0 =	simm.s32 @!p1 $0x0  }
0x14: {  	s2 =	sld [smem:$0x3F95];
	s0 =	simm.s32 @p1 $0x1  }
0x15: {  	[smem:$0x3FB2] =	sst s0;
	s0 =	simm.s32 @!p2 $0x0  }
0x16: {  	s3 =	sld [smem:$0x3FDB];
	s0 =	simm.s32 @p2 $0x1  }
0x17: {  	s4 =	simm.s32 $0x1BF5;
	[smem:$0x3FB4] =	sst s0  }
0x18: {  	s0 =	sld [smem:$0x3F97];
	_ =	swait.ge [sflag:s4], $0x0  }
0x19: {  	s7 =	sld [smem:$0x3F98]  }
0x1a: {  	s8 =	sadd.s32 $0xFFFFE003, lr  }
0x1b: {  	s9 =	sadd.s32 $0xFFFFFEF7, lr;
	s5 =	simm.s32 $0xFFFFFFFF;
	p2 =	slt.u32 s8, $0xFFFFF086  }
0x1c: {  	p1 =	slt.u32 s9, $0xF7A;
	s5 =	simm.s32 @!p2 $0x0  }
0x1d: {  	s5 =	simm.s32 @p1 $0x1;
	p0 =	seq.s32 s7, s2  }
0x1e: {  	s7 =	smul.u32 @!p0 $0xF7A, s2;
	p2 =	seq.s32 @!p0 s5, $0x0  }
0x1f: {  	s9 =	smul.u32 $0xF7A, s1;
	s8 =	simm.s32 @!p0 $0x1BF5;
	p2 =	por !p2, p0  }
0x20: {  	[sflag:s8] =	ssyncset.s32 @!p0 $0xFFFFF086;
	s6 =	sadd.s32 @!p0 s3, s7;
	s7 =	simm.s32 @!p0 $0x108  }
0x21: {  	s3 =	sadd.s32 s3, s9;
	s6 =	sadd.s32 @!p0 $0x88, s6;
	s7 =	simm.s32 @p2 $0x1082  }
0x22: {  	[simem:s7], [sflag:s8] =	dma.local @!p0 [hbm:s6], $0xF7A  }
0x23: {  	s9 =	sor.u32 $0xD0000000, s2;
	s6 =	simm.s32 $0x108;
	_ =	swait.ge @!p0 [sflag:s8], $0x0  }
0x24: {  	s3 =	sadd.s32 $0x88, s3;
	s6 =	simm.s32 @!p1 $0x1082;
	[sflag:s4] =	ssyncset.s32 $0xFFFFF086  }
0x25: {  	[simem:s6], [sflag:s4] =	dma.local [hbm:s3], $0xF7A  }
0x26: {  	[smem:$0x3F98] =	sst s1;
	(tag) =	ssettag s2;
	_ =	strace s9  }
0x27: {  	s1 =	sld [smem:$0x3FA8]  }
0x28: {  	s2 =	sld [smem:$0x3FA9]  }
0x29: {  	s4 =	sld [smem:$0x3FAB]  }
0x2a: {  	p0 =	seq.s32 s5, $0x0;
	s5 =	sld [smem:$0x3FAC]  }
0x2b: {  	s6 =	sld [smem:$0x3FAD]  }
0x2c: {  	s7 =	sld [smem:$0x3FAE]  }
0x2d: {  	s3 =	simm.s32 $0x108;
	s8 =	sld [smem:$0x3FAF]  }
0x2e: {  	s3 =	simm.s32 @!p0 $0x1082;
	s9 =	sld [smem:$0x3FB0]  }
0x2f: {  	lr =	sadd.s32 s0, s3;
	s0 =	sld [smem:$0x3FA7]  }
0x30: {  	s3 =	sld [smem:$0x3FAA]  }
0x31: {  	[smem:$0x3FB3] =	sst s10  }
0x32: {  	s10 =	sld [smem:$0x3FB1];
	_ =	sdelay $0x3  }
0x33: {  	p0 =	seq.s32 s10, $0x1;
	s10 =	sld [smem:$0x3FB3];
	_ =	sdelay $0x3  }
0x34: {  	[smem:$0x3FB3] =	sst s10  }
0x35: {  	s10 =	sld [smem:$0x3FB2];
	_ =	sdelay $0x3  }
0x36: {  	p1 =	seq.s32 s10, $0x1;
	s10 =	sld [smem:$0x3FB3];
	_ =	sdelay $0x3  }
0x37: {  	[smem:$0x3FB3] =	sst s10  }
0x38: {  	s10 =	sld [smem:$0x3FB4]  }
0x39: {  	_ = 	snop;
	(pc) =	sbr.ind lr, $3  }
0x3a: {  	_ = 	snop  }
0x3b: {  	_ = 	snop  }
0x3c: {  	p2 =	seq.s32 s10, $0x1;
	s10 =	sld [smem:$0x3FB3]  }
0x3d: {  	_ =	shalt  }
0x3e: {  	_ =	shalt  }
0x3f: {  	_ =	shalt  }
0x40: {  	_ =	shalt  }
0x41: {  	_ =	shalt  }
0x42: {  	_ =	shalt  }
0x43: {  	_ =	shalt  }
0x44: {  	_ =	shalt  }
0x45: {  	_ =	shalt  }
0x46: {  	_ =	shalt  }
0x47: {  	_ =	shalt  }
0x48: {  	_ =	shalt  }
0x49: {  	_ =	shalt  }
0x4a: {  	_ =	shalt  }
0x4b: {  	_ =	shalt  }
0x4c: {  	_ =	shalt  }
0x4d: {  	_ =	shalt  }
0x4e: {  	_ =	shalt  }
0x4f: {  	_ =	shalt  }
0x50: {  	_ =	shalt  }
0x51: {  	_ =	shalt  }
0x52: {  	_ =	shalt  }
0x53: {  	_ =	shalt  }
0x54: {  	_ =	shalt  }
0x55: {  	_ =	shalt  }
0x56: {  	_ =	shalt  }
0x57: {  	_ =	shalt  }
0x58: {  	_ =	shalt  }
0x59: {  	_ =	shalt  }
0x5a: {  	_ =	shalt  }
0x5b: {  	_ =	shalt  }
0x5c: {  	_ =	shalt  }
0x5d: {  	_ =	shalt  }
0x5e: {  	_ =	shalt  }
0x5f: {  	_ =	shalt  }
0x60: {  	_ =	shalt  }
0x61: {  	_ =	shalt  }
0x62: {  	_ =	shalt  }
0x63: {  	_ =	shalt  }
0x64: {  	_ =	shalt  }
0x65: {  	_ =	shalt  }
0x66: {  	_ =	shalt  }
0x67: {  	_ =	shalt  }
0x68: {  	_ =	shalt  }
0x69: {  	_ =	shalt  }
0x6a: {  	_ =	shalt  }
0x6b: {  	_ =	shalt  }
0x6c: {  	_ =	shalt  }
0x6d: {  	_ =	shalt  }
0x6e: {  	_ =	shalt  }
0x6f: {  	_ =	shalt  }
0x70: {  	_ =	shalt  }
0x71: {  	_ =	shalt  }
0x72: {  	_ =	shalt  }
0x73: {  	_ =	shalt  }
0x74: {  	_ =	shalt  }
0x75: {  	_ =	shalt  }
0x76: {  	_ =	shalt  }
0x77: {  	_ =	shalt  }
0x78: {  	_ =	shalt  }
0x79: {  	_ =	shalt  }
0x7a: {  	_ =	shalt  }
0x7b: {  	_ =	shalt  }
0x7c: {  	_ =	shalt  }
0x7d: {  	_ =	shalt  }
0x7e: {  	_ =	shalt  }
0x7f: {  	_ =	shalt  }
0x80: {  	_ =	shalt  }
0x81: {  	_ =	shalt  }
0x82: {  	_ =	shalt  }
0x83: {  	_ =	shalt  }
0x84: {  	_ =	shalt  }
0x85: {  	_ =	shalt  }
0x86: {  	_ =	shalt  }
0x87: {  	_ =	shalt  }
.Lfunc_end0:
.L_simem_size_0:
called_computation.3_lowered:
.L_overlay_start_0:
0x88: {  	s2 =	sld [smem:$0x3FD9]  }
0x89: {  	s3 =	sld [smem:$0x3FFE];
	_ =	sdelay $0x1  }
0x8a: {  	s1 =	srdreg.scid  }
0x8b: {  	s0 =	sand.u32 $0x1, s1  }
0x8c: {  	s16 =	sshll.u32 s0, $0xA;
	s2 =	sadd.s32 s3, s2  }
0x8d: {  	s2 =	sadd.s32 s2, s16  }
0x8e: {  	[smem:$0x3FBF] =	sst s2  }
0x8f: {  	_ = 	snop  }
0x90: {  	(tm) =	ssettm $0x1  }
0x91: {  	s17 =	sld [smem:$0x3FFB];
	_ =	sdelay $0x3  }
0x92: {  	_ =	strace s17  }
0x93: {  	s2 =	sld [smem:$0x3FFC];
	_ =	sdelay $0x3  }
0x94: {  	_ =	strace s2  }
0x95: {  	s2 =	sld [smem:$0x3FFD];
	_ =	sdelay $0x3  }
0x96: {  	_ =	strace s2  }
0x97: {  	_ =	strace $0x8FFFFFFF  }
0x98: {  	s18 =	sld [smem:$0x3FDB];
	_ =	sdelay $0x1  }
0x99: {  	s19 =	simm.s32 $_scs_section_size  }
0x9a: {  	s4 =	simm.s32 $_size__tile_overlayer_lowered;
	s5 =	simm.s32 $_tile_overlayer_lowered  }
0x9b: {  	s22 =	simm.s32 $0x1BFF;
	s21 =	sshll.u32 s5, $0x1;
	s2 =	sadd.s32 s19, s18  }
0x9c: {  	s6 =	simm.s32 $0x0;
	s20 =	sshll.u32 s4, $0x1;
	s4 =	sadd.s32 s21, s2  }
0x9d: {  	[timem:s6], [sflag:s22] =	dma.local [hbm:s4], s20  }
0x9e: {  	_ =	swait.ge [sflag:s22], s20  }
0x9f: {  	s3 =	ssub.s32 $0x0, s20;
	[sflag:s22] =	ssyncset.done $0x0  }
0xa0: {  	[sflag:s22] =	ssyncadd.s32 s3;
	_ =	sdelay $0x1  }
0xa1: {  	s23 =	simm.s32 $0x1B8B  }
0xa2: {  	_ =	swait.ge [sflag:s23], $0x1  }
0xa3: {  	[sflag:s23] =	ssyncset.done $0x0  }
0xa4: {  	s25 =	simm.s32 $0x1B8E;
	s24 =	sld [smem:$0x3FFE];
	[sflag:s23] =	ssyncadd.s32 $0xFFFFFFFF  }
0xa5: {  	s26 =	simm.s32 $execute0_lowered;
	[smem:$0x3FD2] =	sst s25  }
0xa6: {  	s4 =	sshll.u32 s26, $0x1;
	_ =	strace $0x8000004F;
	[dreg:$0x1] =	wrdreg $0xFFFFFFFF  }
0xa7: {  	s28 =	simm.s32 $_size_execute0_lowered;
	s2 =	sadd.s32 s2, s4;
	[dreg:$0x0] =	wrdreg $0x0  }
0xa8: {  	s4 =	sshll.u32 s28, $0x1;
	[dreg:$0x2] =	wrdreg s2  }
0xa9: {  	[dreg:$0x3] =	wrdreg s4  }
0xaa: {  	[dreg:$0x4] =	wrdreg $0xC0  }
0xab: {  	_ =	task [dreg:s6], $0x5FFFF  }
0xac: {  	[dreg:$0x1] =	wrdreg $0xFFFFFFFF  }
0xad: {  	[dreg:$0x0] =	wrdreg $0x60  }
0xae: {  	[dreg:$0x2] =	wrdreg s24  }
0xaf: {  	[dreg:$0x3] =	wrdreg $0xA8000  }
0xb0: {  	[dreg:$0x4] =	wrdreg $0x9  }
0xb1: {  	_ =	task.clear_ibuf [dreg:s6], $0x5FFFF;
	_ =	strace $0x9000004F  }
0xb2: {  	s29 =	simm.s32 $0x9;
	_ =	strace $0x80000051  }
0xb3: {  	_ =	swait.ge [sflag:s29], $0x1  }
0xb4: {  	[sflag:s29] =	ssyncadd.s32 $0xFFFFFFFF  }
0xb5: {  	_ =	strace $0x90000051  }
0xb6: {  	_ =	sfence  }
0xb7: {  	s30 =	sld [smem:$0x0];
	_ =	sdelay $0x2  }
0xb8: {  	s31 =	sshll.u32 s1, $0xD;
	s1 =	sshrl.u32 s1, $0x2  }
0xb9: {  	s3 =	sand.u32 $0x4000, s31;
	s1 =	sadd.s32 s1, s30  }
0xba: {  	s0 =	sor.u32 s3, s0;
	s1 =	sshll.u32 s1, $0x11  }
0xbb: {  	s0 =	sor.u32 s1, s0  }
0xbc: {  	s0 =	sadd.s32 $0x8F2B, s0  }
0xbd: {  	[sflag:s0] =	ssyncadd.remote.s32 $0x1  }
0xbe: {  	_ =	sfence.sel $0xFFFF  }
0xbf: {  	[dreg:$0x0] =	wrdreg $0xFFFFFFFF;
	(pc) =	sbr.abs _section_cstart, $3  }
0xc0: {  	[dreg:$0x1] =	wrdreg $0xFFFFFFFF  }
0xc1: {  	_ =	task.clear_ibuf [dreg:s6], $0x2FFFF;
	_ =	strace $0x9FFFFFFF  }
0xc2: {  	(tm) =	ssettm $0x7FFFFFFF  }
0xc3: {  	_ =	shalt  }
tec
execute0_lowered:
.L_overlay_start_1:
0x0: {  	(tag) =	ssettag $0x1  }
0x1: {  	s0 =	rddreg [dreg:$0x0];
	s1 =	srdreg.scid  }
0x2: {  	s2 =	rddreg [dreg:$0x1];
	s10 =	stileid.u32  }
0x3: {  	s3 =	simm.s32 $0x0;
	s28 =	simm.s32 $0x6800;
	s6 =	smul.u32 $0x14000, s10  }
0x4: {  	s29 =	simm.s32 $0x180;
	s1 =	sand.u32 $0x1, s1;
	s8 =	smul.u32 $0x50000, s10  }
0x5: {  	s30 =	simm.s32 $0x8800;
	[smem:$0x7FF] =	sst s3;
	s5 =	smul.u32 $0x140000, s1  }
0x6: {  	s4 =	sadd.s32 $0x2B800, s0;
	_ =	strace $0x80000050;
	s17 =	ssub.s32 $0x2, s1  }
0x7: {  	s9 =	sshrl.u32 s17, $0x1;
	s8 =	sshrl.u32 s8, $0x2;
	s6 =	sadd.s32 s6, s5  }
0x8: {  	s5 =	sadd.s32 $0x3800, s0;
	s9 =	ssub.s32 s17, s9;
	s7 =	sshrl.u32 s6, $0x3  }
0x9: {  	s6 =	sadd.s32 $0x17800, s0;
	s18 =	smax.u32 s9, $0x1;
	s0 =	sadd.s32 s7, s0  }
0xa: {  	s7 =	sadd.s32 s8, s2;
	[dreg:$0x4] =	wrdreg s18;
	s0 =	sadd.s32 $0x52A00, s0  }
0xb: {  	s31 =	simm.s32 $0x1;
	s19 =	sadd.s32 $0x2000, s7;
	[dreg:$0x3] =	wrdreg s0  }
0xc: {  	s11 =	simm.s32 $0x2680;
	s20 =	sadd.s32 $0x4000, s7;
	[dreg:$0x5] =	wrdreg s19  }
0xd: {  	s12 =	simm.s32 $0x2700;
	s21 =	sadd.s32 $0x6000, s7;
	[dreg:$0x6] =	wrdreg s20  }
0xe: {  	s13 =	simm.s32 $0x2780;
	s22 =	sadd.s32 $0x8000, s7;
	[dreg:$0x7] =	wrdreg s21  }
0xf: {  	s10 =	sshll.u32 s10, $0x1;
	s23 =	sadd.s32 $0xA000, s7;
	[dreg:$0x8] =	wrdreg s22  }
0x10: {  	s1 =	sor.u32 s1, s10;
	s24 =	sadd.s32 $0xC000, s7;
	[dreg:$0x9] =	wrdreg s23  }
0x11: {  	s10 =	simm.s32 $0x2600;
	s25 =	sadd.s32 $0xE000, s7;
	[dreg:$0xa] =	wrdreg s24  }
0x12: {  	s9 =	simm.s32 $0x4;
	s26 =	sadd.s32 $0x10000, s7;
	[dreg:$0xb] =	wrdreg s25  }
0x13: {  	s8 =	smul.u32 $0xA0, s1;
	s1 =	simm.s32 $0x3;
	[dreg:$0xc] =	wrdreg s26  }
0x14: {  	s19 =	sadd.s32 $0x12000, s7;
	s20 =	simm.s32 $0x2800;
	s21 =	simm.s32 $0x5  }
0x15: {  	s22 =	simm.s32 $0x1400;
	s23 =	simm.s32 $0x40;
	s24 =	simm.s32 $0x80  }
0x16: {  	v0 =	vimm.f32 $0.0e+00;
	s25 =	simm.s32 $0x4800;
	s26 =	simm.s32 $0x100;
	s0 =	simm.s32 $0x2  }
.LBB2_1:
0x17: {  	s14 =	simm.s32 $0x0;
	s15 =	simm.s32 $0x200  }
.LBB2_2:
0x18: {  	p0 =	sne.s32 s15, $0x7E00;
	[tilespmem:s14+$0x2870] =	vst v0  }
0x19: {  	[tilespmem:s14+$0x2800] =	vst v0  }
0x1a: {  	[tilespmem:s14+$0x2810] =	vst v0  }
.Ltmp0:
0x1b: {  	[tilespmem:s14+$0x2820] =	vst v0;
	(pc) =	sbr.rel @p0 .LBB2_2-.Ltmp0, $4  }
0x1c: {  	[tilespmem:s14+$0x2830] =	vst v0  }
0x1d: {  	[tilespmem:s14+$0x2840] =	vst v0  }
0x1e: {  	[tilespmem:s14+$0x2850] =	vst v0  }
0x1f: {  	[tilespmem:s14+$0x2860] =	vst v0;
	s14 =	sshra.s32 s15, $0x2;
	s15 =	sadd.s32 $0x200, s15  }
0x20: {  	[tilespmem:s14+$0x2870] =	vst v0  }
0x21: {  	[tilespmem:s14+$0x2800] =	vst v0  }
0x22: {  	[tilespmem:s14+$0x2810] =	vst v0  }
0x23: {  	[tilespmem:s14+$0x2820] =	vst v0  }
0x24: {  	[tilespmem:s14+$0x2830] =	vst v0  }
0x25: {  	[tilespmem:s14+$0x2840] =	vst v0  }
0x26: {  	[tilespmem:s14+$0x2850] =	vst v0  }
0x27: {  	[tilespmem:s14+$0x2860] =	vst v0  }
0x28: {  	[spmem:s7] =	stream.linear.scatter [tilespmem:s20], [sflag:$0x5], $0x2000, $0x38;
	[tilespmem:$0x1E800] =	vst v63  }
0x29: {  	_ =	swait.ge [sflag:s21], $0x2000  }
0x2a: {  	[sflag:s21] =	ssyncset.done $0x0  }
0x2b: {  	s15 =	rddreg [dreg:$0x5];
	[sflag:s21] =	ssyncadd.s32 $0xFFFFE000  }
0x2c: {  	[spmem:s15] =	stream.linear.scatter [tilespmem:s20], [sflag:$0x5], $0x2000, $0x38;
	[tilespmem:$0x1E800] =	vst v63  }
0x2d: {  	_ =	swait.ge [sflag:s21], $0x2000  }
0x2e: {  	[sflag:s21] =	ssyncset.done $0x0  }
0x2f: {  	s16 =	rddreg [dreg:$0x6];
	[sflag:s21] =	ssyncadd.s32 $0xFFFFE000  }
0x30: {  	[spmem:s16] =	stream.linear.scatter [tilespmem:s20], [sflag:$0x5], $0x2000, $0x38;
	[tilespmem:$0x1E800] =	vst v63  }
0x31: {  	_ =	swait.ge [sflag:s21], $0x2000  }
0x32: {  	[sflag:s21] =	ssyncset.done $0x0  }
0x33: {  	s17 =	rddreg [dreg:$0x7];
	[sflag:s21] =	ssyncadd.s32 $0xFFFFE000  }
0x34: {  	[spmem:s17] =	stream.linear.scatter [tilespmem:s20], [sflag:$0x5], $0x2000, $0x38;
	[tilespmem:$0x1E800] =	vst v63  }
0x35: {  	_ =	swait.ge [sflag:s21], $0x2000  }
0x36: {  	[sflag:s21] =	ssyncset.done $0x0  }
0x37: {  	s18 =	rddreg [dreg:$0x8];
	[sflag:s21] =	ssyncadd.s32 $0xFFFFE000  }
0x38: {  	[spmem:s18] =	stream.linear.scatter [tilespmem:s20], [sflag:$0x5], $0x2000, $0x38;
	[tilespmem:$0x1E800] =	vst v63  }
0x39: {  	_ =	swait.ge [sflag:s21], $0x2000  }
0x3a: {  	[sflag:s21] =	ssyncset.done $0x0  }
0x3b: {  	s15 =	rddreg [dreg:$0x9];
	[sflag:s21] =	ssyncadd.s32 $0xFFFFE000  }
0x3c: {  	[spmem:s15] =	stream.linear.scatter [tilespmem:s20], [sflag:$0x5], $0x2000, $0x38;
	[tilespmem:$0x1E800] =	vst v63  }
0x3d: {  	_ =	swait.ge [sflag:s21], $0x2000  }
0x3e: {  	[sflag:s21] =	ssyncset.done $0x0  }
0x3f: {  	s16 =	rddreg [dreg:$0xa];
	[sflag:s21] =	ssyncadd.s32 $0xFFFFE000  }
0x40: {  	[spmem:s16] =	stream.linear.scatter [tilespmem:s20], [sflag:$0x5], $0x2000, $0x38;
	[tilespmem:$0x1E800] =	vst v63  }
0x41: {  	_ =	swait.ge [sflag:s21], $0x2000  }
0x42: {  	[sflag:s21] =	ssyncset.done $0x0  }
0x43: {  	s17 =	rddreg [dreg:$0xb];
	[sflag:s21] =	ssyncadd.s32 $0xFFFFE000  }
0x44: {  	[spmem:s17] =	stream.linear.scatter [tilespmem:s20], [sflag:$0x5], $0x2000, $0x38;
	[tilespmem:$0x1E800] =	vst v63  }
0x45: {  	_ =	swait.ge [sflag:s21], $0x2000  }
0x46: {  	[sflag:s21] =	ssyncset.done $0x0  }
0x47: {  	s18 =	rddreg [dreg:$0xc];
	[sflag:s21] =	ssyncadd.s32 $0xFFFFE000  }
0x48: {  	[spmem:s18] =	stream.linear.scatter [tilespmem:s20], [sflag:$0x5], $0x2000, $0x38;
	[tilespmem:$0x1E800] =	vst v63  }
0x49: {  	_ =	swait.ge [sflag:s21], $0x2000  }
0x4a: {  	[sflag:s21] =	ssyncset.done $0x0  }
0x4b: {  	[sflag:s21] =	ssyncadd.s32 $0xFFFFE000  }
0x4c: {  	[spmem:s19] =	stream.linear.scatter [tilespmem:s20], [sflag:$0x5], $0x2000, $0x38;
	[tilespmem:$0x1E800] =	vst v63  }
0x4d: {  	_ =	swait.ge [sflag:s21], $0x2000  }
0x4e: {  	[sflag:s21] =	ssyncset.done $0x0  }
0x4f: {  	[sflag:s21] =	ssyncadd.s32 $0xFFFFE000  }
0x50: {  	s14 =	simm.s32 $0x0;
	s15 =	simm.s32 $0x0;
	[bflag:$0x0] =	sbarrier.arrive $0xFFFF  }
.LBB2_4:
0x51: {  	s16 =	smul.u32 $0x28, s15;
	_ =	sdelay $0x1  }
0x52: {  	s16 =	sadd.s32 s8, s16  }
0x53: {  	s16 =	sshll.u32 s16, $0x4  }
0x54: {  	s17 =	sadd.s32 s5, s16  }
0x55: {  	[tilespmem:s14], [sflag:$0x5] =	stream.linear.gather [hbm4b:s17+s14], $0x1400, $0x38;
	[tilespmem:$0x1E800] =	vst v63  }
0x56: {  	_ =	swait.ge [sflag:s21], $0x1400  }
0x57: {  	[sflag:s21] =	ssyncset.done $0x0  }
0x58: {  	s16 =	sadd.s32 s6, s16;
	[sflag:s21] =	ssyncadd.s32 $0xFFFFEC00  }
0x59: {  	[tilespmem:s22], [sflag:$0x5] =	stream.linear.gather [hbm4b:s16+s14], $0x1400, $0x38;
	[tilespmem:$0x1E800] =	vst v63  }
0x5a: {  	_ =	swait.ge [sflag:s21], $0x1400  }
0x5b: {  	[sflag:s21] =	ssyncset.done $0x0  }
0x5c: {  	[sflag:s21] =	ssyncadd.s32 $0xFFFFEC00  }
0x5d: {  	[tilespmem:s20], [sflag:$0x1] =	stream.indirect.gather [hbm4b:s4+s23], $0x80, s14, s23, $0xb8;
	[tilespmem:$0x1E800] =	vst v63  }
0x5e: {  	_ = 	snop  }
0x5f: {  	[tilespmem:s25], [sflag:$0x2] =	stream.indirect.gather [hbm4b:s4+s23], $0x80, s24, s23, $0xb8;
	[tilespmem:$0x1E800] =	vst v63  }
0x60: {  	_ = 	snop  }
0x61: {  	[tilespmem:s28], [sflag:$0x3] =	stream.indirect.gather [hbm4b:s4+s23], $0x80, s26, s23, $0xb8;
	[tilespmem:$0x1E800] =	vst v63  }
0x62: {  	_ = 	snop  }
0x63: {  	[tilespmem:s30], [sflag:$0x4] =	stream.indirect.gather [hbm4b:s4+s23], $0x80, s29, s23, $0xb8;
	[tilespmem:$0x1E800] =	vst v63  }
0x64: {  	_ =	swait.ge [sflag:s31], $0x2000  }
0x65: {  	[sflag:s31] =	ssyncset.done $0x0  }
0x66: {  	s18 =	simm.s32 $0x1400;
	[sflag:s31] =	ssyncadd.s32 $0xFFFFE000  }
0x67: {  	[spmem:s2] =	stream.indirect.scatter.add.f32 [tilespmem:s20], [sflag:$0x5], $0x80, s18, s23, $0xb8;
	[tilespmem:$0x1E800] =	vst v63  }
0x68: {  	_ =	swait.ge [sflag:s21], $0x2000  }
0x69: {  	[sflag:s21] =	ssyncset.done $0x0  }
0x6a: {  	s17 =	simm.s32 $0x200;
	[sflag:s21] =	ssyncadd.s32 $0xFFFFE000  }
0x6b: {  	[tilespmem:s20], [sflag:$0x1] =	stream.indirect.gather [hbm4b:s4+s23], $0x80, s17, s23, $0xb8;
	[tilespmem:$0x1E800] =	vst v63  }
0x6c: {  	_ =	swait.ge [sflag:s0], $0x2000  }
0x6d: {  	[sflag:s0] =	ssyncset.done $0x0  }
0x6e: {  	s18 =	simm.s32 $0x1480;
	[sflag:s0] =	ssyncadd.s32 $0xFFFFE000  }
0x6f: {  	[spmem:s2] =	stream.indirect.scatter.add.f32 [tilespmem:s25], [sflag:$0x5], $0x80, s18, s23, $0xb8;
	[tilespmem:$0x1E800] =	vst v63  }
0x70: {  	_ =	swait.ge [sflag:s21], $0x2000  }
0x71: {  	[sflag:s21] =	ssyncset.done $0x0  }
0x72: {  	s17 =	simm.s32 $0x280;
	[sflag:s21] =	ssyncadd.s32 $0xFFFFE000  }
0x73: {  	[tilespmem:s25], [sflag:$0x2] =	stream.indirect.gather [hbm4b:s4+s23], $0x80, s17, s23, $0xb8;
	[tilespmem:$0x1E800] =	vst v63  }
0x74: {  	_ =	swait.ge [sflag:s1], $0x2000  }
0x75: {  	[sflag:s1] =	ssyncset.done $0x0  }
0x76: {  	s18 =	simm.s32 $0x1500;
	[sflag:s1] =	ssyncadd.s32 $0xFFFFE000  }
0x77: {  	[spmem:s2] =	stream.indirect.scatter.add.f32 [tilespmem:s28], [sflag:$0x5], $0x80, s18, s23, $0xb8;
	[tilespmem:$0x1E800] =	vst v63  }
0x78: {  	_ =	swait.ge [sflag:s21], $0x2000  }
0x79: {  	[sflag:s21] =	ssyncset.done $0x0  }
0x7a: {  	s17 =	simm.s32 $0x300;
	[sflag:s21] =	ssyncadd.s32 $0xFFFFE000  }
0x7b: {  	[tilespmem:s28], [sflag:$0x3] =	stream.indirect.gather [hbm4b:s4+s23], $0x80, s17, s23, $0xb8;
	[tilespmem:$0x1E800] =	vst v63  }
0x7c: {  	_ =	swait.ge [sflag:s9], $0x2000  }
0x7d: {  	[sflag:s9] =	ssyncset.done $0x0  }
0x7e: {  	s18 =	simm.s32 $0x1580;
	[sflag:s9] =	ssyncadd.s32 $0xFFFFE000  }
0x7f: {  	[spmem:s2] =	stream.indirect.scatter.add.f32 [tilespmem:s30], [sflag:$0x5], $0x80, s18, s23, $0xb8;
	[tilespmem:$0x1E800] =	vst v63  }
0x80: {  	_ =	swait.ge [sflag:s21], $0x2000  }
0x81: {  	[sflag:s21] =	ssyncset.done $0x0  }
0x82: {  	s16 =	simm.s32 $0x800;
	s17 =	simm.s32 $0x380;
	[sflag:s21] =	ssyncadd.s32 $0xFFFFE000  }
.LBB2_5:
0x83: {  	[tilespmem:s30], [sflag:$0x4] =	stream.indirect.gather [hbm4b:s4+s23], $0x80, s17, s23, $0xb8;
	[tilespmem:$0x1E800] =	vst v63  }
0x84: {  	s17 =	smov.u32 s16  }
0x85: {  	p0 =	sne.s32 s16, $0x4000;
	s16 =	sadd.s32 $0x800, s16;
	_ =	swait.ge [sflag:s31], $0x2000  }
0x86: {  	s17 =	sshra.s32 s17, $0x2;
	[sflag:s31] =	ssyncset.done $0x0  }
0x87: {  	s18 =	sadd.s32 $0x1400, s17;
	[sflag:s31] =	ssyncadd.s32 $0xFFFFE000  }
0x88: {  	[spmem:s2] =	stream.indirect.scatter.add.f32 [tilespmem:s20], [sflag:$0x5], $0x80, s18, s23, $0xb8;
	[tilespmem:$0x1E800] =	vst v63  }
0x89: {  	_ =	swait.ge [sflag:s21], $0x2000  }
0x8a: {  	[sflag:s21] =	ssyncset.done $0x0  }
0x8b: {  	s18 =	sadd.s32 $0x200, s17;
	[sflag:s21] =	ssyncadd.s32 $0xFFFFE000  }
0x8c: {  	[tilespmem:s20], [sflag:$0x1] =	stream.indirect.gather [hbm4b:s4+s23], $0x80, s18, s23, $0xb8;
	[tilespmem:$0x1E800] =	vst v63  }
0x8d: {  	_ =	swait.ge [sflag:s0], $0x2000  }
0x8e: {  	[sflag:s0] =	ssyncset.done $0x0  }
0x8f: {  	s18 =	sadd.s32 $0x1480, s17;
	[sflag:s0] =	ssyncadd.s32 $0xFFFFE000  }
0x90: {  	[spmem:s2] =	stream.indirect.scatter.add.f32 [tilespmem:s25], [sflag:$0x5], $0x80, s18, s23, $0xb8;
	[tilespmem:$0x1E800] =	vst v63  }
0x91: {  	_ =	swait.ge [sflag:s21], $0x2000  }
0x92: {  	[sflag:s21] =	ssyncset.done $0x0  }
0x93: {  	s18 =	sadd.s32 $0x280, s17;
	[sflag:s21] =	ssyncadd.s32 $0xFFFFE000  }
0x94: {  	[tilespmem:s25], [sflag:$0x2] =	stream.indirect.gather [hbm4b:s4+s23], $0x80, s18, s23, $0xb8;
	[tilespmem:$0x1E800] =	vst v63  }
0x95: {  	_ =	swait.ge [sflag:s1], $0x2000  }
0x96: {  	[sflag:s1] =	ssyncset.done $0x0  }
0x97: {  	s18 =	sadd.s32 $0x1500, s17;
	[sflag:s1] =	ssyncadd.s32 $0xFFFFE000  }
0x98: {  	[spmem:s2] =	stream.indirect.scatter.add.f32 [tilespmem:s28], [sflag:$0x5], $0x80, s18, s23, $0xb8;
	[tilespmem:$0x1E800] =	vst v63  }
0x99: {  	_ =	swait.ge [sflag:s21], $0x2000  }
0x9a: {  	[sflag:s21] =	ssyncset.done $0x0  }
0x9b: {  	s18 =	sadd.s32 $0x300, s17;
	[sflag:s21] =	ssyncadd.s32 $0xFFFFE000  }
0x9c: {  	[tilespmem:s28], [sflag:$0x3] =	stream.indirect.gather [hbm4b:s4+s23], $0x80, s18, s23, $0xb8;
	[tilespmem:$0x1E800] =	vst v63  }
0x9d: {  	_ =	swait.ge [sflag:s9], $0x2000  }
0x9e: {  	[sflag:s9] =	ssyncset.done $0x0  }
.Ltmp1:
0x9f: {  	s18 =	sadd.s32 $0x1580, s17;
	[sflag:s9] =	ssyncadd.s32 $0xFFFFE000;
	(pc) =	sbr.rel @p0 .LBB2_5-.Ltmp1, $4  }
0xa0: {  	[spmem:s2] =	stream.indirect.scatter.add.f32 [tilespmem:s30], [sflag:$0x5], $0x80, s18, s23, $0xb8;
	[tilespmem:$0x1E800] =	vst v63  }
0xa1: {  	_ =	swait.ge [sflag:s21], $0x2000  }
0xa2: {  	[sflag:s21] =	ssyncset.done $0x0  }
0xa3: {  	s17 =	sadd.s32 $0x380, s17;
	[sflag:s21] =	ssyncadd.s32 $0xFFFFE000  }
0xa4: {  	[tilespmem:s30], [sflag:$0x4] =	stream.indirect.gather [hbm4b:s4+s23], $0x80, s17, s23, $0xb8;
	[tilespmem:$0x1E800] =	vst v63  }
0xa5: {  	_ =	swait.ge [sflag:s31], $0x2000  }
0xa6: {  	[sflag:s31] =	ssyncset.done $0x0  }
0xa7: {  	[sflag:s31] =	ssyncadd.s32 $0xFFFFE000  }
0xa8: {  	[spmem:s2] =	stream.indirect.scatter.add.f32 [tilespmem:s20], [sflag:$0x5], $0x80, s10, s23, $0xb8;
	[tilespmem:$0x1E800] =	vst v63  }
0xa9: {  	_ =	swait.ge [sflag:s21], $0x2000  }
0xaa: {  	[sflag:s21] =	ssyncset.done $0x0  }
0xab: {  	[sflag:s21] =	ssyncadd.s32 $0xFFFFE000  }
0xac: {  	_ =	swait.ge [sflag:s0], $0x2000  }
0xad: {  	[sflag:s0] =	ssyncset.done $0x0  }
0xae: {  	[sflag:s0] =	ssyncadd.s32 $0xFFFFE000  }
0xaf: {  	[spmem:s2] =	stream.indirect.scatter.add.f32 [tilespmem:s25], [sflag:$0x5], $0x80, s11, s23, $0xb8;
	[tilespmem:$0x1E800] =	vst v63  }
0xb0: {  	_ =	swait.ge [sflag:s21], $0x2000  }
0xb1: {  	[sflag:s21] =	ssyncset.done $0x0  }
0xb2: {  	[sflag:s21] =	ssyncadd.s32 $0xFFFFE000  }
0xb3: {  	_ =	swait.ge [sflag:s1], $0x2000  }
0xb4: {  	[sflag:s1] =	ssyncset.done $0x0  }
0xb5: {  	[sflag:s1] =	ssyncadd.s32 $0xFFFFE000  }
0xb6: {  	[spmem:s2] =	stream.indirect.scatter.add.f32 [tilespmem:s28], [sflag:$0x5], $0x80, s12, s23, $0xb8;
	[tilespmem:$0x1E800] =	vst v63  }
0xb7: {  	_ =	swait.ge [sflag:s21], $0x2000  }
0xb8: {  	[sflag:s21] =	ssyncset.done $0x0  }
0xb9: {  	[sflag:s21] =	ssyncadd.s32 $0xFFFFE000  }
0xba: {  	s15 =	sadd.s32 $0x1, s15;
	_ =	swait.ge [sflag:s9], $0x2000  }
0xbb: {  	p0 =	sne.s32 s15, $0x4;
	[sflag:s9] =	ssyncset.done $0x0  }
.Ltmp2:
0xbc: {  	[sflag:s9] =	ssyncadd.s32 $0xFFFFE000;
	(pc) =	sbr.rel @p0 .LBB2_4-.Ltmp2, $4  }
0xbd: {  	[spmem:s2] =	stream.indirect.scatter.add.f32 [tilespmem:s30], [sflag:$0x5], $0x80, s13, s23, $0xb8;
	[tilespmem:$0x1E800] =	vst v63  }
0xbe: {  	_ =	swait.ge [sflag:s21], $0x2000  }
0xbf: {  	[sflag:s21] =	ssyncset.done $0x0  }
0xc0: {  	[sflag:s21] =	ssyncadd.s32 $0xFFFFE000  }
0xc1: {  	s14 =	stileid.u32  }
0xc2: {  	[bflag:$0x0] =	sbarrier.arrive $0xFFFF;
	s14 =	sshll.u32 s14, $0x6  }
0xc3: {  	s15 =	sshrl.u32 s7, $0x3;
	s16 =	rddreg [dreg:$0x3];
	s14 =	sor.u32 $0x1C05, s14  }
0xc4: {  	[hbm:s16], [sflag:s14] =	dma.local [spmem:s15], $0x2800  }
0xc5: {  	_ =	swait.ge [sflag:s21], $0x2800  }
0xc6: {  	s3 =	sadd.s32 $0x1, s3;
	s18 =	rddreg [dreg:$0x4]  }
0xc7: {  	p0 =	sne.s32 s3, s18  }
.Ltmp3:
0xc8: {  	_ = 	snop;
	(pc) =	sbr.rel @p0 .LBB2_1-.Ltmp3, $3  }
0xc9: {  	_ =	sdelay $0x1  }
0xca: {  	[sflag:s21] =	ssyncset.done $0x0  }
0xcb: {  	[sflag:s21] =	ssyncadd.s32 $0xFFFFD800  }
0xcc: {  	_ =	sfence.sel $0x180000  }
0xcd: {  	[bflag:$0x0] =	sbarrier.arrive $0xFFFF  }
0xce: {  	_ =	strace $0x90000050  }
0xcf: {  	s0 =	stileid.u32;
	[bflag:$0x2] =	sbarrier.arrive $0xFFFF  }
0xd0: {  	p0 =	sne.s32 s0, $0x0;
	s0 =	rddreg [dreg:$0x2]  }
0xd1: {  	s0 =	sadd.s32 @!p0 $0x100000, s0  }
0xd2: {  	[sflag:s0] =	ssyncadd.tile.s32 @!p0 $0x1;
	_ =	shalt  }
.Lfunc_end2:
_tile_overlayer_lowered:
.L_overlay_start_2:
0xd3: {  	(tag) =	ssettag $0x2  }
0xd4: {  	s0 =	rddreg [dreg:$0x0];
	s2 =	stileid.u32  }
0xd5: {  	s1 =	rddreg [dreg:$0x1];
	p0 =	sne.s32 s2, $0x0  }
0xd6: {  	s3 =	rddreg [dreg:$0x2];
	[bflag:$0x3] =	sbarrier.arrive $0xFFFF;
	s2 =	simm.s32 @!p0 $0x1C05  }
0xd7: {  	[timem:s3], [sflag:s2] =	dma.local @!p0 [hbm:s0], s1  }
0xd8: {  	s0 =	simm.s32 @!p0 $0x5  }
0xd9: {  	_ =	swait.ge @!p0 [sflag:s0], s1  }
0xda: {  	s1 =	ssub.s32 @!p0 $0x0, s1;
	[sflag:s0] =	ssyncset.done @!p0 $0x0  }
0xdb: {  	[sflag:s0] =	ssyncadd.s32 @!p0 s1  }
0xdc: {  	[bflag:$0x3] =	sbarrier.arrive $0xFFFF  }
0xdd: {  	_ =	shalt  }

// kernel: kernel.25.cloned.1.call-start
scs
__scs_entry_jumppad:
0x0: {  	(pc) =	sbr.rel $0x88, $3  }
0x1: {  	(tag) =	ssettag $0x0;
	lr =	simm.s32 $0x1  }
0x2: {  	[smem:$0x3F98] =	sst lr;
	_ =	strace $0xD0000000  }
0x3: {  	_ = 	snop  }
0x4: {  	_ = 	snop  }
0x5: {  	_ = 	snop  }
0x6: {  	_ = 	snop  }
0x7: {  	_ = 	snop  }
__scs_overlays_trampoline_lowered:
0x8: {  	[smem:$0x3FA7] =	sst s0  }
0x9: {  	[smem:$0x3FA8] =	sst s1  }
0xa: {  	[smem:$0x3FA9] =	sst s2  }
0xb: {  	[smem:$0x3FAA] =	sst s3  }
0xc: {  	[smem:$0x3FAB] =	sst s4  }
0xd: {  	[smem:$0x3FAC] =	sst s5  }
0xe: {  	[smem:$0x3FAD] =	sst s6  }
0xf: {  	[smem:$0x3FAE] =	sst s7  }
0x10: {  	[smem:$0x3FAF] =	sst s8  }
0x11: {  	[smem:$0x3FB0] =	sst s9;
	s0 =	simm.s32 @!p0 $0x0  }
0x12: {  	s1 =	sld [smem:$0x3F96];
	s0 =	simm.s32 @p0 $0x1  }
0x13: {  	[smem:$0x3FB1] =	sst s0;
	s0 =	simm.s32 @!p1 $0x0  }
0x14: {  	s2 =	sld [smem:$0x3F95];
	s0 =	simm.s32 @p1 $0x1  }
0x15: {  	[smem:$0x3FB2] =	sst s0;
	s0 =	simm.s32 @!p2 $0x0  }
0x16: {  	s3 =	sld [smem:$0x3FDB];
	s0 =	simm.s32 @p2 $0x1  }
0x17: {  	s4 =	simm.s32 $0x1BF5;
	[smem:$0x3FB4] =	sst s0  }
0x18: {  	s0 =	sld [smem:$0x3F97];
	_ =	swait.ge [sflag:s4], $0x0  }
0x19: {  	s7 =	sld [smem:$0x3F98]  }
0x1a: {  	s8 =	sadd.s32 $0xFFFFE003, lr  }
0x1b: {  	s9 =	sadd.s32 $0xFFFFFEF7, lr;
	s5 =	simm.s32 $0xFFFFFFFF;
	p2 =	slt.u32 s8, $0xFFFFF086  }
0x1c: {  	p1 =	slt.u32 s9, $0xF7A;
	s5 =	simm.s32 @!p2 $0x0  }
0x1d: {  	s5 =	simm.s32 @p1 $0x1;
	p0 =	seq.s32 s7, s2  }
0x1e: {  	s7 =	smul.u32 @!p0 $0xF7A, s2;
	p2 =	seq.s32 @!p0 s5, $0x0  }
0x1f: {  	s9 =	smul.u32 $0xF7A, s1;
	s8 =	simm.s32 @!p0 $0x1BF5;
	p2 =	por !p2, p0  }
0x20: {  	[sflag:s8] =	ssyncset.s32 @!p0 $0xFFFFF086;
	s6 =	sadd.s32 @!p0 s3, s7;
	s7 =	simm.s32 @!p0 $0x108  }
0x21: {  	s3 =	sadd.s32 s3, s9;
	s6 =	sadd.s32 @!p0 $0x88, s6;
	s7 =	simm.s32 @p2 $0x1082  }
0x22: {  	[simem:s7], [sflag:s8] =	dma.local @!p0 [hbm:s6], $0xF7A  }
0x23: {  	s9 =	sor.u32 $0xD0000000, s2;
	s6 =	simm.s32 $0x108;
	_ =	swait.ge @!p0 [sflag:s8], $0x0  }
0x24: {  	s3 =	sadd.s32 $0x88, s3;
	s6 =	simm.s32 @!p1 $0x1082;
	[sflag:s4] =	ssyncset.s32 $0xFFFFF086  }
0x25: {  	[simem:s6], [sflag:s4] =	dma.local [hbm:s3], $0xF7A  }
0x26: {  	[smem:$0x3F98] =	sst s1;
	(tag) =	ssettag s2;
	_ =	strace s9  }
0x27: {  	s1 =	sld [smem:$0x3FA8]  }
0x28: {  	s2 =	sld [smem:$0x3FA9]  }
0x29: {  	s4 =	sld [smem:$0x3FAB]  }
0x2a: {  	p0 =	seq.s32 s5, $0x0;
	s5 =	sld [smem:$0x3FAC]  }
0x2b: {  	s6 =	sld [smem:$0x3FAD]  }
0x2c: {  	s7 =	sld [smem:$0x3FAE]  }
0x2d: {  	s3 =	simm.s32 $0x108;
	s8 =	sld [smem:$0x3FAF]  }
0x2e: {  	s3 =	simm.s32 @!p0 $0x1082;
	s9 =	sld [smem:$0x3FB0]  }
0x2f: {  	lr =	sadd.s32 s0, s3;
	s0 =	sld [smem:$0x3FA7]  }
0x30: {  	s3 =	sld [smem:$0x3FAA]  }
0x31: {  	[smem:$0x3FB3] =	sst s10  }
0x32: {  	s10 =	sld [smem:$0x3FB1];
	_ =	sdelay $0x3  }
0x33: {  	p0 =	seq.s32 s10, $0x1;
	s10 =	sld [smem:$0x3FB3];
	_ =	sdelay $0x3  }
0x34: {  	[smem:$0x3FB3] =	sst s10  }
0x35: {  	s10 =	sld [smem:$0x3FB2];
	_ =	sdelay $0x3  }
0x36: {  	p1 =	seq.s32 s10, $0x1;
	s10 =	sld [smem:$0x3FB3];
	_ =	sdelay $0x3  }
0x37: {  	[smem:$0x3FB3] =	sst s10  }
0x38: {  	s10 =	sld [smem:$0x3FB4]  }
0x39: {  	_ = 	snop;
	(pc) =	sbr.ind lr, $3  }
0x3a: {  	_ = 	snop  }
0x3b: {  	_ = 	snop  }
0x3c: {  	p2 =	seq.s32 s10, $0x1;
	s10 =	sld [smem:$0x3FB3]  }
0x3d: {  	_ =	shalt  }
0x3e: {  	_ =	shalt  }
0x3f: {  	_ =	shalt  }
0x40: {  	_ =	shalt  }
0x41: {  	_ =	shalt  }
0x42: {  	_ =	shalt  }
0x43: {  	_ =	shalt  }
0x44: {  	_ =	shalt  }
0x45: {  	_ =	shalt  }
0x46: {  	_ =	shalt  }
0x47: {  	_ =	shalt  }
0x48: {  	_ =	shalt  }
0x49: {  	_ =	shalt  }
0x4a: {  	_ =	shalt  }
0x4b: {  	_ =	shalt  }
0x4c: {  	_ =	shalt  }
0x4d: {  	_ =	shalt  }
0x4e: {  	_ =	shalt  }
0x4f: {  	_ =	shalt  }
0x50: {  	_ =	shalt  }
0x51: {  	_ =	shalt  }
0x52: {  	_ =	shalt  }
0x53: {  	_ =	shalt  }
0x54: {  	_ =	shalt  }
0x55: {  	_ =	shalt  }
0x56: {  	_ =	shalt  }
0x57: {  	_ =	shalt  }
0x58: {  	_ =	shalt  }
0x59: {  	_ =	shalt  }
0x5a: {  	_ =	shalt  }
0x5b: {  	_ =	shalt  }
0x5c: {  	_ =	shalt  }
0x5d: {  	_ =	shalt  }
0x5e: {  	_ =	shalt  }
0x5f: {  	_ =	shalt  }
0x60: {  	_ =	shalt  }
0x61: {  	_ =	shalt  }
0x62: {  	_ =	shalt  }
0x63: {  	_ =	shalt  }
0x64: {  	_ =	shalt  }
0x65: {  	_ =	shalt  }
0x66: {  	_ =	shalt  }
0x67: {  	_ =	shalt  }
0x68: {  	_ =	shalt  }
0x69: {  	_ =	shalt  }
0x6a: {  	_ =	shalt  }
0x6b: {  	_ =	shalt  }
0x6c: {  	_ =	shalt  }
0x6d: {  	_ =	shalt  }
0x6e: {  	_ =	shalt  }
0x6f: {  	_ =	shalt  }
0x70: {  	_ =	shalt  }
0x71: {  	_ =	shalt  }
0x72: {  	_ =	shalt  }
0x73: {  	_ =	shalt  }
0x74: {  	_ =	shalt  }
0x75: {  	_ =	shalt  }
0x76: {  	_ =	shalt  }
0x77: {  	_ =	shalt  }
0x78: {  	_ =	shalt  }
0x79: {  	_ =	shalt  }
0x7a: {  	_ =	shalt  }
0x7b: {  	_ =	shalt  }
0x7c: {  	_ =	shalt  }
0x7d: {  	_ =	shalt  }
0x7e: {  	_ =	shalt  }
0x7f: {  	_ =	shalt  }
0x80: {  	_ =	shalt  }
0x81: {  	_ =	shalt  }
0x82: {  	_ =	shalt  }
0x83: {  	_ =	shalt  }
0x84: {  	_ =	shalt  }
0x85: {  	_ =	shalt  }
0x86: {  	_ =	shalt  }
0x87: {  	_ =	shalt  }
.Lfunc_end0:
.L_simem_size_0:
called_computation.4_lowered:
.L_overlay_start_0:
0x88: {  	s2 =	sld [smem:$0x3FD9]  }
0x89: {  	s3 =	sld [smem:$0x3FFE];
	_ =	sdelay $0x1  }
0x8a: {  	s1 =	srdreg.scid  }
0x8b: {  	s0 =	sand.u32 $0x1, s1  }
0x8c: {  	s16 =	sshll.u32 s0, $0xA;
	s2 =	sadd.s32 s3, s2  }
0x8d: {  	s2 =	sadd.s32 s2, s16  }
0x8e: {  	[smem:$0x3FBF] =	sst s2  }
0x8f: {  	_ = 	snop  }
0x90: {  	(tm) =	ssettm $0x1  }
0x91: {  	s17 =	sld [smem:$0x3FFB];
	_ =	sdelay $0x3  }
0x92: {  	_ =	strace s17  }
0x93: {  	s2 =	sld [smem:$0x3FFC];
	_ =	sdelay $0x3  }
0x94: {  	_ =	strace s2  }
0x95: {  	s2 =	sld [smem:$0x3FFD];
	_ =	sdelay $0x3  }
0x96: {  	_ =	strace s2  }
0x97: {  	_ =	strace $0x8FFFFFFF  }
0x98: {  	s18 =	sld [smem:$0x3FDB];
	_ =	sdelay $0x1  }
0x99: {  	s19 =	simm.s32 $_scs_section_size  }
0x9a: {  	s4 =	simm.s32 $_size__tile_overlayer_lowered;
	s5 =	simm.s32 $_tile_overlayer_lowered  }
0x9b: {  	s22 =	simm.s32 $0x1BFF;
	s21 =	sshll.u32 s5, $0x1;
	s2 =	sadd.s32 s19, s18  }
0x9c: {  	s6 =	simm.s32 $0x0;
	s20 =	sshll.u32 s4, $0x1;
	s4 =	sadd.s32 s21, s2  }
0x9d: {  	[timem:s6], [sflag:s22] =	dma.local [hbm:s4], s20  }
0x9e: {  	_ =	swait.ge [sflag:s22], s20  }
0x9f: {  	s3 =	ssub.s32 $0x0, s20;
	[sflag:s22] =	ssyncset.done $0x0  }
0xa0: {  	[sflag:s22] =	ssyncadd.s32 s3;
	_ =	sdelay $0x1  }
0xa1: {  	s23 =	simm.s32 $0x1B8B  }
0xa2: {  	_ =	swait.ge [sflag:s23], $0x1  }
0xa3: {  	[sflag:s23] =	ssyncset.done $0x0  }
0xa4: {  	s25 =	simm.s32 $0x1B8E;
	s24 =	sld [smem:$0x3FFE];
	[sflag:s23] =	ssyncadd.s32 $0xFFFFFFFF  }
0xa5: {  	s26 =	simm.s32 $execute0_lowered;
	[smem:$0x3FD2] =	sst s25  }
0xa6: {  	s4 =	sshll.u32 s26, $0x1;
	_ =	strace $0x80000052;
	[dreg:$0x1] =	wrdreg $0xFFFFFFFF  }
0xa7: {  	s28 =	simm.s32 $_size_execute0_lowered;
	s2 =	sadd.s32 s2, s4;
	[dreg:$0x0] =	wrdreg $0x0  }
0xa8: {  	s4 =	sshll.u32 s28, $0x1;
	[dreg:$0x2] =	wrdreg s2  }
0xa9: {  	[dreg:$0x3] =	wrdreg s4  }
0xaa: {  	[dreg:$0x4] =	wrdreg $0xC0  }
0xab: {  	_ =	task [dreg:s6], $0x5FFFF  }
0xac: {  	[dreg:$0x1] =	wrdreg $0xFFFFFFFF  }
0xad: {  	[dreg:$0x0] =	wrdreg $0x60  }
0xae: {  	[dreg:$0x2] =	wrdreg s24  }
0xaf: {  	[dreg:$0x3] =	wrdreg $0xA8000  }
0xb0: {  	[dreg:$0x4] =	wrdreg $0x9  }
0xb1: {  	_ =	task.clear_ibuf [dreg:s6], $0x5FFFF;
	_ =	strace $0x90000052  }
0xb2: {  	s29 =	simm.s32 $0x9;
	_ =	strace $0x80000054  }
0xb3: {  	_ =	swait.ge [sflag:s29], $0x1  }
0xb4: {  	[sflag:s29] =	ssyncadd.s32 $0xFFFFFFFF  }
0xb5: {  	_ =	strace $0x90000054  }
0xb6: {  	_ =	sfence  }
0xb7: {  	s30 =	sld [smem:$0x0];
	_ =	sdelay $0x2  }
0xb8: {  	s31 =	sshll.u32 s1, $0xD;
	s1 =	sshrl.u32 s1, $0x2  }
0xb9: {  	s3 =	sand.u32 $0x4000, s31;
	s1 =	sadd.s32 s1, s30  }
0xba: {  	s0 =	sor.u32 s3, s0;
	s1 =	sshll.u32 s1, $0x11  }
0xbb: {  	s0 =	sor.u32 s1, s0  }
0xbc: {  	s0 =	sadd.s32 $0x8F2B, s0  }
0xbd: {  	[sflag:s0] =	ssyncadd.remote.s32 $0x1  }
0xbe: {  	_ =	sfence.sel $0xFFFF  }
0xbf: {  	[dreg:$0x0] =	wrdreg $0xFFFFFFFF;
	(pc) =	sbr.abs _section_cstart, $3  }
0xc0: {  	[dreg:$0x1] =	wrdreg $0xFFFFFFFF  }
0xc1: {  	_ =	task.clear_ibuf [dreg:s6], $0x2FFFF;
	_ =	strace $0x9FFFFFFF  }
0xc2: {  	(tm) =	ssettm $0x7FFFFFFF  }
0xc3: {  	_ =	shalt  }
tec
execute0_lowered:
.L_overlay_start_1:
0x0: {  	(tag) =	ssettag $0x1  }
0x1: {  	s0 =	rddreg [dreg:$0x0];
	s1 =	srdreg.scid  }
0x2: {  	s2 =	rddreg [dreg:$0x1];
	s10 =	stileid.u32  }
0x3: {  	s3 =	simm.s32 $0x0;
	s28 =	simm.s32 $0x6800;
	s6 =	smul.u32 $0x14000, s10  }
0x4: {  	s29 =	simm.s32 $0x180;
	s1 =	sand.u32 $0x1, s1;
	s8 =	smul.u32 $0x50000, s10  }
0x5: {  	s30 =	simm.s32 $0x8800;
	[smem:$0x7FF] =	sst s3;
	s5 =	smul.u32 $0x140000, s1  }
0x6: {  	s4 =	sadd.s32 $0x2B800, s0;
	_ =	strace $0x80000053;
	s17 =	ssub.s32 $0x2, s1  }
0x7: {  	s9 =	sshrl.u32 s17, $0x1;
	s8 =	sshrl.u32 s8, $0x2;
	s6 =	sadd.s32 s6, s5  }
0x8: {  	s5 =	sadd.s32 $0x3800, s0;
	s9 =	ssub.s32 s17, s9;
	s7 =	sshrl.u32 s6, $0x3  }
0x9: {  	s6 =	sadd.s32 $0x17800, s0;
	s18 =	smax.u32 s9, $0x1;
	s0 =	sadd.s32 s7, s0  }
0xa: {  	s7 =	sadd.s32 s8, s2;
	[dreg:$0x4] =	wrdreg s18;
	s0 =	sadd.s32 $0x52A00, s0  }
0xb: {  	s31 =	simm.s32 $0x1;
	s19 =	sadd.s32 $0x2000, s7;
	[dreg:$0x3] =	wrdreg s0  }
0xc: {  	s11 =	simm.s32 $0x2680;
	s20 =	sadd.s32 $0x4000, s7;
	[dreg:$0x5] =	wrdreg s19  }
0xd: {  	s12 =	simm.s32 $0x2700;
	s21 =	sadd.s32 $0x6000, s7;
	[dreg:$0x6] =	wrdreg s20  }
0xe: {  	s13 =	simm.s32 $0x2780;
	s22 =	sadd.s32 $0x8000, s7;
	[dreg:$0x7] =	wrdreg s21  }
0xf: {  	s10 =	sshll.u32 s10, $0x1;
	s23 =	sadd.s32 $0xA000, s7;
	[dreg:$0x8] =	wrdreg s22  }
0x10: {  	s1 =	sor.u32 s1, s10;
	s24 =	sadd.s32 $0xC000, s7;
	[dreg:$0x9] =	wrdreg s23  }
0x11: {  	s10 =	simm.s32 $0x2600;
	s25 =	sadd.s32 $0xE000, s7;
	[dreg:$0xa] =	wrdreg s24  }
0x12: {  	s9 =	simm.s32 $0x4;
	s26 =	sadd.s32 $0x10000, s7;
	[dreg:$0xb] =	wrdreg s25  }
0x13: {  	s8 =	smul.u32 $0xA0, s1;
	s1 =	simm.s32 $0x3;
	[dreg:$0xc] =	wrdreg s26  }
0x14: {  	s19 =	sadd.s32 $0x12000, s7;
	s20 =	simm.s32 $0x2800;
	s21 =	simm.s32 $0x5  }
0x15: {  	s22 =	simm.s32 $0x1400;
	s23 =	simm.s32 $0x40;
	s24 =	simm.s32 $0x80  }
0x16: {  	v0 =	vimm.f32 $0.0e+00;
	s25 =	simm.s32 $0x4800;
	s26 =	simm.s32 $0x100;
	s0 =	simm.s32 $0x2  }
.LBB2_1:
0x17: {  	s14 =	simm.s32 $0x0;
	s15 =	simm.s32 $0x200  }
.LBB2_2:
0x18: {  	p0 =	sne.s32 s15, $0x7E00;
	[tilespmem:s14+$0x2870] =	vst v0  }
0x19: {  	[tilespmem:s14+$0x2800] =	vst v0  }
0x1a: {  	[tilespmem:s14+$0x2810] =	vst v0  }
.Ltmp0:
0x1b: {  	[tilespmem:s14+$0x2820] =	vst v0;
	(pc) =	sbr.rel @p0 .LBB2_2-.Ltmp0, $4  }
0x1c: {  	[tilespmem:s14+$0x2830] =	vst v0  }
0x1d: {  	[tilespmem:s14+$0x2840] =	vst v0  }
0x1e: {  	[tilespmem:s14+$0x2850] =	vst v0  }
0x1f: {  	[tilespmem:s14+$0x2860] =	vst v0;
	s14 =	sshra.s32 s15, $0x2;
	s15 =	sadd.s32 $0x200, s15  }
0x20: {  	[tilespmem:s14+$0x2870] =	vst v0  }
0x21: {  	[tilespmem:s14+$0x2800] =	vst v0  }
0x22: {  	[tilespmem:s14+$0x2810] =	vst v0  }
0x23: {  	[tilespmem:s14+$0x2820] =	vst v0  }
0x24: {  	[tilespmem:s14+$0x2830] =	vst v0  }
0x25: {  	[tilespmem:s14+$0x2840] =	vst v0  }
0x26: {  	[tilespmem:s14+$0x2850] =	vst v0  }
0x27: {  	[tilespmem:s14+$0x2860] =	vst v0  }
0x28: {  	[spmem:s7] =	stream.linear.scatter [tilespmem:s20], [sflag:$0x5], $0x2000, $0x38;
	[tilespmem:$0x1E800] =	vst v63  }
0x29: {  	_ =	swait.ge [sflag:s21], $0x2000  }
0x2a: {  	[sflag:s21] =	ssyncset.done $0x0  }
0x2b: {  	s15 =	rddreg [dreg:$0x5];
	[sflag:s21] =	ssyncadd.s32 $0xFFFFE000  }
0x2c: {  	[spmem:s15] =	stream.linear.scatter [tilespmem:s20], [sflag:$0x5], $0x2000, $0x38;
	[tilespmem:$0x1E800] =	vst v63  }
0x2d: {  	_ =	swait.ge [sflag:s21], $0x2000  }
0x2e: {  	[sflag:s21] =	ssyncset.done $0x0  }
0x2f: {  	s16 =	rddreg [dreg:$0x6];
	[sflag:s21] =	ssyncadd.s32 $0xFFFFE000  }
0x30: {  	[spmem:s16] =	stream.linear.scatter [tilespmem:s20], [sflag:$0x5], $0x2000, $0x38;
	[tilespmem:$0x1E800] =	vst v63  }
0x31: {  	_ =	swait.ge [sflag:s21], $0x2000  }
0x32: {  	[sflag:s21] =	ssyncset.done $0x0  }
0x33: {  	s17 =	rddreg [dreg:$0x7];
	[sflag:s21] =	ssyncadd.s32 $0xFFFFE000  }
0x34: {  	[spmem:s17] =	stream.linear.scatter [tilespmem:s20], [sflag:$0x5], $0x2000, $0x38;
	[tilespmem:$0x1E800] =	vst v63  }
0x35: {  	_ =	swait.ge [sflag:s21], $0x2000  }
0x36: {  	[sflag:s21] =	ssyncset.done $0x0  }
0x37: {  	s18 =	rddreg [dreg:$0x8];
	[sflag:s21] =	ssyncadd.s32 $0xFFFFE000  }
0x38: {  	[spmem:s18] =	stream.linear.scatter [tilespmem:s20], [sflag:$0x5], $0x2000, $0x38;
	[tilespmem:$0x1E800] =	vst v63  }
0x39: {  	_ =	swait.ge [sflag:s21], $0x2000  }
0x3a: {  	[sflag:s21] =	ssyncset.done $0x0  }
0x3b: {  	s15 =	rddreg [dreg:$0x9];
	[sflag:s21] =	ssyncadd.s32 $0xFFFFE000  }
0x3c: {  	[spmem:s15] =	stream.linear.scatter [tilespmem:s20], [sflag:$0x5], $0x2000, $0x38;
	[tilespmem:$0x1E800] =	vst v63  }
0x3d: {  	_ =	swait.ge [sflag:s21], $0x2000  }
0x3e: {  	[sflag:s21] =	ssyncset.done $0x0  }
0x3f: {  	s16 =	rddreg [dreg:$0xa];
	[sflag:s21] =	ssyncadd.s32 $0xFFFFE000  }
0x40: {  	[spmem:s16] =	stream.linear.scatter [tilespmem:s20], [sflag:$0x5], $0x2000, $0x38;
	[tilespmem:$0x1E800] =	vst v63  }
0x41: {  	_ =	swait.ge [sflag:s21], $0x2000  }
0x42: {  	[sflag:s21] =	ssyncset.done $0x0  }
0x43: {  	s17 =	rddreg [dreg:$0xb];
	[sflag:s21] =	ssyncadd.s32 $0xFFFFE000  }
0x44: {  	[spmem:s17] =	stream.linear.scatter [tilespmem:s20], [sflag:$0x5], $0x2000, $0x38;
	[tilespmem:$0x1E800] =	vst v63  }
0x45: {  	_ =	swait.ge [sflag:s21], $0x2000  }
0x46: {  	[sflag:s21] =	ssyncset.done $0x0  }
0x47: {  	s18 =	rddreg [dreg:$0xc];
	[sflag:s21] =	ssyncadd.s32 $0xFFFFE000  }
0x48: {  	[spmem:s18] =	stream.linear.scatter [tilespmem:s20], [sflag:$0x5], $0x2000, $0x38;
	[tilespmem:$0x1E800] =	vst v63  }
0x49: {  	_ =	swait.ge [sflag:s21], $0x2000  }
0x4a: {  	[sflag:s21] =	ssyncset.done $0x0  }
0x4b: {  	[sflag:s21] =	ssyncadd.s32 $0xFFFFE000  }
0x4c: {  	[spmem:s19] =	stream.linear.scatter [tilespmem:s20], [sflag:$0x5], $0x2000, $0x38;
	[tilespmem:$0x1E800] =	vst v63  }
0x4d: {  	_ =	swait.ge [sflag:s21], $0x2000  }
0x4e: {  	[sflag:s21] =	ssyncset.done $0x0  }
0x4f: {  	[sflag:s21] =	ssyncadd.s32 $0xFFFFE000  }
0x50: {  	s14 =	simm.s32 $0x0;
	s15 =	simm.s32 $0x0;
	[bflag:$0x0] =	sbarrier.arrive $0xFFFF  }
.LBB2_4:
0x51: {  	s16 =	smul.u32 $0x28, s15;
	_ =	sdelay $0x1  }
0x52: {  	s16 =	sadd.s32 s8, s16  }
0x53: {  	s16 =	sshll.u32 s16, $0x4  }
0x54: {  	s17 =	sadd.s32 s5, s16  }
0x55: {  	[tilespmem:s14], [sflag:$0x5] =	stream.linear.gather [hbm4b:s17+s14], $0x1400, $0x38;
	[tilespmem:$0x1E800] =	vst v63  }
0x56: {  	_ =	swait.ge [sflag:s21], $0x1400  }
0x57: {  	[sflag:s21] =	ssyncset.done $0x0  }
0x58: {  	s16 =	sadd.s32 s6, s16;
	[sflag:s21] =	ssyncadd.s32 $0xFFFFEC00  }
0x59: {  	[tilespmem:s22], [sflag:$0x5] =	stream.linear.gather [hbm4b:s16+s14], $0x1400, $0x38;
	[tilespmem:$0x1E800] =	vst v63  }
0x5a: {  	_ =	swait.ge [sflag:s21], $0x1400  }
0x5b: {  	[sflag:s21] =	ssyncset.done $0x0  }
0x5c: {  	[sflag:s21] =	ssyncadd.s32 $0xFFFFEC00  }
0x5d: {  	[tilespmem:s20], [sflag:$0x1] =	stream.indirect.gather [hbm4b:s4+s23], $0x80, s14, s23, $0xb8;
	[tilespmem:$0x1E800] =	vst v63  }
0x5e: {  	_ = 	snop  }
0x5f: {  	[tilespmem:s25], [sflag:$0x2] =	stream.indirect.gather [hbm4b:s4+s23], $0x80, s24, s23, $0xb8;
	[tilespmem:$0x1E800] =	vst v63  }
0x60: {  	_ = 	snop  }
0x61: {  	[tilespmem:s28], [sflag:$0x3] =	stream.indirect.gather [hbm4b:s4+s23], $0x80, s26, s23, $0xb8;
	[tilespmem:$0x1E800] =	vst v63  }
0x62: {  	_ = 	snop  }
0x63: {  	[tilespmem:s30], [sflag:$0x4] =	stream.indirect.gather [hbm4b:s4+s23], $0x80, s29, s23, $0xb8;
	[tilespmem:$0x1E800] =	vst v63  }
0x64: {  	_ =	swait.ge [sflag:s31], $0x2000  }
0x65: {  	[sflag:s31] =	ssyncset.done $0x0  }
0x66: {  	s18 =	simm.s32 $0x1400;
	[sflag:s31] =	ssyncadd.s32 $0xFFFFE000  }
0x67: {  	[spmem:s2] =	stream.indirect.scatter.add.f32 [tilespmem:s20], [sflag:$0x5], $0x80, s18, s23, $0xb8;
	[tilespmem:$0x1E800] =	vst v63  }
0x68: {  	_ =	swait.ge [sflag:s21], $0x2000  }
0x69: {  	[sflag:s21] =	ssyncset.done $0x0  }
0x6a: {  	s17 =	simm.s32 $0x200;
	[sflag:s21] =	ssyncadd.s32 $0xFFFFE000  }
0x6b: {  	[tilespmem:s20], [sflag:$0x1] =	stream.indirect.gather [hbm4b:s4+s23], $0x80, s17, s23, $0xb8;
	[tilespmem:$0x1E800] =	vst v63  }
0x6c: {  	_ =	swait.ge [sflag:s0], $0x2000  }
0x6d: {  	[sflag:s0] =	ssyncset.done $0x0  }
0x6e: {  	s18 =	simm.s32 $0x1480;
	[sflag:s0] =	ssyncadd.s32 $0xFFFFE000  }
0x6f: {  	[spmem:s2] =	stream.indirect.scatter.add.f32 [tilespmem:s25], [sflag:$0x5], $0x80, s18, s23, $0xb8;
	[tilespmem:$0x1E800] =	vst v63  }
0x70: {  	_ =	swait.ge [sflag:s21], $0x2000  }
0x71: {  	[sflag:s21] =	ssyncset.done $0x0  }
0x72: {  	s17 =	simm.s32 $0x280;
	[sflag:s21] =	ssyncadd.s32 $0xFFFFE000  }
0x73: {  	[tilespmem:s25], [sflag:$0x2] =	stream.indirect.gather [hbm4b:s4+s23], $0x80, s17, s23, $0xb8;
	[tilespmem:$0x1E800] =	vst v63  }
0x74: {  	_ =	swait.ge [sflag:s1], $0x2000  }
0x75: {  	[sflag:s1] =	ssyncset.done $0x0  }
0x76: {  	s18 =	simm.s32 $0x1500;
	[sflag:s1] =	ssyncadd.s32 $0xFFFFE000  }
0x77: {  	[spmem:s2] =	stream.indirect.scatter.add.f32 [tilespmem:s28], [sflag:$0x5], $0x80, s18, s23, $0xb8;
	[tilespmem:$0x1E800] =	vst v63  }
0x78: {  	_ =	swait.ge [sflag:s21], $0x2000  }
0x79: {  	[sflag:s21] =	ssyncset.done $0x0  }
0x7a: {  	s17 =	simm.s32 $0x300;
	[sflag:s21] =	ssyncadd.s32 $0xFFFFE000  }
0x7b: {  	[tilespmem:s28], [sflag:$0x3] =	stream.indirect.gather [hbm4b:s4+s23], $0x80, s17, s23, $0xb8;
	[tilespmem:$0x1E800] =	vst v63  }
0x7c: {  	_ =	swait.ge [sflag:s9], $0x2000  }
0x7d: {  	[sflag:s9] =	ssyncset.done $0x0  }
0x7e: {  	s18 =	simm.s32 $0x1580;
	[sflag:s9] =	ssyncadd.s32 $0xFFFFE000  }
0x7f: {  	[spmem:s2] =	stream.indirect.scatter.add.f32 [tilespmem:s30], [sflag:$0x5], $0x80, s18, s23, $0xb8;
	[tilespmem:$0x1E800] =	vst v63  }
0x80: {  	_ =	swait.ge [sflag:s21], $0x2000  }
0x81: {  	[sflag:s21] =	ssyncset.done $0x0  }
0x82: {  	s16 =	simm.s32 $0x800;
	s17 =	simm.s32 $0x380;
	[sflag:s21] =	ssyncadd.s32 $0xFFFFE000  }
.LBB2_5:
0x83: {  	[tilespmem:s30], [sflag:$0x4] =	stream.indirect.gather [hbm4b:s4+s23], $0x80, s17, s23, $0xb8;
	[tilespmem:$0x1E800] =	vst v63  }
0x84: {  	s17 =	smov.u32 s16  }
0x85: {  	p0 =	sne.s32 s16, $0x4000;
	s16 =	sadd.s32 $0x800, s16;
	_ =	swait.ge [sflag:s31], $0x2000  }
0x86: {  	s17 =	sshra.s32 s17, $0x2;
	[sflag:s31] =	ssyncset.done $0x0  }
0x87: {  	s18 =	sadd.s32 $0x1400, s17;
	[sflag:s31] =	ssyncadd.s32 $0xFFFFE000  }
0x88: {  	[spmem:s2] =	stream.indirect.scatter.add.f32 [tilespmem:s20], [sflag:$0x5], $0x80, s18, s23, $0xb8;
	[tilespmem:$0x1E800] =	vst v63  }
0x89: {  	_ =	swait.ge [sflag:s21], $0x2000  }
0x8a: {  	[sflag:s21] =	ssyncset.done $0x0  }
0x8b: {  	s18 =	sadd.s32 $0x200, s17;
	[sflag:s21] =	ssyncadd.s32 $0xFFFFE000  }
0x8c: {  	[tilespmem:s20], [sflag:$0x1] =	stream.indirect.gather [hbm4b:s4+s23], $0x80, s18, s23, $0xb8;
	[tilespmem:$0x1E800] =	vst v63  }
0x8d: {  	_ =	swait.ge [sflag:s0], $0x2000  }
0x8e: {  	[sflag:s0] =	ssyncset.done $0x0  }
0x8f: {  	s18 =	sadd.s32 $0x1480, s17;
	[sflag:s0] =	ssyncadd.s32 $0xFFFFE000  }
0x90: {  	[spmem:s2] =	stream.indirect.scatter.add.f32 [tilespmem:s25], [sflag:$0x5], $0x80, s18, s23, $0xb8;
	[tilespmem:$0x1E800] =	vst v63  }
0x91: {  	_ =	swait.ge [sflag:s21], $0x2000  }
0x92: {  	[sflag:s21] =	ssyncset.done $0x0  }
0x93: {  	s18 =	sadd.s32 $0x280, s17;
	[sflag:s21] =	ssyncadd.s32 $0xFFFFE000  }
0x94: {  	[tilespmem:s25], [sflag:$0x2] =	stream.indirect.gather [hbm4b:s4+s23], $0x80, s18, s23, $0xb8;
	[tilespmem:$0x1E800] =	vst v63  }
0x95: {  	_ =	swait.ge [sflag:s1], $0x2000  }
0x96: {  	[sflag:s1] =	ssyncset.done $0x0  }
0x97: {  	s18 =	sadd.s32 $0x1500, s17;
	[sflag:s1] =	ssyncadd.s32 $0xFFFFE000  }
0x98: {  	[spmem:s2] =	stream.indirect.scatter.add.f32 [tilespmem:s28], [sflag:$0x5], $0x80, s18, s23, $0xb8;
	[tilespmem:$0x1E800] =	vst v63  }
0x99: {  	_ =	swait.ge [sflag:s21], $0x2000  }
0x9a: {  	[sflag:s21] =	ssyncset.done $0x0  }
0x9b: {  	s18 =	sadd.s32 $0x300, s17;
	[sflag:s21] =	ssyncadd.s32 $0xFFFFE000  }
0x9c: {  	[tilespmem:s28], [sflag:$0x3] =	stream.indirect.gather [hbm4b:s4+s23], $0x80, s18, s23, $0xb8;
	[tilespmem:$0x1E800] =	vst v63  }
0x9d: {  	_ =	swait.ge [sflag:s9], $0x2000  }
0x9e: {  	[sflag:s9] =	ssyncset.done $0x0  }
.Ltmp1:
0x9f: {  	s18 =	sadd.s32 $0x1580, s17;
	[sflag:s9] =	ssyncadd.s32 $0xFFFFE000;
	(pc) =	sbr.rel @p0 .LBB2_5-.Ltmp1, $4  }
0xa0: {  	[spmem:s2] =	stream.indirect.scatter.add.f32 [tilespmem:s30], [sflag:$0x5], $0x80, s18, s23, $0xb8;
	[tilespmem:$0x1E800] =	vst v63  }
0xa1: {  	_ =	swait.ge [sflag:s21], $0x2000  }
0xa2: {  	[sflag:s21] =	ssyncset.done $0x0  }
0xa3: {  	s17 =	sadd.s32 $0x380, s17;
	[sflag:s21] =	ssyncadd.s32 $0xFFFFE000  }
0xa4: {  	[tilespmem:s30], [sflag:$0x4] =	stream.indirect.gather [hbm4b:s4+s23], $0x80, s17, s23, $0xb8;
	[tilespmem:$0x1E800] =	vst v63  }
0xa5: {  	_ =	swait.ge [sflag:s31], $0x2000  }
0xa6: {  	[sflag:s31] =	ssyncset.done $0x0  }
0xa7: {  	[sflag:s31] =	ssyncadd.s32 $0xFFFFE000  }
0xa8: {  	[spmem:s2] =	stream.indirect.scatter.add.f32 [tilespmem:s20], [sflag:$0x5], $0x80, s10, s23, $0xb8;
	[tilespmem:$0x1E800] =	vst v63  }
0xa9: {  	_ =	swait.ge [sflag:s21], $0x2000  }
0xaa: {  	[sflag:s21] =	ssyncset.done $0x0  }
0xab: {  	[sflag:s21] =	ssyncadd.s32 $0xFFFFE000  }
0xac: {  	_ =	swait.ge [sflag:s0], $0x2000  }
0xad: {  	[sflag:s0] =	ssyncset.done $0x0  }
0xae: {  	[sflag:s0] =	ssyncadd.s32 $0xFFFFE000  }
0xaf: {  	[spmem:s2] =	stream.indirect.scatter.add.f32 [tilespmem:s25], [sflag:$0x5], $0x80, s11, s23, $0xb8;
	[tilespmem:$0x1E800] =	vst v63  }
0xb0: {  	_ =	swait.ge [sflag:s21], $0x2000  }
0xb1: {  	[sflag:s21] =	ssyncset.done $0x0  }
0xb2: {  	[sflag:s21] =	ssyncadd.s32 $0xFFFFE000  }
0xb3: {  	_ =	swait.ge [sflag:s1], $0x2000  }
0xb4: {  	[sflag:s1] =	ssyncset.done $0x0  }
0xb5: {  	[sflag:s1] =	ssyncadd.s32 $0xFFFFE000  }
0xb6: {  	[spmem:s2] =	stream.indirect.scatter.add.f32 [tilespmem:s28], [sflag:$0x5], $0x80, s12, s23, $0xb8;
	[tilespmem:$0x1E800] =	vst v63  }
0xb7: {  	_ =	swait.ge [sflag:s21], $0x2000  }
0xb8: {  	[sflag:s21] =	ssyncset.done $0x0  }
0xb9: {  	[sflag:s21] =	ssyncadd.s32 $0xFFFFE000  }
0xba: {  	s15 =	sadd.s32 $0x1, s15;
	_ =	swait.ge [sflag:s9], $0x2000  }
0xbb: {  	p0 =	sne.s32 s15, $0x4;
	[sflag:s9] =	ssyncset.done $0x0  }
.Ltmp2:
0xbc: {  	[sflag:s9] =	ssyncadd.s32 $0xFFFFE000;
	(pc) =	sbr.rel @p0 .LBB2_4-.Ltmp2, $4  }
0xbd: {  	[spmem:s2] =	stream.indirect.scatter.add.f32 [tilespmem:s30], [sflag:$0x5], $0x80, s13, s23, $0xb8;
	[tilespmem:$0x1E800] =	vst v63  }
0xbe: {  	_ =	swait.ge [sflag:s21], $0x2000  }
0xbf: {  	[sflag:s21] =	ssyncset.done $0x0  }
0xc0: {  	[sflag:s21] =	ssyncadd.s32 $0xFFFFE000  }
0xc1: {  	s14 =	stileid.u32  }
0xc2: {  	[bflag:$0x0] =	sbarrier.arrive $0xFFFF;
	s14 =	sshll.u32 s14, $0x6  }
0xc3: {  	s15 =	sshrl.u32 s7, $0x3;
	s16 =	rddreg [dreg:$0x3];
	s14 =	sor.u32 $0x1C05, s14  }
0xc4: {  	[hbm:s16], [sflag:s14] =	dma.local [spmem:s15], $0x2800  }
0xc5: {  	_ =	swait.ge [sflag:s21], $0x2800  }
0xc6: {  	s3 =	sadd.s32 $0x1, s3;
	s18 =	rddreg [dreg:$0x4]  }
0xc7: {  	p0 =	sne.s32 s3, s18  }
.Ltmp3:
0xc8: {  	_ = 	snop;
	(pc) =	sbr.rel @p0 .LBB2_1-.Ltmp3, $3  }
0xc9: {  	_ =	sdelay $0x1  }
0xca: {  	[sflag:s21] =	ssyncset.done $0x0  }
0xcb: {  	[sflag:s21] =	ssyncadd.s32 $0xFFFFD800  }
0xcc: {  	_ =	sfence.sel $0x180000  }
0xcd: {  	[bflag:$0x0] =	sbarrier.arrive $0xFFFF  }
0xce: {  	_ =	strace $0x90000053  }
0xcf: {  	s0 =	stileid.u32;
	[bflag:$0x2] =	sbarrier.arrive $0xFFFF  }
0xd0: {  	p0 =	sne.s32 s0, $0x0;
	s0 =	rddreg [dreg:$0x2]  }
0xd1: {  	s0 =	sadd.s32 @!p0 $0x100000, s0  }
0xd2: {  	[sflag:s0] =	ssyncadd.tile.s32 @!p0 $0x1;
	_ =	shalt  }
.Lfunc_end2:
_tile_overlayer_lowered:
.L_overlay_start_2:
0xd3: {  	(tag) =	ssettag $0x2  }
0xd4: {  	s0 =	rddreg [dreg:$0x0];
	s2 =	stileid.u32  }
0xd5: {  	s1 =	rddreg [dreg:$0x1];
	p0 =	sne.s32 s2, $0x0  }
0xd6: {  	s3 =	rddreg [dreg:$0x2];
	[bflag:$0x3] =	sbarrier.arrive $0xFFFF;
	s2 =	simm.s32 @!p0 $0x1C05  }
0xd7: {  	[timem:s3], [sflag:s2] =	dma.local @!p0 [hbm:s0], s1  }
0xd8: {  	s0 =	simm.s32 @!p0 $0x5  }
0xd9: {  	_ =	swait.ge @!p0 [sflag:s0], s1  }
0xda: {  	s1 =	ssub.s32 @!p0 $0x0, s1;
	[sflag:s0] =	ssyncset.done @!p0 $0x0  }
0xdb: {  	[sflag:s0] =	ssyncadd.s32 @!p0 s1  }
0xdc: {  	[bflag:$0x3] =	sbarrier.arrive $0xFFFF  }
0xdd: {  	_ =	shalt  }

</sc_bundles>
